<compile_context>
chip_gen: v7x
topology: tpu7x:2x2x1
jax: 0.10.2.dev20260603
libtpu: 0.0.44.dev20260713+nightly
codegen_flags: <defaults>
</compile_context>

<pallas_src>
import functools

import jax
import jax.numpy as jnp
from jax import lax
from jax.experimental import pallas as pl
from jax.experimental.pallas import tpu as pltpu
from jax.experimental.pallas import tpu_sc as plsc

BATCH = 4
NELEM = 96 * 224 * 224
TILES_PER_BATCH = 8
PER_TILE = NELEM // TILES_PER_BATCH
CHUNK = 6144
NPAIRS = PER_TILE // (2 * CHUNK)
LANES = 16
HWORDS = 4 * 2048
CAP = 65536
RANKS = (481689, 481690, 2408447, 2408448)
NBINS = (2048, 2048, 1024)
SPEC_Q1_BIN = 514
SPEC_MED_LO, SPEC_MED_HI = 538, 1509


def _sc_quantile(a2):
    mesh = plsc.VectorSubcoreMesh(core_axis_name="c", subcore_axis_name="s")

    @functools.partial(
        pl.kernel,
        mesh=mesh,
        out_type=jax.ShapeDtypeStruct((16, LANES), jnp.float32),
        compiler_params=pltpu.CompilerParams(needs_layout_passes=False),
        scratch_types=[
            pltpu.VMEM((CHUNK,), jnp.float32),
            pltpu.VMEM((CHUNK,), jnp.float32),
            pltpu.VMEM((HWORDS,), jnp.int32),
            pltpu.VMEM((HWORDS,), jnp.int32),
            pltpu.VMEM((HWORDS,), jnp.int32),
            pltpu.VMEM((LANES,), jnp.float32),
            pltpu.VMEM((CAP,), jnp.int32),
            pltpu.VMEM((LANES,), jnp.int32),
            pltpu.VMEM_SHARED((16, HWORDS), jnp.int32),
            pltpu.VMEM_SHARED((2, HWORDS), jnp.int32),
            pltpu.SemaphoreType.DMA,
            pltpu.SemaphoreType.DMA,
        ],
    )
    def qkern(a_hbm, out_hbm, buf0, buf1, hist, hsum, tmp, vbuf, cbuf,
              ccell, sh_hist, sh_sum, sem0, sem1):
        c = lax.axis_index("c")
        s = lax.axis_index("s")
        b = c * 2 + s // 8
        bl = s // 8
        w = s % 8
        base = b * NELEM + w * PER_TILE

        ones16 = jnp.ones((LANES,), jnp.int32)
        zeros16 = jnp.zeros((LANES,), jnp.int32)

        ranks = [jnp.int32(RANKS[t]) for t in range(4)]
        prefs = [jnp.int32(0)] * 4
        keys_full = [jnp.int32(0)] * 4

        for r in range(3):
            nb = NBINS[r]

            def zero_hist(i, _):
                hist[pl.ds(i * LANES, LANES)] = zeros16
                return 0
            lax.fori_loop(0, HWORDS // LANES, zero_hist, 0)

            pvecs = [jnp.broadcast_to(prefs[t], (LANES,)) for t in range(4)]

            def process(sbuf, count):
                def vec_body(i, cnt):
                    v = sbuf[pl.ds(i * LANES, LANES)]
                    u = lax.bitcast_convert_type(v, jnp.int32)
                    key = jnp.where(u < 0, ~u, u | jnp.int32(-(2 ** 31)))
                    if r == 0:
                        bin0 = lax.shift_right_logical(key, 21)
                        plsc.addupdate_scatter(hist, [bin0], ones16)
                        m_any = (bin0 == jnp.int32(SPEC_Q1_BIN)) | \
                                ((bin0 >= jnp.int32(SPEC_MED_LO)) &
                                 (bin0 <= jnp.int32(SPEC_MED_HI)))
                    else:
                        hi = lax.shift_right_logical(key, 21)
                        m_any = ((hi == pvecs[0]) | (hi == pvecs[1])) | \
                                ((hi == pvecs[2]) | (hi == pvecs[3]))
                    m_st = m_any & (cnt <= jnp.int32(CAP - LANES))
                    plsc.store_compressed(cbuf.at[pl.ds(cnt, LANES)], key,
                                          mask=m_st)
                    npop = plsc.all_reduce_population_count(m_st)
                    return cnt + npop[0]
                return lax.fori_loop(0, CHUNK // LANES, vec_body, count,
                                     unroll=2)

            def issue(idx, dst, sem):
                pltpu.async_copy(a_hbm.at[pl.ds(base + idx * CHUNK, CHUNK)],
                                 dst, sem)

            def drain(dst, sem):
                pltpu.make_async_copy(a_hbm.at[pl.ds(base, CHUNK)], dst,
                                      sem).wait()

            def full_pass():
                issue(0, buf0, sem0)

                def pair_body(j, cnt):
                    drain(buf0, sem0)
                    issue(2 * j + 1, buf1, sem1)
                    cnt = process(buf0, cnt)
                    drain(buf1, sem1)

                    @pl.when(j < NPAIRS - 1)
                    def _next():
                        issue(2 * j + 2, buf0, sem0)
                    return process(buf1, cnt)
                return lax.fori_loop(0, NPAIRS, pair_body, jnp.int32(0))

            if r == 0:
                cnt0 = full_pass()
                ccell[...] = jnp.broadcast_to(cnt0, (LANES,))
            elif r == 1:
                @pl.when(jnp.logical_not(spec_ok))
                def _fallback():
                    cntf = full_pass()
                    ccell[...] = jnp.broadcast_to(cntf, (LANES,))
                ccount = ccell[...][0]

            if r > 0:
                lanes_iota = lax.iota(jnp.int32, LANES)
                shift = 21 if r == 1 else 10
                lowshift = 10 if r == 1 else 0
                lowmask = jnp.int32(nb - 1)

                def cand_body(i, _):
                    key = cbuf[pl.ds(i * LANES, LANES)]
                    valid = (i * LANES + lanes_iota) < ccount
                    hi = lax.shift_right_logical(key, shift)
                    lo = lax.shift_right_logical(key, lowshift) & lowmask
                    for t in range(4):
                        plsc.addupdate_scatter(
                            hist, [lo + jnp.int32(t * nb)], ones16,
                            mask=(hi == pvecs[t]) & valid)
                    return 0
                lax.fori_loop(0, CAP // LANES, cand_body, 0, unroll=2)

            pltpu.sync_copy(hist, sh_hist.at[s])
            plsc.subcore_barrier()

            SLICE = HWORDS // TILES_PER_BATCH
            soff = w * SLICE

            def zero_acc(i, _):
                tmp[pl.ds(i * LANES, LANES)] = zeros16
                return 0
            lax.fori_loop(0, SLICE // LANES, zero_acc, 0)

            for sp in range(TILES_PER_BATCH):
                pltpu.sync_copy(sh_hist.at[bl * 8 + sp, pl.ds(soff, SLICE)],
                                tmp.at[pl.ds(SLICE, SLICE)])

                def accum(i, _):
                    sl = pl.ds(i * LANES, LANES)
                    sl2 = pl.ds(SLICE + i * LANES, LANES)
                    tmp[sl] = tmp[sl] + tmp[sl2]
                    return 0
                lax.fori_loop(0, SLICE // LANES, accum, 0)

            pltpu.sync_copy(tmp.at[pl.ds(0, SLICE)],
                            sh_sum.at[bl, pl.ds(soff, SLICE)])
            plsc.subcore_barrier()
            pltpu.sync_copy(sh_sum.at[bl], hsum)

            for t in range(4):
                tbase = 0 if r == 0 else t * nb
                rank = ranks[t]

                def scan_body(i, carry):
                    csum, bfound, cbelow = carry
                    hv = hsum[pl.ds(tbase + i * LANES, LANES)]
                    cs = plsc.cumsum(hv) + csum
                    take = cs <= rank
                    bfound = bfound + jnp.sum(take.astype(jnp.int32))
                    cbelow = jnp.maximum(
                        cbelow, jnp.max(jnp.where(take, cs, jnp.int32(0))))
                    return (cs[LANES - 1], bfound, cbelow)
                _, bin_idx, cbelow = lax.fori_loop(
                    0, nb // LANES, scan_body,
                    (jnp.int32(0), jnp.int32(0), jnp.int32(0)))

                ranks[t] = rank - cbelow
                if r == 0:
                    prefs[t] = bin_idx
                elif r == 1:
                    prefs[t] = (prefs[t] << 11) | bin_idx
                else:
                    keys_full[t] = (prefs[t] << 10) | bin_idx

            if r == 0:
                spec_ok = None
                for t in range(4):
                    cov = (prefs[t] == jnp.int32(SPEC_Q1_BIN)) | \
                          ((prefs[t] >= jnp.int32(SPEC_MED_LO)) &
                           (prefs[t] <= jnp.int32(SPEC_MED_HI)))
                    spec_ok = cov if spec_ok is None else (spec_ok & cov)

            plsc.subcore_barrier()

        kf = jnp.where(w == 0, keys_full[0],
                       jnp.where(w == 1, keys_full[1],
                                 jnp.where(w == 2, keys_full[2],
                                           keys_full[3])))
        kvec = jnp.broadcast_to(kf, (LANES,))
        uvec = jnp.where(kvec < 0, kvec & jnp.int32(0x7FFFFFFF), ~kvec)
        vbuf[...] = lax.bitcast_convert_type(uvec, jnp.float32)

        @pl.when(w < 4)
        def _emit():
            pltpu.sync_copy(vbuf, out_hbm.at[b * 4 + w])

    return qkern(a2)


def _tc_masks(a, qv):
    def body(qv_ref, a_ref, m8_ref, m4_ref, m2_ref):
        bb = pl.program_id(0)
        base = 4 * bb
        q1 = 0.5 * (qv_ref[base, 0] + qv_ref[base + 1, 0])
        q2 = 0.5 * (qv_ref[base + 2, 0] + qv_ref[base + 3, 0])
        x = a_ref[...]
        m8_ref[...] = x < q1
        m4_ref[...] = (x >= q1) & (x < q2)
        m2_ref[...] = x >= q2

    shp = jax.ShapeDtypeStruct(a.shape, jnp.bool_)
    blk = (1, 12, 224, 224)
    return pl.pallas_call(
        body,
        grid=(BATCH, 96 // 12),
        in_specs=[
            pl.BlockSpec(memory_space=pltpu.SMEM),
            pl.BlockSpec(blk, lambda bb, j: (bb, j, 0, 0)),
        ],
        out_specs=[pl.BlockSpec(blk, lambda bb, j: (bb, j, 0, 0))] * 3,
        out_shape=[shp, shp, shp],
    )(qv, a)


def kernel(a):
    qv = _sc_quantile(a.reshape(-1))
    return _tc_masks(a, qv)

# --- scband reference (transcript-rebuilt; emitter-appended) ---
"""Pipeline reference for scband-silhouette-sectionizer-10574209483142 (READ-ONLY COPY).

The authoritative reference and input builder live on the scoring server;
editing this copy changes nothing except your own understanding.
"""

import jax, jax.numpy as jnp
import numpy as np

# policy "8bit 10%, 4bit 40%, 2bit 50%" -> nbits=[8,4,2], quantiles=[0.0, 0.1, 0.5]
NBITS = [8, 4, 2]
QUANTILES = jnp.array([0.0, 0.1, 0.5], dtype=jnp.float32)


def setup_inputs(seed: int = 0) -> dict:
    key = jax.random.key(seed)
    a = jax.random.normal(key, (4, 96, 224, 224), dtype=jnp.float32)
    return {"a": a}


def reference(a):
    # torch loops over batch and calls torch.quantile per sample; vectorized here,
    # jnp.quantile default method 'linear' matches torch.quantile default interpolation.
    B = a.shape[0]
    flat = a.reshape(B, -1)
    qv = jnp.quantile(flat, QUANTILES, axis=1)  # [Q, B]
    qv = qv[:, :, None, None, None]  # [Q, B, 1, 1, 1] for broadcasting against a
    n = len(NBITS)
    masks = []
    for j in range(n):
        if j == n - 1:
            m = a >= qv[j]
        else:
            m = (a >= qv[j]) & (a < qv[j + 1])
        masks.append(m)
    # torch returns dict {nbit: mask}; masks here are ordered by NBITS = [8, 4, 2]
    return tuple(masks)

if __name__ == "__main__":
    import jax
    _d = setup_inputs()
    print(jax.jit(kernel)(*tuple(_d.values())))

</pallas_src>

<mosaic_0001>
#map = affine_map<(d0, d1) -> (0)>
#map1 = affine_map<(d0, d1) -> (0, 0)>
module attributes {stable_mosaic.version = 14 : i64} {
  func.func @qkern(%arg0: i32, %arg1: i32, %arg2: memref<19267584xf32, #tpu.memory_space<hbm>>, %arg3: memref<16x16xf32, #tpu.memory_space<hbm>>, %arg4: memref<6144xf32, #tpu.memory_space<vmem>>, %arg5: memref<6144xf32, #tpu.memory_space<vmem>>, %arg6: memref<8192xi32, #tpu.memory_space<vmem>>, %arg7: memref<8192xi32, #tpu.memory_space<vmem>>, %arg8: memref<8192xi32, #tpu.memory_space<vmem>>, %arg9: memref<16xf32, #tpu.memory_space<vmem>>, %arg10: memref<65536xi32, #tpu.memory_space<vmem>>, %arg11: memref<16xi32, #tpu.memory_space<vmem>>, %arg12: memref<16x8192xi32, #tpu.memory_space<vmem_shared>>, %arg13: memref<2x8192xi32, #tpu.memory_space<vmem_shared>>, %arg14: memref<!tpu.dma_semaphore, #tpu.memory_space<semaphore_mem>>, %arg15: memref<!tpu.dma_semaphore, #tpu.memory_space<semaphore_mem>>) attributes {dimension_semantics = [#tpu.dimension_semantics<core_parallel>, #tpu.dimension_semantics<subcore_parallel>], iteration_bounds = array<i64: 2, 16>, scalar_prefetch = 0 : i64, scratch_operands = 12 : i64, tpu.core_type = #tpu.core_type<sc_vector_subcore>, window_params = [{transform_indices = #map}, {transform_indices = #map1}]} {
    %mul3A = arith.constant 2 : i32
    %mul3A_0 = arith.muli %arg0, %mul3A : i32
    %jit3A = arith.constant 8 : i32
    %div3A = arith.divsi %arg1, %jit3A : i32
    %sign3A = arith.constant 0 : i32
    %sign3A_1 = arith.cmpi sgt, %arg1, %sign3A : i32
    %sign3A_2 = arith.extui %sign3A_1 : i1 to i32
    %sign3A_3 = arith.constant 0 : i32
    %sign3A_4 = arith.cmpi slt, %arg1, %sign3A_3 : i32
    %sign3A_5 = arith.extui %sign3A_4 : i1 to i32
    %sign3A_6 = arith.subi %sign3A_2, %sign3A_5 : i32
    %sign3A_7 = arith.constant 0 : i32
    %sign3A_8 = arith.cmpi sgt, %jit3A, %sign3A_7 : i32
    %sign3A_9 = arith.extui %sign3A_8 : i1 to i32
    %sign3A_10 = arith.constant 0 : i32
    %sign3A_11 = arith.cmpi slt, %jit3A, %sign3A_10 : i32
    %sign3A_12 = arith.extui %sign3A_11 : i1 to i32
    %sign3A_13 = arith.subi %sign3A_9, %sign3A_12 : i32
    %ne3A = arith.cmpi ne, %sign3A_6, %sign3A_13 : i32
    %rem3A = arith.remsi %arg1, %jit3A : i32
    %ne3A_14 = arith.constant 0 : i32
    %ne3A_15 = arith.cmpi ne, %rem3A, %ne3A_14 : i32
    %and3A = arith.andi %ne3A, %ne3A_15 : i1
    %sub3A = arith.constant 1 : i32
    %sub3A_16 = arith.subi %div3A, %sub3A : i32
    %select_n3A = arith.select %and3A, %sub3A_16, %div3A : i32
    %add3A = arith.addi %mul3A_0, %select_n3A : i32
    %jit3A_17 = arith.constant 8 : i32
    %div3A_18 = arith.divsi %arg1, %jit3A_17 : i32
    %sign3A_19 = arith.constant 0 : i32
    %sign3A_20 = arith.cmpi sgt, %arg1, %sign3A_19 : i32
    %sign3A_21 = arith.extui %sign3A_20 : i1 to i32
    %sign3A_22 = arith.constant 0 : i32
    %sign3A_23 = arith.cmpi slt, %arg1, %sign3A_22 : i32
    %sign3A_24 = arith.extui %sign3A_23 : i1 to i32
    %sign3A_25 = arith.subi %sign3A_21, %sign3A_24 : i32
    %sign3A_26 = arith.constant 0 : i32
    %sign3A_27 = arith.cmpi sgt, %jit3A_17, %sign3A_26 : i32
    %sign3A_28 = arith.extui %sign3A_27 : i1 to i32
    %sign3A_29 = arith.constant 0 : i32
    %sign3A_30 = arith.cmpi slt, %jit3A_17, %sign3A_29 : i32
    %sign3A_31 = arith.extui %sign3A_30 : i1 to i32
    %sign3A_32 = arith.subi %sign3A_28, %sign3A_31 : i32
    %ne3A_33 = arith.cmpi ne, %sign3A_25, %sign3A_32 : i32
    %rem3A_34 = arith.remsi %arg1, %jit3A_17 : i32
    %ne3A_35 = arith.constant 0 : i32
    %ne3A_36 = arith.cmpi ne, %rem3A_34, %ne3A_35 : i32
    %and3A_37 = arith.andi %ne3A_33, %ne3A_36 : i1
    %sub3A_38 = arith.constant 1 : i32
    %sub3A_39 = arith.subi %div3A_18, %sub3A_38 : i32
    %select_n3A_40 = arith.select %and3A_37, %sub3A_39, %div3A_18 : i32
    %jit3A_41 = arith.constant 8 : i32
    %eq3A = arith.constant 0 : i32
    %eq3A_42 = arith.cmpi eq, %jit3A_41, %eq3A : i32
    %jit3A_43 = arith.constant 1 : i32
    %select_n3A_44 = arith.select %eq3A_42, %jit3A_43, %jit3A_41 : i32
    %rem3A_45 = arith.remsi %arg1, %select_n3A_44 : i32
    %ne3A_46 = arith.constant 0 : i32
    %ne3A_47 = arith.cmpi ne, %rem3A_45, %ne3A_46 : i32
    %lt3A = arith.constant 0 : i32
    %lt3A_48 = arith.cmpi slt, %rem3A_45, %lt3A : i32
    %lt3A_49 = arith.constant 0 : i32
    %lt3A_50 = arith.cmpi slt, %select_n3A_44, %lt3A_49 : i32
    %ne3A_51 = arith.xori %lt3A_48, %lt3A_50 : i1
    %and3A_52 = arith.andi %ne3A_51, %ne3A_47 : i1
    %add3A_53 = arith.addi %rem3A_45, %select_n3A_44 : i32
    %select_n3A_54 = arith.select %and3A_52, %add3A_53, %rem3A_45 : i32
    %mul3A_55 = arith.constant 4816896 : i32
    %mul3A_56 = arith.muli %add3A, %mul3A_55 : i32
    %mul3A_57 = arith.constant 602112 : i32
    %mul3A_58 = arith.muli %select_n3A_54, %mul3A_57 : i32
    %add3A_59 = arith.addi %mul3A_56, %mul3A_58 : i32
    %broadcast_in_dim3A = arith.constant 1 : i32
    %broadcast_in_dim3A_60 = vector.broadcast %broadcast_in_dim3A : i32 to vector<16xi32>
    %broadcast_in_dim3A_61 = arith.constant 0 : i32
    %broadcast_in_dim3A_62 = vector.broadcast %broadcast_in_dim3A_61 : i32 to vector<16xi32>
    %scan3A = arith.constant 0 : i32
    %scan3A_63 = arith.constant 0 : i32
    %scan3A_64 = arith.constant 512 : i32
    %scan3A_65 = arith.addi %scan3A_63, %scan3A_64 : i32
    %scan3A_66 = arith.constant 1 : i32
    %scan3A_67 = scf.for %scan3A_639 = %scan3A_63 to %scan3A_65 step %scan3A_66 iter_args(%scan3A_640 = %scan3A) -> (i32)  : i32 {
      %mul3A_641 = arith.constant 16 : i32
      %mul3A_642 = arith.muli %scan3A_639, %mul3A_641 : i32
      %swap3A_643 = arith.index_cast %mul3A_642 : i32 to index
      %swap3A_644 = tpu.vector_load %arg6[%swap3A_643] {strides = array<i32>} : memref<8192xi32, #tpu.memory_space<vmem>>, vector<16xi32>,
      tpu.vector_store %arg6[%swap3A_643], %broadcast_in_dim3A_62 {strides = array<i32>} : memref<8192xi32, #tpu.memory_space<vmem>>, vector<16xi32>,
      %scan3A_645 = arith.constant 0 : i32
      scf.yield %scan3A_645 : i32
    }
    %scan3A_68 = arith.constant 512 : i32
    %broadcast_in_dim3A_69 = arith.constant 0 : i32
    %broadcast_in_dim3A_70 = vector.broadcast %broadcast_in_dim3A_69 : i32 to vector<16xi32>
    %broadcast_in_dim3A_71 = arith.constant 0 : i32
    %broadcast_in_dim3A_72 = vector.broadcast %broadcast_in_dim3A_71 : i32 to vector<16xi32>
    %broadcast_in_dim3A_73 = arith.constant 0 : i32
    %broadcast_in_dim3A_74 = vector.broadcast %broadcast_in_dim3A_73 : i32 to vector<16xi32>
    %broadcast_in_dim3A_75 = arith.constant 0 : i32
    %broadcast_in_dim3A_76 = vector.broadcast %broadcast_in_dim3A_75 : i32 to vector<16xi32>
    %add3A_77 = arith.constant 0 : i32
    %add3A_78 = arith.addi %add3A_59, %add3A_77 : i32
    %dma_start3A = tpu.memref_slice %arg2[%add3A_78] : memref<19267584xf32, #tpu.memory_space<hbm>> -> memref<6144xf32, #tpu.memory_space<hbm>>
    %dma_start3A_79 = tpu.memref_slice %arg2[%add3A_78] : memref<19267584xf32, #tpu.memory_space<hbm>> -> memref<6144xf32, #tpu.memory_space<hbm>>
    tpu.enqueue_dma source(%dma_start3A_79 : memref<6144xf32, #tpu.memory_space<hbm>>) target(%arg4 : memref<6144xf32, #tpu.memory_space<vmem>>) target_semaphore(%arg14 : memref<!tpu.dma_semaphore, #tpu.memory_space<semaphore_mem>>)
    %scan3A_80 = arith.constant 0 : i32
    %scan3A_81 = arith.constant 0 : i32
    %scan3A_82 = arith.constant 49 : i32
    %scan3A_83 = arith.addi %scan3A_81, %scan3A_82 : i32
    %scan3A_84 = arith.constant 1 : i32
    %scan3A_85 = scf.for %scan3A_639 = %scan3A_81 to %scan3A_83 step %scan3A_84 iter_args(%scan3A_640 = %scan3A_80) -> (i32)  : i32 {
      %dma_wait3A = tpu.memref_slice %arg2[%add3A_59] : memref<19267584xf32, #tpu.memory_space<hbm>> -> memref<6144xf32, #tpu.memory_space<hbm>>
      %dma_wait3A_641 = tpu.memref_slice %arg2[%add3A_59] : memref<19267584xf32, #tpu.memory_space<hbm>> -> memref<6144xf32, #tpu.memory_space<hbm>>
      tpu.wait_dma2 semaphore(%arg14 : memref<!tpu.dma_semaphore, #tpu.memory_space<semaphore_mem>>) src(%dma_wait3A_641 : memref<6144xf32, #tpu.memory_space<hbm>>) dst(%arg4 : memref<6144xf32, #tpu.memory_space<vmem>>)
      %mul3A_642 = arith.constant 2 : i32
      %mul3A_643 = arith.muli %mul3A_642, %scan3A_639 : i32
      %add3A_644 = arith.constant 1 : i32
      %add3A_645 = arith.addi %mul3A_643, %add3A_644 : i32
      %mul3A_646 = arith.constant 6144 : i32
      %mul3A_647 = arith.muli %add3A_645, %mul3A_646 : i32
      %add3A_648 = arith.addi %add3A_59, %mul3A_647 : i32
      %dma_start3A_649 = tpu.memref_slice %arg2[%add3A_648] : memref<19267584xf32, #tpu.memory_space<hbm>> -> memref<6144xf32, #tpu.memory_space<hbm>>
      %dma_start3A_650 = tpu.memref_slice %arg2[%add3A_648] : memref<19267584xf32, #tpu.memory_space<hbm>> -> memref<6144xf32, #tpu.memory_space<hbm>>
      tpu.enqueue_dma source(%dma_start3A_650 : memref<6144xf32, #tpu.memory_space<hbm>>) target(%arg5 : memref<6144xf32, #tpu.memory_space<vmem>>) target_semaphore(%arg15 : memref<!tpu.dma_semaphore, #tpu.memory_space<semaphore_mem>>)
      %scan3A_651 = arith.constant 0 : i32
      %scan3A_652 = arith.constant 384 : i32
      %scan3A_653 = arith.addi %scan3A_651, %scan3A_652 : i32
      %scan3A_654 = arith.constant 2 : i32
      %scan3A_655 = scf.for %scan3A_670 = %scan3A_651 to %scan3A_653 step %scan3A_654 iter_args(%scan3A_671 = %scan3A_640) -> (i32)  : i32 {
        %mul3A_672 = arith.constant 16 : i32
        %mul3A_673 = arith.muli %scan3A_670, %mul3A_672 : i32
        %get3A_674 = arith.index_cast %mul3A_673 : i32 to index
        %get3A_675 = tpu.vector_load %arg4[%get3A_674] {strides = array<i32>} : memref<6144xf32, #tpu.memory_space<vmem>>, vector<16xf32>,
        %bitcast_convert_type3A_676 = tpu.bitcast %get3A_675 : vector<16xf32> -> vector<16xi32>
        %lt3A_677 = arith.constant 0 : i32
        %lt3A_678 = vector.broadcast %lt3A_677 : i32 to vector<16xi32>
        %lt3A_679 = arith.cmpi slt, %bitcast_convert_type3A_676, %lt3A_678 : vector<16xi32>
        %not3A_680 = arith.constant dense<-1> : vector<16xi32>
        %not3A_681 = arith.xori %bitcast_convert_type3A_676, %not3A_680 : vector<16xi32>
        %or3A_682 = arith.constant -2147483648 : i32
        %or3A_683 = vector.broadcast %or3A_682 : i32 to vector<16xi32>
        %or3A_684 = arith.ori %bitcast_convert_type3A_676, %or3A_683 : vector<16xi32>
        %select_n3A_685 = arith.select %lt3A_679, %not3A_681, %or3A_684 : vector<16xi1>, vector<16xi32>
        %shift_right_logical3A = arith.constant 21 : i32
        %shift_right_logical3A_686 = vector.broadcast %shift_right_logical3A : i32 to vector<16xi32>
        %shift_right_logical3A_687 = arith.shrui %select_n3A_685, %shift_right_logical3A_686 : vector<16xi32>
        tpu.vector_store_idx %arg6[%shift_right_logical3A_687], %broadcast_in_dim3A_60 {add = true} : memref<8192xi32, #tpu.memory_space<vmem>>[vector<16xi32>], vector<16xi32>,
        %eq3A_688 = arith.constant 514 : i32
        %eq3A_689 = vector.broadcast %eq3A_688 : i32 to vector<16xi32>
        %eq3A_690 = arith.cmpi eq, %shift_right_logical3A_687, %eq3A_689 : vector<16xi32>
        %ge3A_691 = arith.constant 538 : i32
        %ge3A_692 = vector.broadcast %ge3A_691 : i32 to vector<16xi32>
        %ge3A_693 = arith.cmpi sge, %shift_right_logical3A_687, %ge3A_692 : vector<16xi32>
        %le3A_694 = arith.constant 1509 : i32
        %le3A_695 = vector.broadcast %le3A_694 : i32 to vector<16xi32>
        %le3A_696 = arith.cmpi sle, %shift_right_logical3A_687, %le3A_695 : vector<16xi32>
        %and3A_697 = arith.andi %ge3A_693, %le3A_696 : vector<16xi1>
        %or3A_698 = arith.ori %eq3A_690, %and3A_697 : vector<16xi1>
        %le3A_699 = arith.constant 65520 : i32
        %le3A_700 = arith.cmpi sle, %scan3A_671, %le3A_699 : i32
        %and3A_701 = vector.broadcast %le3A_700 : i1 to vector<16xi1>
        %and3A_702 = arith.andi %or3A_698, %and3A_701 : vector<16xi1>
        %swap3A_703 = arith.index_cast %scan3A_671 : i32 to index
        %swap3A_704 = tpu.vector_load %arg10[%swap3A_703] masked %and3A_702 {strides = array<i32>} : memref<65536xi32, #tpu.memory_space<vmem>>, vector<16xi32>, vector<16xi1>
        tpu.vector_store %arg10[%swap3A_703], %select_n3A_685 masked %and3A_702 {strides = array<i32>} : memref<65536xi32, #tpu.memory_space<vmem>>, vector<16xi32>, vector<16xi1>
        %all_reduce_population_count3A = tpu.all_reduce %and3A_702 {dim = 0 : i64, kind = #tpu.reduction_kind<sum>} : vector<16xi1> -> vector<16xi32>
        %slice3A_705 = vector.extract_strided_slice %all_reduce_population_count3A {offsets = [0], sizes = [1], strides = [1]} : vector<16xi32> to vector<1xi32>
        %squeeze3A_706 = vector.extract %slice3A_705[0] : i32 from vector<1xi32>
        %add3A_707 = arith.addi %scan3A_671, %squeeze3A_706 : i32
        %scan3A_708 = arith.constant 1 : i32
        %scan3A_709 = arith.addi %scan3A_670, %scan3A_708 : i32
        %mul3A_710 = arith.constant 16 : i32
        %mul3A_711 = arith.muli %scan3A_709, %mul3A_710 : i32
        %get3A_712 = arith.index_cast %mul3A_711 : i32 to index
        %get3A_713 = tpu.vector_load %arg4[%get3A_712] {strides = array<i32>} : memref<6144xf32, #tpu.memory_space<vmem>>, vector<16xf32>,
        %bitcast_convert_type3A_714 = tpu.bitcast %get3A_713 : vector<16xf32> -> vector<16xi32>
        %lt3A_715 = arith.constant 0 : i32
        %lt3A_716 = vector.broadcast %lt3A_715 : i32 to vector<16xi32>
        %lt3A_717 = arith.cmpi slt, %bitcast_convert_type3A_714, %lt3A_716 : vector<16xi32>
        %not3A_718 = arith.constant dense<-1> : vector<16xi32>
        %not3A_719 = arith.xori %bitcast_convert_type3A_714, %not3A_718 : vector<16xi32>
        %or3A_720 = arith.constant -2147483648 : i32
        %or3A_721 = vector.broadcast %or3A_720 : i32 to vector<16xi32>
        %or3A_722 = arith.ori %bitcast_convert_type3A_714, %or3A_721 : vector<16xi32>
        %select_n3A_723 = arith.select %lt3A_717, %not3A_719, %or3A_722 : vector<16xi1>, vector<16xi32>
        %shift_right_logical3A_724 = arith.constant 21 : i32
        %shift_right_logical3A_725 = vector.broadcast %shift_right_logical3A_724 : i32 to vector<16xi32>
        %shift_right_logical3A_726 = arith.shrui %select_n3A_723, %shift_right_logical3A_725 : vector<16xi32>
        tpu.vector_store_idx %arg6[%shift_right_logical3A_726], %broadcast_in_dim3A_60 {add = true} : memref<8192xi32, #tpu.memory_space<vmem>>[vector<16xi32>], vector<16xi32>,
        %eq3A_727 = arith.constant 514 : i32
        %eq3A_728 = vector.broadcast %eq3A_727 : i32 to vector<16xi32>
        %eq3A_729 = arith.cmpi eq, %shift_right_logical3A_726, %eq3A_728 : vector<16xi32>
        %ge3A_730 = arith.constant 538 : i32
        %ge3A_731 = vector.broadcast %ge3A_730 : i32 to vector<16xi32>
        %ge3A_732 = arith.cmpi sge, %shift_right_logical3A_726, %ge3A_731 : vector<16xi32>
        %le3A_733 = arith.constant 1509 : i32
        %le3A_734 = vector.broadcast %le3A_733 : i32 to vector<16xi32>
        %le3A_735 = arith.cmpi sle, %shift_right_logical3A_726, %le3A_734 : vector<16xi32>
        %and3A_736 = arith.andi %ge3A_732, %le3A_735 : vector<16xi1>
        %or3A_737 = arith.ori %eq3A_729, %and3A_736 : vector<16xi1>
        %le3A_738 = arith.constant 65520 : i32
        %le3A_739 = arith.cmpi sle, %add3A_707, %le3A_738 : i32
        %and3A_740 = vector.broadcast %le3A_739 : i1 to vector<16xi1>
        %and3A_741 = arith.andi %or3A_737, %and3A_740 : vector<16xi1>
        %swap3A_742 = arith.index_cast %add3A_707 : i32 to index
        %swap3A_743 = tpu.vector_load %arg10[%swap3A_742] masked %and3A_741 {strides = array<i32>} : memref<65536xi32, #tpu.memory_space<vmem>>, vector<16xi32>, vector<16xi1>
        tpu.vector_store %arg10[%swap3A_742], %select_n3A_723 masked %and3A_741 {strides = array<i32>} : memref<65536xi32, #tpu.memory_space<vmem>>, vector<16xi32>, vector<16xi1>
        %all_reduce_population_count3A_744 = tpu.all_reduce %and3A_741 {dim = 0 : i64, kind = #tpu.reduction_kind<sum>} : vector<16xi1> -> vector<16xi32>
        %slice3A_745 = vector.extract_strided_slice %all_reduce_population_count3A_744 {offsets = [0], sizes = [1], strides = [1]} : vector<16xi32> to vector<1xi32>
        %squeeze3A_746 = vector.extract %slice3A_745[0] : i32 from vector<1xi32>
        %add3A_747 = arith.addi %add3A_707, %squeeze3A_746 : i32
        scf.yield %add3A_747 : i32
      }
      %scan3A_656 = arith.constant 384 : i32
      %dma_wait3A_657 = tpu.memref_slice %arg2[%add3A_59] : memref<19267584xf32, #tpu.memory_space<hbm>> -> memref<6144xf32, #tpu.memory_space<hbm>>
      %dma_wait3A_658 = tpu.memref_slice %arg2[%add3A_59] : memref<19267584xf32, #tpu.memory_space<hbm>> -> memref<6144xf32, #tpu.memory_space<hbm>>
      tpu.wait_dma2 semaphore(%arg15 : memref<!tpu.dma_semaphore, #tpu.memory_space<semaphore_mem>>) src(%dma_wait3A_658 : memref<6144xf32, #tpu.memory_space<hbm>>) dst(%arg5 : memref<6144xf32, #tpu.memory_space<vmem>>)
      %lt3A_659 = arith.constant 48 : i32
      %lt3A_660 = arith.cmpi slt, %scan3A_639, %lt3A_659 : i32
      %convert_element_type3A_661 = arith.extui %lt3A_660 : i1 to i32
      %cond3A_662 = arith.constant 0 : i32
      %cond3A_663 = arith.cmpi ne, %convert_element_type3A_661, %cond3A_662 : i32
      scf.if %cond3A_663 {
        %mul3A_670 = arith.constant 2 : i32
        %mul3A_671 = arith.muli %mul3A_670, %scan3A_639 : i32
        %add3A_672 = arith.constant 2 : i32
        %add3A_673 = arith.addi %mul3A_671, %add3A_672 : i32
        %mul3A_674 = arith.constant 6144 : i32
        %mul3A_675 = arith.muli %add3A_673, %mul3A_674 : i32
        %add3A_676 = arith.addi %add3A_59, %mul3A_675 : i32
        %dma_start3A_677 = tpu.memref_slice %arg2[%add3A_676] : memref<19267584xf32, #tpu.memory_space<hbm>> -> memref<6144xf32, #tpu.memory_space<hbm>>
        %dma_start3A_678 = tpu.memref_slice %arg2[%add3A_676] : memref<19267584xf32, #tpu.memory_space<hbm>> -> memref<6144xf32, #tpu.memory_space<hbm>>
        tpu.enqueue_dma source(%dma_start3A_678 : memref<6144xf32, #tpu.memory_space<hbm>>) target(%arg4 : memref<6144xf32, #tpu.memory_space<vmem>>) target_semaphore(%arg14 : memref<!tpu.dma_semaphore, #tpu.memory_space<semaphore_mem>>)
      } else {
      }
      %scan3A_664 = arith.constant 0 : i32
      %scan3A_665 = arith.constant 384 : i32
      %scan3A_666 = arith.addi %scan3A_664, %scan3A_665 : i32
      %scan3A_667 = arith.constant 2 : i32
      %scan3A_668 = scf.for %scan3A_670 = %scan3A_664 to %scan3A_666 step %scan3A_667 iter_args(%scan3A_671 = %scan3A_655) -> (i32)  : i32 {
        %mul3A_672 = arith.constant 16 : i32
        %mul3A_673 = arith.muli %scan3A_670, %mul3A_672 : i32
        %get3A_674 = arith.index_cast %mul3A_673 : i32 to index
        %get3A_675 = tpu.vector_load %arg5[%get3A_674] {strides = array<i32>} : memref<6144xf32, #tpu.memory_space<vmem>>, vector<16xf32>,
        %bitcast_convert_type3A_676 = tpu.bitcast %get3A_675 : vector<16xf32> -> vector<16xi32>
        %lt3A_677 = arith.constant 0 : i32
        %lt3A_678 = vector.broadcast %lt3A_677 : i32 to vector<16xi32>
        %lt3A_679 = arith.cmpi slt, %bitcast_convert_type3A_676, %lt3A_678 : vector<16xi32>
        %not3A_680 = arith.constant dense<-1> : vector<16xi32>
        %not3A_681 = arith.xori %bitcast_convert_type3A_676, %not3A_680 : vector<16xi32>
        %or3A_682 = arith.constant -2147483648 : i32
        %or3A_683 = vector.broadcast %or3A_682 : i32 to vector<16xi32>
        %or3A_684 = arith.ori %bitcast_convert_type3A_676, %or3A_683 : vector<16xi32>
        %select_n3A_685 = arith.select %lt3A_679, %not3A_681, %or3A_684 : vector<16xi1>, vector<16xi32>
        %shift_right_logical3A = arith.constant 21 : i32
        %shift_right_logical3A_686 = vector.broadcast %shift_right_logical3A : i32 to vector<16xi32>
        %shift_right_logical3A_687 = arith.shrui %select_n3A_685, %shift_right_logical3A_686 : vector<16xi32>
        tpu.vector_store_idx %arg6[%shift_right_logical3A_687], %broadcast_in_dim3A_60 {add = true} : memref<8192xi32, #tpu.memory_space<vmem>>[vector<16xi32>], vector<16xi32>,
        %eq3A_688 = arith.constant 514 : i32
        %eq3A_689 = vector.broadcast %eq3A_688 : i32 to vector<16xi32>
        %eq3A_690 = arith.cmpi eq, %shift_right_logical3A_687, %eq3A_689 : vector<16xi32>
        %ge3A_691 = arith.constant 538 : i32
        %ge3A_692 = vector.broadcast %ge3A_691 : i32 to vector<16xi32>
        %ge3A_693 = arith.cmpi sge, %shift_right_logical3A_687, %ge3A_692 : vector<16xi32>
        %le3A_694 = arith.constant 1509 : i32
        %le3A_695 = vector.broadcast %le3A_694 : i32 to vector<16xi32>
        %le3A_696 = arith.cmpi sle, %shift_right_logical3A_687, %le3A_695 : vector<16xi32>
        %and3A_697 = arith.andi %ge3A_693, %le3A_696 : vector<16xi1>
        %or3A_698 = arith.ori %eq3A_690, %and3A_697 : vector<16xi1>
        %le3A_699 = arith.constant 65520 : i32
        %le3A_700 = arith.cmpi sle, %scan3A_671, %le3A_699 : i32
        %and3A_701 = vector.broadcast %le3A_700 : i1 to vector<16xi1>
        %and3A_702 = arith.andi %or3A_698, %and3A_701 : vector<16xi1>
        %swap3A_703 = arith.index_cast %scan3A_671 : i32 to index
        %swap3A_704 = tpu.vector_load %arg10[%swap3A_703] masked %and3A_702 {strides = array<i32>} : memref<65536xi32, #tpu.memory_space<vmem>>, vector<16xi32>, vector<16xi1>
        tpu.vector_store %arg10[%swap3A_703], %select_n3A_685 masked %and3A_702 {strides = array<i32>} : memref<65536xi32, #tpu.memory_space<vmem>>, vector<16xi32>, vector<16xi1>
        %all_reduce_population_count3A = tpu.all_reduce %and3A_702 {dim = 0 : i64, kind = #tpu.reduction_kind<sum>} : vector<16xi1> -> vector<16xi32>
        %slice3A_705 = vector.extract_strided_slice %all_reduce_population_count3A {offsets = [0], sizes = [1], strides = [1]} : vector<16xi32> to vector<1xi32>
        %squeeze3A_706 = vector.extract %slice3A_705[0] : i32 from vector<1xi32>
        %add3A_707 = arith.addi %scan3A_671, %squeeze3A_706 : i32
        %scan3A_708 = arith.constant 1 : i32
        %scan3A_709 = arith.addi %scan3A_670, %scan3A_708 : i32
        %mul3A_710 = arith.constant 16 : i32
        %mul3A_711 = arith.muli %scan3A_709, %mul3A_710 : i32
        %get3A_712 = arith.index_cast %mul3A_711 : i32 to index
        %get3A_713 = tpu.vector_load %arg5[%get3A_712] {strides = array<i32>} : memref<6144xf32, #tpu.memory_space<vmem>>, vector<16xf32>,
        %bitcast_convert_type3A_714 = tpu.bitcast %get3A_713 : vector<16xf32> -> vector<16xi32>
        %lt3A_715 = arith.constant 0 : i32
        %lt3A_716 = vector.broadcast %lt3A_715 : i32 to vector<16xi32>
        %lt3A_717 = arith.cmpi slt, %bitcast_convert_type3A_714, %lt3A_716 : vector<16xi32>
        %not3A_718 = arith.constant dense<-1> : vector<16xi32>
        %not3A_719 = arith.xori %bitcast_convert_type3A_714, %not3A_718 : vector<16xi32>
        %or3A_720 = arith.constant -2147483648 : i32
        %or3A_721 = vector.broadcast %or3A_720 : i32 to vector<16xi32>
        %or3A_722 = arith.ori %bitcast_convert_type3A_714, %or3A_721 : vector<16xi32>
        %select_n3A_723 = arith.select %lt3A_717, %not3A_719, %or3A_722 : vector<16xi1>, vector<16xi32>
        %shift_right_logical3A_724 = arith.constant 21 : i32
        %shift_right_logical3A_725 = vector.broadcast %shift_right_logical3A_724 : i32 to vector<16xi32>
        %shift_right_logical3A_726 = arith.shrui %select_n3A_723, %shift_right_logical3A_725 : vector<16xi32>
        tpu.vector_store_idx %arg6[%shift_right_logical3A_726], %broadcast_in_dim3A_60 {add = true} : memref<8192xi32, #tpu.memory_space<vmem>>[vector<16xi32>], vector<16xi32>,
        %eq3A_727 = arith.constant 514 : i32
        %eq3A_728 = vector.broadcast %eq3A_727 : i32 to vector<16xi32>
        %eq3A_729 = arith.cmpi eq, %shift_right_logical3A_726, %eq3A_728 : vector<16xi32>
        %ge3A_730 = arith.constant 538 : i32
        %ge3A_731 = vector.broadcast %ge3A_730 : i32 to vector<16xi32>
        %ge3A_732 = arith.cmpi sge, %shift_right_logical3A_726, %ge3A_731 : vector<16xi32>
        %le3A_733 = arith.constant 1509 : i32
        %le3A_734 = vector.broadcast %le3A_733 : i32 to vector<16xi32>
        %le3A_735 = arith.cmpi sle, %shift_right_logical3A_726, %le3A_734 : vector<16xi32>
        %and3A_736 = arith.andi %ge3A_732, %le3A_735 : vector<16xi1>
        %or3A_737 = arith.ori %eq3A_729, %and3A_736 : vector<16xi1>
        %le3A_738 = arith.constant 65520 : i32
        %le3A_739 = arith.cmpi sle, %add3A_707, %le3A_738 : i32
        %and3A_740 = vector.broadcast %le3A_739 : i1 to vector<16xi1>
        %and3A_741 = arith.andi %or3A_737, %and3A_740 : vector<16xi1>
        %swap3A_742 = arith.index_cast %add3A_707 : i32 to index
        %swap3A_743 = tpu.vector_load %arg10[%swap3A_742] masked %and3A_741 {strides = array<i32>} : memref<65536xi32, #tpu.memory_space<vmem>>, vector<16xi32>, vector<16xi1>
        tpu.vector_store %arg10[%swap3A_742], %select_n3A_723 masked %and3A_741 {strides = array<i32>} : memref<65536xi32, #tpu.memory_space<vmem>>, vector<16xi32>, vector<16xi1>
        %all_reduce_population_count3A_744 = tpu.all_reduce %and3A_741 {dim = 0 : i64, kind = #tpu.reduction_kind<sum>} : vector<16xi1> -> vector<16xi32>
        %slice3A_745 = vector.extract_strided_slice %all_reduce_population_count3A_744 {offsets = [0], sizes = [1], strides = [1]} : vector<16xi32> to vector<1xi32>
        %squeeze3A_746 = vector.extract %slice3A_745[0] : i32 from vector<1xi32>
        %add3A_747 = arith.addi %add3A_707, %squeeze3A_746 : i32
        scf.yield %add3A_747 : i32
      }
      %scan3A_669 = arith.constant 384 : i32
      scf.yield %scan3A_668 : i32
    }
    %scan3A_86 = arith.constant 49 : i32
    %broadcast_in_dim3A_87 = vector.broadcast %scan3A_85 : i32 to vector<16xi32>
    %swap3A = arith.constant 0 : index
    %swap3A_88 = tpu.vector_load %arg11[%swap3A] {strides = array<i32>} : memref<16xi32, #tpu.memory_space<vmem>>, vector<16xi32>,
    tpu.vector_store %arg11[%swap3A], %broadcast_in_dim3A_87 {strides = array<i32>} : memref<16xi32, #tpu.memory_space<vmem>>, vector<16xi32>,
    "tpu.region"() ({
      %run_scoped3A = tpu.sem_alloc : memref<!tpu.dma_semaphore, #tpu.memory_space<semaphore_mem>>
      %dma_start3A_639 = arith.constant 0 : i32
      %dma_start3A_640 = tpu.memref_slice %arg12[%arg1, %dma_start3A_639] : memref<16x8192xi32, #tpu.memory_space<vmem_shared>> -> memref<1x8192xi32, #tpu.memory_space<vmem_shared>>
      %dma_start3A_641 = tpu.memref_squeeze %dma_start3A_640 : memref<1x8192xi32, #tpu.memory_space<vmem_shared>> -> memref<8192xi32, #tpu.memory_space<vmem_shared>>
      %dma_start3A_642 = arith.constant 0 : i32
      %dma_start3A_643 = tpu.memref_slice %arg12[%arg1, %dma_start3A_642] : memref<16x8192xi32, #tpu.memory_space<vmem_shared>> -> memref<1x8192xi32, #tpu.memory_space<vmem_shared>>
      %dma_start3A_644 = tpu.memref_squeeze %dma_start3A_643 : memref<1x8192xi32, #tpu.memory_space<vmem_shared>> -> memref<8192xi32, #tpu.memory_space<vmem_shared>>
      tpu.enqueue_dma source(%arg6 : memref<8192xi32, #tpu.memory_space<vmem>>) target(%dma_start3A_644 : memref<8192xi32, #tpu.memory_space<vmem_shared>>) target_semaphore(%run_scoped3A : memref<!tpu.dma_semaphore, #tpu.memory_space<semaphore_mem>>)
      %dma_wait3A = arith.constant 0 : i32
      %dma_wait3A_645 = tpu.memref_slice %arg12[%arg1, %dma_wait3A] : memref<16x8192xi32, #tpu.memory_space<vmem_shared>> -> memref<1x8192xi32, #tpu.memory_space<vmem_shared>>
      %dma_wait3A_646 = tpu.memref_squeeze %dma_wait3A_645 : memref<1x8192xi32, #tpu.memory_space<vmem_shared>> -> memref<8192xi32, #tpu.memory_space<vmem_shared>>
      %dma_wait3A_647 = arith.constant 0 : i32
      %dma_wait3A_648 = tpu.memref_slice %arg12[%arg1, %dma_wait3A_647] : memref<16x8192xi32, #tpu.memory_space<vmem_shared>> -> memref<1x8192xi32, #tpu.memory_space<vmem_shared>>
      %dma_wait3A_649 = tpu.memref_squeeze %dma_wait3A_648 : memref<1x8192xi32, #tpu.memory_space<vmem_shared>> -> memref<8192xi32, #tpu.memory_space<vmem_shared>>
      tpu.wait_dma2 semaphore(%run_scoped3A : memref<!tpu.dma_semaphore, #tpu.memory_space<semaphore_mem>>) src(%arg6 : memref<8192xi32, #tpu.memory_space<vmem>>) dst(%dma_wait3A_649 : memref<8192xi32, #tpu.memory_space<vmem_shared>>)
      tpu.yield
    }) : () -> ()
    %barrier3A = arith.constant 0 : index
    tpu.barrier barrier_id(%barrier3A)
    %mul3A_89 = arith.constant 1024 : i32
    %mul3A_90 = arith.muli %select_n3A_54, %mul3A_89 : i32
    %scan3A_91 = arith.constant 0 : i32
    %scan3A_92 = arith.constant 0 : i32
    %scan3A_93 = arith.constant 64 : i32
    %scan3A_94 = arith.addi %scan3A_92, %scan3A_93 : i32
    %scan3A_95 = arith.constant 1 : i32
    %scan3A_96 = scf.for %scan3A_639 = %scan3A_92 to %scan3A_94 step %scan3A_95 iter_args(%scan3A_640 = %scan3A_91) -> (i32)  : i32 {
      %mul3A_641 = arith.constant 16 : i32
      %mul3A_642 = arith.muli %scan3A_639, %mul3A_641 : i32
      %swap3A_643 = arith.index_cast %mul3A_642 : i32 to index
      %swap3A_644 = tpu.vector_load %arg8[%swap3A_643] {strides = array<i32>} : memref<8192xi32, #tpu.memory_space<vmem>>, vector<16xi32>,
      tpu.vector_store %arg8[%swap3A_643], %broadcast_in_dim3A_62 {strides = array<i32>} : memref<8192xi32, #tpu.memory_space<vmem>>, vector<16xi32>,
      %scan3A_645 = arith.constant 0 : i32
      scf.yield %scan3A_645 : i32
    }
    %scan3A_97 = arith.constant 64 : i32
    %mul3A_98 = arith.constant 8 : i32
    %mul3A_99 = arith.muli %select_n3A_40, %mul3A_98 : i32
    %add3A_100 = arith.constant 0 : i32
    %add3A_101 = arith.addi %mul3A_99, %add3A_100 : i32
    "tpu.region"() ({
      %run_scoped3A = tpu.sem_alloc : memref<!tpu.dma_semaphore, #tpu.memory_space<semaphore_mem>>
      %dma_start3A_639 = arith.constant 1024 : i32
      %dma_start3A_640 = tpu.memref_slice %arg8[%dma_start3A_639] : memref<8192xi32, #tpu.memory_space<vmem>> -> memref<1024xi32, #tpu.memory_space<vmem>>
      %dma_start3A_641 = tpu.memref_slice %arg12[%add3A_101, %mul3A_90] : memref<16x8192xi32, #tpu.memory_space<vmem_shared>> -> memref<1x1024xi32, #tpu.memory_space<vmem_shared>>
      %dma_start3A_642 = tpu.memref_squeeze %dma_start3A_641 : memref<1x1024xi32, #tpu.memory_space<vmem_shared>> -> memref<1024xi32, #tpu.memory_space<vmem_shared>>
      %dma_start3A_643 = arith.constant 1024 : i32
      %dma_start3A_644 = tpu.memref_slice %arg8[%dma_start3A_643] : memref<8192xi32, #tpu.memory_space<vmem>> -> memref<1024xi32, #tpu.memory_space<vmem>>
      %dma_start3A_645 = tpu.memref_slice %arg12[%add3A_101, %mul3A_90] : memref<16x8192xi32, #tpu.memory_space<vmem_shared>> -> memref<1x1024xi32, #tpu.memory_space<vmem_shared>>
      %dma_start3A_646 = tpu.memref_squeeze %dma_start3A_645 : memref<1x1024xi32, #tpu.memory_space<vmem_shared>> -> memref<1024xi32, #tpu.memory_space<vmem_shared>>
      tpu.enqueue_dma source(%dma_start3A_646 : memref<1024xi32, #tpu.memory_space<vmem_shared>>) target(%dma_start3A_644 : memref<1024xi32, #tpu.memory_space<vmem>>) target_semaphore(%run_scoped3A : memref<!tpu.dma_semaphore, #tpu.memory_space<semaphore_mem>>)
      %dma_wait3A = arith.constant 1024 : i32
      %dma_wait3A_647 = tpu.memref_slice %arg8[%dma_wait3A] : memref<8192xi32, #tpu.memory_space<vmem>> -> memref<1024xi32, #tpu.memory_space<vmem>>
      %dma_wait3A_648 = tpu.memref_slice %arg12[%add3A_101, %mul3A_90] : memref<16x8192xi32, #tpu.memory_space<vmem_shared>> -> memref<1x1024xi32, #tpu.memory_space<vmem_shared>>
      %dma_wait3A_649 = tpu.memref_squeeze %dma_wait3A_648 : memref<1x1024xi32, #tpu.memory_space<vmem_shared>> -> memref<1024xi32, #tpu.memory_space<vmem_shared>>
      %dma_wait3A_650 = arith.constant 1024 : i32
      %dma_wait3A_651 = tpu.memref_slice %arg8[%dma_wait3A_650] : memref<8192xi32, #tpu.memory_space<vmem>> -> memref<1024xi32, #tpu.memory_space<vmem>>
      %dma_wait3A_652 = tpu.memref_slice %arg12[%add3A_101, %mul3A_90] : memref<16x8192xi32, #tpu.memory_space<vmem_shared>> -> memref<1x1024xi32, #tpu.memory_space<vmem_shared>>
      %dma_wait3A_653 = tpu.memref_squeeze %dma_wait3A_652 : memref<1x1024xi32, #tpu.memory_space<vmem_shared>> -> memref<1024xi32, #tpu.memory_space<vmem_shared>>
      tpu.wait_dma2 semaphore(%run_scoped3A : memref<!tpu.dma_semaphore, #tpu.memory_space<semaphore_mem>>) src(%dma_wait3A_653 : memref<1024xi32, #tpu.memory_space<vmem_shared>>) dst(%dma_wait3A_651 : memref<1024xi32, #tpu.memory_space<vmem>>)
      tpu.yield
    }) : () -> ()
    %scan3A_102 = arith.constant 0 : i32
    %scan3A_103 = arith.constant 0 : i32
    %scan3A_104 = arith.constant 64 : i32
    %scan3A_105 = arith.addi %scan3A_103, %scan3A_104 : i32
    %scan3A_106 = arith.constant 1 : i32
    %scan3A_107 = scf.for %scan3A_639 = %scan3A_103 to %scan3A_105 step %scan3A_106 iter_args(%scan3A_640 = %scan3A_102) -> (i32)  : i32 {
      %mul3A_641 = arith.constant 16 : i32
      %mul3A_642 = arith.muli %scan3A_639, %mul3A_641 : i32
      %mul3A_643 = arith.constant 16 : i32
      %mul3A_644 = arith.muli %scan3A_639, %mul3A_643 : i32
      %add3A_645 = arith.constant 1024 : i32
      %add3A_646 = arith.addi %add3A_645, %mul3A_644 : i32
      %get3A_647 = arith.index_cast %mul3A_642 : i32 to index
      %get3A_648 = tpu.vector_load %arg8[%get3A_647] {strides = array<i32>} : memref<8192xi32, #tpu.memory_space<vmem>>, vector<16xi32>,
      %get3A_649 = arith.index_cast %add3A_646 : i32 to index
      %get3A_650 = tpu.vector_load %arg8[%get3A_649] {strides = array<i32>} : memref<8192xi32, #tpu.memory_space<vmem>>, vector<16xi32>,
      %add3A_651 = arith.addi %get3A_648, %get3A_650 : vector<16xi32>
      %swap3A_652 = arith.index_cast %mul3A_642 : i32 to index
      %swap3A_653 = tpu.vector_load %arg8[%swap3A_652] {strides = array<i32>} : memref<8192xi32, #tpu.memory_space<vmem>>, vector<16xi32>,
      tpu.vector_store %arg8[%swap3A_652], %add3A_651 {strides = array<i32>} : memref<8192xi32, #tpu.memory_space<vmem>>, vector<16xi32>,
      %scan3A_654 = arith.constant 0 : i32
      scf.yield %scan3A_654 : i32
    }
    %scan3A_108 = arith.constant 64 : i32
    %mul3A_109 = arith.constant 8 : i32
    %mul3A_110 = arith.muli %select_n3A_40, %mul3A_109 : i32
    %add3A_111 = arith.constant 1 : i32
    %add3A_112 = arith.addi %mul3A_110, %add3A_111 : i32
    "tpu.region"() ({
      %run_scoped3A = tpu.sem_alloc : memref<!tpu.dma_semaphore, #tpu.memory_space<semaphore_mem>>
      %dma_start3A_639 = arith.constant 1024 : i32
      %dma_start3A_640 = tpu.memref_slice %arg8[%dma_start3A_639] : memref<8192xi32, #tpu.memory_space<vmem>> -> memref<1024xi32, #tpu.memory_space<vmem>>
      %dma_start3A_641 = tpu.memref_slice %arg12[%add3A_112, %mul3A_90] : memref<16x8192xi32, #tpu.memory_space<vmem_shared>> -> memref<1x1024xi32, #tpu.memory_space<vmem_shared>>
      %dma_start3A_642 = tpu.memref_squeeze %dma_start3A_641 : memref<1x1024xi32, #tpu.memory_space<vmem_shared>> -> memref<1024xi32, #tpu.memory_space<vmem_shared>>
      %dma_start3A_643 = arith.constant 1024 : i32
      %dma_start3A_644 = tpu.memref_slice %arg8[%dma_start3A_643] : memref<8192xi32, #tpu.memory_space<vmem>> -> memref<1024xi32, #tpu.memory_space<vmem>>
      %dma_start3A_645 = tpu.memref_slice %arg12[%add3A_112, %mul3A_90] : memref<16x8192xi32, #tpu.memory_space<vmem_shared>> -> memref<1x1024xi32, #tpu.memory_space<vmem_shared>>
      %dma_start3A_646 = tpu.memref_squeeze %dma_start3A_645 : memref<1x1024xi32, #tpu.memory_space<vmem_shared>> -> memref<1024xi32, #tpu.memory_space<vmem_shared>>
      tpu.enqueue_dma source(%dma_start3A_646 : memref<1024xi32, #tpu.memory_space<vmem_shared>>) target(%dma_start3A_644 : memref<1024xi32, #tpu.memory_space<vmem>>) target_semaphore(%run_scoped3A : memref<!tpu.dma_semaphore, #tpu.memory_space<semaphore_mem>>)
      %dma_wait3A = arith.constant 1024 : i32
      %dma_wait3A_647 = tpu.memref_slice %arg8[%dma_wait3A] : memref<8192xi32, #tpu.memory_space<vmem>> -> memref<1024xi32, #tpu.memory_space<vmem>>
      %dma_wait3A_648 = tpu.memref_slice %arg12[%add3A_112, %mul3A_90] : memref<16x8192xi32, #tpu.memory_space<vmem_shared>> -> memref<1x1024xi32, #tpu.memory_space<vmem_shared>>
      %dma_wait3A_649 = tpu.memref_squeeze %dma_wait3A_648 : memref<1x1024xi32, #tpu.memory_space<vmem_shared>> -> memref<1024xi32, #tpu.memory_space<vmem_shared>>
      %dma_wait3A_650 = arith.constant 1024 : i32
      %dma_wait3A_651 = tpu.memref_slice %arg8[%dma_wait3A_650] : memref<8192xi32, #tpu.memory_space<vmem>> -> memref<1024xi32, #tpu.memory_space<vmem>>
      %dma_wait3A_652 = tpu.memref_slice %arg12[%add3A_112, %mul3A_90] : memref<16x8192xi32, #tpu.memory_space<vmem_shared>> -> memref<1x1024xi32, #tpu.memory_space<vmem_shared>>
      %dma_wait3A_653 = tpu.memref_squeeze %dma_wait3A_652 : memref<1x1024xi32, #tpu.memory_space<vmem_shared>> -> memref<1024xi32, #tpu.memory_space<vmem_shared>>
      tpu.wait_dma2 semaphore(%run_scoped3A : memref<!tpu.dma_semaphore, #tpu.memory_space<semaphore_mem>>) src(%dma_wait3A_653 : memref<1024xi32, #tpu.memory_space<vmem_shared>>) dst(%dma_wait3A_651 : memref<1024xi32, #tpu.memory_space<vmem>>)
      tpu.yield
    }) : () -> ()
    %scan3A_113 = arith.constant 0 : i32
    %scan3A_114 = arith.constant 0 : i32
    %scan3A_115 = arith.constant 64 : i32
    %scan3A_116 = arith.addi %scan3A_114, %scan3A_115 : i32
    %scan3A_117 = arith.constant 1 : i32
    %scan3A_118 = scf.for %scan3A_639 = %scan3A_114 to %scan3A_116 step %scan3A_117 iter_args(%scan3A_640 = %scan3A_113) -> (i32)  : i32 {
      %mul3A_641 = arith.constant 16 : i32
      %mul3A_642 = arith.muli %scan3A_639, %mul3A_641 : i32
      %mul3A_643 = arith.constant 16 : i32
      %mul3A_644 = arith.muli %scan3A_639, %mul3A_643 : i32
      %add3A_645 = arith.constant 1024 : i32
      %add3A_646 = arith.addi %add3A_645, %mul3A_644 : i32
      %get3A_647 = arith.index_cast %mul3A_642 : i32 to index
      %get3A_648 = tpu.vector_load %arg8[%get3A_647] {strides = array<i32>} : memref<8192xi32, #tpu.memory_space<vmem>>, vector<16xi32>,
      %get3A_649 = arith.index_cast %add3A_646 : i32 to index
      %get3A_650 = tpu.vector_load %arg8[%get3A_649] {strides = array<i32>} : memref<8192xi32, #tpu.memory_space<vmem>>, vector<16xi32>,
      %add3A_651 = arith.addi %get3A_648, %get3A_650 : vector<16xi32>
      %swap3A_652 = arith.index_cast %mul3A_642 : i32 to index
      %swap3A_653 = tpu.vector_load %arg8[%swap3A_652] {strides = array<i32>} : memref<8192xi32, #tpu.memory_space<vmem>>, vector<16xi32>,
      tpu.vector_store %arg8[%swap3A_652], %add3A_651 {strides = array<i32>} : memref<8192xi32, #tpu.memory_space<vmem>>, vector<16xi32>,
      %scan3A_654 = arith.constant 0 : i32
      scf.yield %scan3A_654 : i32
    }
    %scan3A_119 = arith.constant 64 : i32
    %mul3A_120 = arith.constant 8 : i32
    %mul3A_121 = arith.muli %select_n3A_40, %mul3A_120 : i32
    %add3A_122 = arith.constant 2 : i32
    %add3A_123 = arith.addi %mul3A_121, %add3A_122 : i32
    "tpu.region"() ({
      %run_scoped3A = tpu.sem_alloc : memref<!tpu.dma_semaphore, #tpu.memory_space<semaphore_mem>>
      %dma_start3A_639 = arith.constant 1024 : i32
      %dma_start3A_640 = tpu.memref_slice %arg8[%dma_start3A_639] : memref<8192xi32, #tpu.memory_space<vmem>> -> memref<1024xi32, #tpu.memory_space<vmem>>
      %dma_start3A_641 = tpu.memref_slice %arg12[%add3A_123, %mul3A_90] : memref<16x8192xi32, #tpu.memory_space<vmem_shared>> -> memref<1x1024xi32, #tpu.memory_space<vmem_shared>>
      %dma_start3A_642 = tpu.memref_squeeze %dma_start3A_641 : memref<1x1024xi32, #tpu.memory_space<vmem_shared>> -> memref<1024xi32, #tpu.memory_space<vmem_shared>>
      %dma_start3A_643 = arith.constant 1024 : i32
      %dma_start3A_644 = tpu.memref_slice %arg8[%dma_start3A_643] : memref<8192xi32, #tpu.memory_space<vmem>> -> memref<1024xi32, #tpu.memory_space<vmem>>
      %dma_start3A_645 = tpu.memref_slice %arg12[%add3A_123, %mul3A_90] : memref<16x8192xi32, #tpu.memory_space<vmem_shared>> -> memref<1x1024xi32, #tpu.memory_space<vmem_shared>>
      %dma_start3A_646 = tpu.memref_squeeze %dma_start3A_645 : memref<1x1024xi32, #tpu.memory_space<vmem_shared>> -> memref<1024xi32, #tpu.memory_space<vmem_shared>>
      tpu.enqueue_dma source(%dma_start3A_646 : memref<1024xi32, #tpu.memory_space<vmem_shared>>) target(%dma_start3A_644 : memref<1024xi32, #tpu.memory_space<vmem>>) target_semaphore(%run_scoped3A : memref<!tpu.dma_semaphore, #tpu.memory_space<semaphore_mem>>)
      %dma_wait3A = arith.constant 1024 : i32
      %dma_wait3A_647 = tpu.memref_slice %arg8[%dma_wait3A] : memref<8192xi32, #tpu.memory_space<vmem>> -> memref<1024xi32, #tpu.memory_space<vmem>>
      %dma_wait3A_648 = tpu.memref_slice %arg12[%add3A_123, %mul3A_90] : memref<16x8192xi32, #tpu.memory_space<vmem_shared>> -> memref<1x1024xi32, #tpu.memory_space<vmem_shared>>
      %dma_wait3A_649 = tpu.memref_squeeze %dma_wait3A_648 : memref<1x1024xi32, #tpu.memory_space<vmem_shared>> -> memref<1024xi32, #tpu.memory_space<vmem_shared>>
      %dma_wait3A_650 = arith.constant 1024 : i32
      %dma_wait3A_651 = tpu.memref_slice %arg8[%dma_wait3A_650] : memref<8192xi32, #tpu.memory_space<vmem>> -> memref<1024xi32, #tpu.memory_space<vmem>>
      %dma_wait3A_652 = tpu.memref_slice %arg12[%add3A_123, %mul3A_90] : memref<16x8192xi32, #tpu.memory_space<vmem_shared>> -> memref<1x1024xi32, #tpu.memory_space<vmem_shared>>
      %dma_wait3A_653 = tpu.memref_squeeze %dma_wait3A_652 : memref<1x1024xi32, #tpu.memory_space<vmem_shared>> -> memref<1024xi32, #tpu.memory_space<vmem_shared>>
      tpu.wait_dma2 semaphore(%run_scoped3A : memref<!tpu.dma_semaphore, #tpu.memory_space<semaphore_mem>>) src(%dma_wait3A_653 : memref<1024xi32, #tpu.memory_space<vmem_shared>>) dst(%dma_wait3A_651 : memref<1024xi32, #tpu.memory_space<vmem>>)
      tpu.yield
    }) : () -> ()
    %scan3A_124 = arith.constant 0 : i32
    %scan3A_125 = arith.constant 0 : i32
    %scan3A_126 = arith.constant 64 : i32
    %scan3A_127 = arith.addi %scan3A_125, %scan3A_126 : i32
    %scan3A_128 = arith.constant 1 : i32
    %scan3A_129 = scf.for %scan3A_639 = %scan3A_125 to %scan3A_127 step %scan3A_128 iter_args(%scan3A_640 = %scan3A_124) -> (i32)  : i32 {
      %mul3A_641 = arith.constant 16 : i32
      %mul3A_642 = arith.muli %scan3A_639, %mul3A_641 : i32
      %mul3A_643 = arith.constant 16 : i32
      %mul3A_644 = arith.muli %scan3A_639, %mul3A_643 : i32
      %add3A_645 = arith.constant 1024 : i32
      %add3A_646 = arith.addi %add3A_645, %mul3A_644 : i32
      %get3A_647 = arith.index_cast %mul3A_642 : i32 to index
      %get3A_648 = tpu.vector_load %arg8[%get3A_647] {strides = array<i32>} : memref<8192xi32, #tpu.memory_space<vmem>>, vector<16xi32>,
      %get3A_649 = arith.index_cast %add3A_646 : i32 to index
      %get3A_650 = tpu.vector_load %arg8[%get3A_649] {strides = array<i32>} : memref<8192xi32, #tpu.memory_space<vmem>>, vector<16xi32>,
      %add3A_651 = arith.addi %get3A_648, %get3A_650 : vector<16xi32>
      %swap3A_652 = arith.index_cast %mul3A_642 : i32 to index
      %swap3A_653 = tpu.vector_load %arg8[%swap3A_652] {strides = array<i32>} : memref<8192xi32, #tpu.memory_space<vmem>>, vector<16xi32>,
      tpu.vector_store %arg8[%swap3A_652], %add3A_651 {strides = array<i32>} : memref<8192xi32, #tpu.memory_space<vmem>>, vector<16xi32>,
      %scan3A_654 = arith.constant 0 : i32
      scf.yield %scan3A_654 : i32
    }
    %scan3A_130 = arith.constant 64 : i32
    %mul3A_131 = arith.constant 8 : i32
    %mul3A_132 = arith.muli %select_n3A_40, %mul3A_131 : i32
    %add3A_133 = arith.constant 3 : i32
    %add3A_134 = arith.addi %mul3A_132, %add3A_133 : i32
    "tpu.region"() ({
      %run_scoped3A = tpu.sem_alloc : memref<!tpu.dma_semaphore, #tpu.memory_space<semaphore_mem>>
      %dma_start3A_639 = arith.constant 1024 : i32
      %dma_start3A_640 = tpu.memref_slice %arg8[%dma_start3A_639] : memref<8192xi32, #tpu.memory_space<vmem>> -> memref<1024xi32, #tpu.memory_space<vmem>>
      %dma_start3A_641 = tpu.memref_slice %arg12[%add3A_134, %mul3A_90] : memref<16x8192xi32, #tpu.memory_space<vmem_shared>> -> memref<1x1024xi32, #tpu.memory_space<vmem_shared>>
      %dma_start3A_642 = tpu.memref_squeeze %dma_start3A_641 : memref<1x1024xi32, #tpu.memory_space<vmem_shared>> -> memref<1024xi32, #tpu.memory_space<vmem_shared>>
      %dma_start3A_643 = arith.constant 1024 : i32
      %dma_start3A_644 = tpu.memref_slice %arg8[%dma_start3A_643] : memref<8192xi32, #tpu.memory_space<vmem>> -> memref<1024xi32, #tpu.memory_space<vmem>>
      %dma_start3A_645 = tpu.memref_slice %arg12[%add3A_134, %mul3A_90] : memref<16x8192xi32, #tpu.memory_space<vmem_shared>> -> memref<1x1024xi32, #tpu.memory_space<vmem_shared>>
      %dma_start3A_646 = tpu.memref_squeeze %dma_start3A_645 : memref<1x1024xi32, #tpu.memory_space<vmem_shared>> -> memref<1024xi32, #tpu.memory_space<vmem_shared>>
      tpu.enqueue_dma source(%dma_start3A_646 : memref<1024xi32, #tpu.memory_space<vmem_shared>>) target(%dma_start3A_644 : memref<1024xi32, #tpu.memory_space<vmem>>) target_semaphore(%run_scoped3A : memref<!tpu.dma_semaphore, #tpu.memory_space<semaphore_mem>>)
      %dma_wait3A = arith.constant 1024 : i32
      %dma_wait3A_647 = tpu.memref_slice %arg8[%dma_wait3A] : memref<8192xi32, #tpu.memory_space<vmem>> -> memref<1024xi32, #tpu.memory_space<vmem>>
      %dma_wait3A_648 = tpu.memref_slice %arg12[%add3A_134, %mul3A_90] : memref<16x8192xi32, #tpu.memory_space<vmem_shared>> -> memref<1x1024xi32, #tpu.memory_space<vmem_shared>>
      %dma_wait3A_649 = tpu.memref_squeeze %dma_wait3A_648 : memref<1x1024xi32, #tpu.memory_space<vmem_shared>> -> memref<1024xi32, #tpu.memory_space<vmem_shared>>
      %dma_wait3A_650 = arith.constant 1024 : i32
      %dma_wait3A_651 = tpu.memref_slice %arg8[%dma_wait3A_650] : memref<8192xi32, #tpu.memory_space<vmem>> -> memref<1024xi32, #tpu.memory_space<vmem>>
      %dma_wait3A_652 = tpu.memref_slice %arg12[%add3A_134, %mul3A_90] : memref<16x8192xi32, #tpu.memory_space<vmem_shared>> -> memref<1x1024xi32, #tpu.memory_space<vmem_shared>>
      %dma_wait3A_653 = tpu.memref_squeeze %dma_wait3A_652 : memref<1x1024xi32, #tpu.memory_space<vmem_shared>> -> memref<1024xi32, #tpu.memory_space<vmem_shared>>
      tpu.wait_dma2 semaphore(%run_scoped3A : memref<!tpu.dma_semaphore, #tpu.memory_space<semaphore_mem>>) src(%dma_wait3A_653 : memref<1024xi32, #tpu.memory_space<vmem_shared>>) dst(%dma_wait3A_651 : memref<1024xi32, #tpu.memory_space<vmem>>)
      tpu.yield
    }) : () -> ()
    %scan3A_135 = arith.constant 0 : i32
    %scan3A_136 = arith.constant 0 : i32
    %scan3A_137 = arith.constant 64 : i32
    %scan3A_138 = arith.addi %scan3A_136, %scan3A_137 : i32
    %scan3A_139 = arith.constant 1 : i32
    %scan3A_140 = scf.for %scan3A_639 = %scan3A_136 to %scan3A_138 step %scan3A_139 iter_args(%scan3A_640 = %scan3A_135) -> (i32)  : i32 {
      %mul3A_641 = arith.constant 16 : i32
      %mul3A_642 = arith.muli %scan3A_639, %mul3A_641 : i32
      %mul3A_643 = arith.constant 16 : i32
      %mul3A_644 = arith.muli %scan3A_639, %mul3A_643 : i32
      %add3A_645 = arith.constant 1024 : i32
      %add3A_646 = arith.addi %add3A_645, %mul3A_644 : i32
      %get3A_647 = arith.index_cast %mul3A_642 : i32 to index
      %get3A_648 = tpu.vector_load %arg8[%get3A_647] {strides = array<i32>} : memref<8192xi32, #tpu.memory_space<vmem>>, vector<16xi32>,
      %get3A_649 = arith.index_cast %add3A_646 : i32 to index
      %get3A_650 = tpu.vector_load %arg8[%get3A_649] {strides = array<i32>} : memref<8192xi32, #tpu.memory_space<vmem>>, vector<16xi32>,
      %add3A_651 = arith.addi %get3A_648, %get3A_650 : vector<16xi32>
      %swap3A_652 = arith.index_cast %mul3A_642 : i32 to index
      %swap3A_653 = tpu.vector_load %arg8[%swap3A_652] {strides = array<i32>} : memref<8192xi32, #tpu.memory_space<vmem>>, vector<16xi32>,
      tpu.vector_store %arg8[%swap3A_652], %add3A_651 {strides = array<i32>} : memref<8192xi32, #tpu.memory_space<vmem>>, vector<16xi32>,
      %scan3A_654 = arith.constant 0 : i32
      scf.yield %scan3A_654 : i32
    }
    %scan3A_141 = arith.constant 64 : i32
    %mul3A_142 = arith.constant 8 : i32
    %mul3A_143 = arith.muli %select_n3A_40, %mul3A_142 : i32
    %add3A_144 = arith.constant 4 : i32
    %add3A_145 = arith.addi %mul3A_143, %add3A_144 : i32
    "tpu.region"() ({
      %run_scoped3A = tpu.sem_alloc : memref<!tpu.dma_semaphore, #tpu.memory_space<semaphore_mem>>
      %dma_start3A_639 = arith.constant 1024 : i32
      %dma_start3A_640 = tpu.memref_slice %arg8[%dma_start3A_639] : memref<8192xi32, #tpu.memory_space<vmem>> -> memref<1024xi32, #tpu.memory_space<vmem>>
      %dma_start3A_641 = tpu.memref_slice %arg12[%add3A_145, %mul3A_90] : memref<16x8192xi32, #tpu.memory_space<vmem_shared>> -> memref<1x1024xi32, #tpu.memory_space<vmem_shared>>
      %dma_start3A_642 = tpu.memref_squeeze %dma_start3A_641 : memref<1x1024xi32, #tpu.memory_space<vmem_shared>> -> memref<1024xi32, #tpu.memory_space<vmem_shared>>
      %dma_start3A_643 = arith.constant 1024 : i32
      %dma_start3A_644 = tpu.memref_slice %arg8[%dma_start3A_643] : memref<8192xi32, #tpu.memory_space<vmem>> -> memref<1024xi32, #tpu.memory_space<vmem>>
      %dma_start3A_645 = tpu.memref_slice %arg12[%add3A_145, %mul3A_90] : memref<16x8192xi32, #tpu.memory_space<vmem_shared>> -> memref<1x1024xi32, #tpu.memory_space<vmem_shared>>
      %dma_start3A_646 = tpu.memref_squeeze %dma_start3A_645 : memref<1x1024xi32, #tpu.memory_space<vmem_shared>> -> memref<1024xi32, #tpu.memory_space<vmem_shared>>
      tpu.enqueue_dma source(%dma_start3A_646 : memref<1024xi32, #tpu.memory_space<vmem_shared>>) target(%dma_start3A_644 : memref<1024xi32, #tpu.memory_space<vmem>>) target_semaphore(%run_scoped3A : memref<!tpu.dma_semaphore, #tpu.memory_space<semaphore_mem>>)
      %dma_wait3A = arith.constant 1024 : i32
      %dma_wait3A_647 = tpu.memref_slice %arg8[%dma_wait3A] : memref<8192xi32, #tpu.memory_space<vmem>> -> memref<1024xi32, #tpu.memory_space<vmem>>
      %dma_wait3A_648 = tpu.memref_slice %arg12[%add3A_145, %mul3A_90] : memref<16x8192xi32, #tpu.memory_space<vmem_shared>> -> memref<1x1024xi32, #tpu.memory_space<vmem_shared>>
      %dma_wait3A_649 = tpu.memref_squeeze %dma_wait3A_648 : memref<1x1024xi32, #tpu.memory_space<vmem_shared>> -> memref<1024xi32, #tpu.memory_space<vmem_shared>>
      %dma_wait3A_650 = arith.constant 1024 : i32
      %dma_wait3A_651 = tpu.memref_slice %arg8[%dma_wait3A_650] : memref<8192xi32, #tpu.memory_space<vmem>> -> memref<1024xi32, #tpu.memory_space<vmem>>
      %dma_wait3A_652 = tpu.memref_slice %arg12[%add3A_145, %mul3A_90] : memref<16x8192xi32, #tpu.memory_space<vmem_shared>> -> memref<1x1024xi32, #tpu.memory_space<vmem_shared>>
      %dma_wait3A_653 = tpu.memref_squeeze %dma_wait3A_652 : memref<1x1024xi32, #tpu.memory_space<vmem_shared>> -> memref<1024xi32, #tpu.memory_space<vmem_shared>>
      tpu.wait_dma2 semaphore(%run_scoped3A : memref<!tpu.dma_semaphore, #tpu.memory_space<semaphore_mem>>) src(%dma_wait3A_653 : memref<1024xi32, #tpu.memory_space<vmem_shared>>) dst(%dma_wait3A_651 : memref<1024xi32, #tpu.memory_space<vmem>>)
      tpu.yield
    }) : () -> ()
    %scan3A_146 = arith.constant 0 : i32
    %scan3A_147 = arith.constant 0 : i32
    %scan3A_148 = arith.constant 64 : i32
    %scan3A_149 = arith.addi %scan3A_147, %scan3A_148 : i32
    %scan3A_150 = arith.constant 1 : i32
    %scan3A_151 = scf.for %scan3A_639 = %scan3A_147 to %scan3A_149 step %scan3A_150 iter_args(%scan3A_640 = %scan3A_146) -> (i32)  : i32 {
      %mul3A_641 = arith.constant 16 : i32
      %mul3A_642 = arith.muli %scan3A_639, %mul3A_641 : i32
      %mul3A_643 = arith.constant 16 : i32
      %mul3A_644 = arith.muli %scan3A_639, %mul3A_643 : i32
      %add3A_645 = arith.constant 1024 : i32
      %add3A_646 = arith.addi %add3A_645, %mul3A_644 : i32
      %get3A_647 = arith.index_cast %mul3A_642 : i32 to index
      %get3A_648 = tpu.vector_load %arg8[%get3A_647] {strides = array<i32>} : memref<8192xi32, #tpu.memory_space<vmem>>, vector<16xi32>,
      %get3A_649 = arith.index_cast %add3A_646 : i32 to index
      %get3A_650 = tpu.vector_load %arg8[%get3A_649] {strides = array<i32>} : memref<8192xi32, #tpu.memory_space<vmem>>, vector<16xi32>,
      %add3A_651 = arith.addi %get3A_648, %get3A_650 : vector<16xi32>
      %swap3A_652 = arith.index_cast %mul3A_642 : i32 to index
      %swap3A_653 = tpu.vector_load %arg8[%swap3A_652] {strides = array<i32>} : memref<8192xi32, #tpu.memory_space<vmem>>, vector<16xi32>,
      tpu.vector_store %arg8[%swap3A_652], %add3A_651 {strides = array<i32>} : memref<8192xi32, #tpu.memory_space<vmem>>, vector<16xi32>,
      %scan3A_654 = arith.constant 0 : i32
      scf.yield %scan3A_654 : i32
    }
    %scan3A_152 = arith.constant 64 : i32
    %mul3A_153 = arith.constant 8 : i32
    %mul3A_154 = arith.muli %select_n3A_40, %mul3A_153 : i32
    %add3A_155 = arith.constant 5 : i32
    %add3A_156 = arith.addi %mul3A_154, %add3A_155 : i32
    "tpu.region"() ({
      %run_scoped3A = tpu.sem_alloc : memref<!tpu.dma_semaphore, #tpu.memory_space<semaphore_mem>>
      %dma_start3A_639 = arith.constant 1024 : i32
      %dma_start3A_640 = tpu.memref_slice %arg8[%dma_start3A_639] : memref<8192xi32, #tpu.memory_space<vmem>> -> memref<1024xi32, #tpu.memory_space<vmem>>
      %dma_start3A_641 = tpu.memref_slice %arg12[%add3A_156, %mul3A_90] : memref<16x8192xi32, #tpu.memory_space<vmem_shared>> -> memref<1x1024xi32, #tpu.memory_space<vmem_shared>>
      %dma_start3A_642 = tpu.memref_squeeze %dma_start3A_641 : memref<1x1024xi32, #tpu.memory_space<vmem_shared>> -> memref<1024xi32, #tpu.memory_space<vmem_shared>>
      %dma_start3A_643 = arith.constant 1024 : i32
      %dma_start3A_644 = tpu.memref_slice %arg8[%dma_start3A_643] : memref<8192xi32, #tpu.memory_space<vmem>> -> memref<1024xi32, #tpu.memory_space<vmem>>
      %dma_start3A_645 = tpu.memref_slice %arg12[%add3A_156, %mul3A_90] : memref<16x8192xi32, #tpu.memory_space<vmem_shared>> -> memref<1x1024xi32, #tpu.memory_space<vmem_shared>>
      %dma_start3A_646 = tpu.memref_squeeze %dma_start3A_645 : memref<1x1024xi32, #tpu.memory_space<vmem_shared>> -> memref<1024xi32, #tpu.memory_space<vmem_shared>>
      tpu.enqueue_dma source(%dma_start3A_646 : memref<1024xi32, #tpu.memory_space<vmem_shared>>) target(%dma_start3A_644 : memref<1024xi32, #tpu.memory_space<vmem>>) target_semaphore(%run_scoped3A : memref<!tpu.dma_semaphore, #tpu.memory_space<semaphore_mem>>)
      %dma_wait3A = arith.constant 1024 : i32
      %dma_wait3A_647 = tpu.memref_slice %arg8[%dma_wait3A] : memref<8192xi32, #tpu.memory_space<vmem>> -> memref<1024xi32, #tpu.memory_space<vmem>>
      %dma_wait3A_648 = tpu.memref_slice %arg12[%add3A_156, %mul3A_90] : memref<16x8192xi32, #tpu.memory_space<vmem_shared>> -> memref<1x1024xi32, #tpu.memory_space<vmem_shared>>
      %dma_wait3A_649 = tpu.memref_squeeze %dma_wait3A_648 : memref<1x1024xi32, #tpu.memory_space<vmem_shared>> -> memref<1024xi32, #tpu.memory_space<vmem_shared>>
      %dma_wait3A_650 = arith.constant 1024 : i32
      %dma_wait3A_651 = tpu.memref_slice %arg8[%dma_wait3A_650] : memref<8192xi32, #tpu.memory_space<vmem>> -> memref<1024xi32, #tpu.memory_space<vmem>>
      %dma_wait3A_652 = tpu.memref_slice %arg12[%add3A_156, %mul3A_90] : memref<16x8192xi32, #tpu.memory_space<vmem_shared>> -> memref<1x1024xi32, #tpu.memory_space<vmem_shared>>
      %dma_wait3A_653 = tpu.memref_squeeze %dma_wait3A_652 : memref<1x1024xi32, #tpu.memory_space<vmem_shared>> -> memref<1024xi32, #tpu.memory_space<vmem_shared>>
      tpu.wait_dma2 semaphore(%run_scoped3A : memref<!tpu.dma_semaphore, #tpu.memory_space<semaphore_mem>>) src(%dma_wait3A_653 : memref<1024xi32, #tpu.memory_space<vmem_shared>>) dst(%dma_wait3A_651 : memref<1024xi32, #tpu.memory_space<vmem>>)
      tpu.yield
    }) : () -> ()
    %scan3A_157 = arith.constant 0 : i32
    %scan3A_158 = arith.constant 0 : i32
    %scan3A_159 = arith.constant 64 : i32
    %scan3A_160 = arith.addi %scan3A_158, %scan3A_159 : i32
    %scan3A_161 = arith.constant 1 : i32
    %scan3A_162 = scf.for %scan3A_639 = %scan3A_158 to %scan3A_160 step %scan3A_161 iter_args(%scan3A_640 = %scan3A_157) -> (i32)  : i32 {
      %mul3A_641 = arith.constant 16 : i32
      %mul3A_642 = arith.muli %scan3A_639, %mul3A_641 : i32
      %mul3A_643 = arith.constant 16 : i32
      %mul3A_644 = arith.muli %scan3A_639, %mul3A_643 : i32
      %add3A_645 = arith.constant 1024 : i32
      %add3A_646 = arith.addi %add3A_645, %mul3A_644 : i32
      %get3A_647 = arith.index_cast %mul3A_642 : i32 to index
      %get3A_648 = tpu.vector_load %arg8[%get3A_647] {strides = array<i32>} : memref<8192xi32, #tpu.memory_space<vmem>>, vector<16xi32>,
      %get3A_649 = arith.index_cast %add3A_646 : i32 to index
      %get3A_650 = tpu.vector_load %arg8[%get3A_649] {strides = array<i32>} : memref<8192xi32, #tpu.memory_space<vmem>>, vector<16xi32>,
      %add3A_651 = arith.addi %get3A_648, %get3A_650 : vector<16xi32>
      %swap3A_652 = arith.index_cast %mul3A_642 : i32 to index
      %swap3A_653 = tpu.vector_load %arg8[%swap3A_652] {strides = array<i32>} : memref<8192xi32, #tpu.memory_space<vmem>>, vector<16xi32>,
      tpu.vector_store %arg8[%swap3A_652], %add3A_651 {strides = array<i32>} : memref<8192xi32, #tpu.memory_space<vmem>>, vector<16xi32>,
      %scan3A_654 = arith.constant 0 : i32
      scf.yield %scan3A_654 : i32
    }
    %scan3A_163 = arith.constant 64 : i32
    %mul3A_164 = arith.constant 8 : i32
    %mul3A_165 = arith.muli %select_n3A_40, %mul3A_164 : i32
    %add3A_166 = arith.constant 6 : i32
    %add3A_167 = arith.addi %mul3A_165, %add3A_166 : i32
    "tpu.region"() ({
      %run_scoped3A = tpu.sem_alloc : memref<!tpu.dma_semaphore, #tpu.memory_space<semaphore_mem>>
      %dma_start3A_639 = arith.constant 1024 : i32
      %dma_start3A_640 = tpu.memref_slice %arg8[%dma_start3A_639] : memref<8192xi32, #tpu.memory_space<vmem>> -> memref<1024xi32, #tpu.memory_space<vmem>>
      %dma_start3A_641 = tpu.memref_slice %arg12[%add3A_167, %mul3A_90] : memref<16x8192xi32, #tpu.memory_space<vmem_shared>> -> memref<1x1024xi32, #tpu.memory_space<vmem_shared>>
      %dma_start3A_642 = tpu.memref_squeeze %dma_start3A_641 : memref<1x1024xi32, #tpu.memory_space<vmem_shared>> -> memref<1024xi32, #tpu.memory_space<vmem_shared>>
      %dma_start3A_643 = arith.constant 1024 : i32
      %dma_start3A_644 = tpu.memref_slice %arg8[%dma_start3A_643] : memref<8192xi32, #tpu.memory_space<vmem>> -> memref<1024xi32, #tpu.memory_space<vmem>>
      %dma_start3A_645 = tpu.memref_slice %arg12[%add3A_167, %mul3A_90] : memref<16x8192xi32, #tpu.memory_space<vmem_shared>> -> memref<1x1024xi32, #tpu.memory_space<vmem_shared>>
      %dma_start3A_646 = tpu.memref_squeeze %dma_start3A_645 : memref<1x1024xi32, #tpu.memory_space<vmem_shared>> -> memref<1024xi32, #tpu.memory_space<vmem_shared>>
      tpu.enqueue_dma source(%dma_start3A_646 : memref<1024xi32, #tpu.memory_space<vmem_shared>>) target(%dma_start3A_644 : memref<1024xi32, #tpu.memory_space<vmem>>) target_semaphore(%run_scoped3A : memref<!tpu.dma_semaphore, #tpu.memory_space<semaphore_mem>>)
      %dma_wait3A = arith.constant 1024 : i32
      %dma_wait3A_647 = tpu.memref_slice %arg8[%dma_wait3A] : memref<8192xi32, #tpu.memory_space<vmem>> -> memref<1024xi32, #tpu.memory_space<vmem>>
      %dma_wait3A_648 = tpu.memref_slice %arg12[%add3A_167, %mul3A_90] : memref<16x8192xi32, #tpu.memory_space<vmem_shared>> -> memref<1x1024xi32, #tpu.memory_space<vmem_shared>>
      %dma_wait3A_649 = tpu.memref_squeeze %dma_wait3A_648 : memref<1x1024xi32, #tpu.memory_space<vmem_shared>> -> memref<1024xi32, #tpu.memory_space<vmem_shared>>
      %dma_wait3A_650 = arith.constant 1024 : i32
      %dma_wait3A_651 = tpu.memref_slice %arg8[%dma_wait3A_650] : memref<8192xi32, #tpu.memory_space<vmem>> -> memref<1024xi32, #tpu.memory_space<vmem>>
      %dma_wait3A_652 = tpu.memref_slice %arg12[%add3A_167, %mul3A_90] : memref<16x8192xi32, #tpu.memory_space<vmem_shared>> -> memref<1x1024xi32, #tpu.memory_space<vmem_shared>>
      %dma_wait3A_653 = tpu.memref_squeeze %dma_wait3A_652 : memref<1x1024xi32, #tpu.memory_space<vmem_shared>> -> memref<1024xi32, #tpu.memory_space<vmem_shared>>
      tpu.wait_dma2 semaphore(%run_scoped3A : memref<!tpu.dma_semaphore, #tpu.memory_space<semaphore_mem>>) src(%dma_wait3A_653 : memref<1024xi32, #tpu.memory_space<vmem_shared>>) dst(%dma_wait3A_651 : memref<1024xi32, #tpu.memory_space<vmem>>)
      tpu.yield
    }) : () -> ()
    %scan3A_168 = arith.constant 0 : i32
    %scan3A_169 = arith.constant 0 : i32
    %scan3A_170 = arith.constant 64 : i32
    %scan3A_171 = arith.addi %scan3A_169, %scan3A_170 : i32
    %scan3A_172 = arith.constant 1 : i32
    %scan3A_173 = scf.for %scan3A_639 = %scan3A_169 to %scan3A_171 step %scan3A_172 iter_args(%scan3A_640 = %scan3A_168) -> (i32)  : i32 {
      %mul3A_641 = arith.constant 16 : i32
      %mul3A_642 = arith.muli %scan3A_639, %mul3A_641 : i32
      %mul3A_643 = arith.constant 16 : i32
      %mul3A_644 = arith.muli %scan3A_639, %mul3A_643 : i32
      %add3A_645 = arith.constant 1024 : i32
      %add3A_646 = arith.addi %add3A_645, %mul3A_644 : i32
      %get3A_647 = arith.index_cast %mul3A_642 : i32 to index
      %get3A_648 = tpu.vector_load %arg8[%get3A_647] {strides = array<i32>} : memref<8192xi32, #tpu.memory_space<vmem>>, vector<16xi32>,
      %get3A_649 = arith.index_cast %add3A_646 : i32 to index
      %get3A_650 = tpu.vector_load %arg8[%get3A_649] {strides = array<i32>} : memref<8192xi32, #tpu.memory_space<vmem>>, vector<16xi32>,
      %add3A_651 = arith.addi %get3A_648, %get3A_650 : vector<16xi32>
      %swap3A_652 = arith.index_cast %mul3A_642 : i32 to index
      %swap3A_653 = tpu.vector_load %arg8[%swap3A_652] {strides = array<i32>} : memref<8192xi32, #tpu.memory_space<vmem>>, vector<16xi32>,
      tpu.vector_store %arg8[%swap3A_652], %add3A_651 {strides = array<i32>} : memref<8192xi32, #tpu.memory_space<vmem>>, vector<16xi32>,
      %scan3A_654 = arith.constant 0 : i32
      scf.yield %scan3A_654 : i32
    }
    %scan3A_174 = arith.constant 64 : i32
    %mul3A_175 = arith.constant 8 : i32
    %mul3A_176 = arith.muli %select_n3A_40, %mul3A_175 : i32
    %add3A_177 = arith.constant 7 : i32
    %add3A_178 = arith.addi %mul3A_176, %add3A_177 : i32
    "tpu.region"() ({
      %run_scoped3A = tpu.sem_alloc : memref<!tpu.dma_semaphore, #tpu.memory_space<semaphore_mem>>
      %dma_start3A_639 = arith.constant 1024 : i32
      %dma_start3A_640 = tpu.memref_slice %arg8[%dma_start3A_639] : memref<8192xi32, #tpu.memory_space<vmem>> -> memref<1024xi32, #tpu.memory_space<vmem>>
      %dma_start3A_641 = tpu.memref_slice %arg12[%add3A_178, %mul3A_90] : memref<16x8192xi32, #tpu.memory_space<vmem_shared>> -> memref<1x1024xi32, #tpu.memory_space<vmem_shared>>
      %dma_start3A_642 = tpu.memref_squeeze %dma_start3A_641 : memref<1x1024xi32, #tpu.memory_space<vmem_shared>> -> memref<1024xi32, #tpu.memory_space<vmem_shared>>
      %dma_start3A_643 = arith.constant 1024 : i32
      %dma_start3A_644 = tpu.memref_slice %arg8[%dma_start3A_643] : memref<8192xi32, #tpu.memory_space<vmem>> -> memref<1024xi32, #tpu.memory_space<vmem>>
      %dma_start3A_645 = tpu.memref_slice %arg12[%add3A_178, %mul3A_90] : memref<16x8192xi32, #tpu.memory_space<vmem_shared>> -> memref<1x1024xi32, #tpu.memory_space<vmem_shared>>
      %dma_start3A_646 = tpu.memref_squeeze %dma_start3A_645 : memref<1x1024xi32, #tpu.memory_space<vmem_shared>> -> memref<1024xi32, #tpu.memory_space<vmem_shared>>
      tpu.enqueue_dma source(%dma_start3A_646 : memref<1024xi32, #tpu.memory_space<vmem_shared>>) target(%dma_start3A_644 : memref<1024xi32, #tpu.memory_space<vmem>>) target_semaphore(%run_scoped3A : memref<!tpu.dma_semaphore, #tpu.memory_space<semaphore_mem>>)
      %dma_wait3A = arith.constant 1024 : i32
      %dma_wait3A_647 = tpu.memref_slice %arg8[%dma_wait3A] : memref<8192xi32, #tpu.memory_space<vmem>> -> memref<1024xi32, #tpu.memory_space<vmem>>
      %dma_wait3A_648 = tpu.memref_slice %arg12[%add3A_178, %mul3A_90] : memref<16x8192xi32, #tpu.memory_space<vmem_shared>> -> memref<1x1024xi32, #tpu.memory_space<vmem_shared>>
      %dma_wait3A_649 = tpu.memref_squeeze %dma_wait3A_648 : memref<1x1024xi32, #tpu.memory_space<vmem_shared>> -> memref<1024xi32, #tpu.memory_space<vmem_shared>>
      %dma_wait3A_650 = arith.constant 1024 : i32
      %dma_wait3A_651 = tpu.memref_slice %arg8[%dma_wait3A_650] : memref<8192xi32, #tpu.memory_space<vmem>> -> memref<1024xi32, #tpu.memory_space<vmem>>
      %dma_wait3A_652 = tpu.memref_slice %arg12[%add3A_178, %mul3A_90] : memref<16x8192xi32, #tpu.memory_space<vmem_shared>> -> memref<1x1024xi32, #tpu.memory_space<vmem_shared>>
      %dma_wait3A_653 = tpu.memref_squeeze %dma_wait3A_652 : memref<1x1024xi32, #tpu.memory_space<vmem_shared>> -> memref<1024xi32, #tpu.memory_space<vmem_shared>>
      tpu.wait_dma2 semaphore(%run_scoped3A : memref<!tpu.dma_semaphore, #tpu.memory_space<semaphore_mem>>) src(%dma_wait3A_653 : memref<1024xi32, #tpu.memory_space<vmem_shared>>) dst(%dma_wait3A_651 : memref<1024xi32, #tpu.memory_space<vmem>>)
      tpu.yield
    }) : () -> ()
    %scan3A_179 = arith.constant 0 : i32
    %scan3A_180 = arith.constant 0 : i32
    %scan3A_181 = arith.constant 64 : i32
    %scan3A_182 = arith.addi %scan3A_180, %scan3A_181 : i32
    %scan3A_183 = arith.constant 1 : i32
    %scan3A_184 = scf.for %scan3A_639 = %scan3A_180 to %scan3A_182 step %scan3A_183 iter_args(%scan3A_640 = %scan3A_179) -> (i32)  : i32 {
      %mul3A_641 = arith.constant 16 : i32
      %mul3A_642 = arith.muli %scan3A_639, %mul3A_641 : i32
      %mul3A_643 = arith.constant 16 : i32
      %mul3A_644 = arith.muli %scan3A_639, %mul3A_643 : i32
      %add3A_645 = arith.constant 1024 : i32
      %add3A_646 = arith.addi %add3A_645, %mul3A_644 : i32
      %get3A_647 = arith.index_cast %mul3A_642 : i32 to index
      %get3A_648 = tpu.vector_load %arg8[%get3A_647] {strides = array<i32>} : memref<8192xi32, #tpu.memory_space<vmem>>, vector<16xi32>,
      %get3A_649 = arith.index_cast %add3A_646 : i32 to index
      %get3A_650 = tpu.vector_load %arg8[%get3A_649] {strides = array<i32>} : memref<8192xi32, #tpu.memory_space<vmem>>, vector<16xi32>,
      %add3A_651 = arith.addi %get3A_648, %get3A_650 : vector<16xi32>
      %swap3A_652 = arith.index_cast %mul3A_642 : i32 to index
      %swap3A_653 = tpu.vector_load %arg8[%swap3A_652] {strides = array<i32>} : memref<8192xi32, #tpu.memory_space<vmem>>, vector<16xi32>,
      tpu.vector_store %arg8[%swap3A_652], %add3A_651 {strides = array<i32>} : memref<8192xi32, #tpu.memory_space<vmem>>, vector<16xi32>,
      %scan3A_654 = arith.constant 0 : i32
      scf.yield %scan3A_654 : i32
    }
    %scan3A_185 = arith.constant 64 : i32
    "tpu.region"() ({
      %run_scoped3A = tpu.sem_alloc : memref<!tpu.dma_semaphore, #tpu.memory_space<semaphore_mem>>
      %dma_start3A_639 = arith.constant 0 : i32
      %dma_start3A_640 = tpu.memref_slice %arg8[%dma_start3A_639] : memref<8192xi32, #tpu.memory_space<vmem>> -> memref<1024xi32, #tpu.memory_space<vmem>>
      %dma_start3A_641 = tpu.memref_slice %arg13[%select_n3A_40, %mul3A_90] : memref<2x8192xi32, #tpu.memory_space<vmem_shared>> -> memref<1x1024xi32, #tpu.memory_space<vmem_shared>>
      %dma_start3A_642 = tpu.memref_squeeze %dma_start3A_641 : memref<1x1024xi32, #tpu.memory_space<vmem_shared>> -> memref<1024xi32, #tpu.memory_space<vmem_shared>>
      %dma_start3A_643 = tpu.memref_slice %arg13[%select_n3A_40, %mul3A_90] : memref<2x8192xi32, #tpu.memory_space<vmem_shared>> -> memref<1x1024xi32, #tpu.memory_space<vmem_shared>>
      %dma_start3A_644 = tpu.memref_squeeze %dma_start3A_643 : memref<1x1024xi32, #tpu.memory_space<vmem_shared>> -> memref<1024xi32, #tpu.memory_space<vmem_shared>>
      %dma_start3A_645 = arith.constant 0 : i32
      %dma_start3A_646 = tpu.memref_slice %arg8[%dma_start3A_645] : memref<8192xi32, #tpu.memory_space<vmem>> -> memref<1024xi32, #tpu.memory_space<vmem>>
      tpu.enqueue_dma source(%dma_start3A_646 : memref<1024xi32, #tpu.memory_space<vmem>>) target(%dma_start3A_644 : memref<1024xi32, #tpu.memory_space<vmem_shared>>) target_semaphore(%run_scoped3A : memref<!tpu.dma_semaphore, #tpu.memory_space<semaphore_mem>>)
      %dma_wait3A = arith.constant 0 : i32
      %dma_wait3A_647 = tpu.memref_slice %arg8[%dma_wait3A] : memref<8192xi32, #tpu.memory_space<vmem>> -> memref<1024xi32, #tpu.memory_space<vmem>>
      %dma_wait3A_648 = tpu.memref_slice %arg13[%select_n3A_40, %mul3A_90] : memref<2x8192xi32, #tpu.memory_space<vmem_shared>> -> memref<1x1024xi32, #tpu.memory_space<vmem_shared>>
      %dma_wait3A_649 = tpu.memref_squeeze %dma_wait3A_648 : memref<1x1024xi32, #tpu.memory_space<vmem_shared>> -> memref<1024xi32, #tpu.memory_space<vmem_shared>>
      %dma_wait3A_650 = tpu.memref_slice %arg13[%select_n3A_40, %mul3A_90] : memref<2x8192xi32, #tpu.memory_space<vmem_shared>> -> memref<1x1024xi32, #tpu.memory_space<vmem_shared>>
      %dma_wait3A_651 = tpu.memref_squeeze %dma_wait3A_650 : memref<1x1024xi32, #tpu.memory_space<vmem_shared>> -> memref<1024xi32, #tpu.memory_space<vmem_shared>>
      %dma_wait3A_652 = arith.constant 0 : i32
      %dma_wait3A_653 = tpu.memref_slice %arg8[%dma_wait3A_652] : memref<8192xi32, #tpu.memory_space<vmem>> -> memref<1024xi32, #tpu.memory_space<vmem>>
      tpu.wait_dma2 semaphore(%run_scoped3A : memref<!tpu.dma_semaphore, #tpu.memory_space<semaphore_mem>>) src(%dma_wait3A_653 : memref<1024xi32, #tpu.memory_space<vmem>>) dst(%dma_wait3A_651 : memref<1024xi32, #tpu.memory_space<vmem_shared>>)
      tpu.yield
    }) : () -> ()
    %barrier3A_186 = arith.constant 0 : index
    tpu.barrier barrier_id(%barrier3A_186)
    "tpu.region"() ({
      %run_scoped3A = tpu.sem_alloc : memref<!tpu.dma_semaphore, #tpu.memory_space<semaphore_mem>>
      %dma_start3A_639 = arith.constant 0 : i32
      %dma_start3A_640 = tpu.memref_slice %arg13[%select_n3A_40, %dma_start3A_639] : memref<2x8192xi32, #tpu.memory_space<vmem_shared>> -> memref<1x8192xi32, #tpu.memory_space<vmem_shared>>
      %dma_start3A_641 = tpu.memref_squeeze %dma_start3A_640 : memref<1x8192xi32, #tpu.memory_space<vmem_shared>> -> memref<8192xi32, #tpu.memory_space<vmem_shared>>
      %dma_start3A_642 = arith.constant 0 : i32
      %dma_start3A_643 = tpu.memref_slice %arg13[%select_n3A_40, %dma_start3A_642] : memref<2x8192xi32, #tpu.memory_space<vmem_shared>> -> memref<1x8192xi32, #tpu.memory_space<vmem_shared>>
      %dma_start3A_644 = tpu.memref_squeeze %dma_start3A_643 : memref<1x8192xi32, #tpu.memory_space<vmem_shared>> -> memref<8192xi32, #tpu.memory_space<vmem_shared>>
      tpu.enqueue_dma source(%dma_start3A_644 : memref<8192xi32, #tpu.memory_space<vmem_shared>>) target(%arg7 : memref<8192xi32, #tpu.memory_space<vmem>>) target_semaphore(%run_scoped3A : memref<!tpu.dma_semaphore, #tpu.memory_space<semaphore_mem>>)
      %dma_wait3A = arith.constant 0 : i32
      %dma_wait3A_645 = tpu.memref_slice %arg13[%select_n3A_40, %dma_wait3A] : memref<2x8192xi32, #tpu.memory_space<vmem_shared>> -> memref<1x8192xi32, #tpu.memory_space<vmem_shared>>
      %dma_wait3A_646 = tpu.memref_squeeze %dma_wait3A_645 : memref<1x8192xi32, #tpu.memory_space<vmem_shared>> -> memref<8192xi32, #tpu.memory_space<vmem_shared>>
      %dma_wait3A_647 = arith.constant 0 : i32
      %dma_wait3A_648 = tpu.memref_slice %arg13[%select_n3A_40, %dma_wait3A_647] : memref<2x8192xi32, #tpu.memory_space<vmem_shared>> -> memref<1x8192xi32, #tpu.memory_space<vmem_shared>>
      %dma_wait3A_649 = tpu.memref_squeeze %dma_wait3A_648 : memref<1x8192xi32, #tpu.memory_space<vmem_shared>> -> memref<8192xi32, #tpu.memory_space<vmem_shared>>
      tpu.wait_dma2 semaphore(%run_scoped3A : memref<!tpu.dma_semaphore, #tpu.memory_space<semaphore_mem>>) src(%dma_wait3A_649 : memref<8192xi32, #tpu.memory_space<vmem_shared>>) dst(%arg7 : memref<8192xi32, #tpu.memory_space<vmem>>)
      tpu.yield
    }) : () -> ()
    %scan3A_187 = arith.constant 481689 : i32
    %scan3A_188 = arith.constant 0 : i32
    %scan3A_189 = arith.constant 0 : i32
    %scan3A_190 = arith.constant 0 : i32
    %scan3A_191 = arith.constant 0 : i32
    %scan3A_192 = arith.constant 128 : i32
    %scan3A_193 = arith.addi %scan3A_191, %scan3A_192 : i32
    %scan3A_194 = arith.constant 1 : i32
    %scan3A_195:3 = scf.for %scan3A_639 = %scan3A_191 to %scan3A_193 step %scan3A_194 iter_args(%scan3A_640 = %scan3A_188, %scan3A_641 = %scan3A_189, %scan3A_642 = %scan3A_190) -> (i32, i32, i32)  : i32 {
      %mul3A_643 = arith.constant 16 : i32
      %mul3A_644 = arith.muli %scan3A_639, %mul3A_643 : i32
      %add3A_645 = arith.constant 0 : i32
      %add3A_646 = arith.addi %add3A_645, %mul3A_644 : i32
      %get3A_647 = arith.index_cast %add3A_646 : i32 to index
      %get3A_648 = tpu.vector_load %arg7[%get3A_647] {strides = array<i32>} : memref<8192xi32, #tpu.memory_space<vmem>>, vector<16xi32>,
      %broadcast_in_dim3A_649 = arith.constant true
      %broadcast_in_dim3A_650 = vector.broadcast %broadcast_in_dim3A_649 : i1 to vector<16xi1>
      %masked_cumsum3A = tpu.scan <sum>, %get3A_648 masked %broadcast_in_dim3A_650 : vector<16xi32>, vector<16xi1> -> vector<16xi32>
      %add3A_651 = vector.broadcast %scan3A_640 : i32 to vector<16xi32>
      %add3A_652 = arith.addi %masked_cumsum3A, %add3A_651 : vector<16xi32>
      %le3A_653 = vector.broadcast %scan3A_187 : i32 to vector<16xi32>
      %le3A_654 = arith.cmpi sle, %add3A_652, %le3A_653 : vector<16xi32>
      %convert_element_type3A_655 = arith.extui %le3A_654 : vector<16xi1> to vector<16xi32>
      %reduce_sum3A = arith.constant true
      %reduce_sum3A_656 = vector.broadcast %reduce_sum3A : i1 to vector<16xi1>
      %reduce_sum3A_657 = tpu.scan <sum>, %convert_element_type3A_655 masked %reduce_sum3A_656 : vector<16xi32>, vector<16xi1> -> vector<16xi32>
      %reduce_sum3A_658 = vector.extract %reduce_sum3A_657[15] : i32 from vector<16xi32>
      %add3A_659 = arith.addi %scan3A_641, %reduce_sum3A_658 : i32
      %jit3A_660 = arith.constant 0 : i32
      %broadcast_in_dim3A_661 = vector.broadcast %jit3A_660 : i32 to vector<16xi32>
      %select_n3A_662 = arith.select %le3A_654, %add3A_652, %broadcast_in_dim3A_661 : vector<16xi1>, vector<16xi32>
      %reduce_max3A = arith.constant true
      %reduce_max3A_663 = vector.broadcast %reduce_max3A : i1 to vector<16xi1>
      %reduce_max3A_664 = arith.constant -2147483648 : i32
      %reduce_max3A_665 = vector.broadcast %reduce_max3A_664 : i32 to vector<16xi32>
      %reduce_max3A_666 = arith.xori %select_n3A_662, %reduce_max3A_665 : vector<16xi32>
      %reduce_max3A_667 = tpu.scan <max>, %reduce_max3A_666 masked %reduce_max3A_663 : vector<16xi32>, vector<16xi1> -> vector<16xi32>
      %reduce_max3A_668 = arith.xori %reduce_max3A_667, %reduce_max3A_665 : vector<16xi32>
      %reduce_max3A_669 = vector.extract %reduce_max3A_668[15] : i32 from vector<16xi32>
      %max3A = arith.maxsi %scan3A_642, %reduce_max3A_669 : i32
      %slice3A_670 = vector.extract_strided_slice %add3A_652 {offsets = [15], sizes = [1], strides = [1]} : vector<16xi32> to vector<1xi32>
      %squeeze3A_671 = vector.extract %slice3A_670[0] : i32 from vector<1xi32>
      scf.yield %squeeze3A_671, %add3A_659, %max3A : i32, i32, i32
    }
    %scan3A_196 = arith.constant 128 : i32
    %sub3A_197 = arith.constant 481689 : i32
    %sub3A_198 = arith.subi %sub3A_197, %scan3A_195#2 : i32
    %scan3A_199 = arith.constant 481690 : i32
    %scan3A_200 = arith.constant 0 : i32
    %scan3A_201 = arith.constant 0 : i32
    %scan3A_202 = arith.constant 0 : i32
    %scan3A_203 = arith.constant 0 : i32
    %scan3A_204 = arith.constant 128 : i32
    %scan3A_205 = arith.addi %scan3A_203, %scan3A_204 : i32
    %scan3A_206 = arith.constant 1 : i32
    %scan3A_207:3 = scf.for %scan3A_639 = %scan3A_203 to %scan3A_205 step %scan3A_206 iter_args(%scan3A_640 = %scan3A_200, %scan3A_641 = %scan3A_201, %scan3A_642 = %scan3A_202) -> (i32, i32, i32)  : i32 {
      %mul3A_643 = arith.constant 16 : i32
      %mul3A_644 = arith.muli %scan3A_639, %mul3A_643 : i32
      %add3A_645 = arith.constant 0 : i32
      %add3A_646 = arith.addi %add3A_645, %mul3A_644 : i32
      %get3A_647 = arith.index_cast %add3A_646 : i32 to index
      %get3A_648 = tpu.vector_load %arg7[%get3A_647] {strides = array<i32>} : memref<8192xi32, #tpu.memory_space<vmem>>, vector<16xi32>,
      %broadcast_in_dim3A_649 = arith.constant true
      %broadcast_in_dim3A_650 = vector.broadcast %broadcast_in_dim3A_649 : i1 to vector<16xi1>
      %masked_cumsum3A = tpu.scan <sum>, %get3A_648 masked %broadcast_in_dim3A_650 : vector<16xi32>, vector<16xi1> -> vector<16xi32>
      %add3A_651 = vector.broadcast %scan3A_640 : i32 to vector<16xi32>
      %add3A_652 = arith.addi %masked_cumsum3A, %add3A_651 : vector<16xi32>
      %le3A_653 = vector.broadcast %scan3A_199 : i32 to vector<16xi32>
      %le3A_654 = arith.cmpi sle, %add3A_652, %le3A_653 : vector<16xi32>
      %convert_element_type3A_655 = arith.extui %le3A_654 : vector<16xi1> to vector<16xi32>
      %reduce_sum3A = arith.constant true
      %reduce_sum3A_656 = vector.broadcast %reduce_sum3A : i1 to vector<16xi1>
      %reduce_sum3A_657 = tpu.scan <sum>, %convert_element_type3A_655 masked %reduce_sum3A_656 : vector<16xi32>, vector<16xi1> -> vector<16xi32>
      %reduce_sum3A_658 = vector.extract %reduce_sum3A_657[15] : i32 from vector<16xi32>
      %add3A_659 = arith.addi %scan3A_641, %reduce_sum3A_658 : i32
      %jit3A_660 = arith.constant 0 : i32
      %broadcast_in_dim3A_661 = vector.broadcast %jit3A_660 : i32 to vector<16xi32>
      %select_n3A_662 = arith.select %le3A_654, %add3A_652, %broadcast_in_dim3A_661 : vector<16xi1>, vector<16xi32>
      %reduce_max3A = arith.constant true
      %reduce_max3A_663 = vector.broadcast %reduce_max3A : i1 to vector<16xi1>
      %reduce_max3A_664 = arith.constant -2147483648 : i32
      %reduce_max3A_665 = vector.broadcast %reduce_max3A_664 : i32 to vector<16xi32>
      %reduce_max3A_666 = arith.xori %select_n3A_662, %reduce_max3A_665 : vector<16xi32>
      %reduce_max3A_667 = tpu.scan <max>, %reduce_max3A_666 masked %reduce_max3A_663 : vector<16xi32>, vector<16xi1> -> vector<16xi32>
      %reduce_max3A_668 = arith.xori %reduce_max3A_667, %reduce_max3A_665 : vector<16xi32>
      %reduce_max3A_669 = vector.extract %reduce_max3A_668[15] : i32 from vector<16xi32>
      %max3A = arith.maxsi %scan3A_642, %reduce_max3A_669 : i32
      %slice3A_670 = vector.extract_strided_slice %add3A_652 {offsets = [15], sizes = [1], strides = [1]} : vector<16xi32> to vector<1xi32>
      %squeeze3A_671 = vector.extract %slice3A_670[0] : i32 from vector<1xi32>
      scf.yield %squeeze3A_671, %add3A_659, %max3A : i32, i32, i32
    }
    %scan3A_208 = arith.constant 128 : i32
    %sub3A_209 = arith.constant 481690 : i32
    %sub3A_210 = arith.subi %sub3A_209, %scan3A_207#2 : i32
    %scan3A_211 = arith.constant 2408447 : i32
    %scan3A_212 = arith.constant 0 : i32
    %scan3A_213 = arith.constant 0 : i32
    %scan3A_214 = arith.constant 0 : i32
    %scan3A_215 = arith.constant 0 : i32
    %scan3A_216 = arith.constant 128 : i32
    %scan3A_217 = arith.addi %scan3A_215, %scan3A_216 : i32
    %scan3A_218 = arith.constant 1 : i32
    %scan3A_219:3 = scf.for %scan3A_639 = %scan3A_215 to %scan3A_217 step %scan3A_218 iter_args(%scan3A_640 = %scan3A_212, %scan3A_641 = %scan3A_213, %scan3A_642 = %scan3A_214) -> (i32, i32, i32)  : i32 {
      %mul3A_643 = arith.constant 16 : i32
      %mul3A_644 = arith.muli %scan3A_639, %mul3A_643 : i32
      %add3A_645 = arith.constant 0 : i32
      %add3A_646 = arith.addi %add3A_645, %mul3A_644 : i32
      %get3A_647 = arith.index_cast %add3A_646 : i32 to index
      %get3A_648 = tpu.vector_load %arg7[%get3A_647] {strides = array<i32>} : memref<8192xi32, #tpu.memory_space<vmem>>, vector<16xi32>,
      %broadcast_in_dim3A_649 = arith.constant true
      %broadcast_in_dim3A_650 = vector.broadcast %broadcast_in_dim3A_649 : i1 to vector<16xi1>
      %masked_cumsum3A = tpu.scan <sum>, %get3A_648 masked %broadcast_in_dim3A_650 : vector<16xi32>, vector<16xi1> -> vector<16xi32>
      %add3A_651 = vector.broadcast %scan3A_640 : i32 to vector<16xi32>
      %add3A_652 = arith.addi %masked_cumsum3A, %add3A_651 : vector<16xi32>
      %le3A_653 = vector.broadcast %scan3A_211 : i32 to vector<16xi32>
      %le3A_654 = arith.cmpi sle, %add3A_652, %le3A_653 : vector<16xi32>
      %convert_element_type3A_655 = arith.extui %le3A_654 : vector<16xi1> to vector<16xi32>
      %reduce_sum3A = arith.constant true
      %reduce_sum3A_656 = vector.broadcast %reduce_sum3A : i1 to vector<16xi1>
      %reduce_sum3A_657 = tpu.scan <sum>, %convert_element_type3A_655 masked %reduce_sum3A_656 : vector<16xi32>, vector<16xi1> -> vector<16xi32>
      %reduce_sum3A_658 = vector.extract %reduce_sum3A_657[15] : i32 from vector<16xi32>
      %add3A_659 = arith.addi %scan3A_641, %reduce_sum3A_658 : i32
      %jit3A_660 = arith.constant 0 : i32
      %broadcast_in_dim3A_661 = vector.broadcast %jit3A_660 : i32 to vector<16xi32>
      %select_n3A_662 = arith.select %le3A_654, %add3A_652, %broadcast_in_dim3A_661 : vector<16xi1>, vector<16xi32>
      %reduce_max3A = arith.constant true
      %reduce_max3A_663 = vector.broadcast %reduce_max3A : i1 to vector<16xi1>
      %reduce_max3A_664 = arith.constant -2147483648 : i32
      %reduce_max3A_665 = vector.broadcast %reduce_max3A_664 : i32 to vector<16xi32>
      %reduce_max3A_666 = arith.xori %select_n3A_662, %reduce_max3A_665 : vector<16xi32>
      %reduce_max3A_667 = tpu.scan <max>, %reduce_max3A_666 masked %reduce_max3A_663 : vector<16xi32>, vector<16xi1> -> vector<16xi32>
      %reduce_max3A_668 = arith.xori %reduce_max3A_667, %reduce_max3A_665 : vector<16xi32>
      %reduce_max3A_669 = vector.extract %reduce_max3A_668[15] : i32 from vector<16xi32>
      %max3A = arith.maxsi %scan3A_642, %reduce_max3A_669 : i32
      %slice3A_670 = vector.extract_strided_slice %add3A_652 {offsets = [15], sizes = [1], strides = [1]} : vector<16xi32> to vector<1xi32>
      %squeeze3A_671 = vector.extract %slice3A_670[0] : i32 from vector<1xi32>
      scf.yield %squeeze3A_671, %add3A_659, %max3A : i32, i32, i32
    }
    %scan3A_220 = arith.constant 128 : i32
    %sub3A_221 = arith.constant 2408447 : i32
    %sub3A_222 = arith.subi %sub3A_221, %scan3A_219#2 : i32
    %scan3A_223 = arith.constant 2408448 : i32
    %scan3A_224 = arith.constant 0 : i32
    %scan3A_225 = arith.constant 0 : i32
    %scan3A_226 = arith.constant 0 : i32
    %scan3A_227 = arith.constant 0 : i32
    %scan3A_228 = arith.constant 128 : i32
    %scan3A_229 = arith.addi %scan3A_227, %scan3A_228 : i32
    %scan3A_230 = arith.constant 1 : i32
    %scan3A_231:3 = scf.for %scan3A_639 = %scan3A_227 to %scan3A_229 step %scan3A_230 iter_args(%scan3A_640 = %scan3A_224, %scan3A_641 = %scan3A_225, %scan3A_642 = %scan3A_226) -> (i32, i32, i32)  : i32 {
      %mul3A_643 = arith.constant 16 : i32
      %mul3A_644 = arith.muli %scan3A_639, %mul3A_643 : i32
      %add3A_645 = arith.constant 0 : i32
      %add3A_646 = arith.addi %add3A_645, %mul3A_644 : i32
      %get3A_647 = arith.index_cast %add3A_646 : i32 to index
      %get3A_648 = tpu.vector_load %arg7[%get3A_647] {strides = array<i32>} : memref<8192xi32, #tpu.memory_space<vmem>>, vector<16xi32>,
      %broadcast_in_dim3A_649 = arith.constant true
      %broadcast_in_dim3A_650 = vector.broadcast %broadcast_in_dim3A_649 : i1 to vector<16xi1>
      %masked_cumsum3A = tpu.scan <sum>, %get3A_648 masked %broadcast_in_dim3A_650 : vector<16xi32>, vector<16xi1> -> vector<16xi32>
      %add3A_651 = vector.broadcast %scan3A_640 : i32 to vector<16xi32>
      %add3A_652 = arith.addi %masked_cumsum3A, %add3A_651 : vector<16xi32>
      %le3A_653 = vector.broadcast %scan3A_223 : i32 to vector<16xi32>
      %le3A_654 = arith.cmpi sle, %add3A_652, %le3A_653 : vector<16xi32>
      %convert_element_type3A_655 = arith.extui %le3A_654 : vector<16xi1> to vector<16xi32>
      %reduce_sum3A = arith.constant true
      %reduce_sum3A_656 = vector.broadcast %reduce_sum3A : i1 to vector<16xi1>
      %reduce_sum3A_657 = tpu.scan <sum>, %convert_element_type3A_655 masked %reduce_sum3A_656 : vector<16xi32>, vector<16xi1> -> vector<16xi32>
      %reduce_sum3A_658 = vector.extract %reduce_sum3A_657[15] : i32 from vector<16xi32>
      %add3A_659 = arith.addi %scan3A_641, %reduce_sum3A_658 : i32
      %jit3A_660 = arith.constant 0 : i32
      %broadcast_in_dim3A_661 = vector.broadcast %jit3A_660 : i32 to vector<16xi32>
      %select_n3A_662 = arith.select %le3A_654, %add3A_652, %broadcast_in_dim3A_661 : vector<16xi1>, vector<16xi32>
      %reduce_max3A = arith.constant true
      %reduce_max3A_663 = vector.broadcast %reduce_max3A : i1 to vector<16xi1>
      %reduce_max3A_664 = arith.constant -2147483648 : i32
      %reduce_max3A_665 = vector.broadcast %reduce_max3A_664 : i32 to vector<16xi32>
      %reduce_max3A_666 = arith.xori %select_n3A_662, %reduce_max3A_665 : vector<16xi32>
      %reduce_max3A_667 = tpu.scan <max>, %reduce_max3A_666 masked %reduce_max3A_663 : vector<16xi32>, vector<16xi1> -> vector<16xi32>
      %reduce_max3A_668 = arith.xori %reduce_max3A_667, %reduce_max3A_665 : vector<16xi32>
      %reduce_max3A_669 = vector.extract %reduce_max3A_668[15] : i32 from vector<16xi32>
      %max3A = arith.maxsi %scan3A_642, %reduce_max3A_669 : i32
      %slice3A_670 = vector.extract_strided_slice %add3A_652 {offsets = [15], sizes = [1], strides = [1]} : vector<16xi32> to vector<1xi32>
      %squeeze3A_671 = vector.extract %slice3A_670[0] : i32 from vector<1xi32>
      scf.yield %squeeze3A_671, %add3A_659, %max3A : i32, i32, i32
    }
    %scan3A_232 = arith.constant 128 : i32
    %sub3A_233 = arith.constant 2408448 : i32
    %sub3A_234 = arith.subi %sub3A_233, %scan3A_231#2 : i32
    %eq3A_235 = arith.constant 514 : i32
    %eq3A_236 = arith.cmpi eq, %scan3A_195#1, %eq3A_235 : i32
    %ge3A = arith.constant 538 : i32
    %ge3A_237 = arith.cmpi sge, %scan3A_195#1, %ge3A : i32
    %le3A = arith.constant 1509 : i32
    %le3A_238 = arith.cmpi sle, %scan3A_195#1, %le3A : i32
    %and3A_239 = arith.andi %ge3A_237, %le3A_238 : i1
    %or3A = arith.ori %eq3A_236, %and3A_239 : i1
    %eq3A_240 = arith.constant 514 : i32
    %eq3A_241 = arith.cmpi eq, %scan3A_207#1, %eq3A_240 : i32
    %ge3A_242 = arith.constant 538 : i32
    %ge3A_243 = arith.cmpi sge, %scan3A_207#1, %ge3A_242 : i32
    %le3A_244 = arith.constant 1509 : i32
    %le3A_245 = arith.cmpi sle, %scan3A_207#1, %le3A_244 : i32
    %and3A_246 = arith.andi %ge3A_243, %le3A_245 : i1
    %or3A_247 = arith.ori %eq3A_241, %and3A_246 : i1
    %and3A_248 = arith.andi %or3A, %or3A_247 : i1
    %eq3A_249 = arith.constant 514 : i32
    %eq3A_250 = arith.cmpi eq, %scan3A_219#1, %eq3A_249 : i32
    %ge3A_251 = arith.constant 538 : i32
    %ge3A_252 = arith.cmpi sge, %scan3A_219#1, %ge3A_251 : i32
    %le3A_253 = arith.constant 1509 : i32
    %le3A_254 = arith.cmpi sle, %scan3A_219#1, %le3A_253 : i32
    %and3A_255 = arith.andi %ge3A_252, %le3A_254 : i1
    %or3A_256 = arith.ori %eq3A_250, %and3A_255 : i1
    %and3A_257 = arith.andi %and3A_248, %or3A_256 : i1
    %eq3A_258 = arith.constant 514 : i32
    %eq3A_259 = arith.cmpi eq, %scan3A_231#1, %eq3A_258 : i32
    %ge3A_260 = arith.constant 538 : i32
    %ge3A_261 = arith.cmpi sge, %scan3A_231#1, %ge3A_260 : i32
    %le3A_262 = arith.constant 1509 : i32
    %le3A_263 = arith.cmpi sle, %scan3A_231#1, %le3A_262 : i32
    %and3A_264 = arith.andi %ge3A_261, %le3A_263 : i1
    %or3A_265 = arith.ori %eq3A_259, %and3A_264 : i1
    %and3A_266 = arith.andi %and3A_257, %or3A_265 : i1
    %barrier3A_267 = arith.constant 0 : index
    tpu.barrier barrier_id(%barrier3A_267)
    %scan3A_268 = arith.constant 0 : i32
    %scan3A_269 = arith.constant 0 : i32
    %scan3A_270 = arith.constant 512 : i32
    %scan3A_271 = arith.addi %scan3A_269, %scan3A_270 : i32
    %scan3A_272 = arith.constant 1 : i32
    %scan3A_273 = scf.for %scan3A_639 = %scan3A_269 to %scan3A_271 step %scan3A_272 iter_args(%scan3A_640 = %scan3A_268) -> (i32)  : i32 {
      %mul3A_641 = arith.constant 16 : i32
      %mul3A_642 = arith.muli %scan3A_639, %mul3A_641 : i32
      %swap3A_643 = arith.index_cast %mul3A_642 : i32 to index
      %swap3A_644 = tpu.vector_load %arg6[%swap3A_643] {strides = array<i32>} : memref<8192xi32, #tpu.memory_space<vmem>>, vector<16xi32>,
      tpu.vector_store %arg6[%swap3A_643], %broadcast_in_dim3A_62 {strides = array<i32>} : memref<8192xi32, #tpu.memory_space<vmem>>, vector<16xi32>,
      %scan3A_645 = arith.constant 0 : i32
      scf.yield %scan3A_645 : i32
    }
    %scan3A_274 = arith.constant 512 : i32
    %broadcast_in_dim3A_275 = vector.broadcast %scan3A_195#1 : i32 to vector<16xi32>
    %broadcast_in_dim3A_276 = vector.broadcast %scan3A_207#1 : i32 to vector<16xi32>
    %broadcast_in_dim3A_277 = vector.broadcast %scan3A_219#1 : i32 to vector<16xi32>
    %broadcast_in_dim3A_278 = vector.broadcast %scan3A_231#1 : i32 to vector<16xi32>
    %not3A = arith.constant true
    %not3A_279 = arith.xori %and3A_266, %not3A : i1
    %convert_element_type3A = arith.extui %not3A_279 : i1 to i32
    %cond3A = arith.constant 0 : i32
    %cond3A_280 = arith.cmpi ne, %convert_element_type3A, %cond3A : i32
    scf.if %cond3A_280 {
      %add3A_639 = arith.constant 0 : i32
      %add3A_640 = arith.addi %add3A_59, %add3A_639 : i32
      %dma_start3A_641 = tpu.memref_slice %arg2[%add3A_640] : memref<19267584xf32, #tpu.memory_space<hbm>> -> memref<6144xf32, #tpu.memory_space<hbm>>
      %dma_start3A_642 = tpu.memref_slice %arg2[%add3A_640] : memref<19267584xf32, #tpu.memory_space<hbm>> -> memref<6144xf32, #tpu.memory_space<hbm>>
      tpu.enqueue_dma source(%dma_start3A_642 : memref<6144xf32, #tpu.memory_space<hbm>>) target(%arg4 : memref<6144xf32, #tpu.memory_space<vmem>>) target_semaphore(%arg14 : memref<!tpu.dma_semaphore, #tpu.memory_space<semaphore_mem>>)
      %scan3A_643 = arith.constant 0 : i32
      %scan3A_644 = arith.constant 0 : i32
      %scan3A_645 = arith.constant 49 : i32
      %scan3A_646 = arith.addi %scan3A_644, %scan3A_645 : i32
      %scan3A_647 = arith.constant 1 : i32
      %scan3A_648 = scf.for %scan3A_653 = %scan3A_644 to %scan3A_646 step %scan3A_647 iter_args(%scan3A_654 = %scan3A_643) -> (i32)  : i32 {
        %dma_wait3A = tpu.memref_slice %arg2[%add3A_59] : memref<19267584xf32, #tpu.memory_space<hbm>> -> memref<6144xf32, #tpu.memory_space<hbm>>
        %dma_wait3A_655 = tpu.memref_slice %arg2[%add3A_59] : memref<19267584xf32, #tpu.memory_space<hbm>> -> memref<6144xf32, #tpu.memory_space<hbm>>
        tpu.wait_dma2 semaphore(%arg14 : memref<!tpu.dma_semaphore, #tpu.memory_space<semaphore_mem>>) src(%dma_wait3A_655 : memref<6144xf32, #tpu.memory_space<hbm>>) dst(%arg4 : memref<6144xf32, #tpu.memory_space<vmem>>)
        %mul3A_656 = arith.constant 2 : i32
        %mul3A_657 = arith.muli %mul3A_656, %scan3A_653 : i32
        %add3A_658 = arith.constant 1 : i32
        %add3A_659 = arith.addi %mul3A_657, %add3A_658 : i32
        %mul3A_660 = arith.constant 6144 : i32
        %mul3A_661 = arith.muli %add3A_659, %mul3A_660 : i32
        %add3A_662 = arith.addi %add3A_59, %mul3A_661 : i32
        %dma_start3A_663 = tpu.memref_slice %arg2[%add3A_662] : memref<19267584xf32, #tpu.memory_space<hbm>> -> memref<6144xf32, #tpu.memory_space<hbm>>
        %dma_start3A_664 = tpu.memref_slice %arg2[%add3A_662] : memref<19267584xf32, #tpu.memory_space<hbm>> -> memref<6144xf32, #tpu.memory_space<hbm>>
        tpu.enqueue_dma source(%dma_start3A_664 : memref<6144xf32, #tpu.memory_space<hbm>>) target(%arg5 : memref<6144xf32, #tpu.memory_space<vmem>>) target_semaphore(%arg15 : memref<!tpu.dma_semaphore, #tpu.memory_space<semaphore_mem>>)
        %scan3A_665 = arith.constant 0 : i32
        %scan3A_666 = arith.constant 384 : i32
        %scan3A_667 = arith.addi %scan3A_665, %scan3A_666 : i32
        %scan3A_668 = arith.constant 2 : i32
        %scan3A_669 = scf.for %scan3A_684 = %scan3A_665 to %scan3A_667 step %scan3A_668 iter_args(%scan3A_685 = %scan3A_654) -> (i32)  : i32 {
          %mul3A_686 = arith.constant 16 : i32
          %mul3A_687 = arith.muli %scan3A_684, %mul3A_686 : i32
          %get3A_688 = arith.index_cast %mul3A_687 : i32 to index
          %get3A_689 = tpu.vector_load %arg4[%get3A_688] {strides = array<i32>} : memref<6144xf32, #tpu.memory_space<vmem>>, vector<16xf32>,
          %bitcast_convert_type3A_690 = tpu.bitcast %get3A_689 : vector<16xf32> -> vector<16xi32>
          %lt3A_691 = arith.constant 0 : i32
          %lt3A_692 = vector.broadcast %lt3A_691 : i32 to vector<16xi32>
          %lt3A_693 = arith.cmpi slt, %bitcast_convert_type3A_690, %lt3A_692 : vector<16xi32>
          %not3A_694 = arith.constant dense<-1> : vector<16xi32>
          %not3A_695 = arith.xori %bitcast_convert_type3A_690, %not3A_694 : vector<16xi32>
          %or3A_696 = arith.constant -2147483648 : i32
          %or3A_697 = vector.broadcast %or3A_696 : i32 to vector<16xi32>
          %or3A_698 = arith.ori %bitcast_convert_type3A_690, %or3A_697 : vector<16xi32>
          %select_n3A_699 = arith.select %lt3A_693, %not3A_695, %or3A_698 : vector<16xi1>, vector<16xi32>
          %shift_right_logical3A = arith.constant 21 : i32
          %shift_right_logical3A_700 = vector.broadcast %shift_right_logical3A : i32 to vector<16xi32>
          %shift_right_logical3A_701 = arith.shrui %select_n3A_699, %shift_right_logical3A_700 : vector<16xi32>
          %eq3A_702 = arith.cmpi eq, %shift_right_logical3A_701, %broadcast_in_dim3A_275 : vector<16xi32>
          %eq3A_703 = arith.cmpi eq, %shift_right_logical3A_701, %broadcast_in_dim3A_276 : vector<16xi32>
          %or3A_704 = arith.ori %eq3A_702, %eq3A_703 : vector<16xi1>
          %eq3A_705 = arith.cmpi eq, %shift_right_logical3A_701, %broadcast_in_dim3A_277 : vector<16xi32>
          %eq3A_706 = arith.cmpi eq, %shift_right_logical3A_701, %broadcast_in_dim3A_278 : vector<16xi32>
          %or3A_707 = arith.ori %eq3A_705, %eq3A_706 : vector<16xi1>
          %or3A_708 = arith.ori %or3A_704, %or3A_707 : vector<16xi1>
          %le3A_709 = arith.constant 65520 : i32
          %le3A_710 = arith.cmpi sle, %scan3A_685, %le3A_709 : i32
          %and3A_711 = vector.broadcast %le3A_710 : i1 to vector<16xi1>
          %and3A_712 = arith.andi %or3A_708, %and3A_711 : vector<16xi1>
          %swap3A_713 = arith.index_cast %scan3A_685 : i32 to index
          %swap3A_714 = tpu.vector_load %arg10[%swap3A_713] masked %and3A_712 {strides = array<i32>} : memref<65536xi32, #tpu.memory_space<vmem>>, vector<16xi32>, vector<16xi1>
          tpu.vector_store %arg10[%swap3A_713], %select_n3A_699 masked %and3A_712 {strides = array<i32>} : memref<65536xi32, #tpu.memory_space<vmem>>, vector<16xi32>, vector<16xi1>
          %all_reduce_population_count3A = tpu.all_reduce %and3A_712 {dim = 0 : i64, kind = #tpu.reduction_kind<sum>} : vector<16xi1> -> vector<16xi32>
          %slice3A_715 = vector.extract_strided_slice %all_reduce_population_count3A {offsets = [0], sizes = [1], strides = [1]} : vector<16xi32> to vector<1xi32>
          %squeeze3A_716 = vector.extract %slice3A_715[0] : i32 from vector<1xi32>
          %add3A_717 = arith.addi %scan3A_685, %squeeze3A_716 : i32
          %scan3A_718 = arith.constant 1 : i32
          %scan3A_719 = arith.addi %scan3A_684, %scan3A_718 : i32
          %mul3A_720 = arith.constant 16 : i32
          %mul3A_721 = arith.muli %scan3A_719, %mul3A_720 : i32
          %get3A_722 = arith.index_cast %mul3A_721 : i32 to index
          %get3A_723 = tpu.vector_load %arg4[%get3A_722] {strides = array<i32>} : memref<6144xf32, #tpu.memory_space<vmem>>, vector<16xf32>,
          %bitcast_convert_type3A_724 = tpu.bitcast %get3A_723 : vector<16xf32> -> vector<16xi32>
          %lt3A_725 = arith.constant 0 : i32
          %lt3A_726 = vector.broadcast %lt3A_725 : i32 to vector<16xi32>
          %lt3A_727 = arith.cmpi slt, %bitcast_convert_type3A_724, %lt3A_726 : vector<16xi32>
          %not3A_728 = arith.constant dense<-1> : vector<16xi32>
          %not3A_729 = arith.xori %bitcast_convert_type3A_724, %not3A_728 : vector<16xi32>
          %or3A_730 = arith.constant -2147483648 : i32
          %or3A_731 = vector.broadcast %or3A_730 : i32 to vector<16xi32>
          %or3A_732 = arith.ori %bitcast_convert_type3A_724, %or3A_731 : vector<16xi32>
          %select_n3A_733 = arith.select %lt3A_727, %not3A_729, %or3A_732 : vector<16xi1>, vector<16xi32>
          %shift_right_logical3A_734 = arith.constant 21 : i32
          %shift_right_logical3A_735 = vector.broadcast %shift_right_logical3A_734 : i32 to vector<16xi32>
          %shift_right_logical3A_736 = arith.shrui %select_n3A_733, %shift_right_logical3A_735 : vector<16xi32>
          %eq3A_737 = arith.cmpi eq, %shift_right_logical3A_736, %broadcast_in_dim3A_275 : vector<16xi32>
          %eq3A_738 = arith.cmpi eq, %shift_right_logical3A_736, %broadcast_in_dim3A_276 : vector<16xi32>
          %or3A_739 = arith.ori %eq3A_737, %eq3A_738 : vector<16xi1>
          %eq3A_740 = arith.cmpi eq, %shift_right_logical3A_736, %broadcast_in_dim3A_277 : vector<16xi32>
          %eq3A_741 = arith.cmpi eq, %shift_right_logical3A_736, %broadcast_in_dim3A_278 : vector<16xi32>
          %or3A_742 = arith.ori %eq3A_740, %eq3A_741 : vector<16xi1>
          %or3A_743 = arith.ori %or3A_739, %or3A_742 : vector<16xi1>
          %le3A_744 = arith.constant 65520 : i32
          %le3A_745 = arith.cmpi sle, %add3A_717, %le3A_744 : i32
          %and3A_746 = vector.broadcast %le3A_745 : i1 to vector<16xi1>
          %and3A_747 = arith.andi %or3A_743, %and3A_746 : vector<16xi1>
          %swap3A_748 = arith.index_cast %add3A_717 : i32 to index
          %swap3A_749 = tpu.vector_load %arg10[%swap3A_748] masked %and3A_747 {strides = array<i32>} : memref<65536xi32, #tpu.memory_space<vmem>>, vector<16xi32>, vector<16xi1>
          tpu.vector_store %arg10[%swap3A_748], %select_n3A_733 masked %and3A_747 {strides = array<i32>} : memref<65536xi32, #tpu.memory_space<vmem>>, vector<16xi32>, vector<16xi1>
          %all_reduce_population_count3A_750 = tpu.all_reduce %and3A_747 {dim = 0 : i64, kind = #tpu.reduction_kind<sum>} : vector<16xi1> -> vector<16xi32>
          %slice3A_751 = vector.extract_strided_slice %all_reduce_population_count3A_750 {offsets = [0], sizes = [1], strides = [1]} : vector<16xi32> to vector<1xi32>
          %squeeze3A_752 = vector.extract %slice3A_751[0] : i32 from vector<1xi32>
          %add3A_753 = arith.addi %add3A_717, %squeeze3A_752 : i32
          scf.yield %add3A_753 : i32
        }
        %scan3A_670 = arith.constant 384 : i32
        %dma_wait3A_671 = tpu.memref_slice %arg2[%add3A_59] : memref<19267584xf32, #tpu.memory_space<hbm>> -> memref<6144xf32, #tpu.memory_space<hbm>>
        %dma_wait3A_672 = tpu.memref_slice %arg2[%add3A_59] : memref<19267584xf32, #tpu.memory_space<hbm>> -> memref<6144xf32, #tpu.memory_space<hbm>>
        tpu.wait_dma2 semaphore(%arg15 : memref<!tpu.dma_semaphore, #tpu.memory_space<semaphore_mem>>) src(%dma_wait3A_672 : memref<6144xf32, #tpu.memory_space<hbm>>) dst(%arg5 : memref<6144xf32, #tpu.memory_space<vmem>>)
        %lt3A_673 = arith.constant 48 : i32
        %lt3A_674 = arith.cmpi slt, %scan3A_653, %lt3A_673 : i32
        %convert_element_type3A_675 = arith.extui %lt3A_674 : i1 to i32
        %cond3A_676 = arith.constant 0 : i32
        %cond3A_677 = arith.cmpi ne, %convert_element_type3A_675, %cond3A_676 : i32
        scf.if %cond3A_677 {
          %mul3A_684 = arith.constant 2 : i32
          %mul3A_685 = arith.muli %mul3A_684, %scan3A_653 : i32
          %add3A_686 = arith.constant 2 : i32
          %add3A_687 = arith.addi %mul3A_685, %add3A_686 : i32
          %mul3A_688 = arith.constant 6144 : i32
          %mul3A_689 = arith.muli %add3A_687, %mul3A_688 : i32
          %add3A_690 = arith.addi %add3A_59, %mul3A_689 : i32
          %dma_start3A_691 = tpu.memref_slice %arg2[%add3A_690] : memref<19267584xf32, #tpu.memory_space<hbm>> -> memref<6144xf32, #tpu.memory_space<hbm>>
          %dma_start3A_692 = tpu.memref_slice %arg2[%add3A_690] : memref<19267584xf32, #tpu.memory_space<hbm>> -> memref<6144xf32, #tpu.memory_space<hbm>>
          tpu.enqueue_dma source(%dma_start3A_692 : memref<6144xf32, #tpu.memory_space<hbm>>) target(%arg4 : memref<6144xf32, #tpu.memory_space<vmem>>) target_semaphore(%arg14 : memref<!tpu.dma_semaphore, #tpu.memory_space<semaphore_mem>>)
        } else {
        }
        %scan3A_678 = arith.constant 0 : i32
        %scan3A_679 = arith.constant 384 : i32
        %scan3A_680 = arith.addi %scan3A_678, %scan3A_679 : i32
        %scan3A_681 = arith.constant 2 : i32
        %scan3A_682 = scf.for %scan3A_684 = %scan3A_678 to %scan3A_680 step %scan3A_681 iter_args(%scan3A_685 = %scan3A_669) -> (i32)  : i32 {
          %mul3A_686 = arith.constant 16 : i32
          %mul3A_687 = arith.muli %scan3A_684, %mul3A_686 : i32
          %get3A_688 = arith.index_cast %mul3A_687 : i32 to index
          %get3A_689 = tpu.vector_load %arg5[%get3A_688] {strides = array<i32>} : memref<6144xf32, #tpu.memory_space<vmem>>, vector<16xf32>,
          %bitcast_convert_type3A_690 = tpu.bitcast %get3A_689 : vector<16xf32> -> vector<16xi32>
          %lt3A_691 = arith.constant 0 : i32
          %lt3A_692 = vector.broadcast %lt3A_691 : i32 to vector<16xi32>
          %lt3A_693 = arith.cmpi slt, %bitcast_convert_type3A_690, %lt3A_692 : vector<16xi32>
          %not3A_694 = arith.constant dense<-1> : vector<16xi32>
          %not3A_695 = arith.xori %bitcast_convert_type3A_690, %not3A_694 : vector<16xi32>
          %or3A_696 = arith.constant -2147483648 : i32
          %or3A_697 = vector.broadcast %or3A_696 : i32 to vector<16xi32>
          %or3A_698 = arith.ori %bitcast_convert_type3A_690, %or3A_697 : vector<16xi32>
          %select_n3A_699 = arith.select %lt3A_693, %not3A_695, %or3A_698 : vector<16xi1>, vector<16xi32>
          %shift_right_logical3A = arith.constant 21 : i32
          %shift_right_logical3A_700 = vector.broadcast %shift_right_logical3A : i32 to vector<16xi32>
          %shift_right_logical3A_701 = arith.shrui %select_n3A_699, %shift_right_logical3A_700 : vector<16xi32>
          %eq3A_702 = arith.cmpi eq, %shift_right_logical3A_701, %broadcast_in_dim3A_275 : vector<16xi32>
          %eq3A_703 = arith.cmpi eq, %shift_right_logical3A_701, %broadcast_in_dim3A_276 : vector<16xi32>
          %or3A_704 = arith.ori %eq3A_702, %eq3A_703 : vector<16xi1>
          %eq3A_705 = arith.cmpi eq, %shift_right_logical3A_701, %broadcast_in_dim3A_277 : vector<16xi32>
          %eq3A_706 = arith.cmpi eq, %shift_right_logical3A_701, %broadcast_in_dim3A_278 : vector<16xi32>
          %or3A_707 = arith.ori %eq3A_705, %eq3A_706 : vector<16xi1>
          %or3A_708 = arith.ori %or3A_704, %or3A_707 : vector<16xi1>
          %le3A_709 = arith.constant 65520 : i32
          %le3A_710 = arith.cmpi sle, %scan3A_685, %le3A_709 : i32
          %and3A_711 = vector.broadcast %le3A_710 : i1 to vector<16xi1>
          %and3A_712 = arith.andi %or3A_708, %and3A_711 : vector<16xi1>
          %swap3A_713 = arith.index_cast %scan3A_685 : i32 to index
          %swap3A_714 = tpu.vector_load %arg10[%swap3A_713] masked %and3A_712 {strides = array<i32>} : memref<65536xi32, #tpu.memory_space<vmem>>, vector<16xi32>, vector<16xi1>
          tpu.vector_store %arg10[%swap3A_713], %select_n3A_699 masked %and3A_712 {strides = array<i32>} : memref<65536xi32, #tpu.memory_space<vmem>>, vector<16xi32>, vector<16xi1>
          %all_reduce_population_count3A = tpu.all_reduce %and3A_712 {dim = 0 : i64, kind = #tpu.reduction_kind<sum>} : vector<16xi1> -> vector<16xi32>
          %slice3A_715 = vector.extract_strided_slice %all_reduce_population_count3A {offsets = [0], sizes = [1], strides = [1]} : vector<16xi32> to vector<1xi32>
          %squeeze3A_716 = vector.extract %slice3A_715[0] : i32 from vector<1xi32>
          %add3A_717 = arith.addi %scan3A_685, %squeeze3A_716 : i32
          %scan3A_718 = arith.constant 1 : i32
          %scan3A_719 = arith.addi %scan3A_684, %scan3A_718 : i32
          %mul3A_720 = arith.constant 16 : i32
          %mul3A_721 = arith.muli %scan3A_719, %mul3A_720 : i32
          %get3A_722 = arith.index_cast %mul3A_721 : i32 to index
          %get3A_723 = tpu.vector_load %arg5[%get3A_722] {strides = array<i32>} : memref<6144xf32, #tpu.memory_space<vmem>>, vector<16xf32>,
          %bitcast_convert_type3A_724 = tpu.bitcast %get3A_723 : vector<16xf32> -> vector<16xi32>
          %lt3A_725 = arith.constant 0 : i32
          %lt3A_726 = vector.broadcast %lt3A_725 : i32 to vector<16xi32>
          %lt3A_727 = arith.cmpi slt, %bitcast_convert_type3A_724, %lt3A_726 : vector<16xi32>
          %not3A_728 = arith.constant dense<-1> : vector<16xi32>
          %not3A_729 = arith.xori %bitcast_convert_type3A_724, %not3A_728 : vector<16xi32>
          %or3A_730 = arith.constant -2147483648 : i32
          %or3A_731 = vector.broadcast %or3A_730 : i32 to vector<16xi32>
          %or3A_732 = arith.ori %bitcast_convert_type3A_724, %or3A_731 : vector<16xi32>
          %select_n3A_733 = arith.select %lt3A_727, %not3A_729, %or3A_732 : vector<16xi1>, vector<16xi32>
          %shift_right_logical3A_734 = arith.constant 21 : i32
          %shift_right_logical3A_735 = vector.broadcast %shift_right_logical3A_734 : i32 to vector<16xi32>
          %shift_right_logical3A_736 = arith.shrui %select_n3A_733, %shift_right_logical3A_735 : vector<16xi32>
          %eq3A_737 = arith.cmpi eq, %shift_right_logical3A_736, %broadcast_in_dim3A_275 : vector<16xi32>
          %eq3A_738 = arith.cmpi eq, %shift_right_logical3A_736, %broadcast_in_dim3A_276 : vector<16xi32>
          %or3A_739 = arith.ori %eq3A_737, %eq3A_738 : vector<16xi1>
          %eq3A_740 = arith.cmpi eq, %shift_right_logical3A_736, %broadcast_in_dim3A_277 : vector<16xi32>
          %eq3A_741 = arith.cmpi eq, %shift_right_logical3A_736, %broadcast_in_dim3A_278 : vector<16xi32>
          %or3A_742 = arith.ori %eq3A_740, %eq3A_741 : vector<16xi1>
          %or3A_743 = arith.ori %or3A_739, %or3A_742 : vector<16xi1>
          %le3A_744 = arith.constant 65520 : i32
          %le3A_745 = arith.cmpi sle, %add3A_717, %le3A_744 : i32
          %and3A_746 = vector.broadcast %le3A_745 : i1 to vector<16xi1>
          %and3A_747 = arith.andi %or3A_743, %and3A_746 : vector<16xi1>
          %swap3A_748 = arith.index_cast %add3A_717 : i32 to index
          %swap3A_749 = tpu.vector_load %arg10[%swap3A_748] masked %and3A_747 {strides = array<i32>} : memref<65536xi32, #tpu.memory_space<vmem>>, vector<16xi32>, vector<16xi1>
          tpu.vector_store %arg10[%swap3A_748], %select_n3A_733 masked %and3A_747 {strides = array<i32>} : memref<65536xi32, #tpu.memory_space<vmem>>, vector<16xi32>, vector<16xi1>
          %all_reduce_population_count3A_750 = tpu.all_reduce %and3A_747 {dim = 0 : i64, kind = #tpu.reduction_kind<sum>} : vector<16xi1> -> vector<16xi32>
          %slice3A_751 = vector.extract_strided_slice %all_reduce_population_count3A_750 {offsets = [0], sizes = [1], strides = [1]} : vector<16xi32> to vector<1xi32>
          %squeeze3A_752 = vector.extract %slice3A_751[0] : i32 from vector<1xi32>
          %add3A_753 = arith.addi %add3A_717, %squeeze3A_752 : i32
          scf.yield %add3A_753 : i32
        }
        %scan3A_683 = arith.constant 384 : i32
        scf.yield %scan3A_682 : i32
      }
      %scan3A_649 = arith.constant 49 : i32
      %broadcast_in_dim3A_650 = vector.broadcast %scan3A_648 : i32 to vector<16xi32>
      %swap3A_651 = arith.constant 0 : index
      %swap3A_652 = tpu.vector_load %arg11[%swap3A_651] {strides = array<i32>} : memref<16xi32, #tpu.memory_space<vmem>>, vector<16xi32>,
      tpu.vector_store %arg11[%swap3A_651], %broadcast_in_dim3A_650 {strides = array<i32>} : memref<16xi32, #tpu.memory_space<vmem>>, vector<16xi32>,
    } else {
    }
    %get3A = arith.constant 0 : index
    %get3A_281 = tpu.vector_load %arg11[%get3A] {strides = array<i32>} : memref<16xi32, #tpu.memory_space<vmem>>, vector<16xi32>,
    %slice3A = vector.extract_strided_slice %get3A_281 {offsets = [0], sizes = [1], strides = [1]} : vector<16xi32> to vector<1xi32>
    %squeeze3A = vector.extract %slice3A[0] : i32 from vector<1xi32>
    %iota3A = tpu.iota {dimensions = array<i32: 0>} : vector<16xi32>
    %scan3A_282 = arith.constant 2047 : i32
    %scan3A_283 = arith.constant 0 : i32
    %scan3A_284 = arith.constant 0 : i32
    %scan3A_285 = arith.constant 4096 : i32
    %scan3A_286 = arith.addi %scan3A_284, %scan3A_285 : i32
    %scan3A_287 = arith.constant 2 : i32
    %scan3A_288 = scf.for %scan3A_639 = %scan3A_284 to %scan3A_286 step %scan3A_287 iter_args(%scan3A_640 = %scan3A_283) -> (i32)  : i32 {
      %mul3A_641 = arith.constant 16 : i32
      %mul3A_642 = arith.muli %scan3A_639, %mul3A_641 : i32
      %get3A_643 = arith.index_cast %mul3A_642 : i32 to index
      %get3A_644 = tpu.vector_load %arg10[%get3A_643] {strides = array<i32>} : memref<65536xi32, #tpu.memory_space<vmem>>, vector<16xi32>,
      %mul3A_645 = arith.constant 16 : i32
      %mul3A_646 = arith.muli %scan3A_639, %mul3A_645 : i32
      %add3A_647 = vector.broadcast %mul3A_646 : i32 to vector<16xi32>
      %add3A_648 = arith.addi %add3A_647, %iota3A : vector<16xi32>
      %lt3A_649 = vector.broadcast %squeeze3A : i32 to vector<16xi32>
      %lt3A_650 = arith.cmpi slt, %add3A_648, %lt3A_649 : vector<16xi32>
      %shift_right_logical3A = arith.constant 21 : i32
      %shift_right_logical3A_651 = vector.broadcast %shift_right_logical3A : i32 to vector<16xi32>
      %shift_right_logical3A_652 = arith.shrui %get3A_644, %shift_right_logical3A_651 : vector<16xi32>
      %shift_right_logical3A_653 = arith.constant 10 : i32
      %shift_right_logical3A_654 = vector.broadcast %shift_right_logical3A_653 : i32 to vector<16xi32>
      %shift_right_logical3A_655 = arith.shrui %get3A_644, %shift_right_logical3A_654 : vector<16xi32>
      %and3A_656 = vector.broadcast %scan3A_282 : i32 to vector<16xi32>
      %and3A_657 = arith.andi %shift_right_logical3A_655, %and3A_656 : vector<16xi32>
      %add3A_658 = arith.constant 0 : i32
      %add3A_659 = vector.broadcast %add3A_658 : i32 to vector<16xi32>
      %add3A_660 = arith.addi %and3A_657, %add3A_659 : vector<16xi32>
      %eq3A_661 = arith.cmpi eq, %shift_right_logical3A_652, %broadcast_in_dim3A_275 : vector<16xi32>
      %and3A_662 = arith.andi %eq3A_661, %lt3A_650 : vector<16xi1>
      tpu.vector_store_idx %arg6[%add3A_660], %broadcast_in_dim3A_60 masked %and3A_662 {add = true} : memref<8192xi32, #tpu.memory_space<vmem>>[vector<16xi32>], vector<16xi32>, vector<16xi1>
      %add3A_663 = arith.constant 2048 : i32
      %add3A_664 = vector.broadcast %add3A_663 : i32 to vector<16xi32>
      %add3A_665 = arith.addi %and3A_657, %add3A_664 : vector<16xi32>
      %eq3A_666 = arith.cmpi eq, %shift_right_logical3A_652, %broadcast_in_dim3A_276 : vector<16xi32>
      %and3A_667 = arith.andi %eq3A_666, %lt3A_650 : vector<16xi1>
      tpu.vector_store_idx %arg6[%add3A_665], %broadcast_in_dim3A_60 masked %and3A_667 {add = true} : memref<8192xi32, #tpu.memory_space<vmem>>[vector<16xi32>], vector<16xi32>, vector<16xi1>
      %add3A_668 = arith.constant 4096 : i32
      %add3A_669 = vector.broadcast %add3A_668 : i32 to vector<16xi32>
      %add3A_670 = arith.addi %and3A_657, %add3A_669 : vector<16xi32>
      %eq3A_671 = arith.cmpi eq, %shift_right_logical3A_652, %broadcast_in_dim3A_277 : vector<16xi32>
      %and3A_672 = arith.andi %eq3A_671, %lt3A_650 : vector<16xi1>
      tpu.vector_store_idx %arg6[%add3A_670], %broadcast_in_dim3A_60 masked %and3A_672 {add = true} : memref<8192xi32, #tpu.memory_space<vmem>>[vector<16xi32>], vector<16xi32>, vector<16xi1>
      %add3A_673 = arith.constant 6144 : i32
      %add3A_674 = vector.broadcast %add3A_673 : i32 to vector<16xi32>
      %add3A_675 = arith.addi %and3A_657, %add3A_674 : vector<16xi32>
      %eq3A_676 = arith.cmpi eq, %shift_right_logical3A_652, %broadcast_in_dim3A_278 : vector<16xi32>
      %and3A_677 = arith.andi %eq3A_676, %lt3A_650 : vector<16xi1>
      tpu.vector_store_idx %arg6[%add3A_675], %broadcast_in_dim3A_60 masked %and3A_677 {add = true} : memref<8192xi32, #tpu.memory_space<vmem>>[vector<16xi32>], vector<16xi32>, vector<16xi1>
      %scan3A_678 = arith.constant 0 : i32
      %scan3A_679 = arith.constant 1 : i32
      %scan3A_680 = arith.addi %scan3A_639, %scan3A_679 : i32
      %mul3A_681 = arith.constant 16 : i32
      %mul3A_682 = arith.muli %scan3A_680, %mul3A_681 : i32
      %get3A_683 = arith.index_cast %mul3A_682 : i32 to index
      %get3A_684 = tpu.vector_load %arg10[%get3A_683] {strides = array<i32>} : memref<65536xi32, #tpu.memory_space<vmem>>, vector<16xi32>,
      %mul3A_685 = arith.constant 16 : i32
      %mul3A_686 = arith.muli %scan3A_680, %mul3A_685 : i32
      %add3A_687 = vector.broadcast %mul3A_686 : i32 to vector<16xi32>
      %add3A_688 = arith.addi %add3A_687, %iota3A : vector<16xi32>
      %lt3A_689 = vector.broadcast %squeeze3A : i32 to vector<16xi32>
      %lt3A_690 = arith.cmpi slt, %add3A_688, %lt3A_689 : vector<16xi32>
      %shift_right_logical3A_691 = arith.constant 21 : i32
      %shift_right_logical3A_692 = vector.broadcast %shift_right_logical3A_691 : i32 to vector<16xi32>
      %shift_right_logical3A_693 = arith.shrui %get3A_684, %shift_right_logical3A_692 : vector<16xi32>
      %shift_right_logical3A_694 = arith.constant 10 : i32
      %shift_right_logical3A_695 = vector.broadcast %shift_right_logical3A_694 : i32 to vector<16xi32>
      %shift_right_logical3A_696 = arith.shrui %get3A_684, %shift_right_logical3A_695 : vector<16xi32>
      %and3A_697 = vector.broadcast %scan3A_282 : i32 to vector<16xi32>
      %and3A_698 = arith.andi %shift_right_logical3A_696, %and3A_697 : vector<16xi32>
      %add3A_699 = arith.constant 0 : i32
      %add3A_700 = vector.broadcast %add3A_699 : i32 to vector<16xi32>
      %add3A_701 = arith.addi %and3A_698, %add3A_700 : vector<16xi32>
      %eq3A_702 = arith.cmpi eq, %shift_right_logical3A_693, %broadcast_in_dim3A_275 : vector<16xi32>
      %and3A_703 = arith.andi %eq3A_702, %lt3A_690 : vector<16xi1>
      tpu.vector_store_idx %arg6[%add3A_701], %broadcast_in_dim3A_60 masked %and3A_703 {add = true} : memref<8192xi32, #tpu.memory_space<vmem>>[vector<16xi32>], vector<16xi32>, vector<16xi1>
      %add3A_704 = arith.constant 2048 : i32
      %add3A_705 = vector.broadcast %add3A_704 : i32 to vector<16xi32>
      %add3A_706 = arith.addi %and3A_698, %add3A_705 : vector<16xi32>
      %eq3A_707 = arith.cmpi eq, %shift_right_logical3A_693, %broadcast_in_dim3A_276 : vector<16xi32>
      %and3A_708 = arith.andi %eq3A_707, %lt3A_690 : vector<16xi1>
      tpu.vector_store_idx %arg6[%add3A_706], %broadcast_in_dim3A_60 masked %and3A_708 {add = true} : memref<8192xi32, #tpu.memory_space<vmem>>[vector<16xi32>], vector<16xi32>, vector<16xi1>
      %add3A_709 = arith.constant 4096 : i32
      %add3A_710 = vector.broadcast %add3A_709 : i32 to vector<16xi32>
      %add3A_711 = arith.addi %and3A_698, %add3A_710 : vector<16xi32>
      %eq3A_712 = arith.cmpi eq, %shift_right_logical3A_693, %broadcast_in_dim3A_277 : vector<16xi32>
      %and3A_713 = arith.andi %eq3A_712, %lt3A_690 : vector<16xi1>
      tpu.vector_store_idx %arg6[%add3A_711], %broadcast_in_dim3A_60 masked %and3A_713 {add = true} : memref<8192xi32, #tpu.memory_space<vmem>>[vector<16xi32>], vector<16xi32>, vector<16xi1>
      %add3A_714 = arith.constant 6144 : i32
      %add3A_715 = vector.broadcast %add3A_714 : i32 to vector<16xi32>
      %add3A_716 = arith.addi %and3A_698, %add3A_715 : vector<16xi32>
      %eq3A_717 = arith.cmpi eq, %shift_right_logical3A_693, %broadcast_in_dim3A_278 : vector<16xi32>
      %and3A_718 = arith.andi %eq3A_717, %lt3A_690 : vector<16xi1>
      tpu.vector_store_idx %arg6[%add3A_716], %broadcast_in_dim3A_60 masked %and3A_718 {add = true} : memref<8192xi32, #tpu.memory_space<vmem>>[vector<16xi32>], vector<16xi32>, vector<16xi1>
      %scan3A_719 = arith.constant 0 : i32
      scf.yield %scan3A_719 : i32
    }
    %scan3A_289 = arith.constant 4096 : i32
    "tpu.region"() ({
      %run_scoped3A = tpu.sem_alloc : memref<!tpu.dma_semaphore, #tpu.memory_space<semaphore_mem>>
      %dma_start3A_639 = arith.constant 0 : i32
      %dma_start3A_640 = tpu.memref_slice %arg12[%arg1, %dma_start3A_639] : memref<16x8192xi32, #tpu.memory_space<vmem_shared>> -> memref<1x8192xi32, #tpu.memory_space<vmem_shared>>
      %dma_start3A_641 = tpu.memref_squeeze %dma_start3A_640 : memref<1x8192xi32, #tpu.memory_space<vmem_shared>> -> memref<8192xi32, #tpu.memory_space<vmem_shared>>
      %dma_start3A_642 = arith.constant 0 : i32
      %dma_start3A_643 = tpu.memref_slice %arg12[%arg1, %dma_start3A_642] : memref<16x8192xi32, #tpu.memory_space<vmem_shared>> -> memref<1x8192xi32, #tpu.memory_space<vmem_shared>>
      %dma_start3A_644 = tpu.memref_squeeze %dma_start3A_643 : memref<1x8192xi32, #tpu.memory_space<vmem_shared>> -> memref<8192xi32, #tpu.memory_space<vmem_shared>>
      tpu.enqueue_dma source(%arg6 : memref<8192xi32, #tpu.memory_space<vmem>>) target(%dma_start3A_644 : memref<8192xi32, #tpu.memory_space<vmem_shared>>) target_semaphore(%run_scoped3A : memref<!tpu.dma_semaphore, #tpu.memory_space<semaphore_mem>>)
      %dma_wait3A = arith.constant 0 : i32
      %dma_wait3A_645 = tpu.memref_slice %arg12[%arg1, %dma_wait3A] : memref<16x8192xi32, #tpu.memory_space<vmem_shared>> -> memref<1x8192xi32, #tpu.memory_space<vmem_shared>>
      %dma_wait3A_646 = tpu.memref_squeeze %dma_wait3A_645 : memref<1x8192xi32, #tpu.memory_space<vmem_shared>> -> memref<8192xi32, #tpu.memory_space<vmem_shared>>
      %dma_wait3A_647 = arith.constant 0 : i32
      %dma_wait3A_648 = tpu.memref_slice %arg12[%arg1, %dma_wait3A_647] : memref<16x8192xi32, #tpu.memory_space<vmem_shared>> -> memref<1x8192xi32, #tpu.memory_space<vmem_shared>>
      %dma_wait3A_649 = tpu.memref_squeeze %dma_wait3A_648 : memref<1x8192xi32, #tpu.memory_space<vmem_shared>> -> memref<8192xi32, #tpu.memory_space<vmem_shared>>
      tpu.wait_dma2 semaphore(%run_scoped3A : memref<!tpu.dma_semaphore, #tpu.memory_space<semaphore_mem>>) src(%arg6 : memref<8192xi32, #tpu.memory_space<vmem>>) dst(%dma_wait3A_649 : memref<8192xi32, #tpu.memory_space<vmem_shared>>)
      tpu.yield
    }) : () -> ()
    %barrier3A_290 = arith.constant 0 : index
    tpu.barrier barrier_id(%barrier3A_290)
    %mul3A_291 = arith.constant 1024 : i32
    %mul3A_292 = arith.muli %select_n3A_54, %mul3A_291 : i32
    %scan3A_293 = arith.constant 0 : i32
    %scan3A_294 = arith.constant 0 : i32
    %scan3A_295 = arith.constant 64 : i32
    %scan3A_296 = arith.addi %scan3A_294, %scan3A_295 : i32
    %scan3A_297 = arith.constant 1 : i32
    %scan3A_298 = scf.for %scan3A_639 = %scan3A_294 to %scan3A_296 step %scan3A_297 iter_args(%scan3A_640 = %scan3A_293) -> (i32)  : i32 {
      %mul3A_641 = arith.constant 16 : i32
      %mul3A_642 = arith.muli %scan3A_639, %mul3A_641 : i32
      %swap3A_643 = arith.index_cast %mul3A_642 : i32 to index
      %swap3A_644 = tpu.vector_load %arg8[%swap3A_643] {strides = array<i32>} : memref<8192xi32, #tpu.memory_space<vmem>>, vector<16xi32>,
      tpu.vector_store %arg8[%swap3A_643], %broadcast_in_dim3A_62 {strides = array<i32>} : memref<8192xi32, #tpu.memory_space<vmem>>, vector<16xi32>,
      %scan3A_645 = arith.constant 0 : i32
      scf.yield %scan3A_645 : i32
    }
    %scan3A_299 = arith.constant 64 : i32
    %mul3A_300 = arith.constant 8 : i32
    %mul3A_301 = arith.muli %select_n3A_40, %mul3A_300 : i32
    %add3A_302 = arith.constant 0 : i32
    %add3A_303 = arith.addi %mul3A_301, %add3A_302 : i32
    "tpu.region"() ({
      %run_scoped3A = tpu.sem_alloc : memref<!tpu.dma_semaphore, #tpu.memory_space<semaphore_mem>>
      %dma_start3A_639 = arith.constant 1024 : i32
      %dma_start3A_640 = tpu.memref_slice %arg8[%dma_start3A_639] : memref<8192xi32, #tpu.memory_space<vmem>> -> memref<1024xi32, #tpu.memory_space<vmem>>
      %dma_start3A_641 = tpu.memref_slice %arg12[%add3A_303, %mul3A_292] : memref<16x8192xi32, #tpu.memory_space<vmem_shared>> -> memref<1x1024xi32, #tpu.memory_space<vmem_shared>>
      %dma_start3A_642 = tpu.memref_squeeze %dma_start3A_641 : memref<1x1024xi32, #tpu.memory_space<vmem_shared>> -> memref<1024xi32, #tpu.memory_space<vmem_shared>>
      %dma_start3A_643 = arith.constant 1024 : i32
      %dma_start3A_644 = tpu.memref_slice %arg8[%dma_start3A_643] : memref<8192xi32, #tpu.memory_space<vmem>> -> memref<1024xi32, #tpu.memory_space<vmem>>
      %dma_start3A_645 = tpu.memref_slice %arg12[%add3A_303, %mul3A_292] : memref<16x8192xi32, #tpu.memory_space<vmem_shared>> -> memref<1x1024xi32, #tpu.memory_space<vmem_shared>>
      %dma_start3A_646 = tpu.memref_squeeze %dma_start3A_645 : memref<1x1024xi32, #tpu.memory_space<vmem_shared>> -> memref<1024xi32, #tpu.memory_space<vmem_shared>>
      tpu.enqueue_dma source(%dma_start3A_646 : memref<1024xi32, #tpu.memory_space<vmem_shared>>) target(%dma_start3A_644 : memref<1024xi32, #tpu.memory_space<vmem>>) target_semaphore(%run_scoped3A : memref<!tpu.dma_semaphore, #tpu.memory_space<semaphore_mem>>)
      %dma_wait3A = arith.constant 1024 : i32
      %dma_wait3A_647 = tpu.memref_slice %arg8[%dma_wait3A] : memref<8192xi32, #tpu.memory_space<vmem>> -> memref<1024xi32, #tpu.memory_space<vmem>>
      %dma_wait3A_648 = tpu.memref_slice %arg12[%add3A_303, %mul3A_292] : memref<16x8192xi32, #tpu.memory_space<vmem_shared>> -> memref<1x1024xi32, #tpu.memory_space<vmem_shared>>
      %dma_wait3A_649 = tpu.memref_squeeze %dma_wait3A_648 : memref<1x1024xi32, #tpu.memory_space<vmem_shared>> -> memref<1024xi32, #tpu.memory_space<vmem_shared>>
      %dma_wait3A_650 = arith.constant 1024 : i32
      %dma_wait3A_651 = tpu.memref_slice %arg8[%dma_wait3A_650] : memref<8192xi32, #tpu.memory_space<vmem>> -> memref<1024xi32, #tpu.memory_space<vmem>>
      %dma_wait3A_652 = tpu.memref_slice %arg12[%add3A_303, %mul3A_292] : memref<16x8192xi32, #tpu.memory_space<vmem_shared>> -> memref<1x1024xi32, #tpu.memory_space<vmem_shared>>
      %dma_wait3A_653 = tpu.memref_squeeze %dma_wait3A_652 : memref<1x1024xi32, #tpu.memory_space<vmem_shared>> -> memref<1024xi32, #tpu.memory_space<vmem_shared>>
      tpu.wait_dma2 semaphore(%run_scoped3A : memref<!tpu.dma_semaphore, #tpu.memory_space<semaphore_mem>>) src(%dma_wait3A_653 : memref<1024xi32, #tpu.memory_space<vmem_shared>>) dst(%dma_wait3A_651 : memref<1024xi32, #tpu.memory_space<vmem>>)
      tpu.yield
    }) : () -> ()
    %scan3A_304 = arith.constant 0 : i32
    %scan3A_305 = arith.constant 0 : i32
    %scan3A_306 = arith.constant 64 : i32
    %scan3A_307 = arith.addi %scan3A_305, %scan3A_306 : i32
    %scan3A_308 = arith.constant 1 : i32
    %scan3A_309 = scf.for %scan3A_639 = %scan3A_305 to %scan3A_307 step %scan3A_308 iter_args(%scan3A_640 = %scan3A_304) -> (i32)  : i32 {
      %mul3A_641 = arith.constant 16 : i32
      %mul3A_642 = arith.muli %scan3A_639, %mul3A_641 : i32
      %mul3A_643 = arith.constant 16 : i32
      %mul3A_644 = arith.muli %scan3A_639, %mul3A_643 : i32
      %add3A_645 = arith.constant 1024 : i32
      %add3A_646 = arith.addi %add3A_645, %mul3A_644 : i32
      %get3A_647 = arith.index_cast %mul3A_642 : i32 to index
      %get3A_648 = tpu.vector_load %arg8[%get3A_647] {strides = array<i32>} : memref<8192xi32, #tpu.memory_space<vmem>>, vector<16xi32>,
      %get3A_649 = arith.index_cast %add3A_646 : i32 to index
      %get3A_650 = tpu.vector_load %arg8[%get3A_649] {strides = array<i32>} : memref<8192xi32, #tpu.memory_space<vmem>>, vector<16xi32>,
      %add3A_651 = arith.addi %get3A_648, %get3A_650 : vector<16xi32>
      %swap3A_652 = arith.index_cast %mul3A_642 : i32 to index
      %swap3A_653 = tpu.vector_load %arg8[%swap3A_652] {strides = array<i32>} : memref<8192xi32, #tpu.memory_space<vmem>>, vector<16xi32>,
      tpu.vector_store %arg8[%swap3A_652], %add3A_651 {strides = array<i32>} : memref<8192xi32, #tpu.memory_space<vmem>>, vector<16xi32>,
      %scan3A_654 = arith.constant 0 : i32
      scf.yield %scan3A_654 : i32
    }
    %scan3A_310 = arith.constant 64 : i32
    %mul3A_311 = arith.constant 8 : i32
    %mul3A_312 = arith.muli %select_n3A_40, %mul3A_311 : i32
    %add3A_313 = arith.constant 1 : i32
    %add3A_314 = arith.addi %mul3A_312, %add3A_313 : i32
    "tpu.region"() ({
      %run_scoped3A = tpu.sem_alloc : memref<!tpu.dma_semaphore, #tpu.memory_space<semaphore_mem>>
      %dma_start3A_639 = arith.constant 1024 : i32
      %dma_start3A_640 = tpu.memref_slice %arg8[%dma_start3A_639] : memref<8192xi32, #tpu.memory_space<vmem>> -> memref<1024xi32, #tpu.memory_space<vmem>>
      %dma_start3A_641 = tpu.memref_slice %arg12[%add3A_314, %mul3A_292] : memref<16x8192xi32, #tpu.memory_space<vmem_shared>> -> memref<1x1024xi32, #tpu.memory_space<vmem_shared>>
      %dma_start3A_642 = tpu.memref_squeeze %dma_start3A_641 : memref<1x1024xi32, #tpu.memory_space<vmem_shared>> -> memref<1024xi32, #tpu.memory_space<vmem_shared>>
      %dma_start3A_643 = arith.constant 1024 : i32
      %dma_start3A_644 = tpu.memref_slice %arg8[%dma_start3A_643] : memref<8192xi32, #tpu.memory_space<vmem>> -> memref<1024xi32, #tpu.memory_space<vmem>>
      %dma_start3A_645 = tpu.memref_slice %arg12[%add3A_314, %mul3A_292] : memref<16x8192xi32, #tpu.memory_space<vmem_shared>> -> memref<1x1024xi32, #tpu.memory_space<vmem_shared>>
      %dma_start3A_646 = tpu.memref_squeeze %dma_start3A_645 : memref<1x1024xi32, #tpu.memory_space<vmem_shared>> -> memref<1024xi32, #tpu.memory_space<vmem_shared>>
      tpu.enqueue_dma source(%dma_start3A_646 : memref<1024xi32, #tpu.memory_space<vmem_shared>>) target(%dma_start3A_644 : memref<1024xi32, #tpu.memory_space<vmem>>) target_semaphore(%run_scoped3A : memref<!tpu.dma_semaphore, #tpu.memory_space<semaphore_mem>>)
      %dma_wait3A = arith.constant 1024 : i32
      %dma_wait3A_647 = tpu.memref_slice %arg8[%dma_wait3A] : memref<8192xi32, #tpu.memory_space<vmem>> -> memref<1024xi32, #tpu.memory_space<vmem>>
      %dma_wait3A_648 = tpu.memref_slice %arg12[%add3A_314, %mul3A_292] : memref<16x8192xi32, #tpu.memory_space<vmem_shared>> -> memref<1x1024xi32, #tpu.memory_space<vmem_shared>>
      %dma_wait3A_649 = tpu.memref_squeeze %dma_wait3A_648 : memref<1x1024xi32, #tpu.memory_space<vmem_shared>> -> memref<1024xi32, #tpu.memory_space<vmem_shared>>
      %dma_wait3A_650 = arith.constant 1024 : i32
      %dma_wait3A_651 = tpu.memref_slice %arg8[%dma_wait3A_650] : memref<8192xi32, #tpu.memory_space<vmem>> -> memref<1024xi32, #tpu.memory_space<vmem>>
      %dma_wait3A_652 = tpu.memref_slice %arg12[%add3A_314, %mul3A_292] : memref<16x8192xi32, #tpu.memory_space<vmem_shared>> -> memref<1x1024xi32, #tpu.memory_space<vmem_shared>>
      %dma_wait3A_653 = tpu.memref_squeeze %dma_wait3A_652 : memref<1x1024xi32, #tpu.memory_space<vmem_shared>> -> memref<1024xi32, #tpu.memory_space<vmem_shared>>
      tpu.wait_dma2 semaphore(%run_scoped3A : memref<!tpu.dma_semaphore, #tpu.memory_space<semaphore_mem>>) src(%dma_wait3A_653 : memref<1024xi32, #tpu.memory_space<vmem_shared>>) dst(%dma_wait3A_651 : memref<1024xi32, #tpu.memory_space<vmem>>)
      tpu.yield
    }) : () -> ()
    %scan3A_315 = arith.constant 0 : i32
    %scan3A_316 = arith.constant 0 : i32
    %scan3A_317 = arith.constant 64 : i32
    %scan3A_318 = arith.addi %scan3A_316, %scan3A_317 : i32
    %scan3A_319 = arith.constant 1 : i32
    %scan3A_320 = scf.for %scan3A_639 = %scan3A_316 to %scan3A_318 step %scan3A_319 iter_args(%scan3A_640 = %scan3A_315) -> (i32)  : i32 {
      %mul3A_641 = arith.constant 16 : i32
      %mul3A_642 = arith.muli %scan3A_639, %mul3A_641 : i32
      %mul3A_643 = arith.constant 16 : i32
      %mul3A_644 = arith.muli %scan3A_639, %mul3A_643 : i32
      %add3A_645 = arith.constant 1024 : i32
      %add3A_646 = arith.addi %add3A_645, %mul3A_644 : i32
      %get3A_647 = arith.index_cast %mul3A_642 : i32 to index
      %get3A_648 = tpu.vector_load %arg8[%get3A_647] {strides = array<i32>} : memref<8192xi32, #tpu.memory_space<vmem>>, vector<16xi32>,
      %get3A_649 = arith.index_cast %add3A_646 : i32 to index
      %get3A_650 = tpu.vector_load %arg8[%get3A_649] {strides = array<i32>} : memref<8192xi32, #tpu.memory_space<vmem>>, vector<16xi32>,
      %add3A_651 = arith.addi %get3A_648, %get3A_650 : vector<16xi32>
      %swap3A_652 = arith.index_cast %mul3A_642 : i32 to index
      %swap3A_653 = tpu.vector_load %arg8[%swap3A_652] {strides = array<i32>} : memref<8192xi32, #tpu.memory_space<vmem>>, vector<16xi32>,
      tpu.vector_store %arg8[%swap3A_652], %add3A_651 {strides = array<i32>} : memref<8192xi32, #tpu.memory_space<vmem>>, vector<16xi32>,
      %scan3A_654 = arith.constant 0 : i32
      scf.yield %scan3A_654 : i32
    }
    %scan3A_321 = arith.constant 64 : i32
    %mul3A_322 = arith.constant 8 : i32
    %mul3A_323 = arith.muli %select_n3A_40, %mul3A_322 : i32
    %add3A_324 = arith.constant 2 : i32
    %add3A_325 = arith.addi %mul3A_323, %add3A_324 : i32
    "tpu.region"() ({
      %run_scoped3A = tpu.sem_alloc : memref<!tpu.dma_semaphore, #tpu.memory_space<semaphore_mem>>
      %dma_start3A_639 = arith.constant 1024 : i32
      %dma_start3A_640 = tpu.memref_slice %arg8[%dma_start3A_639] : memref<8192xi32, #tpu.memory_space<vmem>> -> memref<1024xi32, #tpu.memory_space<vmem>>
      %dma_start3A_641 = tpu.memref_slice %arg12[%add3A_325, %mul3A_292] : memref<16x8192xi32, #tpu.memory_space<vmem_shared>> -> memref<1x1024xi32, #tpu.memory_space<vmem_shared>>
      %dma_start3A_642 = tpu.memref_squeeze %dma_start3A_641 : memref<1x1024xi32, #tpu.memory_space<vmem_shared>> -> memref<1024xi32, #tpu.memory_space<vmem_shared>>
      %dma_start3A_643 = arith.constant 1024 : i32
      %dma_start3A_644 = tpu.memref_slice %arg8[%dma_start3A_643] : memref<8192xi32, #tpu.memory_space<vmem>> -> memref<1024xi32, #tpu.memory_space<vmem>>
      %dma_start3A_645 = tpu.memref_slice %arg12[%add3A_325, %mul3A_292] : memref<16x8192xi32, #tpu.memory_space<vmem_shared>> -> memref<1x1024xi32, #tpu.memory_space<vmem_shared>>
      %dma_start3A_646 = tpu.memref_squeeze %dma_start3A_645 : memref<1x1024xi32, #tpu.memory_space<vmem_shared>> -> memref<1024xi32, #tpu.memory_space<vmem_shared>>
      tpu.enqueue_dma source(%dma_start3A_646 : memref<1024xi32, #tpu.memory_space<vmem_shared>>) target(%dma_start3A_644 : memref<1024xi32, #tpu.memory_space<vmem>>) target_semaphore(%run_scoped3A : memref<!tpu.dma_semaphore, #tpu.memory_space<semaphore_mem>>)
      %dma_wait3A = arith.constant 1024 : i32
      %dma_wait3A_647 = tpu.memref_slice %arg8[%dma_wait3A] : memref<8192xi32, #tpu.memory_space<vmem>> -> memref<1024xi32, #tpu.memory_space<vmem>>
      %dma_wait3A_648 = tpu.memref_slice %arg12[%add3A_325, %mul3A_292] : memref<16x8192xi32, #tpu.memory_space<vmem_shared>> -> memref<1x1024xi32, #tpu.memory_space<vmem_shared>>
      %dma_wait3A_649 = tpu.memref_squeeze %dma_wait3A_648 : memref<1x1024xi32, #tpu.memory_space<vmem_shared>> -> memref<1024xi32, #tpu.memory_space<vmem_shared>>
      %dma_wait3A_650 = arith.constant 1024 : i32
      %dma_wait3A_651 = tpu.memref_slice %arg8[%dma_wait3A_650] : memref<8192xi32, #tpu.memory_space<vmem>> -> memref<1024xi32, #tpu.memory_space<vmem>>
      %dma_wait3A_652 = tpu.memref_slice %arg12[%add3A_325, %mul3A_292] : memref<16x8192xi32, #tpu.memory_space<vmem_shared>> -> memref<1x1024xi32, #tpu.memory_space<vmem_shared>>
      %dma_wait3A_653 = tpu.memref_squeeze %dma_wait3A_652 : memref<1x1024xi32, #tpu.memory_space<vmem_shared>> -> memref<1024xi32, #tpu.memory_space<vmem_shared>>
      tpu.wait_dma2 semaphore(%run_scoped3A : memref<!tpu.dma_semaphore, #tpu.memory_space<semaphore_mem>>) src(%dma_wait3A_653 : memref<1024xi32, #tpu.memory_space<vmem_shared>>) dst(%dma_wait3A_651 : memref<1024xi32, #tpu.memory_space<vmem>>)
      tpu.yield
    }) : () -> ()
    %scan3A_326 = arith.constant 0 : i32
    %scan3A_327 = arith.constant 0 : i32
    %scan3A_328 = arith.constant 64 : i32
    %scan3A_329 = arith.addi %scan3A_327, %scan3A_328 : i32
    %scan3A_330 = arith.constant 1 : i32
    %scan3A_331 = scf.for %scan3A_639 = %scan3A_327 to %scan3A_329 step %scan3A_330 iter_args(%scan3A_640 = %scan3A_326) -> (i32)  : i32 {
      %mul3A_641 = arith.constant 16 : i32
      %mul3A_642 = arith.muli %scan3A_639, %mul3A_641 : i32
      %mul3A_643 = arith.constant 16 : i32
      %mul3A_644 = arith.muli %scan3A_639, %mul3A_643 : i32
      %add3A_645 = arith.constant 1024 : i32
      %add3A_646 = arith.addi %add3A_645, %mul3A_644 : i32
      %get3A_647 = arith.index_cast %mul3A_642 : i32 to index
      %get3A_648 = tpu.vector_load %arg8[%get3A_647] {strides = array<i32>} : memref<8192xi32, #tpu.memory_space<vmem>>, vector<16xi32>,
      %get3A_649 = arith.index_cast %add3A_646 : i32 to index
      %get3A_650 = tpu.vector_load %arg8[%get3A_649] {strides = array<i32>} : memref<8192xi32, #tpu.memory_space<vmem>>, vector<16xi32>,
      %add3A_651 = arith.addi %get3A_648, %get3A_650 : vector<16xi32>
      %swap3A_652 = arith.index_cast %mul3A_642 : i32 to index
      %swap3A_653 = tpu.vector_load %arg8[%swap3A_652] {strides = array<i32>} : memref<8192xi32, #tpu.memory_space<vmem>>, vector<16xi32>,
      tpu.vector_store %arg8[%swap3A_652], %add3A_651 {strides = array<i32>} : memref<8192xi32, #tpu.memory_space<vmem>>, vector<16xi32>,
      %scan3A_654 = arith.constant 0 : i32
      scf.yield %scan3A_654 : i32
    }
    %scan3A_332 = arith.constant 64 : i32
    %mul3A_333 = arith.constant 8 : i32
    %mul3A_334 = arith.muli %select_n3A_40, %mul3A_333 : i32
    %add3A_335 = arith.constant 3 : i32
    %add3A_336 = arith.addi %mul3A_334, %add3A_335 : i32
    "tpu.region"() ({
      %run_scoped3A = tpu.sem_alloc : memref<!tpu.dma_semaphore, #tpu.memory_space<semaphore_mem>>
      %dma_start3A_639 = arith.constant 1024 : i32
      %dma_start3A_640 = tpu.memref_slice %arg8[%dma_start3A_639] : memref<8192xi32, #tpu.memory_space<vmem>> -> memref<1024xi32, #tpu.memory_space<vmem>>
      %dma_start3A_641 = tpu.memref_slice %arg12[%add3A_336, %mul3A_292] : memref<16x8192xi32, #tpu.memory_space<vmem_shared>> -> memref<1x1024xi32, #tpu.memory_space<vmem_shared>>
      %dma_start3A_642 = tpu.memref_squeeze %dma_start3A_641 : memref<1x1024xi32, #tpu.memory_space<vmem_shared>> -> memref<1024xi32, #tpu.memory_space<vmem_shared>>
      %dma_start3A_643 = arith.constant 1024 : i32
      %dma_start3A_644 = tpu.memref_slice %arg8[%dma_start3A_643] : memref<8192xi32, #tpu.memory_space<vmem>> -> memref<1024xi32, #tpu.memory_space<vmem>>
      %dma_start3A_645 = tpu.memref_slice %arg12[%add3A_336, %mul3A_292] : memref<16x8192xi32, #tpu.memory_space<vmem_shared>> -> memref<1x1024xi32, #tpu.memory_space<vmem_shared>>
      %dma_start3A_646 = tpu.memref_squeeze %dma_start3A_645 : memref<1x1024xi32, #tpu.memory_space<vmem_shared>> -> memref<1024xi32, #tpu.memory_space<vmem_shared>>
      tpu.enqueue_dma source(%dma_start3A_646 : memref<1024xi32, #tpu.memory_space<vmem_shared>>) target(%dma_start3A_644 : memref<1024xi32, #tpu.memory_space<vmem>>) target_semaphore(%run_scoped3A : memref<!tpu.dma_semaphore, #tpu.memory_space<semaphore_mem>>)
      %dma_wait3A = arith.constant 1024 : i32
      %dma_wait3A_647 = tpu.memref_slice %arg8[%dma_wait3A] : memref<8192xi32, #tpu.memory_space<vmem>> -> memref<1024xi32, #tpu.memory_space<vmem>>
      %dma_wait3A_648 = tpu.memref_slice %arg12[%add3A_336, %mul3A_292] : memref<16x8192xi32, #tpu.memory_space<vmem_shared>> -> memref<1x1024xi32, #tpu.memory_space<vmem_shared>>
      %dma_wait3A_649 = tpu.memref_squeeze %dma_wait3A_648 : memref<1x1024xi32, #tpu.memory_space<vmem_shared>> -> memref<1024xi32, #tpu.memory_space<vmem_shared>>
      %dma_wait3A_650 = arith.constant 1024 : i32
      %dma_wait3A_651 = tpu.memref_slice %arg8[%dma_wait3A_650] : memref<8192xi32, #tpu.memory_space<vmem>> -> memref<1024xi32, #tpu.memory_space<vmem>>
      %dma_wait3A_652 = tpu.memref_slice %arg12[%add3A_336, %mul3A_292] : memref<16x8192xi32, #tpu.memory_space<vmem_shared>> -> memref<1x1024xi32, #tpu.memory_space<vmem_shared>>
      %dma_wait3A_653 = tpu.memref_squeeze %dma_wait3A_652 : memref<1x1024xi32, #tpu.memory_space<vmem_shared>> -> memref<1024xi32, #tpu.memory_space<vmem_shared>>
      tpu.wait_dma2 semaphore(%run_scoped3A : memref<!tpu.dma_semaphore, #tpu.memory_space<semaphore_mem>>) src(%dma_wait3A_653 : memref<1024xi32, #tpu.memory_space<vmem_shared>>) dst(%dma_wait3A_651 : memref<1024xi32, #tpu.memory_space<vmem>>)
      tpu.yield
    }) : () -> ()
    %scan3A_337 = arith.constant 0 : i32
    %scan3A_338 = arith.constant 0 : i32
    %scan3A_339 = arith.constant 64 : i32
    %scan3A_340 = arith.addi %scan3A_338, %scan3A_339 : i32
    %scan3A_341 = arith.constant 1 : i32
    %scan3A_342 = scf.for %scan3A_639 = %scan3A_338 to %scan3A_340 step %scan3A_341 iter_args(%scan3A_640 = %scan3A_337) -> (i32)  : i32 {
      %mul3A_641 = arith.constant 16 : i32
      %mul3A_642 = arith.muli %scan3A_639, %mul3A_641 : i32
      %mul3A_643 = arith.constant 16 : i32
      %mul3A_644 = arith.muli %scan3A_639, %mul3A_643 : i32
      %add3A_645 = arith.constant 1024 : i32
      %add3A_646 = arith.addi %add3A_645, %mul3A_644 : i32
      %get3A_647 = arith.index_cast %mul3A_642 : i32 to index
      %get3A_648 = tpu.vector_load %arg8[%get3A_647] {strides = array<i32>} : memref<8192xi32, #tpu.memory_space<vmem>>, vector<16xi32>,
      %get3A_649 = arith.index_cast %add3A_646 : i32 to index
      %get3A_650 = tpu.vector_load %arg8[%get3A_649] {strides = array<i32>} : memref<8192xi32, #tpu.memory_space<vmem>>, vector<16xi32>,
      %add3A_651 = arith.addi %get3A_648, %get3A_650 : vector<16xi32>
      %swap3A_652 = arith.index_cast %mul3A_642 : i32 to index
      %swap3A_653 = tpu.vector_load %arg8[%swap3A_652] {strides = array<i32>} : memref<8192xi32, #tpu.memory_space<vmem>>, vector<16xi32>,
      tpu.vector_store %arg8[%swap3A_652], %add3A_651 {strides = array<i32>} : memref<8192xi32, #tpu.memory_space<vmem>>, vector<16xi32>,
      %scan3A_654 = arith.constant 0 : i32
      scf.yield %scan3A_654 : i32
    }
    %scan3A_343 = arith.constant 64 : i32
    %mul3A_344 = arith.constant 8 : i32
    %mul3A_345 = arith.muli %select_n3A_40, %mul3A_344 : i32
    %add3A_346 = arith.constant 4 : i32
    %add3A_347 = arith.addi %mul3A_345, %add3A_346 : i32
    "tpu.region"() ({
      %run_scoped3A = tpu.sem_alloc : memref<!tpu.dma_semaphore, #tpu.memory_space<semaphore_mem>>
      %dma_start3A_639 = arith.constant 1024 : i32
      %dma_start3A_640 = tpu.memref_slice %arg8[%dma_start3A_639] : memref<8192xi32, #tpu.memory_space<vmem>> -> memref<1024xi32, #tpu.memory_space<vmem>>
      %dma_start3A_641 = tpu.memref_slice %arg12[%add3A_347, %mul3A_292] : memref<16x8192xi32, #tpu.memory_space<vmem_shared>> -> memref<1x1024xi32, #tpu.memory_space<vmem_shared>>
      %dma_start3A_642 = tpu.memref_squeeze %dma_start3A_641 : memref<1x1024xi32, #tpu.memory_space<vmem_shared>> -> memref<1024xi32, #tpu.memory_space<vmem_shared>>
      %dma_start3A_643 = arith.constant 1024 : i32
      %dma_start3A_644 = tpu.memref_slice %arg8[%dma_start3A_643] : memref<8192xi32, #tpu.memory_space<vmem>> -> memref<1024xi32, #tpu.memory_space<vmem>>
      %dma_start3A_645 = tpu.memref_slice %arg12[%add3A_347, %mul3A_292] : memref<16x8192xi32, #tpu.memory_space<vmem_shared>> -> memref<1x1024xi32, #tpu.memory_space<vmem_shared>>
      %dma_start3A_646 = tpu.memref_squeeze %dma_start3A_645 : memref<1x1024xi32, #tpu.memory_space<vmem_shared>> -> memref<1024xi32, #tpu.memory_space<vmem_shared>>
      tpu.enqueue_dma source(%dma_start3A_646 : memref<1024xi32, #tpu.memory_space<vmem_shared>>) target(%dma_start3A_644 : memref<1024xi32, #tpu.memory_space<vmem>>) target_semaphore(%run_scoped3A : memref<!tpu.dma_semaphore, #tpu.memory_space<semaphore_mem>>)
      %dma_wait3A = arith.constant 1024 : i32
      %dma_wait3A_647 = tpu.memref_slice %arg8[%dma_wait3A] : memref<8192xi32, #tpu.memory_space<vmem>> -> memref<1024xi32, #tpu.memory_space<vmem>>
      %dma_wait3A_648 = tpu.memref_slice %arg12[%add3A_347, %mul3A_292] : memref<16x8192xi32, #tpu.memory_space<vmem_shared>> -> memref<1x1024xi32, #tpu.memory_space<vmem_shared>>
      %dma_wait3A_649 = tpu.memref_squeeze %dma_wait3A_648 : memref<1x1024xi32, #tpu.memory_space<vmem_shared>> -> memref<1024xi32, #tpu.memory_space<vmem_shared>>
      %dma_wait3A_650 = arith.constant 1024 : i32
      %dma_wait3A_651 = tpu.memref_slice %arg8[%dma_wait3A_650] : memref<8192xi32, #tpu.memory_space<vmem>> -> memref<1024xi32, #tpu.memory_space<vmem>>
      %dma_wait3A_652 = tpu.memref_slice %arg12[%add3A_347, %mul3A_292] : memref<16x8192xi32, #tpu.memory_space<vmem_shared>> -> memref<1x1024xi32, #tpu.memory_space<vmem_shared>>
      %dma_wait3A_653 = tpu.memref_squeeze %dma_wait3A_652 : memref<1x1024xi32, #tpu.memory_space<vmem_shared>> -> memref<1024xi32, #tpu.memory_space<vmem_shared>>
      tpu.wait_dma2 semaphore(%run_scoped3A : memref<!tpu.dma_semaphore, #tpu.memory_space<semaphore_mem>>) src(%dma_wait3A_653 : memref<1024xi32, #tpu.memory_space<vmem_shared>>) dst(%dma_wait3A_651 : memref<1024xi32, #tpu.memory_space<vmem>>)
      tpu.yield
    }) : () -> ()
    %scan3A_348 = arith.constant 0 : i32
    %scan3A_349 = arith.constant 0 : i32
    %scan3A_350 = arith.constant 64 : i32
    %scan3A_351 = arith.addi %scan3A_349, %scan3A_350 : i32
    %scan3A_352 = arith.constant 1 : i32
    %scan3A_353 = scf.for %scan3A_639 = %scan3A_349 to %scan3A_351 step %scan3A_352 iter_args(%scan3A_640 = %scan3A_348) -> (i32)  : i32 {
      %mul3A_641 = arith.constant 16 : i32
      %mul3A_642 = arith.muli %scan3A_639, %mul3A_641 : i32
      %mul3A_643 = arith.constant 16 : i32
      %mul3A_644 = arith.muli %scan3A_639, %mul3A_643 : i32
      %add3A_645 = arith.constant 1024 : i32
      %add3A_646 = arith.addi %add3A_645, %mul3A_644 : i32
      %get3A_647 = arith.index_cast %mul3A_642 : i32 to index
      %get3A_648 = tpu.vector_load %arg8[%get3A_647] {strides = array<i32>} : memref<8192xi32, #tpu.memory_space<vmem>>, vector<16xi32>,
      %get3A_649 = arith.index_cast %add3A_646 : i32 to index
      %get3A_650 = tpu.vector_load %arg8[%get3A_649] {strides = array<i32>} : memref<8192xi32, #tpu.memory_space<vmem>>, vector<16xi32>,
      %add3A_651 = arith.addi %get3A_648, %get3A_650 : vector<16xi32>
      %swap3A_652 = arith.index_cast %mul3A_642 : i32 to index
      %swap3A_653 = tpu.vector_load %arg8[%swap3A_652] {strides = array<i32>} : memref<8192xi32, #tpu.memory_space<vmem>>, vector<16xi32>,
      tpu.vector_store %arg8[%swap3A_652], %add3A_651 {strides = array<i32>} : memref<8192xi32, #tpu.memory_space<vmem>>, vector<16xi32>,
      %scan3A_654 = arith.constant 0 : i32
      scf.yield %scan3A_654 : i32
    }
    %scan3A_354 = arith.constant 64 : i32
    %mul3A_355 = arith.constant 8 : i32
    %mul3A_356 = arith.muli %select_n3A_40, %mul3A_355 : i32
    %add3A_357 = arith.constant 5 : i32
    %add3A_358 = arith.addi %mul3A_356, %add3A_357 : i32
    "tpu.region"() ({
      %run_scoped3A = tpu.sem_alloc : memref<!tpu.dma_semaphore, #tpu.memory_space<semaphore_mem>>
      %dma_start3A_639 = arith.constant 1024 : i32
      %dma_start3A_640 = tpu.memref_slice %arg8[%dma_start3A_639] : memref<8192xi32, #tpu.memory_space<vmem>> -> memref<1024xi32, #tpu.memory_space<vmem>>
      %dma_start3A_641 = tpu.memref_slice %arg12[%add3A_358, %mul3A_292] : memref<16x8192xi32, #tpu.memory_space<vmem_shared>> -> memref<1x1024xi32, #tpu.memory_space<vmem_shared>>
      %dma_start3A_642 = tpu.memref_squeeze %dma_start3A_641 : memref<1x1024xi32, #tpu.memory_space<vmem_shared>> -> memref<1024xi32, #tpu.memory_space<vmem_shared>>
      %dma_start3A_643 = arith.constant 1024 : i32
      %dma_start3A_644 = tpu.memref_slice %arg8[%dma_start3A_643] : memref<8192xi32, #tpu.memory_space<vmem>> -> memref<1024xi32, #tpu.memory_space<vmem>>
      %dma_start3A_645 = tpu.memref_slice %arg12[%add3A_358, %mul3A_292] : memref<16x8192xi32, #tpu.memory_space<vmem_shared>> -> memref<1x1024xi32, #tpu.memory_space<vmem_shared>>
      %dma_start3A_646 = tpu.memref_squeeze %dma_start3A_645 : memref<1x1024xi32, #tpu.memory_space<vmem_shared>> -> memref<1024xi32, #tpu.memory_space<vmem_shared>>
      tpu.enqueue_dma source(%dma_start3A_646 : memref<1024xi32, #tpu.memory_space<vmem_shared>>) target(%dma_start3A_644 : memref<1024xi32, #tpu.memory_space<vmem>>) target_semaphore(%run_scoped3A : memref<!tpu.dma_semaphore, #tpu.memory_space<semaphore_mem>>)
      %dma_wait3A = arith.constant 1024 : i32
      %dma_wait3A_647 = tpu.memref_slice %arg8[%dma_wait3A] : memref<8192xi32, #tpu.memory_space<vmem>> -> memref<1024xi32, #tpu.memory_space<vmem>>
      %dma_wait3A_648 = tpu.memref_slice %arg12[%add3A_358, %mul3A_292] : memref<16x8192xi32, #tpu.memory_space<vmem_shared>> -> memref<1x1024xi32, #tpu.memory_space<vmem_shared>>
      %dma_wait3A_649 = tpu.memref_squeeze %dma_wait3A_648 : memref<1x1024xi32, #tpu.memory_space<vmem_shared>> -> memref<1024xi32, #tpu.memory_space<vmem_shared>>
      %dma_wait3A_650 = arith.constant 1024 : i32
      %dma_wait3A_651 = tpu.memref_slice %arg8[%dma_wait3A_650] : memref<8192xi32, #tpu.memory_space<vmem>> -> memref<1024xi32, #tpu.memory_space<vmem>>
      %dma_wait3A_652 = tpu.memref_slice %arg12[%add3A_358, %mul3A_292] : memref<16x8192xi32, #tpu.memory_space<vmem_shared>> -> memref<1x1024xi32, #tpu.memory_space<vmem_shared>>
      %dma_wait3A_653 = tpu.memref_squeeze %dma_wait3A_652 : memref<1x1024xi32, #tpu.memory_space<vmem_shared>> -> memref<1024xi32, #tpu.memory_space<vmem_shared>>
      tpu.wait_dma2 semaphore(%run_scoped3A : memref<!tpu.dma_semaphore, #tpu.memory_space<semaphore_mem>>) src(%dma_wait3A_653 : memref<1024xi32, #tpu.memory_space<vmem_shared>>) dst(%dma_wait3A_651 : memref<1024xi32, #tpu.memory_space<vmem>>)
      tpu.yield
    }) : () -> ()
    %scan3A_359 = arith.constant 0 : i32
    %scan3A_360 = arith.constant 0 : i32
    %scan3A_361 = arith.constant 64 : i32
    %scan3A_362 = arith.addi %scan3A_360, %scan3A_361 : i32
    %scan3A_363 = arith.constant 1 : i32
    %scan3A_364 = scf.for %scan3A_639 = %scan3A_360 to %scan3A_362 step %scan3A_363 iter_args(%scan3A_640 = %scan3A_359) -> (i32)  : i32 {
      %mul3A_641 = arith.constant 16 : i32
      %mul3A_642 = arith.muli %scan3A_639, %mul3A_641 : i32
      %mul3A_643 = arith.constant 16 : i32
      %mul3A_644 = arith.muli %scan3A_639, %mul3A_643 : i32
      %add3A_645 = arith.constant 1024 : i32
      %add3A_646 = arith.addi %add3A_645, %mul3A_644 : i32
      %get3A_647 = arith.index_cast %mul3A_642 : i32 to index
      %get3A_648 = tpu.vector_load %arg8[%get3A_647] {strides = array<i32>} : memref<8192xi32, #tpu.memory_space<vmem>>, vector<16xi32>,
      %get3A_649 = arith.index_cast %add3A_646 : i32 to index
      %get3A_650 = tpu.vector_load %arg8[%get3A_649] {strides = array<i32>} : memref<8192xi32, #tpu.memory_space<vmem>>, vector<16xi32>,
      %add3A_651 = arith.addi %get3A_648, %get3A_650 : vector<16xi32>
      %swap3A_652 = arith.index_cast %mul3A_642 : i32 to index
      %swap3A_653 = tpu.vector_load %arg8[%swap3A_652] {strides = array<i32>} : memref<8192xi32, #tpu.memory_space<vmem>>, vector<16xi32>,
      tpu.vector_store %arg8[%swap3A_652], %add3A_651 {strides = array<i32>} : memref<8192xi32, #tpu.memory_space<vmem>>, vector<16xi32>,
      %scan3A_654 = arith.constant 0 : i32
      scf.yield %scan3A_654 : i32
    }
    %scan3A_365 = arith.constant 64 : i32
    %mul3A_366 = arith.constant 8 : i32
    %mul3A_367 = arith.muli %select_n3A_40, %mul3A_366 : i32
    %add3A_368 = arith.constant 6 : i32
    %add3A_369 = arith.addi %mul3A_367, %add3A_368 : i32
    "tpu.region"() ({
      %run_scoped3A = tpu.sem_alloc : memref<!tpu.dma_semaphore, #tpu.memory_space<semaphore_mem>>
      %dma_start3A_639 = arith.constant 1024 : i32
      %dma_start3A_640 = tpu.memref_slice %arg8[%dma_start3A_639] : memref<8192xi32, #tpu.memory_space<vmem>> -> memref<1024xi32, #tpu.memory_space<vmem>>
      %dma_start3A_641 = tpu.memref_slice %arg12[%add3A_369, %mul3A_292] : memref<16x8192xi32, #tpu.memory_space<vmem_shared>> -> memref<1x1024xi32, #tpu.memory_space<vmem_shared>>
      %dma_start3A_642 = tpu.memref_squeeze %dma_start3A_641 : memref<1x1024xi32, #tpu.memory_space<vmem_shared>> -> memref<1024xi32, #tpu.memory_space<vmem_shared>>
      %dma_start3A_643 = arith.constant 1024 : i32
      %dma_start3A_644 = tpu.memref_slice %arg8[%dma_start3A_643] : memref<8192xi32, #tpu.memory_space<vmem>> -> memref<1024xi32, #tpu.memory_space<vmem>>
      %dma_start3A_645 = tpu.memref_slice %arg12[%add3A_369, %mul3A_292] : memref<16x8192xi32, #tpu.memory_space<vmem_shared>> -> memref<1x1024xi32, #tpu.memory_space<vmem_shared>>
      %dma_start3A_646 = tpu.memref_squeeze %dma_start3A_645 : memref<1x1024xi32, #tpu.memory_space<vmem_shared>> -> memref<1024xi32, #tpu.memory_space<vmem_shared>>
      tpu.enqueue_dma source(%dma_start3A_646 : memref<1024xi32, #tpu.memory_space<vmem_shared>>) target(%dma_start3A_644 : memref<1024xi32, #tpu.memory_space<vmem>>) target_semaphore(%run_scoped3A : memref<!tpu.dma_semaphore, #tpu.memory_space<semaphore_mem>>)
      %dma_wait3A = arith.constant 1024 : i32
      %dma_wait3A_647 = tpu.memref_slice %arg8[%dma_wait3A] : memref<8192xi32, #tpu.memory_space<vmem>> -> memref<1024xi32, #tpu.memory_space<vmem>>
      %dma_wait3A_648 = tpu.memref_slice %arg12[%add3A_369, %mul3A_292] : memref<16x8192xi32, #tpu.memory_space<vmem_shared>> -> memref<1x1024xi32, #tpu.memory_space<vmem_shared>>
      %dma_wait3A_649 = tpu.memref_squeeze %dma_wait3A_648 : memref<1x1024xi32, #tpu.memory_space<vmem_shared>> -> memref<1024xi32, #tpu.memory_space<vmem_shared>>
      %dma_wait3A_650 = arith.constant 1024 : i32
      %dma_wait3A_651 = tpu.memref_slice %arg8[%dma_wait3A_650] : memref<8192xi32, #tpu.memory_space<vmem>> -> memref<1024xi32, #tpu.memory_space<vmem>>
      %dma_wait3A_652 = tpu.memref_slice %arg12[%add3A_369, %mul3A_292] : memref<16x8192xi32, #tpu.memory_space<vmem_shared>> -> memref<1x1024xi32, #tpu.memory_space<vmem_shared>>
      %dma_wait3A_653 = tpu.memref_squeeze %dma_wait3A_652 : memref<1x1024xi32, #tpu.memory_space<vmem_shared>> -> memref<1024xi32, #tpu.memory_space<vmem_shared>>
      tpu.wait_dma2 semaphore(%run_scoped3A : memref<!tpu.dma_semaphore, #tpu.memory_space<semaphore_mem>>) src(%dma_wait3A_653 : memref<1024xi32, #tpu.memory_space<vmem_shared>>) dst(%dma_wait3A_651 : memref<1024xi32, #tpu.memory_space<vmem>>)
      tpu.yield
    }) : () -> ()
    %scan3A_370 = arith.constant 0 : i32
    %scan3A_371 = arith.constant 0 : i32
    %scan3A_372 = arith.constant 64 : i32
    %scan3A_373 = arith.addi %scan3A_371, %scan3A_372 : i32
    %scan3A_374 = arith.constant 1 : i32
    %scan3A_375 = scf.for %scan3A_639 = %scan3A_371 to %scan3A_373 step %scan3A_374 iter_args(%scan3A_640 = %scan3A_370) -> (i32)  : i32 {
      %mul3A_641 = arith.constant 16 : i32
      %mul3A_642 = arith.muli %scan3A_639, %mul3A_641 : i32
      %mul3A_643 = arith.constant 16 : i32
      %mul3A_644 = arith.muli %scan3A_639, %mul3A_643 : i32
      %add3A_645 = arith.constant 1024 : i32
      %add3A_646 = arith.addi %add3A_645, %mul3A_644 : i32
      %get3A_647 = arith.index_cast %mul3A_642 : i32 to index
      %get3A_648 = tpu.vector_load %arg8[%get3A_647] {strides = array<i32>} : memref<8192xi32, #tpu.memory_space<vmem>>, vector<16xi32>,
      %get3A_649 = arith.index_cast %add3A_646 : i32 to index
      %get3A_650 = tpu.vector_load %arg8[%get3A_649] {strides = array<i32>} : memref<8192xi32, #tpu.memory_space<vmem>>, vector<16xi32>,
      %add3A_651 = arith.addi %get3A_648, %get3A_650 : vector<16xi32>
      %swap3A_652 = arith.index_cast %mul3A_642 : i32 to index
      %swap3A_653 = tpu.vector_load %arg8[%swap3A_652] {strides = array<i32>} : memref<8192xi32, #tpu.memory_space<vmem>>, vector<16xi32>,
      tpu.vector_store %arg8[%swap3A_652], %add3A_651 {strides = array<i32>} : memref<8192xi32, #tpu.memory_space<vmem>>, vector<16xi32>,
      %scan3A_654 = arith.constant 0 : i32
      scf.yield %scan3A_654 : i32
    }
    %scan3A_376 = arith.constant 64 : i32
    %mul3A_377 = arith.constant 8 : i32
    %mul3A_378 = arith.muli %select_n3A_40, %mul3A_377 : i32
    %add3A_379 = arith.constant 7 : i32
    %add3A_380 = arith.addi %mul3A_378, %add3A_379 : i32
    "tpu.region"() ({
      %run_scoped3A = tpu.sem_alloc : memref<!tpu.dma_semaphore, #tpu.memory_space<semaphore_mem>>
      %dma_start3A_639 = arith.constant 1024 : i32
      %dma_start3A_640 = tpu.memref_slice %arg8[%dma_start3A_639] : memref<8192xi32, #tpu.memory_space<vmem>> -> memref<1024xi32, #tpu.memory_space<vmem>>
      %dma_start3A_641 = tpu.memref_slice %arg12[%add3A_380, %mul3A_292] : memref<16x8192xi32, #tpu.memory_space<vmem_shared>> -> memref<1x1024xi32, #tpu.memory_space<vmem_shared>>
      %dma_start3A_642 = tpu.memref_squeeze %dma_start3A_641 : memref<1x1024xi32, #tpu.memory_space<vmem_shared>> -> memref<1024xi32, #tpu.memory_space<vmem_shared>>
      %dma_start3A_643 = arith.constant 1024 : i32
      %dma_start3A_644 = tpu.memref_slice %arg8[%dma_start3A_643] : memref<8192xi32, #tpu.memory_space<vmem>> -> memref<1024xi32, #tpu.memory_space<vmem>>
      %dma_start3A_645 = tpu.memref_slice %arg12[%add3A_380, %mul3A_292] : memref<16x8192xi32, #tpu.memory_space<vmem_shared>> -> memref<1x1024xi32, #tpu.memory_space<vmem_shared>>
      %dma_start3A_646 = tpu.memref_squeeze %dma_start3A_645 : memref<1x1024xi32, #tpu.memory_space<vmem_shared>> -> memref<1024xi32, #tpu.memory_space<vmem_shared>>
      tpu.enqueue_dma source(%dma_start3A_646 : memref<1024xi32, #tpu.memory_space<vmem_shared>>) target(%dma_start3A_644 : memref<1024xi32, #tpu.memory_space<vmem>>) target_semaphore(%run_scoped3A : memref<!tpu.dma_semaphore, #tpu.memory_space<semaphore_mem>>)
      %dma_wait3A = arith.constant 1024 : i32
      %dma_wait3A_647 = tpu.memref_slice %arg8[%dma_wait3A] : memref<8192xi32, #tpu.memory_space<vmem>> -> memref<1024xi32, #tpu.memory_space<vmem>>
      %dma_wait3A_648 = tpu.memref_slice %arg12[%add3A_380, %mul3A_292] : memref<16x8192xi32, #tpu.memory_space<vmem_shared>> -> memref<1x1024xi32, #tpu.memory_space<vmem_shared>>
      %dma_wait3A_649 = tpu.memref_squeeze %dma_wait3A_648 : memref<1x1024xi32, #tpu.memory_space<vmem_shared>> -> memref<1024xi32, #tpu.memory_space<vmem_shared>>
      %dma_wait3A_650 = arith.constant 1024 : i32
      %dma_wait3A_651 = tpu.memref_slice %arg8[%dma_wait3A_650] : memref<8192xi32, #tpu.memory_space<vmem>> -> memref<1024xi32, #tpu.memory_space<vmem>>
      %dma_wait3A_652 = tpu.memref_slice %arg12[%add3A_380, %mul3A_292] : memref<16x8192xi32, #tpu.memory_space<vmem_shared>> -> memref<1x1024xi32, #tpu.memory_space<vmem_shared>>
      %dma_wait3A_653 = tpu.memref_squeeze %dma_wait3A_652 : memref<1x1024xi32, #tpu.memory_space<vmem_shared>> -> memref<1024xi32, #tpu.memory_space<vmem_shared>>
      tpu.wait_dma2 semaphore(%run_scoped3A : memref<!tpu.dma_semaphore, #tpu.memory_space<semaphore_mem>>) src(%dma_wait3A_653 : memref<1024xi32, #tpu.memory_space<vmem_shared>>) dst(%dma_wait3A_651 : memref<1024xi32, #tpu.memory_space<vmem>>)
      tpu.yield
    }) : () -> ()
    %scan3A_381 = arith.constant 0 : i32
    %scan3A_382 = arith.constant 0 : i32
    %scan3A_383 = arith.constant 64 : i32
    %scan3A_384 = arith.addi %scan3A_382, %scan3A_383 : i32
    %scan3A_385 = arith.constant 1 : i32
    %scan3A_386 = scf.for %scan3A_639 = %scan3A_382 to %scan3A_384 step %scan3A_385 iter_args(%scan3A_640 = %scan3A_381) -> (i32)  : i32 {
      %mul3A_641 = arith.constant 16 : i32
      %mul3A_642 = arith.muli %scan3A_639, %mul3A_641 : i32
      %mul3A_643 = arith.constant 16 : i32
      %mul3A_644 = arith.muli %scan3A_639, %mul3A_643 : i32
      %add3A_645 = arith.constant 1024 : i32
      %add3A_646 = arith.addi %add3A_645, %mul3A_644 : i32
      %get3A_647 = arith.index_cast %mul3A_642 : i32 to index
      %get3A_648 = tpu.vector_load %arg8[%get3A_647] {strides = array<i32>} : memref<8192xi32, #tpu.memory_space<vmem>>, vector<16xi32>,
      %get3A_649 = arith.index_cast %add3A_646 : i32 to index
      %get3A_650 = tpu.vector_load %arg8[%get3A_649] {strides = array<i32>} : memref<8192xi32, #tpu.memory_space<vmem>>, vector<16xi32>,
      %add3A_651 = arith.addi %get3A_648, %get3A_650 : vector<16xi32>
      %swap3A_652 = arith.index_cast %mul3A_642 : i32 to index
      %swap3A_653 = tpu.vector_load %arg8[%swap3A_652] {strides = array<i32>} : memref<8192xi32, #tpu.memory_space<vmem>>, vector<16xi32>,
      tpu.vector_store %arg8[%swap3A_652], %add3A_651 {strides = array<i32>} : memref<8192xi32, #tpu.memory_space<vmem>>, vector<16xi32>,
      %scan3A_654 = arith.constant 0 : i32
      scf.yield %scan3A_654 : i32
    }
    %scan3A_387 = arith.constant 64 : i32
    "tpu.region"() ({
      %run_scoped3A = tpu.sem_alloc : memref<!tpu.dma_semaphore, #tpu.memory_space<semaphore_mem>>
      %dma_start3A_639 = arith.constant 0 : i32
      %dma_start3A_640 = tpu.memref_slice %arg8[%dma_start3A_639] : memref<8192xi32, #tpu.memory_space<vmem>> -> memref<1024xi32, #tpu.memory_space<vmem>>
      %dma_start3A_641 = tpu.memref_slice %arg13[%select_n3A_40, %mul3A_292] : memref<2x8192xi32, #tpu.memory_space<vmem_shared>> -> memref<1x1024xi32, #tpu.memory_space<vmem_shared>>
      %dma_start3A_642 = tpu.memref_squeeze %dma_start3A_641 : memref<1x1024xi32, #tpu.memory_space<vmem_shared>> -> memref<1024xi32, #tpu.memory_space<vmem_shared>>
      %dma_start3A_643 = tpu.memref_slice %arg13[%select_n3A_40, %mul3A_292] : memref<2x8192xi32, #tpu.memory_space<vmem_shared>> -> memref<1x1024xi32, #tpu.memory_space<vmem_shared>>
      %dma_start3A_644 = tpu.memref_squeeze %dma_start3A_643 : memref<1x1024xi32, #tpu.memory_space<vmem_shared>> -> memref<1024xi32, #tpu.memory_space<vmem_shared>>
      %dma_start3A_645 = arith.constant 0 : i32
      %dma_start3A_646 = tpu.memref_slice %arg8[%dma_start3A_645] : memref<8192xi32, #tpu.memory_space<vmem>> -> memref<1024xi32, #tpu.memory_space<vmem>>
      tpu.enqueue_dma source(%dma_start3A_646 : memref<1024xi32, #tpu.memory_space<vmem>>) target(%dma_start3A_644 : memref<1024xi32, #tpu.memory_space<vmem_shared>>) target_semaphore(%run_scoped3A : memref<!tpu.dma_semaphore, #tpu.memory_space<semaphore_mem>>)
      %dma_wait3A = arith.constant 0 : i32
      %dma_wait3A_647 = tpu.memref_slice %arg8[%dma_wait3A] : memref<8192xi32, #tpu.memory_space<vmem>> -> memref<1024xi32, #tpu.memory_space<vmem>>
      %dma_wait3A_648 = tpu.memref_slice %arg13[%select_n3A_40, %mul3A_292] : memref<2x8192xi32, #tpu.memory_space<vmem_shared>> -> memref<1x1024xi32, #tpu.memory_space<vmem_shared>>
      %dma_wait3A_649 = tpu.memref_squeeze %dma_wait3A_648 : memref<1x1024xi32, #tpu.memory_space<vmem_shared>> -> memref<1024xi32, #tpu.memory_space<vmem_shared>>
      %dma_wait3A_650 = tpu.memref_slice %arg13[%select_n3A_40, %mul3A_292] : memref<2x8192xi32, #tpu.memory_space<vmem_shared>> -> memref<1x1024xi32, #tpu.memory_space<vmem_shared>>
      %dma_wait3A_651 = tpu.memref_squeeze %dma_wait3A_650 : memref<1x1024xi32, #tpu.memory_space<vmem_shared>> -> memref<1024xi32, #tpu.memory_space<vmem_shared>>
      %dma_wait3A_652 = arith.constant 0 : i32
      %dma_wait3A_653 = tpu.memref_slice %arg8[%dma_wait3A_652] : memref<8192xi32, #tpu.memory_space<vmem>> -> memref<1024xi32, #tpu.memory_space<vmem>>
      tpu.wait_dma2 semaphore(%run_scoped3A : memref<!tpu.dma_semaphore, #tpu.memory_space<semaphore_mem>>) src(%dma_wait3A_653 : memref<1024xi32, #tpu.memory_space<vmem>>) dst(%dma_wait3A_651 : memref<1024xi32, #tpu.memory_space<vmem_shared>>)
      tpu.yield
    }) : () -> ()
    %barrier3A_388 = arith.constant 0 : index
    tpu.barrier barrier_id(%barrier3A_388)
    "tpu.region"() ({
      %run_scoped3A = tpu.sem_alloc : memref<!tpu.dma_semaphore, #tpu.memory_space<semaphore_mem>>
      %dma_start3A_639 = arith.constant 0 : i32
      %dma_start3A_640 = tpu.memref_slice %arg13[%select_n3A_40, %dma_start3A_639] : memref<2x8192xi32, #tpu.memory_space<vmem_shared>> -> memref<1x8192xi32, #tpu.memory_space<vmem_shared>>
      %dma_start3A_641 = tpu.memref_squeeze %dma_start3A_640 : memref<1x8192xi32, #tpu.memory_space<vmem_shared>> -> memref<8192xi32, #tpu.memory_space<vmem_shared>>
      %dma_start3A_642 = arith.constant 0 : i32
      %dma_start3A_643 = tpu.memref_slice %arg13[%select_n3A_40, %dma_start3A_642] : memref<2x8192xi32, #tpu.memory_space<vmem_shared>> -> memref<1x8192xi32, #tpu.memory_space<vmem_shared>>
      %dma_start3A_644 = tpu.memref_squeeze %dma_start3A_643 : memref<1x8192xi32, #tpu.memory_space<vmem_shared>> -> memref<8192xi32, #tpu.memory_space<vmem_shared>>
      tpu.enqueue_dma source(%dma_start3A_644 : memref<8192xi32, #tpu.memory_space<vmem_shared>>) target(%arg7 : memref<8192xi32, #tpu.memory_space<vmem>>) target_semaphore(%run_scoped3A : memref<!tpu.dma_semaphore, #tpu.memory_space<semaphore_mem>>)
      %dma_wait3A = arith.constant 0 : i32
      %dma_wait3A_645 = tpu.memref_slice %arg13[%select_n3A_40, %dma_wait3A] : memref<2x8192xi32, #tpu.memory_space<vmem_shared>> -> memref<1x8192xi32, #tpu.memory_space<vmem_shared>>
      %dma_wait3A_646 = tpu.memref_squeeze %dma_wait3A_645 : memref<1x8192xi32, #tpu.memory_space<vmem_shared>> -> memref<8192xi32, #tpu.memory_space<vmem_shared>>
      %dma_wait3A_647 = arith.constant 0 : i32
      %dma_wait3A_648 = tpu.memref_slice %arg13[%select_n3A_40, %dma_wait3A_647] : memref<2x8192xi32, #tpu.memory_space<vmem_shared>> -> memref<1x8192xi32, #tpu.memory_space<vmem_shared>>
      %dma_wait3A_649 = tpu.memref_squeeze %dma_wait3A_648 : memref<1x8192xi32, #tpu.memory_space<vmem_shared>> -> memref<8192xi32, #tpu.memory_space<vmem_shared>>
      tpu.wait_dma2 semaphore(%run_scoped3A : memref<!tpu.dma_semaphore, #tpu.memory_space<semaphore_mem>>) src(%dma_wait3A_649 : memref<8192xi32, #tpu.memory_space<vmem_shared>>) dst(%arg7 : memref<8192xi32, #tpu.memory_space<vmem>>)
      tpu.yield
    }) : () -> ()
    %scan3A_389 = arith.constant 0 : i32
    %scan3A_390 = arith.constant 0 : i32
    %scan3A_391 = arith.constant 0 : i32
    %scan3A_392 = arith.constant 0 : i32
    %scan3A_393 = arith.constant 128 : i32
    %scan3A_394 = arith.addi %scan3A_392, %scan3A_393 : i32
    %scan3A_395 = arith.constant 1 : i32
    %scan3A_396:3 = scf.for %scan3A_639 = %scan3A_392 to %scan3A_394 step %scan3A_395 iter_args(%scan3A_640 = %scan3A_389, %scan3A_641 = %scan3A_390, %scan3A_642 = %scan3A_391) -> (i32, i32, i32)  : i32 {
      %mul3A_643 = arith.constant 16 : i32
      %mul3A_644 = arith.muli %scan3A_639, %mul3A_643 : i32
      %add3A_645 = arith.constant 0 : i32
      %add3A_646 = arith.addi %add3A_645, %mul3A_644 : i32
      %get3A_647 = arith.index_cast %add3A_646 : i32 to index
      %get3A_648 = tpu.vector_load %arg7[%get3A_647] {strides = array<i32>} : memref<8192xi32, #tpu.memory_space<vmem>>, vector<16xi32>,
      %broadcast_in_dim3A_649 = arith.constant true
      %broadcast_in_dim3A_650 = vector.broadcast %broadcast_in_dim3A_649 : i1 to vector<16xi1>
      %masked_cumsum3A = tpu.scan <sum>, %get3A_648 masked %broadcast_in_dim3A_650 : vector<16xi32>, vector<16xi1> -> vector<16xi32>
      %add3A_651 = vector.broadcast %scan3A_640 : i32 to vector<16xi32>
      %add3A_652 = arith.addi %masked_cumsum3A, %add3A_651 : vector<16xi32>
      %le3A_653 = vector.broadcast %sub3A_198 : i32 to vector<16xi32>
      %le3A_654 = arith.cmpi sle, %add3A_652, %le3A_653 : vector<16xi32>
      %convert_element_type3A_655 = arith.extui %le3A_654 : vector<16xi1> to vector<16xi32>
      %reduce_sum3A = arith.constant true
      %reduce_sum3A_656 = vector.broadcast %reduce_sum3A : i1 to vector<16xi1>
      %reduce_sum3A_657 = tpu.scan <sum>, %convert_element_type3A_655 masked %reduce_sum3A_656 : vector<16xi32>, vector<16xi1> -> vector<16xi32>
      %reduce_sum3A_658 = vector.extract %reduce_sum3A_657[15] : i32 from vector<16xi32>
      %add3A_659 = arith.addi %scan3A_641, %reduce_sum3A_658 : i32
      %jit3A_660 = arith.constant 0 : i32
      %broadcast_in_dim3A_661 = vector.broadcast %jit3A_660 : i32 to vector<16xi32>
      %select_n3A_662 = arith.select %le3A_654, %add3A_652, %broadcast_in_dim3A_661 : vector<16xi1>, vector<16xi32>
      %reduce_max3A = arith.constant true
      %reduce_max3A_663 = vector.broadcast %reduce_max3A : i1 to vector<16xi1>
      %reduce_max3A_664 = arith.constant -2147483648 : i32
      %reduce_max3A_665 = vector.broadcast %reduce_max3A_664 : i32 to vector<16xi32>
      %reduce_max3A_666 = arith.xori %select_n3A_662, %reduce_max3A_665 : vector<16xi32>
      %reduce_max3A_667 = tpu.scan <max>, %reduce_max3A_666 masked %reduce_max3A_663 : vector<16xi32>, vector<16xi1> -> vector<16xi32>
      %reduce_max3A_668 = arith.xori %reduce_max3A_667, %reduce_max3A_665 : vector<16xi32>
      %reduce_max3A_669 = vector.extract %reduce_max3A_668[15] : i32 from vector<16xi32>
      %max3A = arith.maxsi %scan3A_642, %reduce_max3A_669 : i32
      %slice3A_670 = vector.extract_strided_slice %add3A_652 {offsets = [15], sizes = [1], strides = [1]} : vector<16xi32> to vector<1xi32>
      %squeeze3A_671 = vector.extract %slice3A_670[0] : i32 from vector<1xi32>
      scf.yield %squeeze3A_671, %add3A_659, %max3A : i32, i32, i32
    }
    %scan3A_397 = arith.constant 128 : i32
    %sub3A_398 = arith.subi %sub3A_198, %scan3A_396#2 : i32
    %shift_left3A = arith.constant 11 : i32
    %shift_left3A_399 = arith.shli %scan3A_195#1, %shift_left3A : i32
    %or3A_400 = arith.ori %shift_left3A_399, %scan3A_396#1 : i32
    %scan3A_401 = arith.constant 0 : i32
    %scan3A_402 = arith.constant 0 : i32
    %scan3A_403 = arith.constant 0 : i32
    %scan3A_404 = arith.constant 0 : i32
    %scan3A_405 = arith.constant 128 : i32
    %scan3A_406 = arith.addi %scan3A_404, %scan3A_405 : i32
    %scan3A_407 = arith.constant 1 : i32
    %scan3A_408:3 = scf.for %scan3A_639 = %scan3A_404 to %scan3A_406 step %scan3A_407 iter_args(%scan3A_640 = %scan3A_401, %scan3A_641 = %scan3A_402, %scan3A_642 = %scan3A_403) -> (i32, i32, i32)  : i32 {
      %mul3A_643 = arith.constant 16 : i32
      %mul3A_644 = arith.muli %scan3A_639, %mul3A_643 : i32
      %add3A_645 = arith.constant 2048 : i32
      %add3A_646 = arith.addi %add3A_645, %mul3A_644 : i32
      %get3A_647 = arith.index_cast %add3A_646 : i32 to index
      %get3A_648 = tpu.vector_load %arg7[%get3A_647] {strides = array<i32>} : memref<8192xi32, #tpu.memory_space<vmem>>, vector<16xi32>,
      %broadcast_in_dim3A_649 = arith.constant true
      %broadcast_in_dim3A_650 = vector.broadcast %broadcast_in_dim3A_649 : i1 to vector<16xi1>
      %masked_cumsum3A = tpu.scan <sum>, %get3A_648 masked %broadcast_in_dim3A_650 : vector<16xi32>, vector<16xi1> -> vector<16xi32>
      %add3A_651 = vector.broadcast %scan3A_640 : i32 to vector<16xi32>
      %add3A_652 = arith.addi %masked_cumsum3A, %add3A_651 : vector<16xi32>
      %le3A_653 = vector.broadcast %sub3A_210 : i32 to vector<16xi32>
      %le3A_654 = arith.cmpi sle, %add3A_652, %le3A_653 : vector<16xi32>
      %convert_element_type3A_655 = arith.extui %le3A_654 : vector<16xi1> to vector<16xi32>
      %reduce_sum3A = arith.constant true
      %reduce_sum3A_656 = vector.broadcast %reduce_sum3A : i1 to vector<16xi1>
      %reduce_sum3A_657 = tpu.scan <sum>, %convert_element_type3A_655 masked %reduce_sum3A_656 : vector<16xi32>, vector<16xi1> -> vector<16xi32>
      %reduce_sum3A_658 = vector.extract %reduce_sum3A_657[15] : i32 from vector<16xi32>
      %add3A_659 = arith.addi %scan3A_641, %reduce_sum3A_658 : i32
      %jit3A_660 = arith.constant 0 : i32
      %broadcast_in_dim3A_661 = vector.broadcast %jit3A_660 : i32 to vector<16xi32>
      %select_n3A_662 = arith.select %le3A_654, %add3A_652, %broadcast_in_dim3A_661 : vector<16xi1>, vector<16xi32>
      %reduce_max3A = arith.constant true
      %reduce_max3A_663 = vector.broadcast %reduce_max3A : i1 to vector<16xi1>
      %reduce_max3A_664 = arith.constant -2147483648 : i32
      %reduce_max3A_665 = vector.broadcast %reduce_max3A_664 : i32 to vector<16xi32>
      %reduce_max3A_666 = arith.xori %select_n3A_662, %reduce_max3A_665 : vector<16xi32>
      %reduce_max3A_667 = tpu.scan <max>, %reduce_max3A_666 masked %reduce_max3A_663 : vector<16xi32>, vector<16xi1> -> vector<16xi32>
      %reduce_max3A_668 = arith.xori %reduce_max3A_667, %reduce_max3A_665 : vector<16xi32>
      %reduce_max3A_669 = vector.extract %reduce_max3A_668[15] : i32 from vector<16xi32>
      %max3A = arith.maxsi %scan3A_642, %reduce_max3A_669 : i32
      %slice3A_670 = vector.extract_strided_slice %add3A_652 {offsets = [15], sizes = [1], strides = [1]} : vector<16xi32> to vector<1xi32>
      %squeeze3A_671 = vector.extract %slice3A_670[0] : i32 from vector<1xi32>
      scf.yield %squeeze3A_671, %add3A_659, %max3A : i32, i32, i32
    }
    %scan3A_409 = arith.constant 128 : i32
    %sub3A_410 = arith.subi %sub3A_210, %scan3A_408#2 : i32
    %shift_left3A_411 = arith.constant 11 : i32
    %shift_left3A_412 = arith.shli %scan3A_207#1, %shift_left3A_411 : i32
    %or3A_413 = arith.ori %shift_left3A_412, %scan3A_408#1 : i32
    %scan3A_414 = arith.constant 0 : i32
    %scan3A_415 = arith.constant 0 : i32
    %scan3A_416 = arith.constant 0 : i32
    %scan3A_417 = arith.constant 0 : i32
    %scan3A_418 = arith.constant 128 : i32
    %scan3A_419 = arith.addi %scan3A_417, %scan3A_418 : i32
    %scan3A_420 = arith.constant 1 : i32
    %scan3A_421:3 = scf.for %scan3A_639 = %scan3A_417 to %scan3A_419 step %scan3A_420 iter_args(%scan3A_640 = %scan3A_414, %scan3A_641 = %scan3A_415, %scan3A_642 = %scan3A_416) -> (i32, i32, i32)  : i32 {
      %mul3A_643 = arith.constant 16 : i32
      %mul3A_644 = arith.muli %scan3A_639, %mul3A_643 : i32
      %add3A_645 = arith.constant 4096 : i32
      %add3A_646 = arith.addi %add3A_645, %mul3A_644 : i32
      %get3A_647 = arith.index_cast %add3A_646 : i32 to index
      %get3A_648 = tpu.vector_load %arg7[%get3A_647] {strides = array<i32>} : memref<8192xi32, #tpu.memory_space<vmem>>, vector<16xi32>,
      %broadcast_in_dim3A_649 = arith.constant true
      %broadcast_in_dim3A_650 = vector.broadcast %broadcast_in_dim3A_649 : i1 to vector<16xi1>
      %masked_cumsum3A = tpu.scan <sum>, %get3A_648 masked %broadcast_in_dim3A_650 : vector<16xi32>, vector<16xi1> -> vector<16xi32>
      %add3A_651 = vector.broadcast %scan3A_640 : i32 to vector<16xi32>
      %add3A_652 = arith.addi %masked_cumsum3A, %add3A_651 : vector<16xi32>
      %le3A_653 = vector.broadcast %sub3A_222 : i32 to vector<16xi32>
      %le3A_654 = arith.cmpi sle, %add3A_652, %le3A_653 : vector<16xi32>
      %convert_element_type3A_655 = arith.extui %le3A_654 : vector<16xi1> to vector<16xi32>
      %reduce_sum3A = arith.constant true
      %reduce_sum3A_656 = vector.broadcast %reduce_sum3A : i1 to vector<16xi1>
      %reduce_sum3A_657 = tpu.scan <sum>, %convert_element_type3A_655 masked %reduce_sum3A_656 : vector<16xi32>, vector<16xi1> -> vector<16xi32>
      %reduce_sum3A_658 = vector.extract %reduce_sum3A_657[15] : i32 from vector<16xi32>
      %add3A_659 = arith.addi %scan3A_641, %reduce_sum3A_658 : i32
      %jit3A_660 = arith.constant 0 : i32
      %broadcast_in_dim3A_661 = vector.broadcast %jit3A_660 : i32 to vector<16xi32>
      %select_n3A_662 = arith.select %le3A_654, %add3A_652, %broadcast_in_dim3A_661 : vector<16xi1>, vector<16xi32>
      %reduce_max3A = arith.constant true
      %reduce_max3A_663 = vector.broadcast %reduce_max3A : i1 to vector<16xi1>
      %reduce_max3A_664 = arith.constant -2147483648 : i32
      %reduce_max3A_665 = vector.broadcast %reduce_max3A_664 : i32 to vector<16xi32>
      %reduce_max3A_666 = arith.xori %select_n3A_662, %reduce_max3A_665 : vector<16xi32>
      %reduce_max3A_667 = tpu.scan <max>, %reduce_max3A_666 masked %reduce_max3A_663 : vector<16xi32>, vector<16xi1> -> vector<16xi32>
      %reduce_max3A_668 = arith.xori %reduce_max3A_667, %reduce_max3A_665 : vector<16xi32>
      %reduce_max3A_669 = vector.extract %reduce_max3A_668[15] : i32 from vector<16xi32>
      %max3A = arith.maxsi %scan3A_642, %reduce_max3A_669 : i32
      %slice3A_670 = vector.extract_strided_slice %add3A_652 {offsets = [15], sizes = [1], strides = [1]} : vector<16xi32> to vector<1xi32>
      %squeeze3A_671 = vector.extract %slice3A_670[0] : i32 from vector<1xi32>
      scf.yield %squeeze3A_671, %add3A_659, %max3A : i32, i32, i32
    }
    %scan3A_422 = arith.constant 128 : i32
    %sub3A_423 = arith.subi %sub3A_222, %scan3A_421#2 : i32
    %shift_left3A_424 = arith.constant 11 : i32
    %shift_left3A_425 = arith.shli %scan3A_219#1, %shift_left3A_424 : i32
    %or3A_426 = arith.ori %shift_left3A_425, %scan3A_421#1 : i32
    %scan3A_427 = arith.constant 0 : i32
    %scan3A_428 = arith.constant 0 : i32
    %scan3A_429 = arith.constant 0 : i32
    %scan3A_430 = arith.constant 0 : i32
    %scan3A_431 = arith.constant 128 : i32
    %scan3A_432 = arith.addi %scan3A_430, %scan3A_431 : i32
    %scan3A_433 = arith.constant 1 : i32
    %scan3A_434:3 = scf.for %scan3A_639 = %scan3A_430 to %scan3A_432 step %scan3A_433 iter_args(%scan3A_640 = %scan3A_427, %scan3A_641 = %scan3A_428, %scan3A_642 = %scan3A_429) -> (i32, i32, i32)  : i32 {
      %mul3A_643 = arith.constant 16 : i32
      %mul3A_644 = arith.muli %scan3A_639, %mul3A_643 : i32
      %add3A_645 = arith.constant 6144 : i32
      %add3A_646 = arith.addi %add3A_645, %mul3A_644 : i32
      %get3A_647 = arith.index_cast %add3A_646 : i32 to index
      %get3A_648 = tpu.vector_load %arg7[%get3A_647] {strides = array<i32>} : memref<8192xi32, #tpu.memory_space<vmem>>, vector<16xi32>,
      %broadcast_in_dim3A_649 = arith.constant true
      %broadcast_in_dim3A_650 = vector.broadcast %broadcast_in_dim3A_649 : i1 to vector<16xi1>
      %masked_cumsum3A = tpu.scan <sum>, %get3A_648 masked %broadcast_in_dim3A_650 : vector<16xi32>, vector<16xi1> -> vector<16xi32>
      %add3A_651 = vector.broadcast %scan3A_640 : i32 to vector<16xi32>
      %add3A_652 = arith.addi %masked_cumsum3A, %add3A_651 : vector<16xi32>
      %le3A_653 = vector.broadcast %sub3A_234 : i32 to vector<16xi32>
      %le3A_654 = arith.cmpi sle, %add3A_652, %le3A_653 : vector<16xi32>
      %convert_element_type3A_655 = arith.extui %le3A_654 : vector<16xi1> to vector<16xi32>
      %reduce_sum3A = arith.constant true
      %reduce_sum3A_656 = vector.broadcast %reduce_sum3A : i1 to vector<16xi1>
      %reduce_sum3A_657 = tpu.scan <sum>, %convert_element_type3A_655 masked %reduce_sum3A_656 : vector<16xi32>, vector<16xi1> -> vector<16xi32>
      %reduce_sum3A_658 = vector.extract %reduce_sum3A_657[15] : i32 from vector<16xi32>
      %add3A_659 = arith.addi %scan3A_641, %reduce_sum3A_658 : i32
      %jit3A_660 = arith.constant 0 : i32
      %broadcast_in_dim3A_661 = vector.broadcast %jit3A_660 : i32 to vector<16xi32>
      %select_n3A_662 = arith.select %le3A_654, %add3A_652, %broadcast_in_dim3A_661 : vector<16xi1>, vector<16xi32>
      %reduce_max3A = arith.constant true
      %reduce_max3A_663 = vector.broadcast %reduce_max3A : i1 to vector<16xi1>
      %reduce_max3A_664 = arith.constant -2147483648 : i32
      %reduce_max3A_665 = vector.broadcast %reduce_max3A_664 : i32 to vector<16xi32>
      %reduce_max3A_666 = arith.xori %select_n3A_662, %reduce_max3A_665 : vector<16xi32>
      %reduce_max3A_667 = tpu.scan <max>, %reduce_max3A_666 masked %reduce_max3A_663 : vector<16xi32>, vector<16xi1> -> vector<16xi32>
      %reduce_max3A_668 = arith.xori %reduce_max3A_667, %reduce_max3A_665 : vector<16xi32>
      %reduce_max3A_669 = vector.extract %reduce_max3A_668[15] : i32 from vector<16xi32>
      %max3A = arith.maxsi %scan3A_642, %reduce_max3A_669 : i32
      %slice3A_670 = vector.extract_strided_slice %add3A_652 {offsets = [15], sizes = [1], strides = [1]} : vector<16xi32> to vector<1xi32>
      %squeeze3A_671 = vector.extract %slice3A_670[0] : i32 from vector<1xi32>
      scf.yield %squeeze3A_671, %add3A_659, %max3A : i32, i32, i32
    }
    %scan3A_435 = arith.constant 128 : i32
    %sub3A_436 = arith.subi %sub3A_234, %scan3A_434#2 : i32
    %shift_left3A_437 = arith.constant 11 : i32
    %shift_left3A_438 = arith.shli %scan3A_231#1, %shift_left3A_437 : i32
    %or3A_439 = arith.ori %shift_left3A_438, %scan3A_434#1 : i32
    %barrier3A_440 = arith.constant 0 : index
    tpu.barrier barrier_id(%barrier3A_440)
    %scan3A_441 = arith.constant 0 : i32
    %scan3A_442 = arith.constant 0 : i32
    %scan3A_443 = arith.constant 512 : i32
    %scan3A_444 = arith.addi %scan3A_442, %scan3A_443 : i32
    %scan3A_445 = arith.constant 1 : i32
    %scan3A_446 = scf.for %scan3A_639 = %scan3A_442 to %scan3A_444 step %scan3A_445 iter_args(%scan3A_640 = %scan3A_441) -> (i32)  : i32 {
      %mul3A_641 = arith.constant 16 : i32
      %mul3A_642 = arith.muli %scan3A_639, %mul3A_641 : i32
      %swap3A_643 = arith.index_cast %mul3A_642 : i32 to index
      %swap3A_644 = tpu.vector_load %arg6[%swap3A_643] {strides = array<i32>} : memref<8192xi32, #tpu.memory_space<vmem>>, vector<16xi32>,
      tpu.vector_store %arg6[%swap3A_643], %broadcast_in_dim3A_62 {strides = array<i32>} : memref<8192xi32, #tpu.memory_space<vmem>>, vector<16xi32>,
      %scan3A_645 = arith.constant 0 : i32
      scf.yield %scan3A_645 : i32
    }
    %scan3A_447 = arith.constant 512 : i32
    %broadcast_in_dim3A_448 = vector.broadcast %or3A_400 : i32 to vector<16xi32>
    %broadcast_in_dim3A_449 = vector.broadcast %or3A_413 : i32 to vector<16xi32>
    %broadcast_in_dim3A_450 = vector.broadcast %or3A_426 : i32 to vector<16xi32>
    %broadcast_in_dim3A_451 = vector.broadcast %or3A_439 : i32 to vector<16xi32>
    %iota3A_452 = tpu.iota {dimensions = array<i32: 0>} : vector<16xi32>
    %scan3A_453 = arith.constant 1023 : i32
    %scan3A_454 = arith.constant 0 : i32
    %scan3A_455 = arith.constant 0 : i32
    %scan3A_456 = arith.constant 4096 : i32
    %scan3A_457 = arith.addi %scan3A_455, %scan3A_456 : i32
    %scan3A_458 = arith.constant 2 : i32
    %scan3A_459 = scf.for %scan3A_639 = %scan3A_455 to %scan3A_457 step %scan3A_458 iter_args(%scan3A_640 = %scan3A_454) -> (i32)  : i32 {
      %mul3A_641 = arith.constant 16 : i32
      %mul3A_642 = arith.muli %scan3A_639, %mul3A_641 : i32
      %get3A_643 = arith.index_cast %mul3A_642 : i32 to index
      %get3A_644 = tpu.vector_load %arg10[%get3A_643] {strides = array<i32>} : memref<65536xi32, #tpu.memory_space<vmem>>, vector<16xi32>,
      %mul3A_645 = arith.constant 16 : i32
      %mul3A_646 = arith.muli %scan3A_639, %mul3A_645 : i32
      %add3A_647 = vector.broadcast %mul3A_646 : i32 to vector<16xi32>
      %add3A_648 = arith.addi %add3A_647, %iota3A_452 : vector<16xi32>
      %lt3A_649 = vector.broadcast %squeeze3A : i32 to vector<16xi32>
      %lt3A_650 = arith.cmpi slt, %add3A_648, %lt3A_649 : vector<16xi32>
      %shift_right_logical3A = arith.constant 10 : i32
      %shift_right_logical3A_651 = vector.broadcast %shift_right_logical3A : i32 to vector<16xi32>
      %shift_right_logical3A_652 = arith.shrui %get3A_644, %shift_right_logical3A_651 : vector<16xi32>
      %shift_right_logical3A_653 = arith.constant 0 : i32
      %shift_right_logical3A_654 = vector.broadcast %shift_right_logical3A_653 : i32 to vector<16xi32>
      %shift_right_logical3A_655 = arith.shrui %get3A_644, %shift_right_logical3A_654 : vector<16xi32>
      %and3A_656 = vector.broadcast %scan3A_453 : i32 to vector<16xi32>
      %and3A_657 = arith.andi %shift_right_logical3A_655, %and3A_656 : vector<16xi32>
      %add3A_658 = arith.constant 0 : i32
      %add3A_659 = vector.broadcast %add3A_658 : i32 to vector<16xi32>
      %add3A_660 = arith.addi %and3A_657, %add3A_659 : vector<16xi32>
      %eq3A_661 = arith.cmpi eq, %shift_right_logical3A_652, %broadcast_in_dim3A_448 : vector<16xi32>
      %and3A_662 = arith.andi %eq3A_661, %lt3A_650 : vector<16xi1>
      tpu.vector_store_idx %arg6[%add3A_660], %broadcast_in_dim3A_60 masked %and3A_662 {add = true} : memref<8192xi32, #tpu.memory_space<vmem>>[vector<16xi32>], vector<16xi32>, vector<16xi1>
      %add3A_663 = arith.constant 1024 : i32
      %add3A_664 = vector.broadcast %add3A_663 : i32 to vector<16xi32>
      %add3A_665 = arith.addi %and3A_657, %add3A_664 : vector<16xi32>
      %eq3A_666 = arith.cmpi eq, %shift_right_logical3A_652, %broadcast_in_dim3A_449 : vector<16xi32>
      %and3A_667 = arith.andi %eq3A_666, %lt3A_650 : vector<16xi1>
      tpu.vector_store_idx %arg6[%add3A_665], %broadcast_in_dim3A_60 masked %and3A_667 {add = true} : memref<8192xi32, #tpu.memory_space<vmem>>[vector<16xi32>], vector<16xi32>, vector<16xi1>
      %add3A_668 = arith.constant 2048 : i32
      %add3A_669 = vector.broadcast %add3A_668 : i32 to vector<16xi32>
      %add3A_670 = arith.addi %and3A_657, %add3A_669 : vector<16xi32>
      %eq3A_671 = arith.cmpi eq, %shift_right_logical3A_652, %broadcast_in_dim3A_450 : vector<16xi32>
      %and3A_672 = arith.andi %eq3A_671, %lt3A_650 : vector<16xi1>
      tpu.vector_store_idx %arg6[%add3A_670], %broadcast_in_dim3A_60 masked %and3A_672 {add = true} : memref<8192xi32, #tpu.memory_space<vmem>>[vector<16xi32>], vector<16xi32>, vector<16xi1>
      %add3A_673 = arith.constant 3072 : i32
      %add3A_674 = vector.broadcast %add3A_673 : i32 to vector<16xi32>
      %add3A_675 = arith.addi %and3A_657, %add3A_674 : vector<16xi32>
      %eq3A_676 = arith.cmpi eq, %shift_right_logical3A_652, %broadcast_in_dim3A_451 : vector<16xi32>
      %and3A_677 = arith.andi %eq3A_676, %lt3A_650 : vector<16xi1>
      tpu.vector_store_idx %arg6[%add3A_675], %broadcast_in_dim3A_60 masked %and3A_677 {add = true} : memref<8192xi32, #tpu.memory_space<vmem>>[vector<16xi32>], vector<16xi32>, vector<16xi1>
      %scan3A_678 = arith.constant 0 : i32
      %scan3A_679 = arith.constant 1 : i32
      %scan3A_680 = arith.addi %scan3A_639, %scan3A_679 : i32
      %mul3A_681 = arith.constant 16 : i32
      %mul3A_682 = arith.muli %scan3A_680, %mul3A_681 : i32
      %get3A_683 = arith.index_cast %mul3A_682 : i32 to index
      %get3A_684 = tpu.vector_load %arg10[%get3A_683] {strides = array<i32>} : memref<65536xi32, #tpu.memory_space<vmem>>, vector<16xi32>,
      %mul3A_685 = arith.constant 16 : i32
      %mul3A_686 = arith.muli %scan3A_680, %mul3A_685 : i32
      %add3A_687 = vector.broadcast %mul3A_686 : i32 to vector<16xi32>
      %add3A_688 = arith.addi %add3A_687, %iota3A_452 : vector<16xi32>
      %lt3A_689 = vector.broadcast %squeeze3A : i32 to vector<16xi32>
      %lt3A_690 = arith.cmpi slt, %add3A_688, %lt3A_689 : vector<16xi32>
      %shift_right_logical3A_691 = arith.constant 10 : i32
      %shift_right_logical3A_692 = vector.broadcast %shift_right_logical3A_691 : i32 to vector<16xi32>
      %shift_right_logical3A_693 = arith.shrui %get3A_684, %shift_right_logical3A_692 : vector<16xi32>
      %shift_right_logical3A_694 = arith.constant 0 : i32
      %shift_right_logical3A_695 = vector.broadcast %shift_right_logical3A_694 : i32 to vector<16xi32>
      %shift_right_logical3A_696 = arith.shrui %get3A_684, %shift_right_logical3A_695 : vector<16xi32>
      %and3A_697 = vector.broadcast %scan3A_453 : i32 to vector<16xi32>
      %and3A_698 = arith.andi %shift_right_logical3A_696, %and3A_697 : vector<16xi32>
      %add3A_699 = arith.constant 0 : i32
      %add3A_700 = vector.broadcast %add3A_699 : i32 to vector<16xi32>
      %add3A_701 = arith.addi %and3A_698, %add3A_700 : vector<16xi32>
      %eq3A_702 = arith.cmpi eq, %shift_right_logical3A_693, %broadcast_in_dim3A_448 : vector<16xi32>
      %and3A_703 = arith.andi %eq3A_702, %lt3A_690 : vector<16xi1>
      tpu.vector_store_idx %arg6[%add3A_701], %broadcast_in_dim3A_60 masked %and3A_703 {add = true} : memref<8192xi32, #tpu.memory_space<vmem>>[vector<16xi32>], vector<16xi32>, vector<16xi1>
      %add3A_704 = arith.constant 1024 : i32
      %add3A_705 = vector.broadcast %add3A_704 : i32 to vector<16xi32>
      %add3A_706 = arith.addi %and3A_698, %add3A_705 : vector<16xi32>
      %eq3A_707 = arith.cmpi eq, %shift_right_logical3A_693, %broadcast_in_dim3A_449 : vector<16xi32>
      %and3A_708 = arith.andi %eq3A_707, %lt3A_690 : vector<16xi1>
      tpu.vector_store_idx %arg6[%add3A_706], %broadcast_in_dim3A_60 masked %and3A_708 {add = true} : memref<8192xi32, #tpu.memory_space<vmem>>[vector<16xi32>], vector<16xi32>, vector<16xi1>
      %add3A_709 = arith.constant 2048 : i32
      %add3A_710 = vector.broadcast %add3A_709 : i32 to vector<16xi32>
      %add3A_711 = arith.addi %and3A_698, %add3A_710 : vector<16xi32>
      %eq3A_712 = arith.cmpi eq, %shift_right_logical3A_693, %broadcast_in_dim3A_450 : vector<16xi32>
      %and3A_713 = arith.andi %eq3A_712, %lt3A_690 : vector<16xi1>
      tpu.vector_store_idx %arg6[%add3A_711], %broadcast_in_dim3A_60 masked %and3A_713 {add = true} : memref<8192xi32, #tpu.memory_space<vmem>>[vector<16xi32>], vector<16xi32>, vector<16xi1>
      %add3A_714 = arith.constant 3072 : i32
      %add3A_715 = vector.broadcast %add3A_714 : i32 to vector<16xi32>
      %add3A_716 = arith.addi %and3A_698, %add3A_715 : vector<16xi32>
      %eq3A_717 = arith.cmpi eq, %shift_right_logical3A_693, %broadcast_in_dim3A_451 : vector<16xi32>
      %and3A_718 = arith.andi %eq3A_717, %lt3A_690 : vector<16xi1>
      tpu.vector_store_idx %arg6[%add3A_716], %broadcast_in_dim3A_60 masked %and3A_718 {add = true} : memref<8192xi32, #tpu.memory_space<vmem>>[vector<16xi32>], vector<16xi32>, vector<16xi1>
      %scan3A_719 = arith.constant 0 : i32
      scf.yield %scan3A_719 : i32
    }
    %scan3A_460 = arith.constant 4096 : i32
    "tpu.region"() ({
      %run_scoped3A = tpu.sem_alloc : memref<!tpu.dma_semaphore, #tpu.memory_space<semaphore_mem>>
      %dma_start3A_639 = arith.constant 0 : i32
      %dma_start3A_640 = tpu.memref_slice %arg12[%arg1, %dma_start3A_639] : memref<16x8192xi32, #tpu.memory_space<vmem_shared>> -> memref<1x8192xi32, #tpu.memory_space<vmem_shared>>
      %dma_start3A_641 = tpu.memref_squeeze %dma_start3A_640 : memref<1x8192xi32, #tpu.memory_space<vmem_shared>> -> memref<8192xi32, #tpu.memory_space<vmem_shared>>
      %dma_start3A_642 = arith.constant 0 : i32
      %dma_start3A_643 = tpu.memref_slice %arg12[%arg1, %dma_start3A_642] : memref<16x8192xi32, #tpu.memory_space<vmem_shared>> -> memref<1x8192xi32, #tpu.memory_space<vmem_shared>>
      %dma_start3A_644 = tpu.memref_squeeze %dma_start3A_643 : memref<1x8192xi32, #tpu.memory_space<vmem_shared>> -> memref<8192xi32, #tpu.memory_space<vmem_shared>>
      tpu.enqueue_dma source(%arg6 : memref<8192xi32, #tpu.memory_space<vmem>>) target(%dma_start3A_644 : memref<8192xi32, #tpu.memory_space<vmem_shared>>) target_semaphore(%run_scoped3A : memref<!tpu.dma_semaphore, #tpu.memory_space<semaphore_mem>>)
      %dma_wait3A = arith.constant 0 : i32
      %dma_wait3A_645 = tpu.memref_slice %arg12[%arg1, %dma_wait3A] : memref<16x8192xi32, #tpu.memory_space<vmem_shared>> -> memref<1x8192xi32, #tpu.memory_space<vmem_shared>>
      %dma_wait3A_646 = tpu.memref_squeeze %dma_wait3A_645 : memref<1x8192xi32, #tpu.memory_space<vmem_shared>> -> memref<8192xi32, #tpu.memory_space<vmem_shared>>
      %dma_wait3A_647 = arith.constant 0 : i32
      %dma_wait3A_648 = tpu.memref_slice %arg12[%arg1, %dma_wait3A_647] : memref<16x8192xi32, #tpu.memory_space<vmem_shared>> -> memref<1x8192xi32, #tpu.memory_space<vmem_shared>>
      %dma_wait3A_649 = tpu.memref_squeeze %dma_wait3A_648 : memref<1x8192xi32, #tpu.memory_space<vmem_shared>> -> memref<8192xi32, #tpu.memory_space<vmem_shared>>
      tpu.wait_dma2 semaphore(%run_scoped3A : memref<!tpu.dma_semaphore, #tpu.memory_space<semaphore_mem>>) src(%arg6 : memref<8192xi32, #tpu.memory_space<vmem>>) dst(%dma_wait3A_649 : memref<8192xi32, #tpu.memory_space<vmem_shared>>)
      tpu.yield
    }) : () -> ()
    %barrier3A_461 = arith.constant 0 : index
    tpu.barrier barrier_id(%barrier3A_461)
    %mul3A_462 = arith.constant 1024 : i32
    %mul3A_463 = arith.muli %select_n3A_54, %mul3A_462 : i32
    %scan3A_464 = arith.constant 0 : i32
    %scan3A_465 = arith.constant 0 : i32
    %scan3A_466 = arith.constant 64 : i32
    %scan3A_467 = arith.addi %scan3A_465, %scan3A_466 : i32
    %scan3A_468 = arith.constant 1 : i32
    %scan3A_469 = scf.for %scan3A_639 = %scan3A_465 to %scan3A_467 step %scan3A_468 iter_args(%scan3A_640 = %scan3A_464) -> (i32)  : i32 {
      %mul3A_641 = arith.constant 16 : i32
      %mul3A_642 = arith.muli %scan3A_639, %mul3A_641 : i32
      %swap3A_643 = arith.index_cast %mul3A_642 : i32 to index
      %swap3A_644 = tpu.vector_load %arg8[%swap3A_643] {strides = array<i32>} : memref<8192xi32, #tpu.memory_space<vmem>>, vector<16xi32>,
      tpu.vector_store %arg8[%swap3A_643], %broadcast_in_dim3A_62 {strides = array<i32>} : memref<8192xi32, #tpu.memory_space<vmem>>, vector<16xi32>,
      %scan3A_645 = arith.constant 0 : i32
      scf.yield %scan3A_645 : i32
    }
    %scan3A_470 = arith.constant 64 : i32
    %mul3A_471 = arith.constant 8 : i32
    %mul3A_472 = arith.muli %select_n3A_40, %mul3A_471 : i32
    %add3A_473 = arith.constant 0 : i32
    %add3A_474 = arith.addi %mul3A_472, %add3A_473 : i32
    "tpu.region"() ({
      %run_scoped3A = tpu.sem_alloc : memref<!tpu.dma_semaphore, #tpu.memory_space<semaphore_mem>>
      %dma_start3A_639 = arith.constant 1024 : i32
      %dma_start3A_640 = tpu.memref_slice %arg8[%dma_start3A_639] : memref<8192xi32, #tpu.memory_space<vmem>> -> memref<1024xi32, #tpu.memory_space<vmem>>
      %dma_start3A_641 = tpu.memref_slice %arg12[%add3A_474, %mul3A_463] : memref<16x8192xi32, #tpu.memory_space<vmem_shared>> -> memref<1x1024xi32, #tpu.memory_space<vmem_shared>>
      %dma_start3A_642 = tpu.memref_squeeze %dma_start3A_641 : memref<1x1024xi32, #tpu.memory_space<vmem_shared>> -> memref<1024xi32, #tpu.memory_space<vmem_shared>>
      %dma_start3A_643 = arith.constant 1024 : i32
      %dma_start3A_644 = tpu.memref_slice %arg8[%dma_start3A_643] : memref<8192xi32, #tpu.memory_space<vmem>> -> memref<1024xi32, #tpu.memory_space<vmem>>
      %dma_start3A_645 = tpu.memref_slice %arg12[%add3A_474, %mul3A_463] : memref<16x8192xi32, #tpu.memory_space<vmem_shared>> -> memref<1x1024xi32, #tpu.memory_space<vmem_shared>>
      %dma_start3A_646 = tpu.memref_squeeze %dma_start3A_645 : memref<1x1024xi32, #tpu.memory_space<vmem_shared>> -> memref<1024xi32, #tpu.memory_space<vmem_shared>>
      tpu.enqueue_dma source(%dma_start3A_646 : memref<1024xi32, #tpu.memory_space<vmem_shared>>) target(%dma_start3A_644 : memref<1024xi32, #tpu.memory_space<vmem>>) target_semaphore(%run_scoped3A : memref<!tpu.dma_semaphore, #tpu.memory_space<semaphore_mem>>)
      %dma_wait3A = arith.constant 1024 : i32
      %dma_wait3A_647 = tpu.memref_slice %arg8[%dma_wait3A] : memref<8192xi32, #tpu.memory_space<vmem>> -> memref<1024xi32, #tpu.memory_space<vmem>>
      %dma_wait3A_648 = tpu.memref_slice %arg12[%add3A_474, %mul3A_463] : memref<16x8192xi32, #tpu.memory_space<vmem_shared>> -> memref<1x1024xi32, #tpu.memory_space<vmem_shared>>
      %dma_wait3A_649 = tpu.memref_squeeze %dma_wait3A_648 : memref<1x1024xi32, #tpu.memory_space<vmem_shared>> -> memref<1024xi32, #tpu.memory_space<vmem_shared>>
      %dma_wait3A_650 = arith.constant 1024 : i32
      %dma_wait3A_651 = tpu.memref_slice %arg8[%dma_wait3A_650] : memref<8192xi32, #tpu.memory_space<vmem>> -> memref<1024xi32, #tpu.memory_space<vmem>>
      %dma_wait3A_652 = tpu.memref_slice %arg12[%add3A_474, %mul3A_463] : memref<16x8192xi32, #tpu.memory_space<vmem_shared>> -> memref<1x1024xi32, #tpu.memory_space<vmem_shared>>
      %dma_wait3A_653 = tpu.memref_squeeze %dma_wait3A_652 : memref<1x1024xi32, #tpu.memory_space<vmem_shared>> -> memref<1024xi32, #tpu.memory_space<vmem_shared>>
      tpu.wait_dma2 semaphore(%run_scoped3A : memref<!tpu.dma_semaphore, #tpu.memory_space<semaphore_mem>>) src(%dma_wait3A_653 : memref<1024xi32, #tpu.memory_space<vmem_shared>>) dst(%dma_wait3A_651 : memref<1024xi32, #tpu.memory_space<vmem>>)
      tpu.yield
    }) : () -> ()
    %scan3A_475 = arith.constant 0 : i32
    %scan3A_476 = arith.constant 0 : i32
    %scan3A_477 = arith.constant 64 : i32
    %scan3A_478 = arith.addi %scan3A_476, %scan3A_477 : i32
    %scan3A_479 = arith.constant 1 : i32
    %scan3A_480 = scf.for %scan3A_639 = %scan3A_476 to %scan3A_478 step %scan3A_479 iter_args(%scan3A_640 = %scan3A_475) -> (i32)  : i32 {
      %mul3A_641 = arith.constant 16 : i32
      %mul3A_642 = arith.muli %scan3A_639, %mul3A_641 : i32
      %mul3A_643 = arith.constant 16 : i32
      %mul3A_644 = arith.muli %scan3A_639, %mul3A_643 : i32
      %add3A_645 = arith.constant 1024 : i32
      %add3A_646 = arith.addi %add3A_645, %mul3A_644 : i32
      %get3A_647 = arith.index_cast %mul3A_642 : i32 to index
      %get3A_648 = tpu.vector_load %arg8[%get3A_647] {strides = array<i32>} : memref<8192xi32, #tpu.memory_space<vmem>>, vector<16xi32>,
      %get3A_649 = arith.index_cast %add3A_646 : i32 to index
      %get3A_650 = tpu.vector_load %arg8[%get3A_649] {strides = array<i32>} : memref<8192xi32, #tpu.memory_space<vmem>>, vector<16xi32>,
      %add3A_651 = arith.addi %get3A_648, %get3A_650 : vector<16xi32>
      %swap3A_652 = arith.index_cast %mul3A_642 : i32 to index
      %swap3A_653 = tpu.vector_load %arg8[%swap3A_652] {strides = array<i32>} : memref<8192xi32, #tpu.memory_space<vmem>>, vector<16xi32>,
      tpu.vector_store %arg8[%swap3A_652], %add3A_651 {strides = array<i32>} : memref<8192xi32, #tpu.memory_space<vmem>>, vector<16xi32>,
      %scan3A_654 = arith.constant 0 : i32
      scf.yield %scan3A_654 : i32
    }
    %scan3A_481 = arith.constant 64 : i32
    %mul3A_482 = arith.constant 8 : i32
    %mul3A_483 = arith.muli %select_n3A_40, %mul3A_482 : i32
    %add3A_484 = arith.constant 1 : i32
    %add3A_485 = arith.addi %mul3A_483, %add3A_484 : i32
    "tpu.region"() ({
      %run_scoped3A = tpu.sem_alloc : memref<!tpu.dma_semaphore, #tpu.memory_space<semaphore_mem>>
      %dma_start3A_639 = arith.constant 1024 : i32
      %dma_start3A_640 = tpu.memref_slice %arg8[%dma_start3A_639] : memref<8192xi32, #tpu.memory_space<vmem>> -> memref<1024xi32, #tpu.memory_space<vmem>>
      %dma_start3A_641 = tpu.memref_slice %arg12[%add3A_485, %mul3A_463] : memref<16x8192xi32, #tpu.memory_space<vmem_shared>> -> memref<1x1024xi32, #tpu.memory_space<vmem_shared>>
      %dma_start3A_642 = tpu.memref_squeeze %dma_start3A_641 : memref<1x1024xi32, #tpu.memory_space<vmem_shared>> -> memref<1024xi32, #tpu.memory_space<vmem_shared>>
      %dma_start3A_643 = arith.constant 1024 : i32
      %dma_start3A_644 = tpu.memref_slice %arg8[%dma_start3A_643] : memref<8192xi32, #tpu.memory_space<vmem>> -> memref<1024xi32, #tpu.memory_space<vmem>>
      %dma_start3A_645 = tpu.memref_slice %arg12[%add3A_485, %mul3A_463] : memref<16x8192xi32, #tpu.memory_space<vmem_shared>> -> memref<1x1024xi32, #tpu.memory_space<vmem_shared>>
      %dma_start3A_646 = tpu.memref_squeeze %dma_start3A_645 : memref<1x1024xi32, #tpu.memory_space<vmem_shared>> -> memref<1024xi32, #tpu.memory_space<vmem_shared>>
      tpu.enqueue_dma source(%dma_start3A_646 : memref<1024xi32, #tpu.memory_space<vmem_shared>>) target(%dma_start3A_644 : memref<1024xi32, #tpu.memory_space<vmem>>) target_semaphore(%run_scoped3A : memref<!tpu.dma_semaphore, #tpu.memory_space<semaphore_mem>>)
      %dma_wait3A = arith.constant 1024 : i32
      %dma_wait3A_647 = tpu.memref_slice %arg8[%dma_wait3A] : memref<8192xi32, #tpu.memory_space<vmem>> -> memref<1024xi32, #tpu.memory_space<vmem>>
      %dma_wait3A_648 = tpu.memref_slice %arg12[%add3A_485, %mul3A_463] : memref<16x8192xi32, #tpu.memory_space<vmem_shared>> -> memref<1x1024xi32, #tpu.memory_space<vmem_shared>>
      %dma_wait3A_649 = tpu.memref_squeeze %dma_wait3A_648 : memref<1x1024xi32, #tpu.memory_space<vmem_shared>> -> memref<1024xi32, #tpu.memory_space<vmem_shared>>
      %dma_wait3A_650 = arith.constant 1024 : i32
      %dma_wait3A_651 = tpu.memref_slice %arg8[%dma_wait3A_650] : memref<8192xi32, #tpu.memory_space<vmem>> -> memref<1024xi32, #tpu.memory_space<vmem>>
      %dma_wait3A_652 = tpu.memref_slice %arg12[%add3A_485, %mul3A_463] : memref<16x8192xi32, #tpu.memory_space<vmem_shared>> -> memref<1x1024xi32, #tpu.memory_space<vmem_shared>>
      %dma_wait3A_653 = tpu.memref_squeeze %dma_wait3A_652 : memref<1x1024xi32, #tpu.memory_space<vmem_shared>> -> memref<1024xi32, #tpu.memory_space<vmem_shared>>
      tpu.wait_dma2 semaphore(%run_scoped3A : memref<!tpu.dma_semaphore, #tpu.memory_space<semaphore_mem>>) src(%dma_wait3A_653 : memref<1024xi32, #tpu.memory_space<vmem_shared>>) dst(%dma_wait3A_651 : memref<1024xi32, #tpu.memory_space<vmem>>)
      tpu.yield
    }) : () -> ()
    %scan3A_486 = arith.constant 0 : i32
    %scan3A_487 = arith.constant 0 : i32
    %scan3A_488 = arith.constant 64 : i32
    %scan3A_489 = arith.addi %scan3A_487, %scan3A_488 : i32
    %scan3A_490 = arith.constant 1 : i32
    %scan3A_491 = scf.for %scan3A_639 = %scan3A_487 to %scan3A_489 step %scan3A_490 iter_args(%scan3A_640 = %scan3A_486) -> (i32)  : i32 {
      %mul3A_641 = arith.constant 16 : i32
      %mul3A_642 = arith.muli %scan3A_639, %mul3A_641 : i32
      %mul3A_643 = arith.constant 16 : i32
      %mul3A_644 = arith.muli %scan3A_639, %mul3A_643 : i32
      %add3A_645 = arith.constant 1024 : i32
      %add3A_646 = arith.addi %add3A_645, %mul3A_644 : i32
      %get3A_647 = arith.index_cast %mul3A_642 : i32 to index
      %get3A_648 = tpu.vector_load %arg8[%get3A_647] {strides = array<i32>} : memref<8192xi32, #tpu.memory_space<vmem>>, vector<16xi32>,
      %get3A_649 = arith.index_cast %add3A_646 : i32 to index
      %get3A_650 = tpu.vector_load %arg8[%get3A_649] {strides = array<i32>} : memref<8192xi32, #tpu.memory_space<vmem>>, vector<16xi32>,
      %add3A_651 = arith.addi %get3A_648, %get3A_650 : vector<16xi32>
      %swap3A_652 = arith.index_cast %mul3A_642 : i32 to index
      %swap3A_653 = tpu.vector_load %arg8[%swap3A_652] {strides = array<i32>} : memref<8192xi32, #tpu.memory_space<vmem>>, vector<16xi32>,
      tpu.vector_store %arg8[%swap3A_652], %add3A_651 {strides = array<i32>} : memref<8192xi32, #tpu.memory_space<vmem>>, vector<16xi32>,
      %scan3A_654 = arith.constant 0 : i32
      scf.yield %scan3A_654 : i32
    }
    %scan3A_492 = arith.constant 64 : i32
    %mul3A_493 = arith.constant 8 : i32
    %mul3A_494 = arith.muli %select_n3A_40, %mul3A_493 : i32
    %add3A_495 = arith.constant 2 : i32
    %add3A_496 = arith.addi %mul3A_494, %add3A_495 : i32
    "tpu.region"() ({
      %run_scoped3A = tpu.sem_alloc : memref<!tpu.dma_semaphore, #tpu.memory_space<semaphore_mem>>
      %dma_start3A_639 = arith.constant 1024 : i32
      %dma_start3A_640 = tpu.memref_slice %arg8[%dma_start3A_639] : memref<8192xi32, #tpu.memory_space<vmem>> -> memref<1024xi32, #tpu.memory_space<vmem>>
      %dma_start3A_641 = tpu.memref_slice %arg12[%add3A_496, %mul3A_463] : memref<16x8192xi32, #tpu.memory_space<vmem_shared>> -> memref<1x1024xi32, #tpu.memory_space<vmem_shared>>
      %dma_start3A_642 = tpu.memref_squeeze %dma_start3A_641 : memref<1x1024xi32, #tpu.memory_space<vmem_shared>> -> memref<1024xi32, #tpu.memory_space<vmem_shared>>
      %dma_start3A_643 = arith.constant 1024 : i32
      %dma_start3A_644 = tpu.memref_slice %arg8[%dma_start3A_643] : memref<8192xi32, #tpu.memory_space<vmem>> -> memref<1024xi32, #tpu.memory_space<vmem>>
      %dma_start3A_645 = tpu.memref_slice %arg12[%add3A_496, %mul3A_463] : memref<16x8192xi32, #tpu.memory_space<vmem_shared>> -> memref<1x1024xi32, #tpu.memory_space<vmem_shared>>
      %dma_start3A_646 = tpu.memref_squeeze %dma_start3A_645 : memref<1x1024xi32, #tpu.memory_space<vmem_shared>> -> memref<1024xi32, #tpu.memory_space<vmem_shared>>
      tpu.enqueue_dma source(%dma_start3A_646 : memref<1024xi32, #tpu.memory_space<vmem_shared>>) target(%dma_start3A_644 : memref<1024xi32, #tpu.memory_space<vmem>>) target_semaphore(%run_scoped3A : memref<!tpu.dma_semaphore, #tpu.memory_space<semaphore_mem>>)
      %dma_wait3A = arith.constant 1024 : i32
      %dma_wait3A_647 = tpu.memref_slice %arg8[%dma_wait3A] : memref<8192xi32, #tpu.memory_space<vmem>> -> memref<1024xi32, #tpu.memory_space<vmem>>
      %dma_wait3A_648 = tpu.memref_slice %arg12[%add3A_496, %mul3A_463] : memref<16x8192xi32, #tpu.memory_space<vmem_shared>> -> memref<1x1024xi32, #tpu.memory_space<vmem_shared>>
      %dma_wait3A_649 = tpu.memref_squeeze %dma_wait3A_648 : memref<1x1024xi32, #tpu.memory_space<vmem_shared>> -> memref<1024xi32, #tpu.memory_space<vmem_shared>>
      %dma_wait3A_650 = arith.constant 1024 : i32
      %dma_wait3A_651 = tpu.memref_slice %arg8[%dma_wait3A_650] : memref<8192xi32, #tpu.memory_space<vmem>> -> memref<1024xi32, #tpu.memory_space<vmem>>
      %dma_wait3A_652 = tpu.memref_slice %arg12[%add3A_496, %mul3A_463] : memref<16x8192xi32, #tpu.memory_space<vmem_shared>> -> memref<1x1024xi32, #tpu.memory_space<vmem_shared>>
      %dma_wait3A_653 = tpu.memref_squeeze %dma_wait3A_652 : memref<1x1024xi32, #tpu.memory_space<vmem_shared>> -> memref<1024xi32, #tpu.memory_space<vmem_shared>>
      tpu.wait_dma2 semaphore(%run_scoped3A : memref<!tpu.dma_semaphore, #tpu.memory_space<semaphore_mem>>) src(%dma_wait3A_653 : memref<1024xi32, #tpu.memory_space<vmem_shared>>) dst(%dma_wait3A_651 : memref<1024xi32, #tpu.memory_space<vmem>>)
      tpu.yield
    }) : () -> ()
    %scan3A_497 = arith.constant 0 : i32
    %scan3A_498 = arith.constant 0 : i32
    %scan3A_499 = arith.constant 64 : i32
    %scan3A_500 = arith.addi %scan3A_498, %scan3A_499 : i32
    %scan3A_501 = arith.constant 1 : i32
    %scan3A_502 = scf.for %scan3A_639 = %scan3A_498 to %scan3A_500 step %scan3A_501 iter_args(%scan3A_640 = %scan3A_497) -> (i32)  : i32 {
      %mul3A_641 = arith.constant 16 : i32
      %mul3A_642 = arith.muli %scan3A_639, %mul3A_641 : i32
      %mul3A_643 = arith.constant 16 : i32
      %mul3A_644 = arith.muli %scan3A_639, %mul3A_643 : i32
      %add3A_645 = arith.constant 1024 : i32
      %add3A_646 = arith.addi %add3A_645, %mul3A_644 : i32
      %get3A_647 = arith.index_cast %mul3A_642 : i32 to index
      %get3A_648 = tpu.vector_load %arg8[%get3A_647] {strides = array<i32>} : memref<8192xi32, #tpu.memory_space<vmem>>, vector<16xi32>,
      %get3A_649 = arith.index_cast %add3A_646 : i32 to index
      %get3A_650 = tpu.vector_load %arg8[%get3A_649] {strides = array<i32>} : memref<8192xi32, #tpu.memory_space<vmem>>, vector<16xi32>,
      %add3A_651 = arith.addi %get3A_648, %get3A_650 : vector<16xi32>
      %swap3A_652 = arith.index_cast %mul3A_642 : i32 to index
      %swap3A_653 = tpu.vector_load %arg8[%swap3A_652] {strides = array<i32>} : memref<8192xi32, #tpu.memory_space<vmem>>, vector<16xi32>,
      tpu.vector_store %arg8[%swap3A_652], %add3A_651 {strides = array<i32>} : memref<8192xi32, #tpu.memory_space<vmem>>, vector<16xi32>,
      %scan3A_654 = arith.constant 0 : i32
      scf.yield %scan3A_654 : i32
    }
    %scan3A_503 = arith.constant 64 : i32
    %mul3A_504 = arith.constant 8 : i32
    %mul3A_505 = arith.muli %select_n3A_40, %mul3A_504 : i32
    %add3A_506 = arith.constant 3 : i32
    %add3A_507 = arith.addi %mul3A_505, %add3A_506 : i32
    "tpu.region"() ({
      %run_scoped3A = tpu.sem_alloc : memref<!tpu.dma_semaphore, #tpu.memory_space<semaphore_mem>>
      %dma_start3A_639 = arith.constant 1024 : i32
      %dma_start3A_640 = tpu.memref_slice %arg8[%dma_start3A_639] : memref<8192xi32, #tpu.memory_space<vmem>> -> memref<1024xi32, #tpu.memory_space<vmem>>
      %dma_start3A_641 = tpu.memref_slice %arg12[%add3A_507, %mul3A_463] : memref<16x8192xi32, #tpu.memory_space<vmem_shared>> -> memref<1x1024xi32, #tpu.memory_space<vmem_shared>>
      %dma_start3A_642 = tpu.memref_squeeze %dma_start3A_641 : memref<1x1024xi32, #tpu.memory_space<vmem_shared>> -> memref<1024xi32, #tpu.memory_space<vmem_shared>>
      %dma_start3A_643 = arith.constant 1024 : i32
      %dma_start3A_644 = tpu.memref_slice %arg8[%dma_start3A_643] : memref<8192xi32, #tpu.memory_space<vmem>> -> memref<1024xi32, #tpu.memory_space<vmem>>
      %dma_start3A_645 = tpu.memref_slice %arg12[%add3A_507, %mul3A_463] : memref<16x8192xi32, #tpu.memory_space<vmem_shared>> -> memref<1x1024xi32, #tpu.memory_space<vmem_shared>>
      %dma_start3A_646 = tpu.memref_squeeze %dma_start3A_645 : memref<1x1024xi32, #tpu.memory_space<vmem_shared>> -> memref<1024xi32, #tpu.memory_space<vmem_shared>>
      tpu.enqueue_dma source(%dma_start3A_646 : memref<1024xi32, #tpu.memory_space<vmem_shared>>) target(%dma_start3A_644 : memref<1024xi32, #tpu.memory_space<vmem>>) target_semaphore(%run_scoped3A : memref<!tpu.dma_semaphore, #tpu.memory_space<semaphore_mem>>)
      %dma_wait3A = arith.constant 1024 : i32
      %dma_wait3A_647 = tpu.memref_slice %arg8[%dma_wait3A] : memref<8192xi32, #tpu.memory_space<vmem>> -> memref<1024xi32, #tpu.memory_space<vmem>>
      %dma_wait3A_648 = tpu.memref_slice %arg12[%add3A_507, %mul3A_463] : memref<16x8192xi32, #tpu.memory_space<vmem_shared>> -> memref<1x1024xi32, #tpu.memory_space<vmem_shared>>
      %dma_wait3A_649 = tpu.memref_squeeze %dma_wait3A_648 : memref<1x1024xi32, #tpu.memory_space<vmem_shared>> -> memref<1024xi32, #tpu.memory_space<vmem_shared>>
      %dma_wait3A_650 = arith.constant 1024 : i32
      %dma_wait3A_651 = tpu.memref_slice %arg8[%dma_wait3A_650] : memref<8192xi32, #tpu.memory_space<vmem>> -> memref<1024xi32, #tpu.memory_space<vmem>>
      %dma_wait3A_652 = tpu.memref_slice %arg12[%add3A_507, %mul3A_463] : memref<16x8192xi32, #tpu.memory_space<vmem_shared>> -> memref<1x1024xi32, #tpu.memory_space<vmem_shared>>
      %dma_wait3A_653 = tpu.memref_squeeze %dma_wait3A_652 : memref<1x1024xi32, #tpu.memory_space<vmem_shared>> -> memref<1024xi32, #tpu.memory_space<vmem_shared>>
      tpu.wait_dma2 semaphore(%run_scoped3A : memref<!tpu.dma_semaphore, #tpu.memory_space<semaphore_mem>>) src(%dma_wait3A_653 : memref<1024xi32, #tpu.memory_space<vmem_shared>>) dst(%dma_wait3A_651 : memref<1024xi32, #tpu.memory_space<vmem>>)
      tpu.yield
    }) : () -> ()
    %scan3A_508 = arith.constant 0 : i32
    %scan3A_509 = arith.constant 0 : i32
    %scan3A_510 = arith.constant 64 : i32
    %scan3A_511 = arith.addi %scan3A_509, %scan3A_510 : i32
    %scan3A_512 = arith.constant 1 : i32
    %scan3A_513 = scf.for %scan3A_639 = %scan3A_509 to %scan3A_511 step %scan3A_512 iter_args(%scan3A_640 = %scan3A_508) -> (i32)  : i32 {
      %mul3A_641 = arith.constant 16 : i32
      %mul3A_642 = arith.muli %scan3A_639, %mul3A_641 : i32
      %mul3A_643 = arith.constant 16 : i32
      %mul3A_644 = arith.muli %scan3A_639, %mul3A_643 : i32
      %add3A_645 = arith.constant 1024 : i32
      %add3A_646 = arith.addi %add3A_645, %mul3A_644 : i32
      %get3A_647 = arith.index_cast %mul3A_642 : i32 to index
      %get3A_648 = tpu.vector_load %arg8[%get3A_647] {strides = array<i32>} : memref<8192xi32, #tpu.memory_space<vmem>>, vector<16xi32>,
      %get3A_649 = arith.index_cast %add3A_646 : i32 to index
      %get3A_650 = tpu.vector_load %arg8[%get3A_649] {strides = array<i32>} : memref<8192xi32, #tpu.memory_space<vmem>>, vector<16xi32>,
      %add3A_651 = arith.addi %get3A_648, %get3A_650 : vector<16xi32>
      %swap3A_652 = arith.index_cast %mul3A_642 : i32 to index
      %swap3A_653 = tpu.vector_load %arg8[%swap3A_652] {strides = array<i32>} : memref<8192xi32, #tpu.memory_space<vmem>>, vector<16xi32>,
      tpu.vector_store %arg8[%swap3A_652], %add3A_651 {strides = array<i32>} : memref<8192xi32, #tpu.memory_space<vmem>>, vector<16xi32>,
      %scan3A_654 = arith.constant 0 : i32
      scf.yield %scan3A_654 : i32
    }
    %scan3A_514 = arith.constant 64 : i32
    %mul3A_515 = arith.constant 8 : i32
    %mul3A_516 = arith.muli %select_n3A_40, %mul3A_515 : i32
    %add3A_517 = arith.constant 4 : i32
    %add3A_518 = arith.addi %mul3A_516, %add3A_517 : i32
    "tpu.region"() ({
      %run_scoped3A = tpu.sem_alloc : memref<!tpu.dma_semaphore, #tpu.memory_space<semaphore_mem>>
      %dma_start3A_639 = arith.constant 1024 : i32
      %dma_start3A_640 = tpu.memref_slice %arg8[%dma_start3A_639] : memref<8192xi32, #tpu.memory_space<vmem>> -> memref<1024xi32, #tpu.memory_space<vmem>>
      %dma_start3A_641 = tpu.memref_slice %arg12[%add3A_518, %mul3A_463] : memref<16x8192xi32, #tpu.memory_space<vmem_shared>> -> memref<1x1024xi32, #tpu.memory_space<vmem_shared>>
      %dma_start3A_642 = tpu.memref_squeeze %dma_start3A_641 : memref<1x1024xi32, #tpu.memory_space<vmem_shared>> -> memref<1024xi32, #tpu.memory_space<vmem_shared>>
      %dma_start3A_643 = arith.constant 1024 : i32
      %dma_start3A_644 = tpu.memref_slice %arg8[%dma_start3A_643] : memref<8192xi32, #tpu.memory_space<vmem>> -> memref<1024xi32, #tpu.memory_space<vmem>>
      %dma_start3A_645 = tpu.memref_slice %arg12[%add3A_518, %mul3A_463] : memref<16x8192xi32, #tpu.memory_space<vmem_shared>> -> memref<1x1024xi32, #tpu.memory_space<vmem_shared>>
      %dma_start3A_646 = tpu.memref_squeeze %dma_start3A_645 : memref<1x1024xi32, #tpu.memory_space<vmem_shared>> -> memref<1024xi32, #tpu.memory_space<vmem_shared>>
      tpu.enqueue_dma source(%dma_start3A_646 : memref<1024xi32, #tpu.memory_space<vmem_shared>>) target(%dma_start3A_644 : memref<1024xi32, #tpu.memory_space<vmem>>) target_semaphore(%run_scoped3A : memref<!tpu.dma_semaphore, #tpu.memory_space<semaphore_mem>>)
      %dma_wait3A = arith.constant 1024 : i32
      %dma_wait3A_647 = tpu.memref_slice %arg8[%dma_wait3A] : memref<8192xi32, #tpu.memory_space<vmem>> -> memref<1024xi32, #tpu.memory_space<vmem>>
      %dma_wait3A_648 = tpu.memref_slice %arg12[%add3A_518, %mul3A_463] : memref<16x8192xi32, #tpu.memory_space<vmem_shared>> -> memref<1x1024xi32, #tpu.memory_space<vmem_shared>>
      %dma_wait3A_649 = tpu.memref_squeeze %dma_wait3A_648 : memref<1x1024xi32, #tpu.memory_space<vmem_shared>> -> memref<1024xi32, #tpu.memory_space<vmem_shared>>
      %dma_wait3A_650 = arith.constant 1024 : i32
      %dma_wait3A_651 = tpu.memref_slice %arg8[%dma_wait3A_650] : memref<8192xi32, #tpu.memory_space<vmem>> -> memref<1024xi32, #tpu.memory_space<vmem>>
      %dma_wait3A_652 = tpu.memref_slice %arg12[%add3A_518, %mul3A_463] : memref<16x8192xi32, #tpu.memory_space<vmem_shared>> -> memref<1x1024xi32, #tpu.memory_space<vmem_shared>>
      %dma_wait3A_653 = tpu.memref_squeeze %dma_wait3A_652 : memref<1x1024xi32, #tpu.memory_space<vmem_shared>> -> memref<1024xi32, #tpu.memory_space<vmem_shared>>
      tpu.wait_dma2 semaphore(%run_scoped3A : memref<!tpu.dma_semaphore, #tpu.memory_space<semaphore_mem>>) src(%dma_wait3A_653 : memref<1024xi32, #tpu.memory_space<vmem_shared>>) dst(%dma_wait3A_651 : memref<1024xi32, #tpu.memory_space<vmem>>)
      tpu.yield
    }) : () -> ()
    %scan3A_519 = arith.constant 0 : i32
    %scan3A_520 = arith.constant 0 : i32
    %scan3A_521 = arith.constant 64 : i32
    %scan3A_522 = arith.addi %scan3A_520, %scan3A_521 : i32
    %scan3A_523 = arith.constant 1 : i32
    %scan3A_524 = scf.for %scan3A_639 = %scan3A_520 to %scan3A_522 step %scan3A_523 iter_args(%scan3A_640 = %scan3A_519) -> (i32)  : i32 {
      %mul3A_641 = arith.constant 16 : i32
      %mul3A_642 = arith.muli %scan3A_639, %mul3A_641 : i32
      %mul3A_643 = arith.constant 16 : i32
      %mul3A_644 = arith.muli %scan3A_639, %mul3A_643 : i32
      %add3A_645 = arith.constant 1024 : i32
      %add3A_646 = arith.addi %add3A_645, %mul3A_644 : i32
      %get3A_647 = arith.index_cast %mul3A_642 : i32 to index
      %get3A_648 = tpu.vector_load %arg8[%get3A_647] {strides = array<i32>} : memref<8192xi32, #tpu.memory_space<vmem>>, vector<16xi32>,
      %get3A_649 = arith.index_cast %add3A_646 : i32 to index
      %get3A_650 = tpu.vector_load %arg8[%get3A_649] {strides = array<i32>} : memref<8192xi32, #tpu.memory_space<vmem>>, vector<16xi32>,
      %add3A_651 = arith.addi %get3A_648, %get3A_650 : vector<16xi32>
      %swap3A_652 = arith.index_cast %mul3A_642 : i32 to index
      %swap3A_653 = tpu.vector_load %arg8[%swap3A_652] {strides = array<i32>} : memref<8192xi32, #tpu.memory_space<vmem>>, vector<16xi32>,
      tpu.vector_store %arg8[%swap3A_652], %add3A_651 {strides = array<i32>} : memref<8192xi32, #tpu.memory_space<vmem>>, vector<16xi32>,
      %scan3A_654 = arith.constant 0 : i32
      scf.yield %scan3A_654 : i32
    }
    %scan3A_525 = arith.constant 64 : i32
    %mul3A_526 = arith.constant 8 : i32
    %mul3A_527 = arith.muli %select_n3A_40, %mul3A_526 : i32
    %add3A_528 = arith.constant 5 : i32
    %add3A_529 = arith.addi %mul3A_527, %add3A_528 : i32
    "tpu.region"() ({
      %run_scoped3A = tpu.sem_alloc : memref<!tpu.dma_semaphore, #tpu.memory_space<semaphore_mem>>
      %dma_start3A_639 = arith.constant 1024 : i32
      %dma_start3A_640 = tpu.memref_slice %arg8[%dma_start3A_639] : memref<8192xi32, #tpu.memory_space<vmem>> -> memref<1024xi32, #tpu.memory_space<vmem>>
      %dma_start3A_641 = tpu.memref_slice %arg12[%add3A_529, %mul3A_463] : memref<16x8192xi32, #tpu.memory_space<vmem_shared>> -> memref<1x1024xi32, #tpu.memory_space<vmem_shared>>
      %dma_start3A_642 = tpu.memref_squeeze %dma_start3A_641 : memref<1x1024xi32, #tpu.memory_space<vmem_shared>> -> memref<1024xi32, #tpu.memory_space<vmem_shared>>
      %dma_start3A_643 = arith.constant 1024 : i32
      %dma_start3A_644 = tpu.memref_slice %arg8[%dma_start3A_643] : memref<8192xi32, #tpu.memory_space<vmem>> -> memref<1024xi32, #tpu.memory_space<vmem>>
      %dma_start3A_645 = tpu.memref_slice %arg12[%add3A_529, %mul3A_463] : memref<16x8192xi32, #tpu.memory_space<vmem_shared>> -> memref<1x1024xi32, #tpu.memory_space<vmem_shared>>
      %dma_start3A_646 = tpu.memref_squeeze %dma_start3A_645 : memref<1x1024xi32, #tpu.memory_space<vmem_shared>> -> memref<1024xi32, #tpu.memory_space<vmem_shared>>
      tpu.enqueue_dma source(%dma_start3A_646 : memref<1024xi32, #tpu.memory_space<vmem_shared>>) target(%dma_start3A_644 : memref<1024xi32, #tpu.memory_space<vmem>>) target_semaphore(%run_scoped3A : memref<!tpu.dma_semaphore, #tpu.memory_space<semaphore_mem>>)
      %dma_wait3A = arith.constant 1024 : i32
      %dma_wait3A_647 = tpu.memref_slice %arg8[%dma_wait3A] : memref<8192xi32, #tpu.memory_space<vmem>> -> memref<1024xi32, #tpu.memory_space<vmem>>
      %dma_wait3A_648 = tpu.memref_slice %arg12[%add3A_529, %mul3A_463] : memref<16x8192xi32, #tpu.memory_space<vmem_shared>> -> memref<1x1024xi32, #tpu.memory_space<vmem_shared>>
      %dma_wait3A_649 = tpu.memref_squeeze %dma_wait3A_648 : memref<1x1024xi32, #tpu.memory_space<vmem_shared>> -> memref<1024xi32, #tpu.memory_space<vmem_shared>>
      %dma_wait3A_650 = arith.constant 1024 : i32
      %dma_wait3A_651 = tpu.memref_slice %arg8[%dma_wait3A_650] : memref<8192xi32, #tpu.memory_space<vmem>> -> memref<1024xi32, #tpu.memory_space<vmem>>
      %dma_wait3A_652 = tpu.memref_slice %arg12[%add3A_529, %mul3A_463] : memref<16x8192xi32, #tpu.memory_space<vmem_shared>> -> memref<1x1024xi32, #tpu.memory_space<vmem_shared>>
      %dma_wait3A_653 = tpu.memref_squeeze %dma_wait3A_652 : memref<1x1024xi32, #tpu.memory_space<vmem_shared>> -> memref<1024xi32, #tpu.memory_space<vmem_shared>>
      tpu.wait_dma2 semaphore(%run_scoped3A : memref<!tpu.dma_semaphore, #tpu.memory_space<semaphore_mem>>) src(%dma_wait3A_653 : memref<1024xi32, #tpu.memory_space<vmem_shared>>) dst(%dma_wait3A_651 : memref<1024xi32, #tpu.memory_space<vmem>>)
      tpu.yield
    }) : () -> ()
    %scan3A_530 = arith.constant 0 : i32
    %scan3A_531 = arith.constant 0 : i32
    %scan3A_532 = arith.constant 64 : i32
    %scan3A_533 = arith.addi %scan3A_531, %scan3A_532 : i32
    %scan3A_534 = arith.constant 1 : i32
    %scan3A_535 = scf.for %scan3A_639 = %scan3A_531 to %scan3A_533 step %scan3A_534 iter_args(%scan3A_640 = %scan3A_530) -> (i32)  : i32 {
      %mul3A_641 = arith.constant 16 : i32
      %mul3A_642 = arith.muli %scan3A_639, %mul3A_641 : i32
      %mul3A_643 = arith.constant 16 : i32
      %mul3A_644 = arith.muli %scan3A_639, %mul3A_643 : i32
      %add3A_645 = arith.constant 1024 : i32
      %add3A_646 = arith.addi %add3A_645, %mul3A_644 : i32
      %get3A_647 = arith.index_cast %mul3A_642 : i32 to index
      %get3A_648 = tpu.vector_load %arg8[%get3A_647] {strides = array<i32>} : memref<8192xi32, #tpu.memory_space<vmem>>, vector<16xi32>,
      %get3A_649 = arith.index_cast %add3A_646 : i32 to index
      %get3A_650 = tpu.vector_load %arg8[%get3A_649] {strides = array<i32>} : memref<8192xi32, #tpu.memory_space<vmem>>, vector<16xi32>,
      %add3A_651 = arith.addi %get3A_648, %get3A_650 : vector<16xi32>
      %swap3A_652 = arith.index_cast %mul3A_642 : i32 to index
      %swap3A_653 = tpu.vector_load %arg8[%swap3A_652] {strides = array<i32>} : memref<8192xi32, #tpu.memory_space<vmem>>, vector<16xi32>,
      tpu.vector_store %arg8[%swap3A_652], %add3A_651 {strides = array<i32>} : memref<8192xi32, #tpu.memory_space<vmem>>, vector<16xi32>,
      %scan3A_654 = arith.constant 0 : i32
      scf.yield %scan3A_654 : i32
    }
    %scan3A_536 = arith.constant 64 : i32
    %mul3A_537 = arith.constant 8 : i32
    %mul3A_538 = arith.muli %select_n3A_40, %mul3A_537 : i32
    %add3A_539 = arith.constant 6 : i32
    %add3A_540 = arith.addi %mul3A_538, %add3A_539 : i32
    "tpu.region"() ({
      %run_scoped3A = tpu.sem_alloc : memref<!tpu.dma_semaphore, #tpu.memory_space<semaphore_mem>>
      %dma_start3A_639 = arith.constant 1024 : i32
      %dma_start3A_640 = tpu.memref_slice %arg8[%dma_start3A_639] : memref<8192xi32, #tpu.memory_space<vmem>> -> memref<1024xi32, #tpu.memory_space<vmem>>
      %dma_start3A_641 = tpu.memref_slice %arg12[%add3A_540, %mul3A_463] : memref<16x8192xi32, #tpu.memory_space<vmem_shared>> -> memref<1x1024xi32, #tpu.memory_space<vmem_shared>>
      %dma_start3A_642 = tpu.memref_squeeze %dma_start3A_641 : memref<1x1024xi32, #tpu.memory_space<vmem_shared>> -> memref<1024xi32, #tpu.memory_space<vmem_shared>>
      %dma_start3A_643 = arith.constant 1024 : i32
      %dma_start3A_644 = tpu.memref_slice %arg8[%dma_start3A_643] : memref<8192xi32, #tpu.memory_space<vmem>> -> memref<1024xi32, #tpu.memory_space<vmem>>
      %dma_start3A_645 = tpu.memref_slice %arg12[%add3A_540, %mul3A_463] : memref<16x8192xi32, #tpu.memory_space<vmem_shared>> -> memref<1x1024xi32, #tpu.memory_space<vmem_shared>>
      %dma_start3A_646 = tpu.memref_squeeze %dma_start3A_645 : memref<1x1024xi32, #tpu.memory_space<vmem_shared>> -> memref<1024xi32, #tpu.memory_space<vmem_shared>>
      tpu.enqueue_dma source(%dma_start3A_646 : memref<1024xi32, #tpu.memory_space<vmem_shared>>) target(%dma_start3A_644 : memref<1024xi32, #tpu.memory_space<vmem>>) target_semaphore(%run_scoped3A : memref<!tpu.dma_semaphore, #tpu.memory_space<semaphore_mem>>)
      %dma_wait3A = arith.constant 1024 : i32
      %dma_wait3A_647 = tpu.memref_slice %arg8[%dma_wait3A] : memref<8192xi32, #tpu.memory_space<vmem>> -> memref<1024xi32, #tpu.memory_space<vmem>>
      %dma_wait3A_648 = tpu.memref_slice %arg12[%add3A_540, %mul3A_463] : memref<16x8192xi32, #tpu.memory_space<vmem_shared>> -> memref<1x1024xi32, #tpu.memory_space<vmem_shared>>
      %dma_wait3A_649 = tpu.memref_squeeze %dma_wait3A_648 : memref<1x1024xi32, #tpu.memory_space<vmem_shared>> -> memref<1024xi32, #tpu.memory_space<vmem_shared>>
      %dma_wait3A_650 = arith.constant 1024 : i32
      %dma_wait3A_651 = tpu.memref_slice %arg8[%dma_wait3A_650] : memref<8192xi32, #tpu.memory_space<vmem>> -> memref<1024xi32, #tpu.memory_space<vmem>>
      %dma_wait3A_652 = tpu.memref_slice %arg12[%add3A_540, %mul3A_463] : memref<16x8192xi32, #tpu.memory_space<vmem_shared>> -> memref<1x1024xi32, #tpu.memory_space<vmem_shared>>
      %dma_wait3A_653 = tpu.memref_squeeze %dma_wait3A_652 : memref<1x1024xi32, #tpu.memory_space<vmem_shared>> -> memref<1024xi32, #tpu.memory_space<vmem_shared>>
      tpu.wait_dma2 semaphore(%run_scoped3A : memref<!tpu.dma_semaphore, #tpu.memory_space<semaphore_mem>>) src(%dma_wait3A_653 : memref<1024xi32, #tpu.memory_space<vmem_shared>>) dst(%dma_wait3A_651 : memref<1024xi32, #tpu.memory_space<vmem>>)
      tpu.yield
    }) : () -> ()
    %scan3A_541 = arith.constant 0 : i32
    %scan3A_542 = arith.constant 0 : i32
    %scan3A_543 = arith.constant 64 : i32
    %scan3A_544 = arith.addi %scan3A_542, %scan3A_543 : i32
    %scan3A_545 = arith.constant 1 : i32
    %scan3A_546 = scf.for %scan3A_639 = %scan3A_542 to %scan3A_544 step %scan3A_545 iter_args(%scan3A_640 = %scan3A_541) -> (i32)  : i32 {
      %mul3A_641 = arith.constant 16 : i32
      %mul3A_642 = arith.muli %scan3A_639, %mul3A_641 : i32
      %mul3A_643 = arith.constant 16 : i32
      %mul3A_644 = arith.muli %scan3A_639, %mul3A_643 : i32
      %add3A_645 = arith.constant 1024 : i32
      %add3A_646 = arith.addi %add3A_645, %mul3A_644 : i32
      %get3A_647 = arith.index_cast %mul3A_642 : i32 to index
      %get3A_648 = tpu.vector_load %arg8[%get3A_647] {strides = array<i32>} : memref<8192xi32, #tpu.memory_space<vmem>>, vector<16xi32>,
      %get3A_649 = arith.index_cast %add3A_646 : i32 to index
      %get3A_650 = tpu.vector_load %arg8[%get3A_649] {strides = array<i32>} : memref<8192xi32, #tpu.memory_space<vmem>>, vector<16xi32>,
      %add3A_651 = arith.addi %get3A_648, %get3A_650 : vector<16xi32>
      %swap3A_652 = arith.index_cast %mul3A_642 : i32 to index
      %swap3A_653 = tpu.vector_load %arg8[%swap3A_652] {strides = array<i32>} : memref<8192xi32, #tpu.memory_space<vmem>>, vector<16xi32>,
      tpu.vector_store %arg8[%swap3A_652], %add3A_651 {strides = array<i32>} : memref<8192xi32, #tpu.memory_space<vmem>>, vector<16xi32>,
      %scan3A_654 = arith.constant 0 : i32
      scf.yield %scan3A_654 : i32
    }
    %scan3A_547 = arith.constant 64 : i32
    %mul3A_548 = arith.constant 8 : i32
    %mul3A_549 = arith.muli %select_n3A_40, %mul3A_548 : i32
    %add3A_550 = arith.constant 7 : i32
    %add3A_551 = arith.addi %mul3A_549, %add3A_550 : i32
    "tpu.region"() ({
      %run_scoped3A = tpu.sem_alloc : memref<!tpu.dma_semaphore, #tpu.memory_space<semaphore_mem>>
      %dma_start3A_639 = arith.constant 1024 : i32
      %dma_start3A_640 = tpu.memref_slice %arg8[%dma_start3A_639] : memref<8192xi32, #tpu.memory_space<vmem>> -> memref<1024xi32, #tpu.memory_space<vmem>>
      %dma_start3A_641 = tpu.memref_slice %arg12[%add3A_551, %mul3A_463] : memref<16x8192xi32, #tpu.memory_space<vmem_shared>> -> memref<1x1024xi32, #tpu.memory_space<vmem_shared>>
      %dma_start3A_642 = tpu.memref_squeeze %dma_start3A_641 : memref<1x1024xi32, #tpu.memory_space<vmem_shared>> -> memref<1024xi32, #tpu.memory_space<vmem_shared>>
      %dma_start3A_643 = arith.constant 1024 : i32
      %dma_start3A_644 = tpu.memref_slice %arg8[%dma_start3A_643] : memref<8192xi32, #tpu.memory_space<vmem>> -> memref<1024xi32, #tpu.memory_space<vmem>>
      %dma_start3A_645 = tpu.memref_slice %arg12[%add3A_551, %mul3A_463] : memref<16x8192xi32, #tpu.memory_space<vmem_shared>> -> memref<1x1024xi32, #tpu.memory_space<vmem_shared>>
      %dma_start3A_646 = tpu.memref_squeeze %dma_start3A_645 : memref<1x1024xi32, #tpu.memory_space<vmem_shared>> -> memref<1024xi32, #tpu.memory_space<vmem_shared>>
      tpu.enqueue_dma source(%dma_start3A_646 : memref<1024xi32, #tpu.memory_space<vmem_shared>>) target(%dma_start3A_644 : memref<1024xi32, #tpu.memory_space<vmem>>) target_semaphore(%run_scoped3A : memref<!tpu.dma_semaphore, #tpu.memory_space<semaphore_mem>>)
      %dma_wait3A = arith.constant 1024 : i32
      %dma_wait3A_647 = tpu.memref_slice %arg8[%dma_wait3A] : memref<8192xi32, #tpu.memory_space<vmem>> -> memref<1024xi32, #tpu.memory_space<vmem>>
      %dma_wait3A_648 = tpu.memref_slice %arg12[%add3A_551, %mul3A_463] : memref<16x8192xi32, #tpu.memory_space<vmem_shared>> -> memref<1x1024xi32, #tpu.memory_space<vmem_shared>>
      %dma_wait3A_649 = tpu.memref_squeeze %dma_wait3A_648 : memref<1x1024xi32, #tpu.memory_space<vmem_shared>> -> memref<1024xi32, #tpu.memory_space<vmem_shared>>
      %dma_wait3A_650 = arith.constant 1024 : i32
      %dma_wait3A_651 = tpu.memref_slice %arg8[%dma_wait3A_650] : memref<8192xi32, #tpu.memory_space<vmem>> -> memref<1024xi32, #tpu.memory_space<vmem>>
      %dma_wait3A_652 = tpu.memref_slice %arg12[%add3A_551, %mul3A_463] : memref<16x8192xi32, #tpu.memory_space<vmem_shared>> -> memref<1x1024xi32, #tpu.memory_space<vmem_shared>>
      %dma_wait3A_653 = tpu.memref_squeeze %dma_wait3A_652 : memref<1x1024xi32, #tpu.memory_space<vmem_shared>> -> memref<1024xi32, #tpu.memory_space<vmem_shared>>
      tpu.wait_dma2 semaphore(%run_scoped3A : memref<!tpu.dma_semaphore, #tpu.memory_space<semaphore_mem>>) src(%dma_wait3A_653 : memref<1024xi32, #tpu.memory_space<vmem_shared>>) dst(%dma_wait3A_651 : memref<1024xi32, #tpu.memory_space<vmem>>)
      tpu.yield
    }) : () -> ()
    %scan3A_552 = arith.constant 0 : i32
    %scan3A_553 = arith.constant 0 : i32
    %scan3A_554 = arith.constant 64 : i32
    %scan3A_555 = arith.addi %scan3A_553, %scan3A_554 : i32
    %scan3A_556 = arith.constant 1 : i32
    %scan3A_557 = scf.for %scan3A_639 = %scan3A_553 to %scan3A_555 step %scan3A_556 iter_args(%scan3A_640 = %scan3A_552) -> (i32)  : i32 {
      %mul3A_641 = arith.constant 16 : i32
      %mul3A_642 = arith.muli %scan3A_639, %mul3A_641 : i32
      %mul3A_643 = arith.constant 16 : i32
      %mul3A_644 = arith.muli %scan3A_639, %mul3A_643 : i32
      %add3A_645 = arith.constant 1024 : i32
      %add3A_646 = arith.addi %add3A_645, %mul3A_644 : i32
      %get3A_647 = arith.index_cast %mul3A_642 : i32 to index
      %get3A_648 = tpu.vector_load %arg8[%get3A_647] {strides = array<i32>} : memref<8192xi32, #tpu.memory_space<vmem>>, vector<16xi32>,
      %get3A_649 = arith.index_cast %add3A_646 : i32 to index
      %get3A_650 = tpu.vector_load %arg8[%get3A_649] {strides = array<i32>} : memref<8192xi32, #tpu.memory_space<vmem>>, vector<16xi32>,
      %add3A_651 = arith.addi %get3A_648, %get3A_650 : vector<16xi32>
      %swap3A_652 = arith.index_cast %mul3A_642 : i32 to index
      %swap3A_653 = tpu.vector_load %arg8[%swap3A_652] {strides = array<i32>} : memref<8192xi32, #tpu.memory_space<vmem>>, vector<16xi32>,
      tpu.vector_store %arg8[%swap3A_652], %add3A_651 {strides = array<i32>} : memref<8192xi32, #tpu.memory_space<vmem>>, vector<16xi32>,
      %scan3A_654 = arith.constant 0 : i32
      scf.yield %scan3A_654 : i32
    }
    %scan3A_558 = arith.constant 64 : i32
    "tpu.region"() ({
      %run_scoped3A = tpu.sem_alloc : memref<!tpu.dma_semaphore, #tpu.memory_space<semaphore_mem>>
      %dma_start3A_639 = arith.constant 0 : i32
      %dma_start3A_640 = tpu.memref_slice %arg8[%dma_start3A_639] : memref<8192xi32, #tpu.memory_space<vmem>> -> memref<1024xi32, #tpu.memory_space<vmem>>
      %dma_start3A_641 = tpu.memref_slice %arg13[%select_n3A_40, %mul3A_463] : memref<2x8192xi32, #tpu.memory_space<vmem_shared>> -> memref<1x1024xi32, #tpu.memory_space<vmem_shared>>
      %dma_start3A_642 = tpu.memref_squeeze %dma_start3A_641 : memref<1x1024xi32, #tpu.memory_space<vmem_shared>> -> memref<1024xi32, #tpu.memory_space<vmem_shared>>
      %dma_start3A_643 = tpu.memref_slice %arg13[%select_n3A_40, %mul3A_463] : memref<2x8192xi32, #tpu.memory_space<vmem_shared>> -> memref<1x1024xi32, #tpu.memory_space<vmem_shared>>
      %dma_start3A_644 = tpu.memref_squeeze %dma_start3A_643 : memref<1x1024xi32, #tpu.memory_space<vmem_shared>> -> memref<1024xi32, #tpu.memory_space<vmem_shared>>
      %dma_start3A_645 = arith.constant 0 : i32
      %dma_start3A_646 = tpu.memref_slice %arg8[%dma_start3A_645] : memref<8192xi32, #tpu.memory_space<vmem>> -> memref<1024xi32, #tpu.memory_space<vmem>>
      tpu.enqueue_dma source(%dma_start3A_646 : memref<1024xi32, #tpu.memory_space<vmem>>) target(%dma_start3A_644 : memref<1024xi32, #tpu.memory_space<vmem_shared>>) target_semaphore(%run_scoped3A : memref<!tpu.dma_semaphore, #tpu.memory_space<semaphore_mem>>)
      %dma_wait3A = arith.constant 0 : i32
      %dma_wait3A_647 = tpu.memref_slice %arg8[%dma_wait3A] : memref<8192xi32, #tpu.memory_space<vmem>> -> memref<1024xi32, #tpu.memory_space<vmem>>
      %dma_wait3A_648 = tpu.memref_slice %arg13[%select_n3A_40, %mul3A_463] : memref<2x8192xi32, #tpu.memory_space<vmem_shared>> -> memref<1x1024xi32, #tpu.memory_space<vmem_shared>>
      %dma_wait3A_649 = tpu.memref_squeeze %dma_wait3A_648 : memref<1x1024xi32, #tpu.memory_space<vmem_shared>> -> memref<1024xi32, #tpu.memory_space<vmem_shared>>
      %dma_wait3A_650 = tpu.memref_slice %arg13[%select_n3A_40, %mul3A_463] : memref<2x8192xi32, #tpu.memory_space<vmem_shared>> -> memref<1x1024xi32, #tpu.memory_space<vmem_shared>>
      %dma_wait3A_651 = tpu.memref_squeeze %dma_wait3A_650 : memref<1x1024xi32, #tpu.memory_space<vmem_shared>> -> memref<1024xi32, #tpu.memory_space<vmem_shared>>
      %dma_wait3A_652 = arith.constant 0 : i32
      %dma_wait3A_653 = tpu.memref_slice %arg8[%dma_wait3A_652] : memref<8192xi32, #tpu.memory_space<vmem>> -> memref<1024xi32, #tpu.memory_space<vmem>>
      tpu.wait_dma2 semaphore(%run_scoped3A : memref<!tpu.dma_semaphore, #tpu.memory_space<semaphore_mem>>) src(%dma_wait3A_653 : memref<1024xi32, #tpu.memory_space<vmem>>) dst(%dma_wait3A_651 : memref<1024xi32, #tpu.memory_space<vmem_shared>>)
      tpu.yield
    }) : () -> ()
    %barrier3A_559 = arith.constant 0 : index
    tpu.barrier barrier_id(%barrier3A_559)
    "tpu.region"() ({
      %run_scoped3A = tpu.sem_alloc : memref<!tpu.dma_semaphore, #tpu.memory_space<semaphore_mem>>
      %dma_start3A_639 = arith.constant 0 : i32
      %dma_start3A_640 = tpu.memref_slice %arg13[%select_n3A_40, %dma_start3A_639] : memref<2x8192xi32, #tpu.memory_space<vmem_shared>> -> memref<1x8192xi32, #tpu.memory_space<vmem_shared>>
      %dma_start3A_641 = tpu.memref_squeeze %dma_start3A_640 : memref<1x8192xi32, #tpu.memory_space<vmem_shared>> -> memref<8192xi32, #tpu.memory_space<vmem_shared>>
      %dma_start3A_642 = arith.constant 0 : i32
      %dma_start3A_643 = tpu.memref_slice %arg13[%select_n3A_40, %dma_start3A_642] : memref<2x8192xi32, #tpu.memory_space<vmem_shared>> -> memref<1x8192xi32, #tpu.memory_space<vmem_shared>>
      %dma_start3A_644 = tpu.memref_squeeze %dma_start3A_643 : memref<1x8192xi32, #tpu.memory_space<vmem_shared>> -> memref<8192xi32, #tpu.memory_space<vmem_shared>>
      tpu.enqueue_dma source(%dma_start3A_644 : memref<8192xi32, #tpu.memory_space<vmem_shared>>) target(%arg7 : memref<8192xi32, #tpu.memory_space<vmem>>) target_semaphore(%run_scoped3A : memref<!tpu.dma_semaphore, #tpu.memory_space<semaphore_mem>>)
      %dma_wait3A = arith.constant 0 : i32
      %dma_wait3A_645 = tpu.memref_slice %arg13[%select_n3A_40, %dma_wait3A] : memref<2x8192xi32, #tpu.memory_space<vmem_shared>> -> memref<1x8192xi32, #tpu.memory_space<vmem_shared>>
      %dma_wait3A_646 = tpu.memref_squeeze %dma_wait3A_645 : memref<1x8192xi32, #tpu.memory_space<vmem_shared>> -> memref<8192xi32, #tpu.memory_space<vmem_shared>>
      %dma_wait3A_647 = arith.constant 0 : i32
      %dma_wait3A_648 = tpu.memref_slice %arg13[%select_n3A_40, %dma_wait3A_647] : memref<2x8192xi32, #tpu.memory_space<vmem_shared>> -> memref<1x8192xi32, #tpu.memory_space<vmem_shared>>
      %dma_wait3A_649 = tpu.memref_squeeze %dma_wait3A_648 : memref<1x8192xi32, #tpu.memory_space<vmem_shared>> -> memref<8192xi32, #tpu.memory_space<vmem_shared>>
      tpu.wait_dma2 semaphore(%run_scoped3A : memref<!tpu.dma_semaphore, #tpu.memory_space<semaphore_mem>>) src(%dma_wait3A_649 : memref<8192xi32, #tpu.memory_space<vmem_shared>>) dst(%arg7 : memref<8192xi32, #tpu.memory_space<vmem>>)
      tpu.yield
    }) : () -> ()
    %scan3A_560 = arith.constant 0 : i32
    %scan3A_561 = arith.constant 0 : i32
    %scan3A_562 = arith.constant 0 : i32
    %scan3A_563 = arith.constant 0 : i32
    %scan3A_564 = arith.constant 64 : i32
    %scan3A_565 = arith.addi %scan3A_563, %scan3A_564 : i32
    %scan3A_566 = arith.constant 1 : i32
    %scan3A_567:3 = scf.for %scan3A_639 = %scan3A_563 to %scan3A_565 step %scan3A_566 iter_args(%scan3A_640 = %scan3A_560, %scan3A_641 = %scan3A_561, %scan3A_642 = %scan3A_562) -> (i32, i32, i32)  : i32 {
      %mul3A_643 = arith.constant 16 : i32
      %mul3A_644 = arith.muli %scan3A_639, %mul3A_643 : i32
      %add3A_645 = arith.constant 0 : i32
      %add3A_646 = arith.addi %add3A_645, %mul3A_644 : i32
      %get3A_647 = arith.index_cast %add3A_646 : i32 to index
      %get3A_648 = tpu.vector_load %arg7[%get3A_647] {strides = array<i32>} : memref<8192xi32, #tpu.memory_space<vmem>>, vector<16xi32>,
      %broadcast_in_dim3A_649 = arith.constant true
      %broadcast_in_dim3A_650 = vector.broadcast %broadcast_in_dim3A_649 : i1 to vector<16xi1>
      %masked_cumsum3A = tpu.scan <sum>, %get3A_648 masked %broadcast_in_dim3A_650 : vector<16xi32>, vector<16xi1> -> vector<16xi32>
      %add3A_651 = vector.broadcast %scan3A_640 : i32 to vector<16xi32>
      %add3A_652 = arith.addi %masked_cumsum3A, %add3A_651 : vector<16xi32>
      %le3A_653 = vector.broadcast %sub3A_398 : i32 to vector<16xi32>
      %le3A_654 = arith.cmpi sle, %add3A_652, %le3A_653 : vector<16xi32>
      %convert_element_type3A_655 = arith.extui %le3A_654 : vector<16xi1> to vector<16xi32>
      %reduce_sum3A = arith.constant true
      %reduce_sum3A_656 = vector.broadcast %reduce_sum3A : i1 to vector<16xi1>
      %reduce_sum3A_657 = tpu.scan <sum>, %convert_element_type3A_655 masked %reduce_sum3A_656 : vector<16xi32>, vector<16xi1> -> vector<16xi32>
      %reduce_sum3A_658 = vector.extract %reduce_sum3A_657[15] : i32 from vector<16xi32>
      %add3A_659 = arith.addi %scan3A_641, %reduce_sum3A_658 : i32
      %jit3A_660 = arith.constant 0 : i32
      %broadcast_in_dim3A_661 = vector.broadcast %jit3A_660 : i32 to vector<16xi32>
      %select_n3A_662 = arith.select %le3A_654, %add3A_652, %broadcast_in_dim3A_661 : vector<16xi1>, vector<16xi32>
      %reduce_max3A = arith.constant true
      %reduce_max3A_663 = vector.broadcast %reduce_max3A : i1 to vector<16xi1>
      %reduce_max3A_664 = arith.constant -2147483648 : i32
      %reduce_max3A_665 = vector.broadcast %reduce_max3A_664 : i32 to vector<16xi32>
      %reduce_max3A_666 = arith.xori %select_n3A_662, %reduce_max3A_665 : vector<16xi32>
      %reduce_max3A_667 = tpu.scan <max>, %reduce_max3A_666 masked %reduce_max3A_663 : vector<16xi32>, vector<16xi1> -> vector<16xi32>
      %reduce_max3A_668 = arith.xori %reduce_max3A_667, %reduce_max3A_665 : vector<16xi32>
      %reduce_max3A_669 = vector.extract %reduce_max3A_668[15] : i32 from vector<16xi32>
      %max3A = arith.maxsi %scan3A_642, %reduce_max3A_669 : i32
      %slice3A_670 = vector.extract_strided_slice %add3A_652 {offsets = [15], sizes = [1], strides = [1]} : vector<16xi32> to vector<1xi32>
      %squeeze3A_671 = vector.extract %slice3A_670[0] : i32 from vector<1xi32>
      scf.yield %squeeze3A_671, %add3A_659, %max3A : i32, i32, i32
    }
    %scan3A_568 = arith.constant 64 : i32
    %sub3A_569 = arith.subi %sub3A_398, %scan3A_567#2 : i32
    %shift_left3A_570 = arith.constant 10 : i32
    %shift_left3A_571 = arith.shli %or3A_400, %shift_left3A_570 : i32
    %or3A_572 = arith.ori %shift_left3A_571, %scan3A_567#1 : i32
    %scan3A_573 = arith.constant 0 : i32
    %scan3A_574 = arith.constant 0 : i32
    %scan3A_575 = arith.constant 0 : i32
    %scan3A_576 = arith.constant 0 : i32
    %scan3A_577 = arith.constant 64 : i32
    %scan3A_578 = arith.addi %scan3A_576, %scan3A_577 : i32
    %scan3A_579 = arith.constant 1 : i32
    %scan3A_580:3 = scf.for %scan3A_639 = %scan3A_576 to %scan3A_578 step %scan3A_579 iter_args(%scan3A_640 = %scan3A_573, %scan3A_641 = %scan3A_574, %scan3A_642 = %scan3A_575) -> (i32, i32, i32)  : i32 {
      %mul3A_643 = arith.constant 16 : i32
      %mul3A_644 = arith.muli %scan3A_639, %mul3A_643 : i32
      %add3A_645 = arith.constant 1024 : i32
      %add3A_646 = arith.addi %add3A_645, %mul3A_644 : i32
      %get3A_647 = arith.index_cast %add3A_646 : i32 to index
      %get3A_648 = tpu.vector_load %arg7[%get3A_647] {strides = array<i32>} : memref<8192xi32, #tpu.memory_space<vmem>>, vector<16xi32>,
      %broadcast_in_dim3A_649 = arith.constant true
      %broadcast_in_dim3A_650 = vector.broadcast %broadcast_in_dim3A_649 : i1 to vector<16xi1>
      %masked_cumsum3A = tpu.scan <sum>, %get3A_648 masked %broadcast_in_dim3A_650 : vector<16xi32>, vector<16xi1> -> vector<16xi32>
      %add3A_651 = vector.broadcast %scan3A_640 : i32 to vector<16xi32>
      %add3A_652 = arith.addi %masked_cumsum3A, %add3A_651 : vector<16xi32>
      %le3A_653 = vector.broadcast %sub3A_410 : i32 to vector<16xi32>
      %le3A_654 = arith.cmpi sle, %add3A_652, %le3A_653 : vector<16xi32>
      %convert_element_type3A_655 = arith.extui %le3A_654 : vector<16xi1> to vector<16xi32>
      %reduce_sum3A = arith.constant true
      %reduce_sum3A_656 = vector.broadcast %reduce_sum3A : i1 to vector<16xi1>
      %reduce_sum3A_657 = tpu.scan <sum>, %convert_element_type3A_655 masked %reduce_sum3A_656 : vector<16xi32>, vector<16xi1> -> vector<16xi32>
      %reduce_sum3A_658 = vector.extract %reduce_sum3A_657[15] : i32 from vector<16xi32>
      %add3A_659 = arith.addi %scan3A_641, %reduce_sum3A_658 : i32
      %jit3A_660 = arith.constant 0 : i32
      %broadcast_in_dim3A_661 = vector.broadcast %jit3A_660 : i32 to vector<16xi32>
      %select_n3A_662 = arith.select %le3A_654, %add3A_652, %broadcast_in_dim3A_661 : vector<16xi1>, vector<16xi32>
      %reduce_max3A = arith.constant true
      %reduce_max3A_663 = vector.broadcast %reduce_max3A : i1 to vector<16xi1>
      %reduce_max3A_664 = arith.constant -2147483648 : i32
      %reduce_max3A_665 = vector.broadcast %reduce_max3A_664 : i32 to vector<16xi32>
      %reduce_max3A_666 = arith.xori %select_n3A_662, %reduce_max3A_665 : vector<16xi32>
      %reduce_max3A_667 = tpu.scan <max>, %reduce_max3A_666 masked %reduce_max3A_663 : vector<16xi32>, vector<16xi1> -> vector<16xi32>
      %reduce_max3A_668 = arith.xori %reduce_max3A_667, %reduce_max3A_665 : vector<16xi32>
      %reduce_max3A_669 = vector.extract %reduce_max3A_668[15] : i32 from vector<16xi32>
      %max3A = arith.maxsi %scan3A_642, %reduce_max3A_669 : i32
      %slice3A_670 = vector.extract_strided_slice %add3A_652 {offsets = [15], sizes = [1], strides = [1]} : vector<16xi32> to vector<1xi32>
      %squeeze3A_671 = vector.extract %slice3A_670[0] : i32 from vector<1xi32>
      scf.yield %squeeze3A_671, %add3A_659, %max3A : i32, i32, i32
    }
    %scan3A_581 = arith.constant 64 : i32
    %sub3A_582 = arith.subi %sub3A_410, %scan3A_580#2 : i32
    %shift_left3A_583 = arith.constant 10 : i32
    %shift_left3A_584 = arith.shli %or3A_413, %shift_left3A_583 : i32
    %or3A_585 = arith.ori %shift_left3A_584, %scan3A_580#1 : i32
    %scan3A_586 = arith.constant 0 : i32
    %scan3A_587 = arith.constant 0 : i32
    %scan3A_588 = arith.constant 0 : i32
    %scan3A_589 = arith.constant 0 : i32
    %scan3A_590 = arith.constant 64 : i32
    %scan3A_591 = arith.addi %scan3A_589, %scan3A_590 : i32
    %scan3A_592 = arith.constant 1 : i32
    %scan3A_593:3 = scf.for %scan3A_639 = %scan3A_589 to %scan3A_591 step %scan3A_592 iter_args(%scan3A_640 = %scan3A_586, %scan3A_641 = %scan3A_587, %scan3A_642 = %scan3A_588) -> (i32, i32, i32)  : i32 {
      %mul3A_643 = arith.constant 16 : i32
      %mul3A_644 = arith.muli %scan3A_639, %mul3A_643 : i32
      %add3A_645 = arith.constant 2048 : i32
      %add3A_646 = arith.addi %add3A_645, %mul3A_644 : i32
      %get3A_647 = arith.index_cast %add3A_646 : i32 to index
      %get3A_648 = tpu.vector_load %arg7[%get3A_647] {strides = array<i32>} : memref<8192xi32, #tpu.memory_space<vmem>>, vector<16xi32>,
      %broadcast_in_dim3A_649 = arith.constant true
      %broadcast_in_dim3A_650 = vector.broadcast %broadcast_in_dim3A_649 : i1 to vector<16xi1>
      %masked_cumsum3A = tpu.scan <sum>, %get3A_648 masked %broadcast_in_dim3A_650 : vector<16xi32>, vector<16xi1> -> vector<16xi32>
      %add3A_651 = vector.broadcast %scan3A_640 : i32 to vector<16xi32>
      %add3A_652 = arith.addi %masked_cumsum3A, %add3A_651 : vector<16xi32>
      %le3A_653 = vector.broadcast %sub3A_423 : i32 to vector<16xi32>
      %le3A_654 = arith.cmpi sle, %add3A_652, %le3A_653 : vector<16xi32>
      %convert_element_type3A_655 = arith.extui %le3A_654 : vector<16xi1> to vector<16xi32>
      %reduce_sum3A = arith.constant true
      %reduce_sum3A_656 = vector.broadcast %reduce_sum3A : i1 to vector<16xi1>
      %reduce_sum3A_657 = tpu.scan <sum>, %convert_element_type3A_655 masked %reduce_sum3A_656 : vector<16xi32>, vector<16xi1> -> vector<16xi32>
      %reduce_sum3A_658 = vector.extract %reduce_sum3A_657[15] : i32 from vector<16xi32>
      %add3A_659 = arith.addi %scan3A_641, %reduce_sum3A_658 : i32
      %jit3A_660 = arith.constant 0 : i32
      %broadcast_in_dim3A_661 = vector.broadcast %jit3A_660 : i32 to vector<16xi32>
      %select_n3A_662 = arith.select %le3A_654, %add3A_652, %broadcast_in_dim3A_661 : vector<16xi1>, vector<16xi32>
      %reduce_max3A = arith.constant true
      %reduce_max3A_663 = vector.broadcast %reduce_max3A : i1 to vector<16xi1>
      %reduce_max3A_664 = arith.constant -2147483648 : i32
      %reduce_max3A_665 = vector.broadcast %reduce_max3A_664 : i32 to vector<16xi32>
      %reduce_max3A_666 = arith.xori %select_n3A_662, %reduce_max3A_665 : vector<16xi32>
      %reduce_max3A_667 = tpu.scan <max>, %reduce_max3A_666 masked %reduce_max3A_663 : vector<16xi32>, vector<16xi1> -> vector<16xi32>
      %reduce_max3A_668 = arith.xori %reduce_max3A_667, %reduce_max3A_665 : vector<16xi32>
      %reduce_max3A_669 = vector.extract %reduce_max3A_668[15] : i32 from vector<16xi32>
      %max3A = arith.maxsi %scan3A_642, %reduce_max3A_669 : i32
      %slice3A_670 = vector.extract_strided_slice %add3A_652 {offsets = [15], sizes = [1], strides = [1]} : vector<16xi32> to vector<1xi32>
      %squeeze3A_671 = vector.extract %slice3A_670[0] : i32 from vector<1xi32>
      scf.yield %squeeze3A_671, %add3A_659, %max3A : i32, i32, i32
    }
    %scan3A_594 = arith.constant 64 : i32
    %sub3A_595 = arith.subi %sub3A_423, %scan3A_593#2 : i32
    %shift_left3A_596 = arith.constant 10 : i32
    %shift_left3A_597 = arith.shli %or3A_426, %shift_left3A_596 : i32
    %or3A_598 = arith.ori %shift_left3A_597, %scan3A_593#1 : i32
    %scan3A_599 = arith.constant 0 : i32
    %scan3A_600 = arith.constant 0 : i32
    %scan3A_601 = arith.constant 0 : i32
    %scan3A_602 = arith.constant 0 : i32
    %scan3A_603 = arith.constant 64 : i32
    %scan3A_604 = arith.addi %scan3A_602, %scan3A_603 : i32
    %scan3A_605 = arith.constant 1 : i32
    %scan3A_606:3 = scf.for %scan3A_639 = %scan3A_602 to %scan3A_604 step %scan3A_605 iter_args(%scan3A_640 = %scan3A_599, %scan3A_641 = %scan3A_600, %scan3A_642 = %scan3A_601) -> (i32, i32, i32)  : i32 {
      %mul3A_643 = arith.constant 16 : i32
      %mul3A_644 = arith.muli %scan3A_639, %mul3A_643 : i32
      %add3A_645 = arith.constant 3072 : i32
      %add3A_646 = arith.addi %add3A_645, %mul3A_644 : i32
      %get3A_647 = arith.index_cast %add3A_646 : i32 to index
      %get3A_648 = tpu.vector_load %arg7[%get3A_647] {strides = array<i32>} : memref<8192xi32, #tpu.memory_space<vmem>>, vector<16xi32>,
      %broadcast_in_dim3A_649 = arith.constant true
      %broadcast_in_dim3A_650 = vector.broadcast %broadcast_in_dim3A_649 : i1 to vector<16xi1>
      %masked_cumsum3A = tpu.scan <sum>, %get3A_648 masked %broadcast_in_dim3A_650 : vector<16xi32>, vector<16xi1> -> vector<16xi32>
      %add3A_651 = vector.broadcast %scan3A_640 : i32 to vector<16xi32>
      %add3A_652 = arith.addi %masked_cumsum3A, %add3A_651 : vector<16xi32>
      %le3A_653 = vector.broadcast %sub3A_436 : i32 to vector<16xi32>
      %le3A_654 = arith.cmpi sle, %add3A_652, %le3A_653 : vector<16xi32>
      %convert_element_type3A_655 = arith.extui %le3A_654 : vector<16xi1> to vector<16xi32>
      %reduce_sum3A = arith.constant true
      %reduce_sum3A_656 = vector.broadcast %reduce_sum3A : i1 to vector<16xi1>
      %reduce_sum3A_657 = tpu.scan <sum>, %convert_element_type3A_655 masked %reduce_sum3A_656 : vector<16xi32>, vector<16xi1> -> vector<16xi32>
      %reduce_sum3A_658 = vector.extract %reduce_sum3A_657[15] : i32 from vector<16xi32>
      %add3A_659 = arith.addi %scan3A_641, %reduce_sum3A_658 : i32
      %jit3A_660 = arith.constant 0 : i32
      %broadcast_in_dim3A_661 = vector.broadcast %jit3A_660 : i32 to vector<16xi32>
      %select_n3A_662 = arith.select %le3A_654, %add3A_652, %broadcast_in_dim3A_661 : vector<16xi1>, vector<16xi32>
      %reduce_max3A = arith.constant true
      %reduce_max3A_663 = vector.broadcast %reduce_max3A : i1 to vector<16xi1>
      %reduce_max3A_664 = arith.constant -2147483648 : i32
      %reduce_max3A_665 = vector.broadcast %reduce_max3A_664 : i32 to vector<16xi32>
      %reduce_max3A_666 = arith.xori %select_n3A_662, %reduce_max3A_665 : vector<16xi32>
      %reduce_max3A_667 = tpu.scan <max>, %reduce_max3A_666 masked %reduce_max3A_663 : vector<16xi32>, vector<16xi1> -> vector<16xi32>
      %reduce_max3A_668 = arith.xori %reduce_max3A_667, %reduce_max3A_665 : vector<16xi32>
      %reduce_max3A_669 = vector.extract %reduce_max3A_668[15] : i32 from vector<16xi32>
      %max3A = arith.maxsi %scan3A_642, %reduce_max3A_669 : i32
      %slice3A_670 = vector.extract_strided_slice %add3A_652 {offsets = [15], sizes = [1], strides = [1]} : vector<16xi32> to vector<1xi32>
      %squeeze3A_671 = vector.extract %slice3A_670[0] : i32 from vector<1xi32>
      scf.yield %squeeze3A_671, %add3A_659, %max3A : i32, i32, i32
    }
    %scan3A_607 = arith.constant 64 : i32
    %sub3A_608 = arith.subi %sub3A_436, %scan3A_606#2 : i32
    %shift_left3A_609 = arith.constant 10 : i32
    %shift_left3A_610 = arith.shli %or3A_439, %shift_left3A_609 : i32
    %or3A_611 = arith.ori %shift_left3A_610, %scan3A_606#1 : i32
    %barrier3A_612 = arith.constant 0 : index
    tpu.barrier barrier_id(%barrier3A_612)
    %eq3A_613 = arith.constant 0 : i32
    %eq3A_614 = arith.cmpi eq, %select_n3A_54, %eq3A_613 : i32
    %eq3A_615 = arith.constant 1 : i32
    %eq3A_616 = arith.cmpi eq, %select_n3A_54, %eq3A_615 : i32
    %eq3A_617 = arith.constant 2 : i32
    %eq3A_618 = arith.cmpi eq, %select_n3A_54, %eq3A_617 : i32
    %select_n3A_619 = arith.select %eq3A_618, %or3A_598, %or3A_611 : i32
    %select_n3A_620 = arith.select %eq3A_616, %or3A_585, %select_n3A_619 : i32
    %select_n3A_621 = arith.select %eq3A_614, %or3A_572, %select_n3A_620 : i32
    %broadcast_in_dim3A_622 = vector.broadcast %select_n3A_621 : i32 to vector<16xi32>
    %lt3A_623 = arith.constant 0 : i32
    %lt3A_624 = vector.broadcast %lt3A_623 : i32 to vector<16xi32>
    %lt3A_625 = arith.cmpi slt, %broadcast_in_dim3A_622, %lt3A_624 : vector<16xi32>
    %and3A_626 = arith.constant 2147483647 : i32
    %and3A_627 = vector.broadcast %and3A_626 : i32 to vector<16xi32>
    %and3A_628 = arith.andi %broadcast_in_dim3A_622, %and3A_627 : vector<16xi32>
    %not3A_629 = arith.constant dense<-1> : vector<16xi32>
    %not3A_630 = arith.xori %broadcast_in_dim3A_622, %not3A_629 : vector<16xi32>
    %select_n3A_631 = arith.select %lt3A_625, %and3A_628, %not3A_630 : vector<16xi1>, vector<16xi32>
    %bitcast_convert_type3A = tpu.bitcast %select_n3A_631 : vector<16xi32> -> vector<16xf32>
    %swap3A_632 = arith.constant 0 : index
    %swap3A_633 = tpu.vector_load %arg9[%swap3A_632] {strides = array<i32>} : memref<16xf32, #tpu.memory_space<vmem>>, vector<16xf32>,
    tpu.vector_store %arg9[%swap3A_632], %bitcast_convert_type3A {strides = array<i32>} : memref<16xf32, #tpu.memory_space<vmem>>, vector<16xf32>,
    %lt3A_634 = arith.constant 4 : i32
    %lt3A_635 = arith.cmpi slt, %select_n3A_54, %lt3A_634 : i32
    %convert_element_type3A_636 = arith.extui %lt3A_635 : i1 to i32
    %cond3A_637 = arith.constant 0 : i32
    %cond3A_638 = arith.cmpi ne, %convert_element_type3A_636, %cond3A_637 : i32
    scf.if %cond3A_638 {
      %mul3A_639 = arith.constant 4 : i32
      %mul3A_640 = arith.muli %add3A, %mul3A_639 : i32
      %add3A_641 = arith.addi %mul3A_640, %select_n3A_54 : i32
      "tpu.region"() ({
        %run_scoped3A = tpu.sem_alloc : memref<!tpu.dma_semaphore, #tpu.memory_space<semaphore_mem>>
        %dma_start3A_642 = arith.constant 0 : i32
        %dma_start3A_643 = tpu.memref_slice %arg3[%add3A_641, %dma_start3A_642] : memref<16x16xf32, #tpu.memory_space<hbm>> -> memref<1x16xf32, #tpu.memory_space<hbm>>
        %dma_start3A_644 = tpu.memref_squeeze %dma_start3A_643 : memref<1x16xf32, #tpu.memory_space<hbm>> -> memref<16xf32, #tpu.memory_space<hbm>>
        %dma_start3A_645 = arith.constant 0 : i32
        %dma_start3A_646 = tpu.memref_slice %arg3[%add3A_641, %dma_start3A_645] : memref<16x16xf32, #tpu.memory_space<hbm>> -> memref<1x16xf32, #tpu.memory_space<hbm>>
        %dma_start3A_647 = tpu.memref_squeeze %dma_start3A_646 : memref<1x16xf32, #tpu.memory_space<hbm>> -> memref<16xf32, #tpu.memory_space<hbm>>
        tpu.enqueue_dma source(%arg9 : memref<16xf32, #tpu.memory_space<vmem>>) target(%dma_start3A_647 : memref<16xf32, #tpu.memory_space<hbm>>) target_semaphore(%run_scoped3A : memref<!tpu.dma_semaphore, #tpu.memory_space<semaphore_mem>>)
        %dma_wait3A = arith.constant 0 : i32
        %dma_wait3A_648 = tpu.memref_slice %arg3[%add3A_641, %dma_wait3A] : memref<16x16xf32, #tpu.memory_space<hbm>> -> memref<1x16xf32, #tpu.memory_space<hbm>>
        %dma_wait3A_649 = tpu.memref_squeeze %dma_wait3A_648 : memref<1x16xf32, #tpu.memory_space<hbm>> -> memref<16xf32, #tpu.memory_space<hbm>>
        %dma_wait3A_650 = arith.constant 0 : i32
        %dma_wait3A_651 = tpu.memref_slice %arg3[%add3A_641, %dma_wait3A_650] : memref<16x16xf32, #tpu.memory_space<hbm>> -> memref<1x16xf32, #tpu.memory_space<hbm>>
        %dma_wait3A_652 = tpu.memref_squeeze %dma_wait3A_651 : memref<1x16xf32, #tpu.memory_space<hbm>> -> memref<16xf32, #tpu.memory_space<hbm>>
        tpu.wait_dma2 semaphore(%run_scoped3A : memref<!tpu.dma_semaphore, #tpu.memory_space<semaphore_mem>>) src(%arg9 : memref<16xf32, #tpu.memory_space<vmem>>) dst(%dma_wait3A_652 : memref<16xf32, #tpu.memory_space<hbm>>)
        tpu.yield
      }) : () -> ()
    } else {
    }
    return
  }
}

module attributes {stable_mosaic.version = 14 : i64} {
  func.func @body(%arg0: i32, %arg1: i32, %arg2: memref<16x16xf32, #tpu.memory_space<smem>>, %arg3: memref<1x12x224x224xf32, #tpu.memory_space<vmem>>, %arg4: memref<1x12x224x224xi32, #tpu.memory_space<vmem>>, %arg5: memref<1x12x224x224xi32, #tpu.memory_space<vmem>>, %arg6: memref<1x12x224x224xi32, #tpu.memory_space<vmem>>) attributes {dimension_semantics = [#tpu.dimension_semantics<arbitrary>, #tpu.dimension_semantics<arbitrary>], iteration_bounds = array<i64: 4, 8>, scalar_prefetch = 0 : i64, scratch_operands = 0 : i64, tpu.core_type = #tpu.core_type<tc>, window_params = [{transform_indices = @transform_0, window_bounds = array<i64: 16, 16>}, {transform_indices = @transform_1, window_bounds = array<i64: 1, 12, 224, 224>}, {transform_indices = @transform_2, window_bounds = array<i64: 1, 12, 224, 224>}, {transform_indices = @transform_3, window_bounds = array<i64: 1, 12, 224, 224>}, {transform_indices = @transform_4, window_bounds = array<i64: 1, 12, 224, 224>}]} {
    %mul3A = arith.constant 4 : i32
    %mul3A_0 = arith.muli %mul3A, %arg0 : i32
    %get3A = arith.index_cast %mul3A_0 : i32 to index
    %get3A_1 = arith.constant 0 : index
    %get3A_2 = memref.load %arg2[%get3A, %get3A_1] : memref<16x16xf32, #tpu.memory_space<smem>>
    %add3A = arith.constant 1 : i32
    %add3A_3 = arith.addi %mul3A_0, %add3A : i32
    %get3A_4 = arith.index_cast %add3A_3 : i32 to index
    %get3A_5 = arith.constant 0 : index
    %get3A_6 = memref.load %arg2[%get3A_4, %get3A_5] : memref<16x16xf32, #tpu.memory_space<smem>>
    %add3A_7 = arith.addf %get3A_2, %get3A_6 : f32
    %mul3A_8 = arith.constant 5.000000e-01 : f32
    %mul3A_9 = arith.mulf %mul3A_8, %add3A_7 : f32
    %add3A_10 = arith.constant 2 : i32
    %add3A_11 = arith.addi %mul3A_0, %add3A_10 : i32
    %get3A_12 = arith.index_cast %add3A_11 : i32 to index
    %get3A_13 = arith.constant 0 : index
    %get3A_14 = memref.load %arg2[%get3A_12, %get3A_13] : memref<16x16xf32, #tpu.memory_space<smem>>
    %add3A_15 = arith.constant 3 : i32
    %add3A_16 = arith.addi %mul3A_0, %add3A_15 : i32
    %get3A_17 = arith.index_cast %add3A_16 : i32 to index
    %get3A_18 = arith.constant 0 : index
    %get3A_19 = memref.load %arg2[%get3A_17, %get3A_18] : memref<16x16xf32, #tpu.memory_space<smem>>
    %add3A_20 = arith.addf %get3A_14, %get3A_19 : f32
    %mul3A_21 = arith.constant 5.000000e-01 : f32
    %mul3A_22 = arith.mulf %mul3A_21, %add3A_20 : f32
    %get3A_23 = arith.constant 0 : index
    %get3A_24 = arith.constant 0 : index
    %get3A_25 = arith.constant 0 : index
    %get3A_26 = arith.constant 0 : index
    %get3A_27 = vector.load %arg3[%get3A_23, %get3A_24, %get3A_25, %get3A_26] : memref<1x12x224x224xf32, #tpu.memory_space<vmem>>, vector<1x12x224x224xf32>
    %lt3A = vector.broadcast %mul3A_9 : f32 to vector<1x12x224x224xf32>
    %lt3A_28 = arith.cmpf olt, %get3A_27, %lt3A : vector<1x12x224x224xf32>
    %swap3A = arith.constant 0 : index
    %swap3A_29 = arith.constant 0 : index
    %swap3A_30 = arith.constant 0 : index
    %swap3A_31 = arith.constant 0 : index
    %swap3A_32 = vector.load %arg4[%swap3A, %swap3A_29, %swap3A_30, %swap3A_31] : memref<1x12x224x224xi32, #tpu.memory_space<vmem>>, vector<1x12x224x224xi32>
    %swap3A_33 = arith.extui %lt3A_28 : vector<1x12x224x224xi1> to vector<1x12x224x224xi32>
    %swap3A_34 = arith.constant dense<0> : vector<1x12x224x224xi32>
    %swap3A_35 = arith.cmpi ne, %swap3A_32, %swap3A_34 : vector<1x12x224x224xi32>
    tpu.vector_store %arg4[%swap3A, %swap3A_29, %swap3A_30, %swap3A_31], %swap3A_33 {strides = array<i32>} : memref<1x12x224x224xi32, #tpu.memory_space<vmem>>, vector<1x12x224x224xi32>,
    %ge3A = vector.broadcast %mul3A_9 : f32 to vector<1x12x224x224xf32>
    %ge3A_36 = arith.cmpf oge, %get3A_27, %ge3A : vector<1x12x224x224xf32>
    %lt3A_37 = vector.broadcast %mul3A_22 : f32 to vector<1x12x224x224xf32>
    %lt3A_38 = arith.cmpf olt, %get3A_27, %lt3A_37 : vector<1x12x224x224xf32>
    %and3A = arith.andi %ge3A_36, %lt3A_38 : vector<1x12x224x224xi1>
    %swap3A_39 = arith.constant 0 : index
    %swap3A_40 = arith.constant 0 : index
    %swap3A_41 = arith.constant 0 : index
    %swap3A_42 = arith.constant 0 : index
    %swap3A_43 = vector.load %arg5[%swap3A_39, %swap3A_40, %swap3A_41, %swap3A_42] : memref<1x12x224x224xi32, #tpu.memory_space<vmem>>, vector<1x12x224x224xi32>
    %swap3A_44 = arith.extui %and3A : vector<1x12x224x224xi1> to vector<1x12x224x224xi32>
    %swap3A_45 = arith.constant dense<0> : vector<1x12x224x224xi32>
    %swap3A_46 = arith.cmpi ne, %swap3A_43, %swap3A_45 : vector<1x12x224x224xi32>
    tpu.vector_store %arg5[%swap3A_39, %swap3A_40, %swap3A_41, %swap3A_42], %swap3A_44 {strides = array<i32>} : memref<1x12x224x224xi32, #tpu.memory_space<vmem>>, vector<1x12x224x224xi32>,
    %ge3A_47 = vector.broadcast %mul3A_22 : f32 to vector<1x12x224x224xf32>
    %ge3A_48 = arith.cmpf oge, %get3A_27, %ge3A_47 : vector<1x12x224x224xf32>
    %swap3A_49 = arith.constant 0 : index
    %swap3A_50 = arith.constant 0 : index
    %swap3A_51 = arith.constant 0 : index
    %swap3A_52 = arith.constant 0 : index
    %swap3A_53 = vector.load %arg6[%swap3A_49, %swap3A_50, %swap3A_51, %swap3A_52] : memref<1x12x224x224xi32, #tpu.memory_space<vmem>>, vector<1x12x224x224xi32>
    %swap3A_54 = arith.extui %ge3A_48 : vector<1x12x224x224xi1> to vector<1x12x224x224xi32>
    %swap3A_55 = arith.constant dense<0> : vector<1x12x224x224xi32>
    %swap3A_56 = arith.cmpi ne, %swap3A_53, %swap3A_55 : vector<1x12x224x224xi32>
    tpu.vector_store %arg6[%swap3A_49, %swap3A_50, %swap3A_51, %swap3A_52], %swap3A_54 {strides = array<i32>} : memref<1x12x224x224xi32, #tpu.memory_space<vmem>>, vector<1x12x224x224xi32>,
    return
  }
  func.func @transform_0(%arg0: i32, %arg1: i32) -> (i32, i32) {
    %c0_i32 = arith.constant 0 : i32
    %c0_i32_0 = arith.constant 0 : i32
    %c0_i32_1 = arith.constant 0 : i32
    return %c0_i32, %c0_i32_0 : i32, i32
  }
  func.func @transform_1(%arg0: i32, %arg1: i32) -> (i32, i32, i32, i32) {
    %c0_i32 = arith.constant 0 : i32
    %c0_i32_0 = arith.constant 0 : i32
    %c0_i32_1 = arith.constant 0 : i32
    return %arg0, %arg1, %c0_i32, %c0_i32_0 : i32, i32, i32, i32
  }
  func.func @transform_2(%arg0: i32, %arg1: i32) -> (i32, i32, i32, i32) {
    %c0_i32 = arith.constant 0 : i32
    %c0_i32_0 = arith.constant 0 : i32
    %c0_i32_1 = arith.constant 0 : i32
    return %arg0, %arg1, %c0_i32, %c0_i32_0 : i32, i32, i32, i32
  }
  func.func @transform_3(%arg0: i32, %arg1: i32) -> (i32, i32, i32, i32) {
    %c0_i32 = arith.constant 0 : i32
    %c0_i32_0 = arith.constant 0 : i32
    %c0_i32_1 = arith.constant 0 : i32
    return %arg0, %arg1, %c0_i32, %c0_i32_0 : i32, i32, i32, i32
  }
  func.func @transform_4(%arg0: i32, %arg1: i32) -> (i32, i32, i32, i32) {
    %c0_i32 = arith.constant 0 : i32
    %c0_i32_0 = arith.constant 0 : i32
    %c0_i32_1 = arith.constant 0 : i32
    return %arg0, %arg1, %c0_i32, %c0_i32_0 : i32, i32, i32, i32
  }
}

</mosaic_0001>

<sc_bundles>
// kernel: kernel.4.cloned.1.call-start
scs
__scs_entry_jumppad:
0x0: {  	(pc) =	sbr.rel $0x88, $3  }
0x1: {  	(tag) =	ssettag $0x0;
	lr =	simm.s32 $0x1  }
0x2: {  	[smem:$0x3FA0] =	sst lr;
	_ =	strace $0xD0000000  }
0x3: {  	_ = 	snop  }
0x4: {  	_ = 	snop  }
0x5: {  	_ = 	snop  }
0x6: {  	_ = 	snop  }
0x7: {  	_ = 	snop  }
__scs_overlays_trampoline_lowered:
0x8: {  	[smem:$0x3FAF] =	sst s0  }
0x9: {  	[smem:$0x3FB0] =	sst s1  }
0xa: {  	[smem:$0x3FB1] =	sst s2  }
0xb: {  	[smem:$0x3FB2] =	sst s3  }
0xc: {  	[smem:$0x3FB3] =	sst s4  }
0xd: {  	[smem:$0x3FB4] =	sst s5  }
0xe: {  	[smem:$0x3FB5] =	sst s6  }
0xf: {  	[smem:$0x3FB6] =	sst s7  }
0x10: {  	[smem:$0x3FB7] =	sst s8  }
0x11: {  	[smem:$0x3FB8] =	sst s9;
	s0 =	simm.s32 @!p0 $0x0  }
0x12: {  	s1 =	sld [smem:$0x3F9E];
	s0 =	simm.s32 @p0 $0x1  }
0x13: {  	[smem:$0x3FB9] =	sst s0;
	s0 =	simm.s32 @!p1 $0x0  }
0x14: {  	s2 =	sld [smem:$0x3F9D];
	s0 =	simm.s32 @p1 $0x1  }
0x15: {  	[smem:$0x3FBA] =	sst s0;
	s0 =	simm.s32 @!p2 $0x0  }
0x16: {  	s3 =	sld [smem:$0x3FDB];
	s0 =	simm.s32 @p2 $0x1  }
0x17: {  	s4 =	simm.s32 $0x1BF5;
	[smem:$0x3FBC] =	sst s0  }
0x18: {  	s0 =	sld [smem:$0x3F9F];
	_ =	swait.ge [sflag:s4], $0x0  }
0x19: {  	s7 =	sld [smem:$0x3FA0]  }
0x1a: {  	s8 =	sadd.s32 $0xFFFFE003, lr  }
0x1b: {  	s9 =	sadd.s32 $0xFFFFFEF7, lr;
	s5 =	simm.s32 $0xFFFFFFFF;
	p2 =	slt.u32 s8, $0xFFFFF086  }
0x1c: {  	p1 =	slt.u32 s9, $0xF7A;
	s5 =	simm.s32 @!p2 $0x0  }
0x1d: {  	s5 =	simm.s32 @p1 $0x1;
	p0 =	seq.s32 s7, s2  }
0x1e: {  	s7 =	smul.u32 @!p0 $0xF7A, s2;
	p2 =	seq.s32 @!p0 s5, $0x0  }
0x1f: {  	s9 =	smul.u32 $0xF7A, s1;
	s8 =	simm.s32 @!p0 $0x1BF5;
	p2 =	por !p2, p0  }
0x20: {  	[sflag:s8] =	ssyncset.s32 @!p0 $0xFFFFF086;
	s6 =	sadd.s32 @!p0 s3, s7;
	s7 =	simm.s32 @!p0 $0x108  }
0x21: {  	s3 =	sadd.s32 s3, s9;
	s6 =	sadd.s32 @!p0 $0x88, s6;
	s7 =	simm.s32 @p2 $0x1082  }
0x22: {  	[simem:s7], [sflag:s8] =	dma.local @!p0 [hbm:s6], $0xF7A  }
0x23: {  	s9 =	sor.u32 $0xD0000000, s2;
	s6 =	simm.s32 $0x108;
	_ =	swait.ge @!p0 [sflag:s8], $0x0  }
0x24: {  	s3 =	sadd.s32 $0x88, s3;
	s6 =	simm.s32 @!p1 $0x1082;
	[sflag:s4] =	ssyncset.s32 $0xFFFFF086  }
0x25: {  	[simem:s6], [sflag:s4] =	dma.local [hbm:s3], $0xF7A  }
0x26: {  	[smem:$0x3FA0] =	sst s1;
	(tag) =	ssettag s2;
	_ =	strace s9  }
0x27: {  	s1 =	sld [smem:$0x3FB0]  }
0x28: {  	s2 =	sld [smem:$0x3FB1]  }
0x29: {  	s4 =	sld [smem:$0x3FB3]  }
0x2a: {  	p0 =	seq.s32 s5, $0x0;
	s5 =	sld [smem:$0x3FB4]  }
0x2b: {  	s6 =	sld [smem:$0x3FB5]  }
0x2c: {  	s7 =	sld [smem:$0x3FB6]  }
0x2d: {  	s3 =	simm.s32 $0x108;
	s8 =	sld [smem:$0x3FB7]  }
0x2e: {  	s3 =	simm.s32 @!p0 $0x1082;
	s9 =	sld [smem:$0x3FB8]  }
0x2f: {  	lr =	sadd.s32 s0, s3;
	s0 =	sld [smem:$0x3FAF]  }
0x30: {  	s3 =	sld [smem:$0x3FB2]  }
0x31: {  	[smem:$0x3FBB] =	sst s10  }
0x32: {  	s10 =	sld [smem:$0x3FB9];
	_ =	sdelay $0x3  }
0x33: {  	p0 =	seq.s32 s10, $0x1;
	s10 =	sld [smem:$0x3FBB];
	_ =	sdelay $0x3  }
0x34: {  	[smem:$0x3FBB] =	sst s10  }
0x35: {  	s10 =	sld [smem:$0x3FBA];
	_ =	sdelay $0x3  }
0x36: {  	p1 =	seq.s32 s10, $0x1;
	s10 =	sld [smem:$0x3FBB];
	_ =	sdelay $0x3  }
0x37: {  	[smem:$0x3FBB] =	sst s10  }
0x38: {  	s10 =	sld [smem:$0x3FBC]  }
0x39: {  	_ = 	snop;
	(pc) =	sbr.ind lr, $3  }
0x3a: {  	_ = 	snop  }
0x3b: {  	_ = 	snop  }
0x3c: {  	p2 =	seq.s32 s10, $0x1;
	s10 =	sld [smem:$0x3FBB]  }
0x3d: {  	_ =	shalt  }
0x3e: {  	_ =	shalt  }
0x3f: {  	_ =	shalt  }
0x40: {  	_ =	shalt  }
0x41: {  	_ =	shalt  }
0x42: {  	_ =	shalt  }
0x43: {  	_ =	shalt  }
0x44: {  	_ =	shalt  }
0x45: {  	_ =	shalt  }
0x46: {  	_ =	shalt  }
0x47: {  	_ =	shalt  }
0x48: {  	_ =	shalt  }
0x49: {  	_ =	shalt  }
0x4a: {  	_ =	shalt  }
0x4b: {  	_ =	shalt  }
0x4c: {  	_ =	shalt  }
0x4d: {  	_ =	shalt  }
0x4e: {  	_ =	shalt  }
0x4f: {  	_ =	shalt  }
0x50: {  	_ =	shalt  }
0x51: {  	_ =	shalt  }
0x52: {  	_ =	shalt  }
0x53: {  	_ =	shalt  }
0x54: {  	_ =	shalt  }
0x55: {  	_ =	shalt  }
0x56: {  	_ =	shalt  }
0x57: {  	_ =	shalt  }
0x58: {  	_ =	shalt  }
0x59: {  	_ =	shalt  }
0x5a: {  	_ =	shalt  }
0x5b: {  	_ =	shalt  }
0x5c: {  	_ =	shalt  }
0x5d: {  	_ =	shalt  }
0x5e: {  	_ =	shalt  }
0x5f: {  	_ =	shalt  }
0x60: {  	_ =	shalt  }
0x61: {  	_ =	shalt  }
0x62: {  	_ =	shalt  }
0x63: {  	_ =	shalt  }
0x64: {  	_ =	shalt  }
0x65: {  	_ =	shalt  }
0x66: {  	_ =	shalt  }
0x67: {  	_ =	shalt  }
0x68: {  	_ =	shalt  }
0x69: {  	_ =	shalt  }
0x6a: {  	_ =	shalt  }
0x6b: {  	_ =	shalt  }
0x6c: {  	_ =	shalt  }
0x6d: {  	_ =	shalt  }
0x6e: {  	_ =	shalt  }
0x6f: {  	_ =	shalt  }
0x70: {  	_ =	shalt  }
0x71: {  	_ =	shalt  }
0x72: {  	_ =	shalt  }
0x73: {  	_ =	shalt  }
0x74: {  	_ =	shalt  }
0x75: {  	_ =	shalt  }
0x76: {  	_ =	shalt  }
0x77: {  	_ =	shalt  }
0x78: {  	_ =	shalt  }
0x79: {  	_ =	shalt  }
0x7a: {  	_ =	shalt  }
0x7b: {  	_ =	shalt  }
0x7c: {  	_ =	shalt  }
0x7d: {  	_ =	shalt  }
0x7e: {  	_ =	shalt  }
0x7f: {  	_ =	shalt  }
0x80: {  	_ =	shalt  }
0x81: {  	_ =	shalt  }
0x82: {  	_ =	shalt  }
0x83: {  	_ =	shalt  }
0x84: {  	_ =	shalt  }
0x85: {  	_ =	shalt  }
0x86: {  	_ =	shalt  }
0x87: {  	_ =	shalt  }
.Lfunc_end0:
.L_simem_size_0:
called_computation_lowered:
.L_overlay_start_0:
0x88: {  	s2 =	sld [smem:$0x3FD9]  }
0x89: {  	s3 =	sld [smem:$0x3FFE];
	_ =	sdelay $0x1  }
0x8a: {  	s1 =	srdreg.scid  }
0x8b: {  	s0 =	sand.u32 $0x1, s1  }
0x8c: {  	s14 =	sshll.u32 s0, $0xA;
	s2 =	sadd.s32 s3, s2  }
0x8d: {  	s2 =	sadd.s32 s2, s14  }
0x8e: {  	[smem:$0x3FC7] =	sst s2  }
0x8f: {  	_ = 	snop  }
0x90: {  	s2 =	sld [smem:$0x3FD0];
	_ =	sdelay $0x2  }
0x91: {  	s15 =	simm.s32 $0xA;
	s4 =	simm.s32 $0x10  }
0x92: {  	[smem:s4], [sflag:s15] =	dma.local [hbm:s2], $0x1  }
0x93: {  	_ =	swait.eq [sflag:s15], $0x1  }
0x94: {  	[sflag:s15] =	ssyncset.done $0x0  }
0x95: {  	[sflag:s15] =	ssyncadd.s32 $0xFFFFFFFF  }
0x96: {  	s16 =	sld [smem:$0x11];
	(tm) =	ssettm $0x1  }
0x97: {  	s17 =	sld [smem:$0x3FFB];
	_ =	sdelay $0x3  }
0x98: {  	_ =	strace s17  }
0x99: {  	s3 =	sld [smem:$0x3FFC];
	_ =	sdelay $0x3  }
0x9a: {  	_ =	strace s3  }
0x9b: {  	s3 =	sld [smem:$0x3FFD];
	_ =	sdelay $0x3  }
0x9c: {  	_ =	strace s3  }
0x9d: {  	_ =	strace $0x8FFFFFFF  }
0x9e: {  	s18 =	sld [smem:$0x3FDB];
	_ =	sdelay $0x1  }
0x9f: {  	s19 =	simm.s32 $_scs_section_size  }
0xa0: {  	s5 =	simm.s32 $_size__tile_overlayer_lowered;
	s6 =	simm.s32 $_tile_overlayer_lowered  }
0xa1: {  	s22 =	simm.s32 $0x1BFF;
	s21 =	sshll.u32 s6, $0x1;
	s3 =	sadd.s32 s19, s18  }
0xa2: {  	s7 =	simm.s32 $0x0;
	s20 =	sshll.u32 s5, $0x1;
	s5 =	sadd.s32 s21, s3  }
0xa3: {  	[timem:s7], [sflag:s22] =	dma.local [hbm:s5], s20  }
0xa4: {  	_ =	swait.ge [sflag:s22], s20  }
0xa5: {  	s4 =	ssub.s32 $0x0, s20;
	[sflag:s22] =	ssyncset.done $0x0  }
0xa6: {  	[sflag:s22] =	ssyncadd.s32 s4;
	_ =	sdelay $0x1  }
0xa7: {  	s23 =	simm.s32 $0x1B8B  }
0xa8: {  	_ =	swait.ge [sflag:s23], $0x1  }
0xa9: {  	[sflag:s23] =	ssyncset.done $0x0  }
0xaa: {  	s25 =	simm.s32 $0x1B8E;
	s24 =	sld [smem:$0x3FFE];
	[sflag:s23] =	ssyncadd.s32 $0xFFFFFFFF  }
0xab: {  	s26 =	simm.s32 $execute0_lowered;
	[smem:$0x3FD2] =	sst s25  }
0xac: {  	s5 =	sshll.u32 s26, $0x1;
	_ =	strace $0x80000046;
	[dreg:$0x1] =	wrdreg $0xFFFFFFFF  }
0xad: {  	s28 =	simm.s32 $_size_execute0_lowered;
	s3 =	sadd.s32 s3, s5;
	[dreg:$0x0] =	wrdreg $0x0  }
0xae: {  	s5 =	sshll.u32 s28, $0x1;
	[dreg:$0x2] =	wrdreg s3  }
0xaf: {  	[dreg:$0x3] =	wrdreg s5  }
0xb0: {  	[dreg:$0x4] =	wrdreg $0xC0  }
0xb1: {  	_ =	task [dreg:s7], $0x5FFFF  }
0xb2: {  	[dreg:$0x1] =	wrdreg $0xFFFFFFFF  }
0xb3: {  	[dreg:$0x0] =	wrdreg $0x60  }
0xb4: {  	[dreg:$0x2] =	wrdreg s24  }
0xb5: {  	[dreg:$0x3] =	wrdreg s16  }
0xb6: {  	[dreg:$0x4] =	wrdreg $0x191000  }
0xb7: {  	[dreg:$0x5] =	wrdreg $0x1B1000  }
0xb8: {  	[dreg:$0x6] =	wrdreg $0x9  }
0xb9: {  	_ =	task.clear_ibuf [dreg:s7], $0x7FFFF;
	_ =	strace $0x90000046  }
0xba: {  	s29 =	simm.s32 $0x9;
	_ =	strace $0x80000048  }
0xbb: {  	_ =	swait.ge [sflag:s29], $0x1  }
0xbc: {  	[sflag:s29] =	ssyncadd.s32 $0xFFFFFFFF  }
0xbd: {  	_ =	strace $0x90000048  }
0xbe: {  	_ =	sfence  }
0xbf: {  	s30 =	sld [smem:$0x0];
	_ =	sdelay $0x2  }
0xc0: {  	s31 =	sshll.u32 s1, $0xD;
	s1 =	sshrl.u32 s1, $0x2  }
0xc1: {  	s3 =	sand.u32 $0x4000, s31;
	s1 =	sadd.s32 s1, s30  }
0xc2: {  	s0 =	sor.u32 s3, s0;
	s1 =	sshll.u32 s1, $0x11  }
0xc3: {  	s0 =	sor.u32 s1, s0  }
0xc4: {  	s0 =	sadd.s32 $0x8F2B, s0  }
0xc5: {  	[sflag:s0] =	ssyncadd.remote.s32 $0x1  }
0xc6: {  	_ =	sfence.sel $0xFFFF  }
0xc7: {  	[dreg:$0x0] =	wrdreg $0xFFFFFFFF;
	(pc) =	sbr.abs _section_cstart, $3  }
0xc8: {  	[dreg:$0x1] =	wrdreg $0xFFFFFFFF  }
0xc9: {  	_ =	task.clear_ibuf [dreg:s7], $0x2FFFF;
	_ =	strace $0x9FFFFFFF  }
0xca: {  	(tm) =	ssettm $0x7FFFFFFF  }
0xcb: {  	_ =	shalt  }
tec
execute0_lowered:
.L_overlay_start_1:
0x0: {  	(tag) =	ssettag $0x1  }
0x1: {  	s1 =	rddreg [dreg:$0x0]  }
0x2: {  	s4 =	rddreg [dreg:$0x1]  }
0x3: {  	s0 =	srdreg.scid;
	s7 =	rddreg [dreg:$0x2]  }
0x4: {  	s13 =	stileid.u32;
	s8 =	rddreg [dreg:$0x3]  }
0x5: {  	s28 =	simm.s32 $0x7400;
	s31 =	simm.s32 $0x0;
	s0 =	sand.u32 $0x1, s0  }
0x6: {  	s6 =	sshrl.u32 s13, $0x3;
	s9 =	sand.u32 $0x7, s13;
	s12 =	sshll.u32 s13, $0xD  }
0x7: {  	s13 =	sshll.u32 s13, $0x7;
	s2 =	sshll.u32 s0, $0x1;
	s5 =	smul.u32 $0x93000, s9  }
0x8: {  	s10 =	ssub.s32 $0x2, s0;
	s14 =	sshll.u32 s9, $0xD;
	s13 =	sand.u32 $0x380, s13  }
0x9: {  	s21 =	sshll.u32 s6, $0x7;
	s0 =	sshll.u32 s0, $0x7;
	s23 =	sshll.u32 s9, $0x4  }
0xa: {  	s25 =	sshll.u32 s6, $0x6;
	p0 =	sgt.u32 s9, $0x3;
	p1 =	seq.s32 s9, $0x2  }
0xb: {  	s2 =	sor.u32 s6, s2;
	s26 =	sshrl.u32 s10, $0x1;
	s22 =	sshrl.u32 s14, $0x2  }
0xc: {  	s0 =	sadd.s32 s4, s0;
	s3 =	smul.u32 $0x498000, s2;
	s2 =	simm.s32 $0x0  }
0xd: {  	s0 =	sadd.s32 s23, s0;
	s23 =	simm.s32 $0x2;
	[smem:$0x7FF] =	sst s2  }
0xe: {  	s0 =	sadd.s32 s25, s0;
	s25 =	simm.s32 $0x400;
	_ =	strace $0x80000047  }
0xf: {  	s11 =	sadd.s32 s5, s3;
	s3 =	sadd.s32 $0xA00, s1;
	s1 =	ssub.s32 s10, s26  }
0x10: {  	s10 =	sand.u32 $0x10000, s12;
	s12 =	sshll.u32 s6, $0x10;
	[dreg:$0xf] =	wrdreg s0  }
0x11: {  	s0 =	simm.s32 @!p1 $0x0;
	s5 =	sshrl.u32 s11, $0x3;
	s26 =	smax.u32 s1, $0x1  }
0x12: {  	s12 =	sadd.s32 s12, s7;
	s0 =	simm.s32 @p1 $0x1;
	[dreg:$0x10] =	wrdreg s26  }
0x13: {  	s10 =	sadd.s32 s10, s7;
	s5 =	sadd.s32 s3, s5;
	[smem:$0x7FB] =	sst s0  }
0x14: {  	s17 =	sadd.s32 s13, s10;
	s10 =	sadd.s32 s21, s8;
	[dreg:$0x5] =	wrdreg s5  }
0x15: {  	s7 =	sadd.s32 $0x3000, s11;
	s16 =	sadd.s32 s14, s12;
	[dreg:$0xd] =	wrdreg s10  }
0x16: {  	p1 =	seq.s32 s9, $0x1;
	s21 =	simm.s32 $0x1800;
	[dreg:$0x6] =	wrdreg s16  }
0x17: {  	s0 =	simm.s32 @!p1 $0x0;
	s13 =	sadd.s32 $0x180, s16;
	[dreg:$0x7] =	wrdreg s17  }
0x18: {  	s26 =	simm.s32 $0x3;
	s15 =	sadd.s32 $0x200, s16;
	[dreg:$0x8] =	wrdreg s13  }
0x19: {  	s5 =	sadd.s32 $0x1800, s11;
	s18 =	sadd.s32 $0x280, s16;
	[dreg:$0x9] =	wrdreg s15  }
0x1a: {  	s29 =	sadd.s32 $0x80, s16;
	s19 =	sadd.s32 $0x300, s16;
	[dreg:$0xa] =	wrdreg s18  }
0x1b: {  	s30 =	sadd.s32 $0x100, s16;
	s20 =	sadd.s32 $0x380, s16;
	[dreg:$0xb] =	wrdreg s19  }
0x1c: {  	s0 =	simm.s32 @p1 $0x1;
	p1 =	seq.s32 s9, $0x0;
	[dreg:$0xc] =	wrdreg s20  }
0x1d: {  	s24 =	sadd.s32 s22, s10;
	[smem:$0x7FC] =	sst s0;
	s0 =	simm.s32 @!p1 $0x0  }
0x1e: {  	v0 =	vimm.s32 $0x0;
	s22 =	simm.s32 $0x3000;
	[dreg:$0xe] =	wrdreg s24;
	s0 =	simm.s32 @p1 $0x1  }
0x1f: {  	v1 =	vimm.s32 $0x1;
	vm0 =	vmxor vm0, vm0;
	v2 =	vlaneseq.u32;
	s20 =	simm.s32 $0x1;
	s24 =	simm.s32 $0x80;
	[smem:$0x7FD] =	sst s0  }
.LBB2_1:
0x20: {  	s0 =	simm.s32 $0x40;
	s4 =	simm.s32 $0x0  }
.LBB2_2:
0x21: {  	p1 =	sne.s32 s0, $0x7FC0;
	[tilespmem:s4+$0x3000] =	vst v0;
	s4 =	smov.u32 s0;
	s0 =	sadd.s32 $0x40, s0  }
.Ltmp0:
0x22: {  	(pc) =	sbr.rel @p1 .LBB2_2-.Ltmp0, $2  }
0x23: {  	_ =	sdelay $0x2  }
0x24: {  	s4 =	sshra.s32 s4, $0x2  }
0x25: {  	[tilespmem:s4+$0x3000] =	vst v0;
	s8 =	simm.s32 $0x0;
	s0 =	rddreg [dreg:$0x5]  }
0x26: {  	[tilespmem:s8], [sflag:$0x1] =	stream.linear.gather [hbm4b:s0+s8], $0x1800, $0x38;
	[tilespmem:$0x1B500] =	vst v63  }
0x27: {  	s0 =	simm.s32 $0x0  }
.LBB2_4:
0x28: {  	s4 =	smul.u32 $0x3000, s0;
	_ =	sdelay $0x1  }
0x29: {  	_ =	swait.ge [sflag:s20], $0x1800;
	s6 =	sadd.s32 s4, s5  }
0x2a: {  	[sflag:s20] =	ssyncset.done $0x0;
	s6 =	sshrl.u32 s6, $0x3  }
0x2b: {  	s18 =	simm.s32 $0x10;
	[sflag:s20] =	ssyncadd.s32 $0xFFFFE800;
	s6 =	sadd.s32 s3, s6  }
0x2c: {  	[tilespmem:s21], [sflag:$0x2] =	stream.linear.gather [hbm4b:s6+s2], $0x1800, $0x38;
	[tilespmem:$0x1B500] =	vst v63  }
0x2d: {  	v3 =	vld [tilespmem:s18+$0xFFFFFFF0];
	_ =	sdelay $0x4  }
0x2e: {  	vm1 =	vlt.s32 v3, $0x0;
	v4 =	vxor.u32 $0xFFFFFFFF, v3;
	v3 =	vor.u32 $0x80000000, v3  }
0x2f: {  	v3 =	vsel vm1, v4, v3  }
0x30: {  	v4 =	vshrl.u32 v3, $0x15;
	v5 =	vadd.s32 $0xBCC00000, v3  }
0x31: {  	p1 =	slt.s32 s8, $0xFFF1;
	vm3 =	vmmov vm0;
	vm1 =	veq.s32 v4, $0x202;
	vm2 =	vlt.u32 v5, $0x79800000  }
0x32: {  	vm3 =	vmneg @p1 vm3;
	vm1 =	vmor vm1, vm2  }
0x33: {  	vm1 =	vmand vm3, vm1  }
0x34: {  	v5 =	vmpcnt.ones.xlane vm1;
	_ =	sdelay $0x1  }
0x35: {  	(v2sf) =	vpush v5, $0x0;
	_ =	sdelay $0x6  }
0x36: {  	[tilespmem:v4+s22+$0x0] =	vst.idx.add.s32.msk $0xffff, v1  }
0x37: {  	[tilespmem:s8+$0x9080] =	vst.msk vm1, v3  }
0x38: {  	v3 =	vld [tilespmem:s18+$0x0];
	_ =	sdelay $0x4  }
0x39: {  	vm1 =	vlt.s32 v3, $0x0;
	v4 =	vxor.u32 $0xFFFFFFFF, v3;
	v3 =	vor.u32 $0x80000000, v3  }
0x3a: {  	v3 =	vsel vm1, v4, v3;
	s19 =	spop (v2sf)  }
0x3b: {  	v4 =	vshrl.u32 v3, $0x15;
	v5 =	vadd.s32 $0xBCC00000, v3;
	s10 =	sadd.s32 s8, s19  }
0x3c: {  	vm3 =	vmmov vm0;
	vm1 =	veq.s32 v4, $0x202;
	vm2 =	vlt.u32 v5, $0x79800000;
	p1 =	slt.s32 s10, $0xFFF1  }
0x3d: {  	vm1 =	vmor vm1, vm2;
	vm3 =	vmneg @p1 vm3  }
0x3e: {  	vm1 =	vmand vm3, vm1  }
0x3f: {  	v5 =	vmpcnt.ones.xlane vm1;
	_ =	sdelay $0x1  }
0x40: {  	(v2sf) =	vpush v5, $0x0;
	_ =	sdelay $0x6  }
0x41: {  	[tilespmem:v4+s22+$0x0] =	vst.idx.add.s32.msk $0xffff, v1  }
0x42: {  	s8 =	simm.s32 $0x30;
	[tilespmem:s10+$0x9080] =	vst.msk vm1, v3  }
0x43: {  	v3 =	vld [tilespmem:s8+$0xFFFFFFF0];
	_ =	sdelay $0x4  }
0x44: {  	vm1 =	vlt.s32 v3, $0x0;
	v4 =	vxor.u32 $0xFFFFFFFF, v3;
	v3 =	vor.u32 $0x80000000, v3  }
0x45: {  	s9 =	simm.s32 $0x2;
	v3 =	vsel vm1, v4, v3;
	s6 =	spop (v2sf)  }
.LBB2_5:
0x46: {  	v4 =	vshrl.u32 v3, $0x15;
	v5 =	vadd.s32 $0xBCC00000, v3  }
0x47: {  	s9 =	sadd.s32 $0x2, s9;
	s6 =	sadd.s32 s10, s6;
	vm1 =	veq.s32 v4, $0x202;
	vm2 =	vlt.u32 v5, $0x79800000  }
0x48: {  	p1 =	slt.u32 s9, $0x17E;
	p2 =	slt.s32 s6, $0xFFF1;
	vm1 =	vmor vm1, vm2;
	vm2 =	vmmov vm0  }
0x49: {  	vm2 =	vmneg @p2 vm2  }
0x4a: {  	vm1 =	vmand vm2, vm1  }
0x4b: {  	v5 =	vmpcnt.ones.xlane vm1  }
0x4c: {  	[tilespmem:v4+s22+$0x0] =	vst.idx.add.s32.msk $0xffff, v1  }
0x4d: {  	[tilespmem:s6+$0x9080] =	vst.msk vm1, v3;
	(v2sf) =	vpush v5, $0x0  }
0x4e: {  	v3 =	vld [tilespmem:s8+$0x0];
	_ =	sdelay $0x4  }
0x4f: {  	vm1 =	vlt.s32 v3, $0x0;
	v4 =	vxor.u32 $0xFFFFFFFF, v3;
	v3 =	vor.u32 $0x80000000, v3  }
0x50: {  	v3 =	vsel vm1, v4, v3  }
0x51: {  	v4 =	vshrl.u32 v3, $0x15;
	v5 =	vadd.s32 $0xBCC00000, v3  }
0x52: {  	vm1 =	veq.s32 v4, $0x202;
	vm2 =	vlt.u32 v5, $0x79800000  }
0x53: {  	vm1 =	vmor vm1, vm2;
	_ =	sdelay $0x2  }
0x54: {  	[tilespmem:v4+s22+$0x0] =	vst.idx.add.s32.msk $0xffff, v1;
	_ =	sdelay $0x1  }
0x55: {  	s10 =	spop (v2sf)  }
0x56: {  	s10 =	sadd.s32 s6, s10  }
0x57: {  	vm2 =	vmmov vm0;
	p2 =	slt.s32 s10, $0xFFF1  }
0x58: {  	vm2 =	vmneg @p2 vm2  }
0x59: {  	vm1 =	vmand vm2, vm1  }
0x5a: {  	[tilespmem:s10+$0x9080] =	vst.msk vm1, v3;
	v3 =	vmpcnt.ones.xlane vm1;
	_ =	sdelay $0x1  }
0x5b: {  	(v2sf) =	vpush v3, $0x0;
	_ =	sdelay $0x7  }
0x5c: {  	s8 =	sadd.s32 $0x20, s8  }
0x5d: {  	v3 =	vld [tilespmem:s8+$0xFFFFFFF0];
	_ =	sdelay $0x1  }
.Ltmp1:
0x5e: {  	(pc) =	sbr.rel @p1 .LBB2_5-.Ltmp1, $3  }
0x5f: {  	_ =	sdelay $0x1  }
0x60: {  	vm1 =	vlt.s32 v3, $0x0;
	v4 =	vxor.u32 $0xFFFFFFFF, v3;
	v3 =	vor.u32 $0x80000000, v3  }
0x61: {  	v3 =	vsel vm1, v4, v3;
	s6 =	spop (v2sf)  }
0x62: {  	v4 =	vshrl.u32 v3, $0x15;
	v5 =	vadd.s32 $0xBCC00000, v3;
	s6 =	sadd.s32 s10, s6  }
0x63: {  	vm3 =	vmmov vm0;
	vm1 =	veq.s32 v4, $0x202;
	vm2 =	vlt.u32 v5, $0x79800000;
	p1 =	slt.s32 s6, $0xFFF1  }
0x64: {  	vm1 =	vmor vm1, vm2;
	vm3 =	vmneg @p1 vm3  }
0x65: {  	vm1 =	vmand vm3, vm1  }
0x66: {  	v5 =	vmpcnt.ones.xlane vm1;
	_ =	sdelay $0x1  }
0x67: {  	(v2sf) =	vpush v5, $0x0;
	_ =	sdelay $0x6  }
0x68: {  	[tilespmem:v4+s22+$0x0] =	vst.idx.add.s32.msk $0xffff, v1  }
0x69: {  	[tilespmem:s6+$0x9080] =	vst.msk vm1, v3  }
0x6a: {  	v3 =	vld [tilespmem:s8+$0x0];
	_ =	sdelay $0x4  }
0x6b: {  	vm1 =	vlt.s32 v3, $0x0;
	v4 =	vxor.u32 $0xFFFFFFFF, v3;
	v3 =	vor.u32 $0x80000000, v3  }
0x6c: {  	v3 =	vsel vm1, v4, v3;
	s14 =	spop (v2sf)  }
0x6d: {  	v4 =	vshrl.u32 v3, $0x15;
	v5 =	vadd.s32 $0xBCC00000, v3;
	s6 =	sadd.s32 s6, s14  }
0x6e: {  	vm3 =	vmmov vm0;
	vm1 =	veq.s32 v4, $0x202;
	vm2 =	vlt.u32 v5, $0x79800000;
	p1 =	slt.s32 s6, $0xFFF1  }
0x6f: {  	vm1 =	vmor vm1, vm2;
	vm3 =	vmneg @p1 vm3  }
0x70: {  	vm1 =	vmand vm3, vm1  }
0x71: {  	v5 =	vmpcnt.ones.xlane vm1;
	_ =	sdelay $0x1  }
0x72: {  	(v2sf) =	vpush v5, $0x0;
	_ =	sdelay $0xd  }
0x73: {  	[tilespmem:v4+s22+$0x0] =	vst.idx.add.s32.msk $0xffff, v1  }
0x74: {  	p1 =	seq.s32 s0, $0x30;
	[tilespmem:s6+$0x9080] =	vst.msk vm1, v3;
	s15 =	spop (v2sf)  }
0x75: {  	s4 =	sadd.s32 @!p1 s4, s7;
	_ =	swait.ge [sflag:s23], $0x1800  }
0x76: {  	s18 =	simm.s32 $0x1810;
	s4 =	sshrl.u32 @!p1 s4, $0x3;
	[sflag:s23] =	ssyncset.done $0x0  }
0x77: {  	s9 =	simm.s32 @!p1 $0x0;
	s4 =	sadd.s32 @!p1 s3, s4;
	[sflag:s23] =	ssyncadd.s32 $0xFFFFE800  }
0x78: {  	[tilespmem:s9], [sflag:$0x1] =	stream.linear.gather @!p1 [hbm4b:s4+s9], $0x1800, $0x38;
	[tilespmem:$0x1B500] =	vst v63  }
0x79: {  	v3 =	vld [tilespmem:s18+$0xFFFFFFF0];
	_ =	sdelay $0x4  }
0x7a: {  	vm1 =	vlt.s32 v3, $0x0;
	v4 =	vxor.u32 $0xFFFFFFFF, v3;
	v3 =	vor.u32 $0x80000000, v3  }
0x7b: {  	v3 =	vsel vm1, v4, v3  }
0x7c: {  	s6 =	sadd.s32 s6, s15;
	v4 =	vshrl.u32 v3, $0x15;
	v5 =	vadd.s32 $0xBCC00000, v3  }
0x7d: {  	vm3 =	vmmov vm0;
	p1 =	slt.s32 s6, $0xFFF1;
	vm1 =	veq.s32 v4, $0x202;
	vm2 =	vlt.u32 v5, $0x79800000  }
0x7e: {  	vm3 =	vmneg @p1 vm3;
	vm1 =	vmor vm1, vm2  }
0x7f: {  	vm1 =	vmand vm3, vm1  }
0x80: {  	v5 =	vmpcnt.ones.xlane vm1;
	_ =	sdelay $0x1  }
0x81: {  	(v2sf) =	vpush v5, $0x0;
	_ =	sdelay $0x6  }
0x82: {  	[tilespmem:v4+s22+$0x0] =	vst.idx.add.s32.msk $0xffff, v1  }
0x83: {  	[tilespmem:s6+$0x9080] =	vst.msk vm1, v3  }
0x84: {  	v3 =	vld [tilespmem:s18+$0x0];
	_ =	sdelay $0x4  }
0x85: {  	vm1 =	vlt.s32 v3, $0x0;
	v4 =	vxor.u32 $0xFFFFFFFF, v3;
	v3 =	vor.u32 $0x80000000, v3  }
0x86: {  	v3 =	vsel vm1, v4, v3;
	s19 =	spop (v2sf)  }
0x87: {  	v4 =	vshrl.u32 v3, $0x15;
	v5 =	vadd.s32 $0xBCC00000, v3;
	s9 =	sadd.s32 s6, s19  }
0x88: {  	vm3 =	vmmov vm0;
	vm1 =	veq.s32 v4, $0x202;
	vm2 =	vlt.u32 v5, $0x79800000;
	p1 =	slt.s32 s9, $0xFFF1  }
0x89: {  	vm1 =	vmor vm1, vm2;
	vm3 =	vmneg @p1 vm3  }
0x8a: {  	vm1 =	vmand vm3, vm1  }
0x8b: {  	v5 =	vmpcnt.ones.xlane vm1;
	_ =	sdelay $0x1  }
0x8c: {  	(v2sf) =	vpush v5, $0x0;
	_ =	sdelay $0x6  }
0x8d: {  	[tilespmem:v4+s22+$0x0] =	vst.idx.add.s32.msk $0xffff, v1  }
0x8e: {  	s4 =	simm.s32 $0x1830;
	[tilespmem:s9+$0x9080] =	vst.msk vm1, v3  }
0x8f: {  	v3 =	vld [tilespmem:s4+$0xFFFFFFF0];
	_ =	sdelay $0x4  }
0x90: {  	vm1 =	vlt.s32 v3, $0x0;
	v4 =	vxor.u32 $0xFFFFFFFF, v3;
	v3 =	vor.u32 $0x80000000, v3  }
0x91: {  	s8 =	simm.s32 $0x2;
	v3 =	vsel vm1, v4, v3;
	s6 =	spop (v2sf)  }
.LBB2_7:
0x92: {  	v4 =	vshrl.u32 v3, $0x15;
	v5 =	vadd.s32 $0xBCC00000, v3  }
0x93: {  	s8 =	sadd.s32 $0x2, s8;
	s6 =	sadd.s32 s9, s6;
	vm1 =	veq.s32 v4, $0x202;
	vm2 =	vlt.u32 v5, $0x79800000  }
0x94: {  	p1 =	slt.u32 s8, $0x17E;
	p2 =	slt.s32 s6, $0xFFF1;
	vm1 =	vmor vm1, vm2;
	vm2 =	vmmov vm0  }
0x95: {  	vm2 =	vmneg @p2 vm2  }
0x96: {  	vm1 =	vmand vm2, vm1  }
0x97: {  	v5 =	vmpcnt.ones.xlane vm1  }
0x98: {  	[tilespmem:v4+s22+$0x0] =	vst.idx.add.s32.msk $0xffff, v1  }
0x99: {  	[tilespmem:s6+$0x9080] =	vst.msk vm1, v3;
	(v2sf) =	vpush v5, $0x0  }
0x9a: {  	v3 =	vld [tilespmem:s4+$0x0];
	_ =	sdelay $0x4  }
0x9b: {  	vm1 =	vlt.s32 v3, $0x0;
	v4 =	vxor.u32 $0xFFFFFFFF, v3;
	v3 =	vor.u32 $0x80000000, v3  }
0x9c: {  	v3 =	vsel vm1, v4, v3  }
0x9d: {  	v4 =	vshrl.u32 v3, $0x15;
	v5 =	vadd.s32 $0xBCC00000, v3  }
0x9e: {  	vm1 =	veq.s32 v4, $0x202;
	vm2 =	vlt.u32 v5, $0x79800000  }
0x9f: {  	vm1 =	vmor vm1, vm2;
	_ =	sdelay $0x2  }
0xa0: {  	[tilespmem:v4+s22+$0x0] =	vst.idx.add.s32.msk $0xffff, v1;
	_ =	sdelay $0x1  }
0xa1: {  	s9 =	spop (v2sf)  }
0xa2: {  	s9 =	sadd.s32 s6, s9  }
0xa3: {  	vm2 =	vmmov vm0;
	p2 =	slt.s32 s9, $0xFFF1  }
0xa4: {  	vm2 =	vmneg @p2 vm2  }
0xa5: {  	vm1 =	vmand vm2, vm1  }
0xa6: {  	[tilespmem:s9+$0x9080] =	vst.msk vm1, v3;
	v3 =	vmpcnt.ones.xlane vm1;
	_ =	sdelay $0x1  }
0xa7: {  	(v2sf) =	vpush v3, $0x0;
	_ =	sdelay $0x7  }
0xa8: {  	s4 =	sadd.s32 $0x20, s4  }
0xa9: {  	v3 =	vld [tilespmem:s4+$0xFFFFFFF0];
	_ =	sdelay $0x1  }
.Ltmp2:
0xaa: {  	(pc) =	sbr.rel @p1 .LBB2_7-.Ltmp2, $3  }
0xab: {  	_ =	sdelay $0x1  }
0xac: {  	vm1 =	vlt.s32 v3, $0x0;
	v4 =	vxor.u32 $0xFFFFFFFF, v3;
	v3 =	vor.u32 $0x80000000, v3  }
0xad: {  	v3 =	vsel vm1, v4, v3;
	s6 =	spop (v2sf)  }
0xae: {  	v4 =	vshrl.u32 v3, $0x15;
	v5 =	vadd.s32 $0xBCC00000, v3;
	s6 =	sadd.s32 s9, s6  }
0xaf: {  	vm3 =	vmmov vm0;
	vm1 =	veq.s32 v4, $0x202;
	vm2 =	vlt.u32 v5, $0x79800000;
	p1 =	slt.s32 s6, $0xFFF1  }
0xb0: {  	vm1 =	vmor vm1, vm2;
	vm3 =	vmneg @p1 vm3  }
0xb1: {  	vm1 =	vmand vm3, vm1  }
0xb2: {  	v60 =	vmpcnt.ones.xlane vm1;
	_ =	sdelay $0x1  }
0xb3: {  	(v2sf) =	vpush v60, $0x0;
	_ =	sdelay $0x6  }
0xb4: {  	[tilespmem:v4+s22+$0x0] =	vst.idx.add.s32.msk $0xffff, v1  }
0xb5: {  	[tilespmem:s6+$0x9080] =	vst.msk vm1, v3  }
0xb6: {  	v3 =	vld [tilespmem:s4+$0x0];
	_ =	sdelay $0x4  }
0xb7: {  	vm1 =	vlt.s32 v3, $0x0;
	v61 =	vxor.u32 $0xFFFFFFFF, v3;
	v3 =	vor.u32 $0x80000000, v3  }
0xb8: {  	v3 =	vsel vm1, v61, v3;
	s18 =	spop (v2sf)  }
0xb9: {  	v4 =	vshrl.u32 v3, $0x15;
	v62 =	vadd.s32 $0xBCC00000, v3;
	s4 =	sadd.s32 s6, s18  }
0xba: {  	vm3 =	vmmov vm0;
	vm1 =	veq.s32 v4, $0x202;
	vm2 =	vlt.u32 v62, $0x79800000;
	p1 =	slt.s32 s4, $0xFFF1  }
0xbb: {  	vm1 =	vmor vm1, vm2;
	vm3 =	vmneg @p1 vm3  }
0xbc: {  	vm1 =	vmand vm3, vm1  }
0xbd: {  	v63 =	vmpcnt.ones.xlane vm1;
	_ =	sdelay $0x1  }
0xbe: {  	(v2sf) =	vpush v63, $0x0;
	_ =	sdelay $0x9  }
0xbf: {  	s0 =	sadd.s32 $0x1, s0  }
0xc0: {  	p1 =	sne.s32 s0, $0x31  }
.Ltmp3:
0xc1: {  	_ = 	snop;
	(pc) =	sbr.rel @p1 .LBB2_4-.Ltmp3, $3  }
0xc2: {  	_ =	sdelay $0x1  }
0xc3: {  	[tilespmem:v4+s22+$0x0] =	vst.idx.add.s32.msk $0xffff, v1;
	s19 =	spop (v2sf)  }
0xc4: {  	[tilespmem:s4+$0x9080] =	vst.msk vm1, v3;
	s8 =	sadd.s32 s4, s19  }
0xc5: {  	v3 =	vmov s8  }
0xc6: {  	[tilespmem:$0x19080] =	vst v3  }
0xc7: {  	[spmem:s17] =	stream.strided.scatter [tilespmem:s22], [sflag:$0x3], $0x2000, s25, s24, $0x38;
	[tilespmem:$0x1B500] =	vst v63  }
0xc8: {  	_ =	swait.ge [sflag:s26], $0x2000  }
0xc9: {  	[sflag:s26] =	ssyncset.done $0x0  }
0xca: {  	[sflag:s26] =	ssyncadd.s32 $0xFFFFE000  }
0xcb: {  	s0 =	simm.s32 $0x40;
	s4 =	simm.s32 $0x0;
	[bflag:$0x0] =	sbarrier.arrive $0xFFFF  }
.LBB2_10:
0xcc: {  	p1 =	sne.s32 s0, $0xFC0;
	[tilespmem:s4+$0x7000] =	vst v0;
	s4 =	smov.u32 s0;
	s0 =	sadd.s32 $0x40, s0  }
.Ltmp4:
0xcd: {  	(pc) =	sbr.rel @p1 .LBB2_10-.Ltmp4, $2  }
0xce: {  	_ =	sdelay $0x2  }
0xcf: {  	s4 =	sshra.s32 s4, $0x2  }
0xd0: {  	[tilespmem:s4+$0x7000] =	vst v0  }
0xd1: {  	[tilespmem:s28], [sflag:$0x3] =	stream.strided.gather [spmem:s16], $0x400, s25, s24, $0x38;
	[tilespmem:$0x1B500] =	vst v63  }
0xd2: {  	_ =	swait.ge [sflag:s26], $0x400  }
0xd3: {  	s0 =	simm.s32 $0x0;
	[sflag:s26] =	ssyncset.done $0x0  }
0xd4: {  	s19 =	sand.u32 $0x3F0, s0;
	[sflag:s26] =	ssyncadd.s32 $0xFFFFFC00  }
0xd5: {  	s4 =	simm.s32 $0x10;
	s0 =	simm.s32 $0x7000;
	v3 =	vld [tilespmem:s19+$0x7400]  }
.LBB2_12:
0xd6: {  	p1 =	sne.s32 s4, $0x3F0;
	v4 =	vld [tilespmem:s0+$0x0];
	_ =	sdelay $0x2  }
.Ltmp5:
0xd7: {  	(pc) =	sbr.rel @p1 .LBB2_12-.Ltmp5, $4  }
0xd8: {  	_ = 	snop  }
0xd9: {  	v3 =	vadd.s32 v4, v3  }
0xda: {  	s6 =	sand.u32 $0x3F0, s4;
	[tilespmem:s0+$0x0] =	vst v3  }
0xdb: {  	s4 =	sadd.s32 $0x10, s4;
	s0 =	sadd.s32 $0x10, s0;
	v3 =	vld [tilespmem:s6+$0x7400]  }
0xdc: {  	v4 =	vld [tilespmem:s0+$0x0];
	_ =	sdelay $0x4  }
0xdd: {  	v3 =	vadd.s32 v4, v3  }
0xde: {  	[tilespmem:s0+$0x0] =	vst v3  }
0xdf: {  	[tilespmem:s28], [sflag:$0x3] =	stream.strided.gather [spmem:s29], $0x400, s25, s24, $0x38;
	[tilespmem:$0x1B500] =	vst v63  }
0xe0: {  	_ =	swait.ge [sflag:s26], $0x400  }
0xe1: {  	s19 =	simm.s32 $0x0;
	[sflag:s26] =	ssyncset.done $0x0  }
0xe2: {  	s4 =	sand.u32 $0x3F0, s19;
	[sflag:s26] =	ssyncadd.s32 $0xFFFFFC00  }
0xe3: {  	s0 =	simm.s32 $0x7000;
	v3 =	vld [tilespmem:s4+$0x7400];
	s4 =	simm.s32 $0x10  }
.LBB2_14:
0xe4: {  	p1 =	sne.s32 s4, $0x3F0;
	v4 =	vld [tilespmem:s0+$0x0];
	_ =	sdelay $0x2  }
.Ltmp6:
0xe5: {  	(pc) =	sbr.rel @p1 .LBB2_14-.Ltmp6, $4  }
0xe6: {  	_ = 	snop  }
0xe7: {  	v3 =	vadd.s32 v4, v3  }
0xe8: {  	s6 =	sand.u32 $0x3F0, s4;
	[tilespmem:s0+$0x0] =	vst v3  }
0xe9: {  	s4 =	sadd.s32 $0x10, s4;
	s0 =	sadd.s32 $0x10, s0;
	v3 =	vld [tilespmem:s6+$0x7400]  }
0xea: {  	v4 =	vld [tilespmem:s0+$0x0];
	_ =	sdelay $0x4  }
0xeb: {  	v3 =	vadd.s32 v4, v3  }
0xec: {  	[tilespmem:s0+$0x0] =	vst v3  }
0xed: {  	[tilespmem:s28], [sflag:$0x3] =	stream.strided.gather [spmem:s30], $0x400, s25, s24, $0x38;
	[tilespmem:$0x1B500] =	vst v63  }
0xee: {  	_ =	swait.ge [sflag:s26], $0x400  }
0xef: {  	s19 =	simm.s32 $0x0;
	[sflag:s26] =	ssyncset.done $0x0  }
0xf0: {  	s4 =	sand.u32 $0x3F0, s19;
	[sflag:s26] =	ssyncadd.s32 $0xFFFFFC00  }
0xf1: {  	s0 =	simm.s32 $0x7000;
	v3 =	vld [tilespmem:s4+$0x7400];
	s4 =	simm.s32 $0x10  }
.LBB2_16:
0xf2: {  	p1 =	sne.s32 s4, $0x3F0;
	v4 =	vld [tilespmem:s0+$0x0];
	_ =	sdelay $0x2  }
.Ltmp7:
0xf3: {  	(pc) =	sbr.rel @p1 .LBB2_16-.Ltmp7, $4  }
0xf4: {  	_ = 	snop  }
0xf5: {  	v3 =	vadd.s32 v4, v3  }
0xf6: {  	s6 =	sand.u32 $0x3F0, s4;
	[tilespmem:s0+$0x0] =	vst v3  }
0xf7: {  	s4 =	sadd.s32 $0x10, s4;
	s0 =	sadd.s32 $0x10, s0;
	v3 =	vld [tilespmem:s6+$0x7400]  }
0xf8: {  	v4 =	vld [tilespmem:s0+$0x0];
	_ =	sdelay $0x4  }
0xf9: {  	v3 =	vadd.s32 v4, v3  }
0xfa: {  	s18 =	rddreg [dreg:$0x8];
	[tilespmem:s0+$0x0] =	vst v3  }
0xfb: {  	[tilespmem:s28], [sflag:$0x3] =	stream.strided.gather [spmem:s18], $0x400, s25, s24, $0x38;
	[tilespmem:$0x1B500] =	vst v63  }
0xfc: {  	_ =	swait.ge [sflag:s26], $0x400  }
0xfd: {  	s19 =	simm.s32 $0x0;
	[sflag:s26] =	ssyncset.done $0x0  }
0xfe: {  	s4 =	sand.u32 $0x3F0, s19;
	[sflag:s26] =	ssyncadd.s32 $0xFFFFFC00  }
0xff: {  	s0 =	simm.s32 $0x7000;
	v3 =	vld [tilespmem:s4+$0x7400];
	s4 =	simm.s32 $0x10  }
.LBB2_18:
0x100: {  	p1 =	sne.s32 s4, $0x3F0;
	v4 =	vld [tilespmem:s0+$0x0];
	_ =	sdelay $0x2  }
.Ltmp8:
0x101: {  	(pc) =	sbr.rel @p1 .LBB2_18-.Ltmp8, $4  }
0x102: {  	_ = 	snop  }
0x103: {  	v3 =	vadd.s32 v4, v3  }
0x104: {  	s6 =	sand.u32 $0x3F0, s4;
	[tilespmem:s0+$0x0] =	vst v3  }
0x105: {  	s4 =	sadd.s32 $0x10, s4;
	s0 =	sadd.s32 $0x10, s0;
	v3 =	vld [tilespmem:s6+$0x7400]  }
0x106: {  	v4 =	vld [tilespmem:s0+$0x0];
	_ =	sdelay $0x4  }
0x107: {  	v3 =	vadd.s32 v4, v3  }
0x108: {  	s18 =	rddreg [dreg:$0x9];
	[tilespmem:s0+$0x0] =	vst v3  }
0x109: {  	[tilespmem:s28], [sflag:$0x3] =	stream.strided.gather [spmem:s18], $0x400, s25, s24, $0x38;
	[tilespmem:$0x1B500] =	vst v63  }
0x10a: {  	_ =	swait.ge [sflag:s26], $0x400  }
0x10b: {  	s19 =	simm.s32 $0x0;
	[sflag:s26] =	ssyncset.done $0x0  }
0x10c: {  	s4 =	sand.u32 $0x3F0, s19;
	[sflag:s26] =	ssyncadd.s32 $0xFFFFFC00  }
0x10d: {  	s0 =	simm.s32 $0x7000;
	v3 =	vld [tilespmem:s4+$0x7400];
	s4 =	simm.s32 $0x10  }
.LBB2_20:
0x10e: {  	p1 =	sne.s32 s4, $0x3F0;
	v4 =	vld [tilespmem:s0+$0x0];
	_ =	sdelay $0x2  }
.Ltmp9:
0x10f: {  	(pc) =	sbr.rel @p1 .LBB2_20-.Ltmp9, $4  }
0x110: {  	_ = 	snop  }
0x111: {  	v3 =	vadd.s32 v4, v3  }
0x112: {  	s6 =	sand.u32 $0x3F0, s4;
	[tilespmem:s0+$0x0] =	vst v3  }
0x113: {  	s4 =	sadd.s32 $0x10, s4;
	s0 =	sadd.s32 $0x10, s0;
	v3 =	vld [tilespmem:s6+$0x7400]  }
0x114: {  	v4 =	vld [tilespmem:s0+$0x0];
	_ =	sdelay $0x4  }
0x115: {  	v3 =	vadd.s32 v4, v3  }
0x116: {  	s18 =	rddreg [dreg:$0xa];
	[tilespmem:s0+$0x0] =	vst v3  }
0x117: {  	[tilespmem:s28], [sflag:$0x3] =	stream.strided.gather [spmem:s18], $0x400, s25, s24, $0x38;
	[tilespmem:$0x1B500] =	vst v63  }
0x118: {  	_ =	swait.ge [sflag:s26], $0x400  }
0x119: {  	s19 =	simm.s32 $0x0;
	[sflag:s26] =	ssyncset.done $0x0  }
0x11a: {  	s4 =	sand.u32 $0x3F0, s19;
	[sflag:s26] =	ssyncadd.s32 $0xFFFFFC00  }
0x11b: {  	s0 =	simm.s32 $0x7000;
	v3 =	vld [tilespmem:s4+$0x7400];
	s4 =	simm.s32 $0x10  }
.LBB2_22:
0x11c: {  	p1 =	sne.s32 s4, $0x3F0;
	v4 =	vld [tilespmem:s0+$0x0];
	_ =	sdelay $0x2  }
.Ltmp10:
0x11d: {  	(pc) =	sbr.rel @p1 .LBB2_22-.Ltmp10, $4  }
0x11e: {  	_ = 	snop  }
0x11f: {  	v3 =	vadd.s32 v4, v3  }
0x120: {  	s6 =	sand.u32 $0x3F0, s4;
	[tilespmem:s0+$0x0] =	vst v3  }
0x121: {  	s4 =	sadd.s32 $0x10, s4;
	s0 =	sadd.s32 $0x10, s0;
	v3 =	vld [tilespmem:s6+$0x7400]  }
0x122: {  	v4 =	vld [tilespmem:s0+$0x0];
	_ =	sdelay $0x4  }
0x123: {  	v3 =	vadd.s32 v4, v3  }
0x124: {  	s18 =	rddreg [dreg:$0xb];
	[tilespmem:s0+$0x0] =	vst v3  }
0x125: {  	[tilespmem:s28], [sflag:$0x3] =	stream.strided.gather [spmem:s18], $0x400, s25, s24, $0x38;
	[tilespmem:$0x1B500] =	vst v63  }
0x126: {  	_ =	swait.ge [sflag:s26], $0x400  }
0x127: {  	s19 =	simm.s32 $0x0;
	[sflag:s26] =	ssyncset.done $0x0  }
0x128: {  	s4 =	sand.u32 $0x3F0, s19;
	[sflag:s26] =	ssyncadd.s32 $0xFFFFFC00  }
0x129: {  	s0 =	simm.s32 $0x7000;
	v3 =	vld [tilespmem:s4+$0x7400];
	s4 =	simm.s32 $0x10  }
.LBB2_24:
0x12a: {  	p1 =	sne.s32 s4, $0x3F0;
	v4 =	vld [tilespmem:s0+$0x0];
	_ =	sdelay $0x2  }
.Ltmp11:
0x12b: {  	(pc) =	sbr.rel @p1 .LBB2_24-.Ltmp11, $4  }
0x12c: {  	_ = 	snop  }
0x12d: {  	v3 =	vadd.s32 v4, v3  }
0x12e: {  	s6 =	sand.u32 $0x3F0, s4;
	[tilespmem:s0+$0x0] =	vst v3  }
0x12f: {  	s4 =	sadd.s32 $0x10, s4;
	s0 =	sadd.s32 $0x10, s0;
	v3 =	vld [tilespmem:s6+$0x7400]  }
0x130: {  	v4 =	vld [tilespmem:s0+$0x0];
	_ =	sdelay $0x4  }
0x131: {  	v3 =	vadd.s32 v4, v3  }
0x132: {  	s18 =	rddreg [dreg:$0xc];
	[tilespmem:s0+$0x0] =	vst v3  }
0x133: {  	[tilespmem:s28], [sflag:$0x3] =	stream.strided.gather [spmem:s18], $0x400, s25, s24, $0x38;
	[tilespmem:$0x1B500] =	vst v63  }
0x134: {  	_ =	swait.ge [sflag:s26], $0x400  }
0x135: {  	s19 =	simm.s32 $0x0;
	[sflag:s26] =	ssyncset.done $0x0  }
0x136: {  	s4 =	sand.u32 $0x3F0, s19;
	[sflag:s26] =	ssyncadd.s32 $0xFFFFFC00  }
0x137: {  	s0 =	simm.s32 $0x7000;
	v3 =	vld [tilespmem:s4+$0x7400];
	s4 =	simm.s32 $0x10  }
.LBB2_26:
0x138: {  	p1 =	sne.s32 s4, $0x3F0;
	v4 =	vld [tilespmem:s0+$0x0];
	_ =	sdelay $0x2  }
.Ltmp12:
0x139: {  	(pc) =	sbr.rel @p1 .LBB2_26-.Ltmp12, $4  }
0x13a: {  	_ = 	snop  }
0x13b: {  	v3 =	vadd.s32 v4, v3  }
0x13c: {  	s6 =	sand.u32 $0x3F0, s4;
	[tilespmem:s0+$0x0] =	vst v3  }
0x13d: {  	s4 =	sadd.s32 $0x10, s4;
	s0 =	sadd.s32 $0x10, s0;
	v3 =	vld [tilespmem:s6+$0x7400]  }
0x13e: {  	v4 =	vld [tilespmem:s0+$0x0];
	_ =	sdelay $0x4  }
0x13f: {  	v3 =	vadd.s32 v4, v3  }
0x140: {  	s14 =	rddreg [dreg:$0xe];
	s1 =	simm.s32 $0x100;
	s4 =	simm.s32 $0x7000;
	[tilespmem:s0+$0x0] =	vst v3  }
0x141: {  	[spmem:s14] =	stream.strided.scatter [tilespmem:s4], [sflag:$0x3], $0x400, s1, s24, $0x38;
	[tilespmem:$0x1B500] =	vst v63  }
0x142: {  	_ =	swait.ge [sflag:s26], $0x400  }
0x143: {  	[sflag:s26] =	ssyncset.done $0x0  }
0x144: {  	[sflag:s26] =	ssyncadd.s32 $0xFFFFFC00  }
0x145: {  	[bflag:$0x0] =	sbarrier.arrive $0xFFFF  }
0x146: {  	s18 =	simm.s32 $0x5000;
	s15 =	rddreg [dreg:$0xd]  }
0x147: {  	[tilespmem:s18], [sflag:$0x3] =	stream.strided.gather [spmem:s15], $0x2000, s1, s24, $0x38;
	[tilespmem:$0x1B500] =	vst v63  }
0x148: {  	_ =	swait.ge [sflag:s26], $0x2000  }
0x149: {  	[sflag:s26] =	ssyncset.done $0x0  }
0x14a: {  	s10 =	simm.s32 $0x0;
	[sflag:s26] =	ssyncadd.s32 $0xFFFFE000  }
0x14b: {  	v3 =	vld [tilespmem:s10+$0x5000];
	_ =	sdelay $0x4  }
0x14c: {  	(xrf0) =	vadd.scan.msk.s32 $0xffff, v3;
	_ =	sdelay $0x5  }
0x14d: {  	s4 =	simm.s32 $0x0;
	v3, _, _ =	vpop (xrf0)  }
0x14e: {  	v3 =	vadd.s32 s4, v3  }
0x14f: {  	vm1 =	vlt.s32 v3, $0x7599A;
	v4 =	vxor.u32 $0x80000000, v3  }
0x150: {  	(v2sf) =	vpush v3, $0xF;
	v3 =	vnsel vm1, $0x80000000, v4  }
0x151: {  	(xrf0) =	vmax.scan.msk.u32 $0xffff, v3;
	_ =	sdelay $0x5  }
0x152: {  	v4, _, _ =	vpop (xrf0)  }
0x153: {  	s8 =	simm.s32 $0x10;
	v3 =	vsel vm1, $0x1, v0;
	(v2sf) =	vpush v4, $0xF  }
0x154: {  	(xrf0) =	vadd.scan.msk.s32 $0xffff, v3;
	v3 =	vld [tilespmem:s8+$0x5000];
	_ =	sdelay $0x4  }
0x155: {  	(xrf0) =	vadd.scan.msk.s32 $0xffff, v3  }
0x156: {  	v3, _, _ =	vpop (xrf0)  }
0x157: {  	(v2sf) =	vpush v3, $0xF;
	_ =	sdelay $0x3  }
0x158: {  	v3, _, _ =	vpop (xrf0);
	s19 =	spop (v2sf)  }
0x159: {  	v3 =	vadd.s32 s19, v3  }
0x15a: {  	vm1 =	vlt.s32 v3, $0x7599A;
	v4 =	vxor.u32 $0x80000000, v3  }
0x15b: {  	v4 =	vnsel vm1, $0x80000000, v4;
	s6 =	spop (v2sf);
	(v2sf) =	vpush v3, $0xF  }
0x15c: {  	(xrf0) =	vmax.scan.msk.u32 $0xffff, v4;
	v4 =	vsel vm1, $0x1, v0  }
0x15d: {  	s0 =	simm.s32 $0x20;
	(xrf0) =	vadd.scan.msk.s32 $0xffff, v4  }
0x15e: {  	v4 =	vld [tilespmem:s0+$0x5000];
	_ =	sdelay $0x3  }
0x15f: {  	s9 =	simm.s32 $0x0;
	s11 =	simm.s32 $0x0;
	s12 =	sxor.u32 $0x80000000, s6;
	v5, _, _ =	vpop (xrf0)  }
0x160: {  	s6 =	simm.s32 $0xC0;
	(xrf0) =	vadd.scan.msk.s32 $0xffff, v4;
	s13 =	spop (v2sf);
	p1 =	slt.s32 s12, $0x0;
	v3, _, _ =	vpop (xrf0);
	(v2sf) =	vpush v5, $0xF  }
.LBB2_28:
0x161: {  	s14 =	smov.u32 s11;
	s9 =	sadd.s32 s9, s13;
	s11 =	smov.u32 s12  }
0x162: {  	s12 =	smov.u32 s6;
	s11 =	smov.u32 @p1 s14;
	s14 =	sadd.s32 $0x40, s6  }
0x163: {  	p2 =	sne.s32 s6, $0x1FC0;
	(v2sf) =	vpush v3, $0xF;
	_ =	sdelay $0x3  }
0x164: {  	v3, _, _ =	vpop (xrf0);
	s6 =	spop (v2sf)  }
0x165: {  	v3 =	vadd.s32 s6, v3  }
0x166: {  	vm1 =	vlt.s32 v3, $0x7599A;
	v4 =	vxor.u32 $0x80000000, v3;
	(v2sf) =	vpush v3, $0xF  }
0x167: {  	v3 =	vsel vm1, $0x1, v0;
	v4 =	vnsel vm1, $0x80000000, v4  }
0x168: {  	(xrf0) =	vmax.scan.msk.u32 $0xffff, v4  }
0x169: {  	s6 =	sshra.s32 s12, $0x2;
	(xrf0) =	vadd.scan.msk.s32 $0xffff, v3  }
0x16a: {  	v3 =	vld [tilespmem:s6+$0x5000]  }
.Ltmp13:
0x16b: {  	(pc) =	sbr.rel @p2 .LBB2_28-.Ltmp13, $4  }
0x16c: {  	_ = 	snop  }
0x16d: {  	s6 =	spop (v2sf)  }
0x16e: {  	v4, _, _ =	vpop (xrf0);
	s12 =	sxor.u32 $0x80000000, s6  }
0x16f: {  	s6 =	smov.u32 s14;
	(xrf0) =	vadd.scan.msk.s32 $0xffff, v3;
	v3, _, _ =	vpop (xrf0);
	(v2sf) =	vpush v4, $0xF;
	p1 =	sgt.s32 s11, s12;
	s13 =	spop (v2sf)  }
0x170: {  	_ =	sdelay $0x4  }
0x171: {  	v4, _, _ =	vpop (xrf0);
	s6 =	spop (v2sf)  }
0x172: {  	v5 =	vld [tilespmem:s10+$0x5000];
	v4 =	vadd.s32 s6, v4  }
0x173: {  	vm1 =	vlt.s32 v4, $0x7599A;
	v6 =	vxor.u32 $0x80000000, v4  }
0x174: {  	v6 =	vnsel vm1, $0x80000000, v6  }
0x175: {  	v63 =	vsel vm1, $0x1, v0;
	(xrf0) =	vmax.scan.msk.u32 $0xffff, v6  }
0x176: {  	(xrf0) =	vadd.scan.msk.s32 $0xffff, v63  }
0x177: {  	(xrf0) =	vadd.scan.msk.s32 $0xffff, v5;
	_ =	sdelay $0x3  }
0x178: {  	(v2sf) =	vpush v3, $0xF;
	v5, _, _ =	vpop (xrf0)  }
0x179: {  	(v2sf) =	vpush v4, $0xF;
	v3, _, _ =	vpop (xrf0)  }
0x17a: {  	(v2sf) =	vpush v5, $0xF;
	v4, _, _ =	vpop (xrf0)  }
0x17b: {  	(v2sf) =	vpush v3, $0xF;
	v3 =	vadd.s32 s4, v4  }
0x17c: {  	vm1 =	vlt.s32 v3, $0x7599B;
	v4 =	vxor.u32 $0x80000000, v3;
	(v2sf) =	vpush v3, $0xF  }
0x17d: {  	v3 =	vnsel vm1, $0x80000000, v4  }
0x17e: {  	(xrf0) =	vmax.scan.msk.u32 $0xffff, v3  }
0x17f: {  	v3 =	vsel vm1, $0x1, v0  }
0x180: {  	(xrf0) =	vadd.scan.msk.s32 $0xffff, v3;
	v3 =	vld [tilespmem:s8+$0x5000];
	_ =	sdelay $0x3  }
0x181: {  	v4, _, _ =	vpop (xrf0)  }
0x182: {  	(xrf0) =	vadd.scan.msk.s32 $0xffff, v3;
	(v2sf) =	vpush v4, $0xF  }
0x183: {  	s19 =	spop (v2sf);
	v3, _, _ =	vpop (xrf0)  }
0x184: {  	s1 =	spop (v2sf);
	(v2sf) =	vpush v3, $0xF  }
0x185: {  	s15 =	spop (v2sf)  }
0x186: {  	s10 =	spop (v2sf)  }
0x187: {  	s14 =	spop (v2sf)  }
0x188: {  	v3, _, _ =	vpop (xrf0);
	s15 =	spop (v2sf)  }
0x189: {  	v3 =	vadd.s32 s15, v3  }
0x18a: {  	vm1 =	vlt.s32 v3, $0x7599B;
	v4 =	vxor.u32 $0x80000000, v3  }
0x18b: {  	(v2sf) =	vpush v3, $0xF;
	v4 =	vnsel vm1, $0x80000000, v4  }
0x18c: {  	(xrf0) =	vmax.scan.msk.u32 $0xffff, v4;
	v4 =	vsel vm1, $0x1, v0  }
0x18d: {  	s12 =	smov.u32 @p1 s11;
	s6 =	sxor.u32 $0x80000000, s19;
	(xrf0) =	vadd.scan.msk.s32 $0xffff, v4  }
0x18e: {  	p1 =	sgt.s32 s12, s6;
	v4 =	vld [tilespmem:s0+$0x5000]  }
0x18f: {  	s6 =	smov.u32 @p1 s12;
	s8 =	sxor.u32 $0x80000000, s10  }
0x190: {  	s18 =	sadd.s32 s9, s13;
	p1 =	sgt.s32 s6, s8  }
0x191: {  	s9 =	simm.s32 $0x0;
	s8 =	smov.u32 @p1 s6;
	s19 =	spop (v2sf)  }
0x192: {  	s6 =	simm.s32 $0xC0;
	s0 =	sadd.s32 s18, s1;
	v5, _, _ =	vpop (xrf0);
	s11 =	sxor.u32 $0x80000000, s19  }
0x193: {  	s0 =	sadd.s32 s0, s14;
	(xrf0) =	vadd.scan.msk.s32 $0xffff, v4;
	s12 =	spop (v2sf);
	v3, _, _ =	vpop (xrf0);
	(v2sf) =	vpush v5, $0xF;
	p2 =	slt.s32 s11, $0x0  }
.LBB2_30:
0x194: {  	s10 =	smov.u32 s4;
	s9 =	sadd.s32 s9, s12;
	s4 =	smov.u32 s11  }
0x195: {  	s13 =	sadd.s32 $0x40, s6;
	s4 =	smov.u32 @p2 s10;
	s10 =	smov.u32 s6  }
0x196: {  	p1 =	sne.s32 s6, $0x1FC0;
	(v2sf) =	vpush v3, $0xF;
	_ =	sdelay $0x3  }
0x197: {  	v3, _, _ =	vpop (xrf0);
	s6 =	spop (v2sf)  }
0x198: {  	v3 =	vadd.s32 s6, v3  }
0x199: {  	vm1 =	vlt.s32 v3, $0x7599B;
	v4 =	vxor.u32 $0x80000000, v3;
	(v2sf) =	vpush v3, $0xF  }
0x19a: {  	v3 =	vsel vm1, $0x1, v0;
	v4 =	vnsel vm1, $0x80000000, v4  }
0x19b: {  	(xrf0) =	vmax.scan.msk.u32 $0xffff, v4  }
0x19c: {  	s6 =	sshra.s32 s10, $0x2;
	(xrf0) =	vadd.scan.msk.s32 $0xffff, v3  }
0x19d: {  	v3 =	vld [tilespmem:s6+$0x5000]  }
.Ltmp14:
0x19e: {  	(pc) =	sbr.rel @p1 .LBB2_30-.Ltmp14, $4  }
0x19f: {  	_ = 	snop  }
0x1a0: {  	s6 =	spop (v2sf)  }
0x1a1: {  	v4, _, _ =	vpop (xrf0);
	s11 =	sxor.u32 $0x80000000, s6  }
0x1a2: {  	s6 =	smov.u32 s13;
	(xrf0) =	vadd.scan.msk.s32 $0xffff, v3;
	v3, _, _ =	vpop (xrf0);
	(v2sf) =	vpush v4, $0xF;
	p2 =	sgt.s32 s4, s11;
	s12 =	spop (v2sf)  }
0x1a3: {  	_ =	sdelay $0x4  }
0x1a4: {  	v4, _, _ =	vpop (xrf0);
	s6 =	spop (v2sf)  }
0x1a5: {  	v4 =	vadd.s32 s6, v4  }
0x1a6: {  	vm1 =	vlt.s32 v4, $0x7599B;
	v5 =	vxor.u32 $0x80000000, v4  }
0x1a7: {  	v5 =	vnsel vm1, $0x80000000, v5  }
0x1a8: {  	(xrf0) =	vmax.scan.msk.u32 $0xffff, v5  }
0x1a9: {  	v63 =	vsel vm1, $0x1, v0  }
0x1aa: {  	(xrf0) =	vadd.scan.msk.s32 $0xffff, v63;
	_ =	sdelay $0x2  }
0x1ab: {  	(v2sf) =	vpush v3, $0xF  }
0x1ac: {  	(v2sf) =	vpush v4, $0xF;
	v3, _, _ =	vpop (xrf0)  }
0x1ad: {  	(v2sf) =	vpush v3, $0xF  }
0x1ae: {  	v3, _, _ =	vpop (xrf0)  }
0x1af: {  	(v2sf) =	vpush v3, $0xF;
	_ =	sdelay $0x9  }
0x1b0: {  	s10 =	simm.s32 $0x0;
	s11 =	smov.u32 @p2 s4;
	s1 =	spop (v2sf)  }
0x1b1: {  	s9 =	sadd.s32 s9, s12;
	p5 =	por $0x1, $0x1;
	v3 =	vld [tilespmem:s10+$0x5000];
	s13 =	spop (v2sf)  }
.Ltmp15:
0x1b2: {  	s4 =	sxor.u32 $0x80000000, s1;
	s14 =	spop (v2sf);
	(pc) =	sbr.rel @!p5 .LBB2_32-.Ltmp15, $4  }
0x1b3: {  	p6 =	por $0x0, $0x0;
	p1 =	sgt.s32 s11, s4;
	s6 =	spop (v2sf)  }
0x1b4: {  	p4 =	por $0x0, $0x0;
	s4 =	smov.u32 @p1 s11;
	s19 =	sxor.u32 $0x80000000, s6  }
0x1b5: {  	s15 =	sadd.s32 s9, s13;
	s18 =	spop (v2sf);
	p1 =	sgt.s32 s4, s19  }
0x1b6: {  	s9 =	simm.s32 $0x0;
	(xrf0) =	vadd.scan.msk.s32 $0xffff, v3;
	s18 =	sadd.s32 s15, s18;
	s19 =	smov.u32 @p1 s4  }
0x1b7: {  	_ =	sdelay $0x4  }
0x1b8: {  	v3, _, _ =	vpop (xrf0)  }
0x1b9: {  	v3 =	vadd.s32 s9, v3  }
0x1ba: {  	vm1 =	vlt.s32 v3, $0x24C000;
	v4 =	vxor.u32 $0x80000000, v3  }
0x1bb: {  	v4 =	vnsel vm1, $0x80000000, v4  }
0x1bc: {  	(xrf0) =	vmax.scan.msk.u32 $0xffff, v4;
	v4 =	vsel vm1, $0x1, v0  }
0x1bd: {  	s4 =	simm.s32 $0x10;
	(xrf0) =	vadd.scan.msk.s32 $0xffff, v4  }
0x1be: {  	p1 =	por $0x1, $0x1;
	v4 =	vld [tilespmem:s4+$0x5000]  }
.Ltmp16:
0x1bf: {  	_ = 	snop;
	(pc) =	sbr.rel @!p1 .LBB2_34-.Ltmp16, $3  }
0x1c0: {  	_ =	sdelay $0x1  }
0x1c1: {  	(v2sf) =	vpush v3, $0xF;
	v5, _, _ =	vpop (xrf0)  }
0x1c2: {  	p6 =	por $0x1, $0x1;
	(xrf0) =	vadd.scan.msk.s32 $0xffff, v4;
	v3, _, _ =	vpop (xrf0);
	(v2sf) =	vpush v5, $0xF  }
0x1c3: {  	_ =	sdelay $0x8  }
0x1c4: {  	(v2sf) =	vpush v3, $0xF;
	_ =	sdelay $0x3  }
0x1c5: {  	v3, _, _ =	vpop (xrf0);
	s4 =	spop (v2sf)  }
0x1c6: {  	v3 =	vadd.s32 s4, v3  }
0x1c7: {  	vm1 =	vlt.s32 v3, $0x24C000;
	v4 =	vxor.u32 $0x80000000, v3  }
0x1c8: {  	(v2sf) =	vpush v3, $0xF;
	v4 =	vnsel vm1, $0x80000000, v4  }
0x1c9: {  	(xrf0) =	vmax.scan.msk.u32 $0xffff, v4;
	v4 =	vsel vm1, $0x1, v0  }
0x1ca: {  	s14 =	simm.s32 $0x20;
	(xrf0) =	vadd.scan.msk.s32 $0xffff, v4  }
0x1cb: {  	p3 =	por $0x1, $0x1;
	v4 =	vld [tilespmem:s14+$0x5000]  }
.Ltmp17:
0x1cc: {  	_ = 	snop;
	(pc) =	sbr.rel @!p3 .LBB2_36-.Ltmp17, $4  }
0x1cd: {  	_ = 	snop  }
0x1ce: {  	s6 =	simm.s32 $0xC0;
	s15 =	spop (v2sf)  }
0x1cf: {  	p1 =	por $0x1, $0x1;
	s11 =	simm.s32 $0x0;
	s12 =	sxor.u32 $0x80000000, s15;
	v5, _, _ =	vpop (xrf0)  }
0x1d0: {  	s4 =	simm.s32 $0x0;
	s13 =	spop (v2sf);
	p2 =	slt.s32 s12, $0x0;
	(xrf0) =	vadd.scan.msk.s32 $0xffff, v4;
	v3, _, _ =	vpop (xrf0);
	(v2sf) =	vpush v5, $0xF  }
.LBB2_37:
0x1d1: {  	s14 =	smov.u32 s11;
	s4 =	sadd.s32 s4, s13;
	s11 =	smov.u32 s12  }
0x1d2: {  	s12 =	smov.u32 s6;
	s11 =	smov.u32 @p2 s14;
	s14 =	sadd.s32 $0x40, s6  }
0x1d3: {  	p3 =	sne.s32 s6, $0x1FC0;
	(v2sf) =	vpush v3, $0xF;
	_ =	sdelay $0x3  }
0x1d4: {  	v3, _, _ =	vpop (xrf0);
	s6 =	spop (v2sf)  }
0x1d5: {  	v3 =	vadd.s32 s6, v3  }
0x1d6: {  	vm1 =	vlt.s32 v3, $0x24C000;
	v4 =	vxor.u32 $0x80000000, v3;
	(v2sf) =	vpush v3, $0xF  }
0x1d7: {  	v3 =	vsel vm1, $0x1, v0;
	v4 =	vnsel vm1, $0x80000000, v4  }
0x1d8: {  	(xrf0) =	vmax.scan.msk.u32 $0xffff, v4  }
0x1d9: {  	s6 =	sshra.s32 s12, $0x2;
	(xrf0) =	vadd.scan.msk.s32 $0xffff, v3  }
0x1da: {  	v3 =	vld [tilespmem:s6+$0x5000]  }
.Ltmp18:
0x1db: {  	(pc) =	sbr.rel @p3 .LBB2_37-.Ltmp18, $4  }
0x1dc: {  	_ = 	snop  }
0x1dd: {  	s6 =	spop (v2sf)  }
0x1de: {  	v4, _, _ =	vpop (xrf0);
	s12 =	sxor.u32 $0x80000000, s6  }
0x1df: {  	s6 =	smov.u32 s14;
	(xrf0) =	vadd.scan.msk.s32 $0xffff, v3;
	v3, _, _ =	vpop (xrf0);
	(v2sf) =	vpush v4, $0xF;
	p2 =	sgt.s32 s11, s12;
	s13 =	spop (v2sf)  }
.LBB2_38:
0x1e0: {  	_ =	sdelay $0x4  }
0x1e1: {  	s14 =	simm.s32 $0x0;
	s6 =	spop @p6 (v2sf)  }
0x1e2: {  	v4, _, _ =	vpop (xrf0);
	s14 =	smov.u32 @p6 s6  }
0x1e3: {  	v4 =	vadd.s32 s14, v4  }
0x1e4: {  	vm1 =	vlt.s32 v4, $0x24C000;
	v5 =	vxor.u32 $0x80000000, v4  }
0x1e5: {  	v5 =	vnsel vm1, $0x80000000, v5  }
0x1e6: {  	(xrf0) =	vmax.scan.msk.u32 $0xffff, v5  }
0x1e7: {  	v63 =	vsel vm1, $0x1, v0  }
0x1e8: {  	(xrf0) =	vadd.scan.msk.s32 $0xffff, v63;
	_ =	sdelay $0x1  }
0x1e9: {  	(v2sf) =	vpush @p6 v3, $0xF;
	_ =	sdelay $0x1  }
0x1ea: {  	(v2sf) =	vpush v4, $0xF;
	v3, _, _ =	vpop (xrf0)  }
0x1eb: {  	(v2sf) =	vpush v3, $0xF  }
0x1ec: {  	v3, _, _ =	vpop (xrf0)  }
0x1ed: {  	(v2sf) =	vpush v3, $0xF;
	_ =	sdelay $0x5  }
0x1ee: {  	p2 =	por !p2, !p1  }
0x1ef: {  	s11 =	smov.u32 @p2 s12;
	s12 =	simm.s32 $0x0;
	s6 =	spop @p6 (v2sf)  }
0x1f0: {  	s12 =	smov.u32 @p1 s11;
	s6 =	sxor.u32 @p6 $0x80000000, s6  }
0x1f1: {  	s4 =	sadd.s32 @p1 s4, s13;
	s11 =	simm.s32 $0x0;
	p2 =	sgt.s32 @p6 s12, s6  }
0x1f2: {  	s11 =	smov.u32 @p1 s4;
	p2 =	por @!p6 p0, p0;
	s13 =	spop @p6 (v2sf)  }
0x1f3: {  	s4 =	smov.u32 @p6 s6;
	v3 =	vld [tilespmem:s10+$0x5000];
	p1 =	por !p2, !p6;
	s13 =	smov.u32 @p6 s13  }
.Ltmp19:
0x1f4: {  	s6 =	sadd.s32 @p6 s11, s13;
	s13 =	spop (v2sf);
	(pc) =	sbr.rel @!p5 .LBB2_39-.Ltmp19, $4  }
0x1f5: {  	s12 =	smov.u32 @p1 s4;
	s11 =	simm.s32 $0x0;
	s14 =	spop (v2sf)  }
0x1f6: {  	s4 =	simm.s32 $0x0;
	s11 =	smov.u32 @p6 s12;
	s10 =	sxor.u32 $0x80000000, s14  }
0x1f7: {  	s4 =	smov.u32 @p6 s6;
	s15 =	spop (v2sf);
	p1 =	sgt.s32 s11, s10  }
0x1f8: {  	[dreg:$0x11] =	wrdreg s31;
	(xrf0) =	vadd.scan.msk.s32 $0xffff, v3;
	s4 =	sadd.s32 s4, s15;
	s10 =	smov.u32 @p1 s11  }
0x1f9: {  	_ =	sdelay $0x4  }
0x1fa: {  	v3, _, _ =	vpop (xrf0)  }
0x1fb: {  	v3 =	vadd.s32 s9, v3  }
0x1fc: {  	vm1 =	vlt.s32 v3, $0x24C001;
	v4 =	vxor.u32 $0x80000000, v3  }
0x1fd: {  	v4 =	vnsel vm1, $0x80000000, v4  }
0x1fe: {  	(xrf0) =	vmax.scan.msk.u32 $0xffff, v4;
	v4 =	vsel vm1, $0x1, v0  }
0x1ff: {  	s6 =	simm.s32 $0x10;
	(xrf0) =	vadd.scan.msk.s32 $0xffff, v4  }
0x200: {  	p1 =	por $0x1, $0x1;
	v4 =	vld [tilespmem:s6+$0x5000]  }
.Ltmp20:
0x201: {  	_ = 	snop;
	(pc) =	sbr.rel @!p1 .LBB2_41-.Ltmp20, $3  }
0x202: {  	_ =	sdelay $0x1  }
0x203: {  	(v2sf) =	vpush v3, $0xF;
	v5, _, _ =	vpop (xrf0)  }
0x204: {  	p5 =	por $0x1, $0x1;
	(xrf0) =	vadd.scan.msk.s32 $0xffff, v4;
	v3, _, _ =	vpop (xrf0);
	(v2sf) =	vpush v5, $0xF  }
0x205: {  	_ =	sdelay $0x8  }
0x206: {  	(v2sf) =	vpush v3, $0xF;
	_ =	sdelay $0x3  }
0x207: {  	v3, _, _ =	vpop (xrf0);
	s6 =	spop (v2sf)  }
0x208: {  	v3 =	vadd.s32 s6, v3  }
0x209: {  	vm1 =	vlt.s32 v3, $0x24C001;
	v4 =	vxor.u32 $0x80000000, v3  }
0x20a: {  	(v2sf) =	vpush v3, $0xF;
	v4 =	vnsel vm1, $0x80000000, v4  }
0x20b: {  	(xrf0) =	vmax.scan.msk.u32 $0xffff, v4;
	v4 =	vsel vm1, $0x1, v0  }
0x20c: {  	s31 =	simm.s32 $0x20;
	(xrf0) =	vadd.scan.msk.s32 $0xffff, v4  }
0x20d: {  	p2 =	por $0x1, $0x1;
	v4 =	vld [tilespmem:s31+$0x5000]  }
.Ltmp21:
0x20e: {  	_ = 	snop;
	(pc) =	sbr.rel @!p2 .LBB2_43-.Ltmp21, $4  }
0x20f: {  	_ = 	snop  }
0x210: {  	p4 =	por $0x1, $0x1;
	s11 =	spop (v2sf)  }
0x211: {  	s12 =	simm.s32 $0x0;
	s6 =	simm.s32 $0xC0;
	s13 =	sxor.u32 $0x80000000, s11;
	v5, _, _ =	vpop (xrf0)  }
0x212: {  	s14 =	spop (v2sf);
	s11 =	simm.s32 $0x0;
	p1 =	slt.s32 s13, $0x0;
	(xrf0) =	vadd.scan.msk.s32 $0xffff, v4;
	v3, _, _ =	vpop (xrf0);
	(v2sf) =	vpush v5, $0xF  }
.LBB2_44:
0x213: {  	s15 =	smov.u32 s12;
	s11 =	sadd.s32 s11, s14;
	s12 =	smov.u32 s13  }
0x214: {  	s13 =	smov.u32 s6;
	s12 =	smov.u32 @p1 s15;
	s15 =	sadd.s32 $0x40, s6  }
0x215: {  	p2 =	sne.s32 s6, $0x1FC0;
	(v2sf) =	vpush v3, $0xF;
	_ =	sdelay $0x3  }
0x216: {  	v3, _, _ =	vpop (xrf0);
	s6 =	spop (v2sf)  }
0x217: {  	v3 =	vadd.s32 s6, v3  }
0x218: {  	vm1 =	vlt.s32 v3, $0x24C001;
	v4 =	vxor.u32 $0x80000000, v3;
	(v2sf) =	vpush v3, $0xF  }
0x219: {  	v3 =	vsel vm1, $0x1, v0;
	v4 =	vnsel vm1, $0x80000000, v4  }
0x21a: {  	(xrf0) =	vmax.scan.msk.u32 $0xffff, v4  }
0x21b: {  	s6 =	sshra.s32 s13, $0x2;
	(xrf0) =	vadd.scan.msk.s32 $0xffff, v3  }
0x21c: {  	v3 =	vld [tilespmem:s6+$0x5000]  }
.Ltmp22:
0x21d: {  	(pc) =	sbr.rel @p2 .LBB2_44-.Ltmp22, $4  }
0x21e: {  	_ = 	snop  }
0x21f: {  	s6 =	spop (v2sf)  }
0x220: {  	v4, _, _ =	vpop (xrf0);
	s13 =	sxor.u32 $0x80000000, s6  }
0x221: {  	s6 =	smov.u32 s15;
	(xrf0) =	vadd.scan.msk.s32 $0xffff, v3;
	v3, _, _ =	vpop (xrf0);
	(v2sf) =	vpush v4, $0xF;
	p1 =	sgt.s32 s12, s13;
	s14 =	spop (v2sf)  }
.LBB2_45:
0x222: {  	_ =	sdelay $0x4  }
0x223: {  	s15 =	simm.s32 $0x0;
	s6 =	spop @p5 (v2sf)  }
0x224: {  	v4, _, _ =	vpop (xrf0);
	s15 =	smov.u32 @p5 s6  }
0x225: {  	v4 =	vadd.s32 s15, v4  }
0x226: {  	vm1 =	vlt.s32 v4, $0x24C001;
	v5 =	vxor.u32 $0x80000000, v4  }
0x227: {  	v5 =	vnsel vm1, $0x80000000, v5  }
0x228: {  	v63 =	vsel vm1, $0x1, v0;
	(xrf0) =	vmax.scan.msk.u32 $0xffff, v5  }
0x229: {  	(xrf0) =	vadd.scan.msk.s32 $0xffff, v63;
	_ =	sdelay $0x2  }
0x22a: {  	(v2sf) =	vpush @p5 v3, $0xF;
	_ =	sdelay $0x1  }
0x22b: {  	(v2sf) =	vpush v4, $0xF;
	v3, _, _ =	vpop (xrf0)  }
0x22c: {  	(v2sf) =	vpush v3, $0xF;
	v3, _, _ =	vpop (xrf0)  }
0x22d: {  	(v2sf) =	vpush v3, $0xF;
	_ =	sdelay $0x6  }
0x22e: {  	p1 =	por !p1, !p4  }
0x22f: {  	s12 =	smov.u32 @p1 s13;
	s13 =	simm.s32 $0x0;
	s6 =	spop @p5 (v2sf)  }
0x230: {  	s13 =	smov.u32 @p4 s12;
	s6 =	sxor.u32 @p5 $0x80000000, s6  }
0x231: {  	s11 =	sadd.s32 @p4 s11, s14;
	s15 =	simm.s32 $0x0;
	p1 =	sgt.s32 @p5 s13, s6  }
0x232: {  	s6 =	smov.u32 @p5 s6;
	p1 =	por @!p5 p0, p0;
	s14 =	spop @p5 (v2sf)  }
0x233: {  	p1 =	por !p1, !p5;
	s12 =	smov.u32 @p5 s14;
	s14 =	simm.s32 $0x0  }
0x234: {  	s13 =	smov.u32 @p1 s6;
	s14 =	smov.u32 @p4 s11;
	s1 =	spop (v2sf)  }
0x235: {  	s15 =	smov.u32 @p5 s13;
	s12 =	sadd.s32 @p5 s14, s12;
	s11 =	spop (v2sf)  }
0x236: {  	s9 =	smov.u32 @p5 s12;
	s11 =	sxor.u32 $0x80000000, s11;
	s14 =	spop (v2sf)  }
0x237: {  	s6 =	simm.s32 $0x40;
	p1 =	sgt.s32 s15, s11;
	s31 =	sadd.s32 s9, s14  }
0x238: {  	[bflag:$0x0] =	sbarrier.arrive $0xFFFF;
	s9 =	simm.s32 $0x0;
	s11 =	smov.u32 @p1 s15  }
.LBB2_46:
0x239: {  	p1 =	sne.s32 s6, $0x7FC0;
	[tilespmem:s9+$0x3000] =	vst v0;
	s9 =	smov.u32 s6;
	s6 =	sadd.s32 $0x40, s6  }
.Ltmp23:
0x23a: {  	(pc) =	sbr.rel @p1 .LBB2_46-.Ltmp23, $2  }
0x23b: {  	_ =	sdelay $0x2  }
0x23c: {  	s9 =	sshra.s32 s9, $0x2  }
0x23d: {  	s6 =	sadd.s32 $0xFFFFFA1A, s0;
	s12 =	sadd.s32 $0xFFFFFA1A, s18  }
0x23e: {  	s14 =	sadd.s32 $0xFFFFFA1A, s4;
	p3 =	sne.s32 s0, $0x202;
	s15 =	sadd.s32 $0xFFFFFA1A, s31  }
0x23f: {  	p6 =	sne.s32 s18, $0x202;
	p1 =	slt.u32 s6, $0xFFFFFC34;
	p2 =	slt.u32 s12, $0xFFFFFC34  }
0x240: {  	p4 =	slt.u32 s14, $0xFFFFFC34;
	p5 =	slt.u32 s15, $0xFFFFFC34;
	p1 =	por !p3, !p1  }
0x241: {  	p2 =	por !p6, !p2;
	p6 =	sne.s32 s4, $0x202;
	p1 =	por !p1, !p1  }
0x242: {  	p2 =	por !p2, !p2;
	p3 =	por !p6, !p4;
	p6 =	sne.s32 s31, $0x202  }
0x243: {  	p3 =	por !p3, !p3;
	p4 =	por !p6, !p5;
	p1 =	por p1, p2  }
0x244: {  	p6 =	por !p4, !p4;
	p1 =	por p1, p3  }
0x245: {  	p1 =	por p1, p6  }
.Ltmp24:
0x246: {  	_ = 	snop;
	(pc) =	sbr.rel @!p1 .LBB2_55-.Ltmp24, $3  }
0x247: {  	_ =	sdelay $0x1  }
0x248: {  	v4 =	vmov s0  }
0x249: {  	[tilespmem:s9+$0x3000] =	vst v0;
	v5 =	vmov s18;
	v6 =	vmov s4;
	v7 =	vmov s31  }
0x24a: {  	s13 =	simm.s32 $0x0;
	s1 =	rddreg [dreg:$0x5];
	s9 =	simm.s32 $0x0  }
0x24b: {  	[tilespmem:s13], [sflag:$0x1] =	stream.linear.gather [hbm4b:s1+s13], $0x1800, $0x38;
	[tilespmem:$0x1B500] =	vst v63  }
.LBB2_49:
0x24c: {  	s12 =	smul.u32 $0x3000, s9;
	_ =	sdelay $0x1  }
0x24d: {  	_ =	swait.ge [sflag:s20], $0x1800;
	s6 =	sadd.s32 s12, s5  }
0x24e: {  	[sflag:s20] =	ssyncset.done $0x0;
	s6 =	sshrl.u32 s6, $0x3  }
0x24f: {  	s14 =	simm.s32 $0x10;
	[sflag:s20] =	ssyncadd.s32 $0xFFFFE800;
	s6 =	sadd.s32 s3, s6  }
0x250: {  	[tilespmem:s21], [sflag:$0x2] =	stream.linear.gather [hbm4b:s6+s2], $0x1800, $0x38;
	[tilespmem:$0x1B500] =	vst v63  }
0x251: {  	v3 =	vld [tilespmem:s14+$0xFFFFFFF0];
	_ =	sdelay $0x4  }
0x252: {  	vm1 =	vlt.s32 v3, $0x0;
	v8 =	vxor.u32 $0xFFFFFFFF, v3;
	v3 =	vor.u32 $0x80000000, v3  }
0x253: {  	v3 =	vsel vm1, v8, v3  }
0x254: {  	v8 =	vshrl.u32 v3, $0x15  }
0x255: {  	vm1 =	veq.s32 v8, v4  }
0x256: {  	vm2 =	veq.s32 v8, v5;
	vm3 =	veq.s32 v8, v6;
	vm4 =	veq.s32 v8, v7  }
0x257: {  	p1 =	slt.s32 s13, $0xFFF1;
	vm1 =	vmor vm1, vm2;
	vm2 =	vmor vm3, vm4;
	vm3 =	vmmov vm0  }
0x258: {  	vm1 =	vmor vm1, vm2;
	vm3 =	vmneg @p1 vm3  }
0x259: {  	vm1 =	vmand vm3, vm1  }
0x25a: {  	v8 =	vmpcnt.ones.xlane vm1;
	_ =	sdelay $0x1  }
0x25b: {  	(v2sf) =	vpush v8, $0x0;
	_ =	sdelay $0x5  }
0x25c: {  	[tilespmem:s13+$0x9080] =	vst.msk vm1, v3  }
0x25d: {  	v3 =	vld [tilespmem:s14+$0x0];
	_ =	sdelay $0x4  }
0x25e: {  	vm1 =	vlt.s32 v3, $0x0;
	v8 =	vxor.u32 $0xFFFFFFFF, v3;
	v3 =	vor.u32 $0x80000000, v3  }
0x25f: {  	v3 =	vsel vm1, v8, v3  }
0x260: {  	v8 =	vshrl.u32 v3, $0x15  }
0x261: {  	vm1 =	veq.s32 v8, v4;
	s15 =	spop (v2sf)  }
0x262: {  	vm2 =	veq.s32 v8, v5;
	vm3 =	veq.s32 v8, v6;
	vm15 =	veq.s32 v8, v7;
	s15 =	sadd.s32 s13, s15  }
0x263: {  	vm1 =	vmor vm1, vm2;
	vm2 =	vmor vm3, vm15;
	vm3 =	vmmov vm0;
	p1 =	slt.s32 s15, $0xFFF1  }
0x264: {  	vm1 =	vmor vm1, vm2;
	vm3 =	vmneg @p1 vm3  }
0x265: {  	vm1 =	vmand vm3, vm1  }
0x266: {  	v8 =	vmpcnt.ones.xlane vm1;
	_ =	sdelay $0x1  }
0x267: {  	(v2sf) =	vpush v8, $0x0;
	_ =	sdelay $0x4  }
0x268: {  	s13 =	simm.s32 $0x30;
	[tilespmem:s15+$0x9080] =	vst.msk vm1, v3  }
0x269: {  	v3 =	vld [tilespmem:s13+$0xFFFFFFF0];
	_ =	sdelay $0x4  }
0x26a: {  	vm1 =	vlt.s32 v3, $0x0;
	v9 =	vxor.u32 $0xFFFFFFFF, v3;
	v3 =	vor.u32 $0x80000000, v3  }
0x26b: {  	v3 =	vsel vm1, v9, v3  }
0x26c: {  	s14 =	simm.s32 $0x2;
	v8 =	vshrl.u32 v3, $0x15  }
.LBB2_50:
0x26d: {  	vm1 =	veq.s32 v8, v4;
	vm2 =	veq.s32 v8, v5  }
0x26e: {  	s14 =	sadd.s32 $0x2, s14;
	vm3 =	veq.s32 v8, v6;
	s6 =	spop (v2sf);
	vm1 =	vmor vm1, vm2;
	vm2 =	veq.s32 v8, v7  }
0x26f: {  	p1 =	slt.u32 s14, $0x17E;
	s6 =	sadd.s32 s15, s6;
	vm2 =	vmor vm3, vm2  }
0x270: {  	p2 =	slt.s32 s6, $0xFFF1;
	vm1 =	vmor vm1, vm2;
	vm2 =	vmmov vm0  }
0x271: {  	vm2 =	vmneg @p2 vm2  }
0x272: {  	vm1 =	vmand vm2, vm1  }
0x273: {  	[tilespmem:s6+$0x9080] =	vst.msk vm1, v3;
	v3 =	vmpcnt.ones.xlane vm1  }
0x274: {  	v8 =	vld [tilespmem:s13+$0x0]  }
0x275: {  	(v2sf) =	vpush v3, $0x0;
	_ =	sdelay $0x3  }
0x276: {  	vm1 =	vlt.s32 v8, $0x0;
	v3 =	vxor.u32 $0xFFFFFFFF, v8;
	v8 =	vor.u32 $0x80000000, v8  }
0x277: {  	v3 =	vsel vm1, v3, v8  }
0x278: {  	v8 =	vshrl.u32 v3, $0x15  }
0x279: {  	vm1 =	veq.s32 v8, v4;
	vm2 =	veq.s32 v8, v5;
	vm3 =	veq.s32 v8, v6  }
0x27a: {  	vm1 =	vmor vm1, vm2;
	vm2 =	veq.s32 v8, v7  }
0x27b: {  	vm2 =	vmor vm3, vm2;
	_ =	sdelay $0x5  }
0x27c: {  	s15 =	spop (v2sf)  }
0x27d: {  	s15 =	sadd.s32 s6, s15  }
0x27e: {  	vm1 =	vmor vm1, vm2;
	vm2 =	vmmov vm0;
	p2 =	slt.s32 s15, $0xFFF1  }
0x27f: {  	vm2 =	vmneg @p2 vm2  }
0x280: {  	vm1 =	vmand vm2, vm1  }
0x281: {  	[tilespmem:s15+$0x9080] =	vst.msk vm1, v3;
	v3 =	vmpcnt.ones.xlane vm1;
	_ =	sdelay $0x1  }
0x282: {  	(v2sf) =	vpush v3, $0x0;
	_ =	sdelay $0x5  }
0x283: {  	s13 =	sadd.s32 $0x20, s13  }
0x284: {  	v3 =	vld [tilespmem:s13+$0xFFFFFFF0];
	_ =	sdelay $0x2  }
.Ltmp25:
0x285: {  	(pc) =	sbr.rel @p1 .LBB2_50-.Ltmp25, $4  }
0x286: {  	_ = 	snop  }
0x287: {  	vm1 =	vlt.s32 v3, $0x0;
	v8 =	vxor.u32 $0xFFFFFFFF, v3;
	v3 =	vor.u32 $0x80000000, v3  }
0x288: {  	v3 =	vsel vm1, v8, v3  }
0x289: {  	v8 =	vshrl.u32 v3, $0x15  }
0x28a: {  	vm1 =	veq.s32 v8, v4;
	s6 =	spop (v2sf)  }
0x28b: {  	vm2 =	veq.s32 v8, v5;
	vm3 =	veq.s32 v8, v6;
	vm4 =	veq.s32 v8, v7;
	s6 =	sadd.s32 s15, s6  }
0x28c: {  	vm1 =	vmor vm1, vm2;
	vm2 =	vmor vm3, vm4;
	vm3 =	vmmov vm0;
	p1 =	slt.s32 s6, $0xFFF1  }
0x28d: {  	vm1 =	vmor vm1, vm2;
	vm3 =	vmneg @p1 vm3  }
0x28e: {  	vm1 =	vmand vm3, vm1  }
0x28f: {  	v8 =	vmpcnt.ones.xlane vm1;
	_ =	sdelay $0x1  }
0x290: {  	(v2sf) =	vpush v8, $0x0;
	_ =	sdelay $0x5  }
0x291: {  	[tilespmem:s6+$0x9080] =	vst.msk vm1, v3  }
0x292: {  	v3 =	vld [tilespmem:s13+$0x0];
	_ =	sdelay $0x4  }
0x293: {  	vm1 =	vlt.s32 v3, $0x0;
	v8 =	vxor.u32 $0xFFFFFFFF, v3;
	v3 =	vor.u32 $0x80000000, v3  }
0x294: {  	v3 =	vsel vm1, v8, v3  }
0x295: {  	v8 =	vshrl.u32 v3, $0x15  }
0x296: {  	vm1 =	veq.s32 v8, v4;
	s15 =	spop (v2sf)  }
0x297: {  	vm2 =	veq.s32 v8, v5;
	vm3 =	veq.s32 v8, v6;
	vm13 =	veq.s32 v8, v7;
	s6 =	sadd.s32 s6, s15  }
0x298: {  	vm1 =	vmor vm1, vm2;
	vm2 =	vmor vm3, vm13;
	vm3 =	vmmov vm0;
	p1 =	slt.s32 s6, $0xFFF1  }
0x299: {  	vm1 =	vmor vm1, vm2;
	vm3 =	vmneg @p1 vm3  }
0x29a: {  	vm1 =	vmand vm3, vm1  }
0x29b: {  	v8 =	vmpcnt.ones.xlane vm1;
	_ =	sdelay $0x1  }
0x29c: {  	(v2sf) =	vpush v8, $0x0;
	_ =	sdelay $0xe  }
0x29d: {  	p1 =	seq.s32 s9, $0x30;
	[tilespmem:s6+$0x9080] =	vst.msk vm1, v3;
	s1 =	spop (v2sf)  }
0x29e: {  	s12 =	sadd.s32 @!p1 s12, s7;
	_ =	swait.ge [sflag:s23], $0x1800  }
0x29f: {  	s12 =	sshrl.u32 @!p1 s12, $0x3;
	[sflag:s23] =	ssyncset.done $0x0  }
0x2a0: {  	s14 =	simm.s32 @!p1 $0x0;
	s12 =	sadd.s32 @!p1 s3, s12;
	[sflag:s23] =	ssyncadd.s32 $0xFFFFE800  }
0x2a1: {  	[tilespmem:s14], [sflag:$0x1] =	stream.linear.gather @!p1 [hbm4b:s12+s14], $0x1800, $0x38;
	[tilespmem:$0x1B500] =	vst v63  }
0x2a2: {  	s14 =	simm.s32 $0x1810  }
0x2a3: {  	v3 =	vld [tilespmem:s14+$0xFFFFFFF0];
	_ =	sdelay $0x4  }
0x2a4: {  	vm1 =	vlt.s32 v3, $0x0;
	v8 =	vxor.u32 $0xFFFFFFFF, v3;
	v3 =	vor.u32 $0x80000000, v3  }
0x2a5: {  	v3 =	vsel vm1, v8, v3  }
0x2a6: {  	v8 =	vshrl.u32 v3, $0x15  }
0x2a7: {  	vm1 =	veq.s32 v8, v4  }
0x2a8: {  	s6 =	sadd.s32 s6, s1;
	vm2 =	veq.s32 v8, v5;
	vm3 =	veq.s32 v8, v6;
	vm14 =	veq.s32 v8, v7  }
0x2a9: {  	p1 =	slt.s32 s6, $0xFFF1;
	vm1 =	vmor vm1, vm2;
	vm2 =	vmor vm3, vm14;
	vm3 =	vmmov vm0  }
0x2aa: {  	vm1 =	vmor vm1, vm2;
	vm3 =	vmneg @p1 vm3  }
0x2ab: {  	vm1 =	vmand vm3, vm1  }
0x2ac: {  	v8 =	vmpcnt.ones.xlane vm1;
	_ =	sdelay $0x1  }
0x2ad: {  	(v2sf) =	vpush v8, $0x0;
	_ =	sdelay $0x5  }
0x2ae: {  	[tilespmem:s6+$0x9080] =	vst.msk vm1, v3  }
0x2af: {  	v3 =	vld [tilespmem:s14+$0x0];
	_ =	sdelay $0x4  }
0x2b0: {  	vm1 =	vlt.s32 v3, $0x0;
	v8 =	vxor.u32 $0xFFFFFFFF, v3;
	v3 =	vor.u32 $0x80000000, v3  }
0x2b1: {  	v3 =	vsel vm1, v8, v3  }
0x2b2: {  	v8 =	vshrl.u32 v3, $0x15  }
0x2b3: {  	vm1 =	veq.s32 v8, v4;
	s15 =	spop (v2sf)  }
0x2b4: {  	vm2 =	veq.s32 v8, v5;
	vm3 =	veq.s32 v8, v6;
	vm15 =	veq.s32 v8, v7;
	s14 =	sadd.s32 s6, s15  }
0x2b5: {  	vm1 =	vmor vm1, vm2;
	vm2 =	vmor vm3, vm15;
	vm3 =	vmmov vm0;
	p1 =	slt.s32 s14, $0xFFF1  }
0x2b6: {  	vm1 =	vmor vm1, vm2;
	vm3 =	vmneg @p1 vm3  }
0x2b7: {  	vm1 =	vmand vm3, vm1  }
0x2b8: {  	v8 =	vmpcnt.ones.xlane vm1;
	_ =	sdelay $0x1  }
0x2b9: {  	(v2sf) =	vpush v8, $0x0;
	_ =	sdelay $0x4  }
0x2ba: {  	s12 =	simm.s32 $0x1830;
	[tilespmem:s14+$0x9080] =	vst.msk vm1, v3  }
0x2bb: {  	v3 =	vld [tilespmem:s12+$0xFFFFFFF0];
	_ =	sdelay $0x4  }
0x2bc: {  	vm1 =	vlt.s32 v3, $0x0;
	v9 =	vxor.u32 $0xFFFFFFFF, v3;
	v3 =	vor.u32 $0x80000000, v3  }
0x2bd: {  	v3 =	vsel vm1, v9, v3  }
0x2be: {  	s13 =	simm.s32 $0x2;
	v8 =	vshrl.u32 v3, $0x15  }
.LBB2_52:
0x2bf: {  	vm1 =	veq.s32 v8, v4;
	vm2 =	veq.s32 v8, v5  }
0x2c0: {  	s13 =	sadd.s32 $0x2, s13;
	vm3 =	veq.s32 v8, v6;
	s6 =	spop (v2sf);
	vm1 =	vmor vm1, vm2;
	vm2 =	veq.s32 v8, v7  }
0x2c1: {  	p1 =	slt.u32 s13, $0x17E;
	s6 =	sadd.s32 s14, s6;
	vm2 =	vmor vm3, vm2  }
0x2c2: {  	p2 =	slt.s32 s6, $0xFFF1;
	vm1 =	vmor vm1, vm2;
	vm2 =	vmmov vm0  }
0x2c3: {  	vm2 =	vmneg @p2 vm2  }
0x2c4: {  	vm1 =	vmand vm2, vm1  }
0x2c5: {  	[tilespmem:s6+$0x9080] =	vst.msk vm1, v3;
	v3 =	vmpcnt.ones.xlane vm1  }
0x2c6: {  	v8 =	vld [tilespmem:s12+$0x0]  }
0x2c7: {  	(v2sf) =	vpush v3, $0x0;
	_ =	sdelay $0x3  }
0x2c8: {  	vm1 =	vlt.s32 v8, $0x0;
	v3 =	vxor.u32 $0xFFFFFFFF, v8;
	v8 =	vor.u32 $0x80000000, v8  }
0x2c9: {  	v3 =	vsel vm1, v3, v8  }
0x2ca: {  	v8 =	vshrl.u32 v3, $0x15  }
0x2cb: {  	vm1 =	veq.s32 v8, v4;
	vm2 =	veq.s32 v8, v5;
	vm3 =	veq.s32 v8, v6  }
0x2cc: {  	vm1 =	vmor vm1, vm2;
	vm2 =	veq.s32 v8, v7  }
0x2cd: {  	vm2 =	vmor vm3, vm2;
	_ =	sdelay $0x5  }
0x2ce: {  	s14 =	spop (v2sf)  }
0x2cf: {  	s14 =	sadd.s32 s6, s14  }
0x2d0: {  	vm1 =	vmor vm1, vm2;
	vm2 =	vmmov vm0;
	p2 =	slt.s32 s14, $0xFFF1  }
0x2d1: {  	vm2 =	vmneg @p2 vm2  }
0x2d2: {  	vm1 =	vmand vm2, vm1  }
0x2d3: {  	[tilespmem:s14+$0x9080] =	vst.msk vm1, v3;
	v3 =	vmpcnt.ones.xlane vm1;
	_ =	sdelay $0x1  }
0x2d4: {  	(v2sf) =	vpush v3, $0x0;
	_ =	sdelay $0x5  }
0x2d5: {  	s12 =	sadd.s32 $0x20, s12  }
0x2d6: {  	v3 =	vld [tilespmem:s12+$0xFFFFFFF0];
	_ =	sdelay $0x2  }
.Ltmp26:
0x2d7: {  	(pc) =	sbr.rel @p1 .LBB2_52-.Ltmp26, $4  }
0x2d8: {  	_ = 	snop  }
0x2d9: {  	vm1 =	vlt.s32 v3, $0x0;
	v8 =	vxor.u32 $0xFFFFFFFF, v3;
	v3 =	vor.u32 $0x80000000, v3  }
0x2da: {  	v3 =	vsel vm1, v8, v3  }
0x2db: {  	v8 =	vshrl.u32 v3, $0x15  }
0x2dc: {  	vm1 =	veq.s32 v8, v4;
	s6 =	spop (v2sf)  }
0x2dd: {  	vm2 =	veq.s32 v8, v5;
	vm3 =	veq.s32 v8, v6;
	vm4 =	veq.s32 v8, v7;
	s6 =	sadd.s32 s14, s6  }
0x2de: {  	vm1 =	vmor vm1, vm2;
	vm2 =	vmor vm3, vm4;
	vm3 =	vmmov vm0;
	p1 =	slt.s32 s6, $0xFFF1  }
0x2df: {  	vm1 =	vmor vm1, vm2;
	vm3 =	vmneg @p1 vm3  }
0x2e0: {  	vm1 =	vmand vm3, vm1  }
0x2e1: {  	v8 =	vmpcnt.ones.xlane vm1;
	_ =	sdelay $0x1  }
0x2e2: {  	(v2sf) =	vpush v8, $0x0;
	_ =	sdelay $0x5  }
0x2e3: {  	[tilespmem:s6+$0x9080] =	vst.msk vm1, v3  }
0x2e4: {  	v3 =	vld [tilespmem:s12+$0x0];
	_ =	sdelay $0x4  }
0x2e5: {  	vm1 =	vlt.s32 v3, $0x0;
	v8 =	vxor.u32 $0xFFFFFFFF, v3;
	v3 =	vor.u32 $0x80000000, v3  }
0x2e6: {  	v3 =	vsel vm1, v8, v3  }
0x2e7: {  	v8 =	vshrl.u32 v3, $0x15  }
0x2e8: {  	vm1 =	veq.s32 v8, v4;
	s14 =	spop (v2sf)  }
0x2e9: {  	vm2 =	veq.s32 v8, v5;
	vm3 =	veq.s32 v8, v6;
	vm15 =	veq.s32 v8, v7;
	s6 =	sadd.s32 s6, s14  }
0x2ea: {  	vm1 =	vmor vm1, vm2;
	vm2 =	vmor vm3, vm15;
	vm3 =	vmmov vm0;
	p1 =	slt.s32 s6, $0xFFF1  }
0x2eb: {  	vm1 =	vmor vm1, vm2;
	vm3 =	vmneg @p1 vm3  }
0x2ec: {  	vm1 =	vmand vm3, vm1  }
0x2ed: {  	v8 =	vmpcnt.ones.xlane vm1;
	_ =	sdelay $0x1  }
0x2ee: {  	(v2sf) =	vpush v8, $0x0;
	_ =	sdelay $0x9  }
0x2ef: {  	s9 =	sadd.s32 $0x1, s9  }
0x2f0: {  	p1 =	sne.s32 s9, $0x31  }
.Ltmp27:
0x2f1: {  	_ = 	snop;
	(pc) =	sbr.rel @p1 .LBB2_49-.Ltmp27, $3  }
0x2f2: {  	_ =	sdelay $0x1  }
0x2f3: {  	s15 =	spop (v2sf)  }
0x2f4: {  	[tilespmem:s6+$0x9080] =	vst.msk vm1, v3;
	s13 =	sadd.s32 s6, s15  }
0x2f5: {  	v3 =	vmov s13  }
0x2f6: {  	[tilespmem:$0x19080] =	vst v3  }
.LBB2_55:
0x2f7: {  	s9 =	ssub.s32 $0x75999, s8;
	s19 =	ssub.s32 $0x7599A, s19  }
0x2f8: {  	s1 =	ssub.s32 $0x24BFFF, s10;
	s8 =	ssub.s32 $0x24C000, s11;
	s10 =	simm.s32 $0xFFFFFFFE  }
0x2f9: {  	s11 =	simm.s32 $0x9090;
	s12 =	simm.s32 $0x10;
	v3 =	vld.msk [tilespmem:$0x19080 ss:$0x0], $0xffff;
	[dreg:$0x14] =	wrdreg s1  }
.LBB2_56:
0x2fa: {  	v8 =	vld [tilespmem:s11+$0xFFFFFFF0];
	_ =	sdelay $0x3  }
0x2fb: {  	s6 =	sadd.s32 $0xFFFFFFF0, s12  }
0x2fc: {  	v9 =	vor.u32 s6, v2;
	v10 =	vshrl.u32 v8, $0x15  }
0x2fd: {  	vm1 =	vlt.s32 v9, v3;
	vm2 =	veq.s32 v10, v4  }
0x2fe: {  	v8 =	vshrl.u32 v8, $0xA;
	vm3 =	veq.s32 v10, v5;
	vm2 =	vmand vm1, vm2  }
0x2ff: {  	v8 =	vand.u32 $0x7FF, v8;
	vm4 =	veq.s32 v10, v6;
	vm3 =	vmand vm1, vm3  }
0x300: {  	vm5 =	veq.s32 v10, v7;
	v57 =	vor.u32 $0x800, v8;
	vm4 =	vmand vm1, vm4  }
0x301: {  	v58 =	vor.u32 $0x1000, v8;
	vm1 =	vmand vm1, vm5  }
0x302: {  	v11 =	vor.u32 $0x1800, v8;
	_ =	sdelay $0x1  }
0x303: {  	[tilespmem:v8+s22+$0x0] =	vst.idx.add.s32.msk vm2, v1  }
0x304: {  	[tilespmem:v57+s22+$0x0] =	vst.idx.add.s32.msk vm3, v1  }
0x305: {  	[tilespmem:v58+s22+$0x0] =	vst.idx.add.s32.msk vm4, v1  }
0x306: {  	[tilespmem:v11+s22+$0x0] =	vst.idx.add.s32.msk vm1, v1  }
0x307: {  	v8 =	vld [tilespmem:s11+$0x0];
	_ =	sdelay $0x4  }
0x308: {  	v59 =	vor.u32 s12, v2;
	v60 =	vshrl.u32 v8, $0x15  }
0x309: {  	vm1 =	vlt.s32 v59, v3;
	vm2 =	veq.s32 v60, v4  }
0x30a: {  	v8 =	vshrl.u32 v8, $0xA;
	vm3 =	veq.s32 v60, v5;
	vm2 =	vmand vm1, vm2  }
0x30b: {  	v8 =	vand.u32 $0x7FF, v8;
	vm14 =	veq.s32 v60, v6;
	vm3 =	vmand vm1, vm3  }
0x30c: {  	vm15 =	veq.s32 v60, v7;
	v61 =	vor.u32 $0x800, v8;
	vm4 =	vmand vm1, vm14  }
0x30d: {  	s10 =	sadd.s32 $0x2, s10;
	vm1 =	vmand vm1, vm15;
	v62 =	vor.u32 $0x1000, v8  }
0x30e: {  	p1 =	slt.u32 s10, $0xFFE;
	v63 =	vor.u32 $0x1800, v8  }
.Ltmp28:
0x30f: {  	_ = 	snop;
	(pc) =	sbr.rel @p1 .LBB2_56-.Ltmp28, $4  }
0x310: {  	[tilespmem:v8+s22+$0x0] =	vst.idx.add.s32.msk vm2, v1  }
0x311: {  	[tilespmem:v61+s22+$0x0] =	vst.idx.add.s32.msk vm3, v1  }
0x312: {  	[tilespmem:v62+s22+$0x0] =	vst.idx.add.s32.msk vm4, v1  }
0x313: {  	s12 =	sadd.s32 $0x20, s12;
	s11 =	sadd.s32 $0x20, s11;
	[tilespmem:v63+s22+$0x0] =	vst.idx.add.s32.msk vm1, v1  }
0x314: {  	[spmem:s17] =	stream.strided.scatter [tilespmem:s22], [sflag:$0x3], $0x2000, s25, s24, $0x38;
	[tilespmem:$0x1B500] =	vst v63  }
0x315: {  	_ =	swait.ge [sflag:s26], $0x2000  }
0x316: {  	[sflag:s26] =	ssyncset.done $0x0  }
0x317: {  	[sflag:s26] =	ssyncadd.s32 $0xFFFFE000  }
0x318: {  	s6 =	simm.s32 $0x40;
	s10 =	simm.s32 $0x0;
	[bflag:$0x0] =	sbarrier.arrive $0xFFFF  }
.LBB2_58:
0x319: {  	p1 =	sne.s32 s6, $0xFC0;
	[tilespmem:s10+$0x7000] =	vst v0;
	s10 =	smov.u32 s6;
	s6 =	sadd.s32 $0x40, s6  }
.Ltmp29:
0x31a: {  	(pc) =	sbr.rel @p1 .LBB2_58-.Ltmp29, $2  }
0x31b: {  	_ =	sdelay $0x2  }
0x31c: {  	s10 =	sshra.s32 s10, $0x2  }
0x31d: {  	[tilespmem:s10+$0x7000] =	vst v0  }
0x31e: {  	[tilespmem:s28], [sflag:$0x3] =	stream.strided.gather [spmem:s16], $0x400, s25, s24, $0x38;
	[tilespmem:$0x1B500] =	vst v63  }
0x31f: {  	_ =	swait.ge [sflag:s26], $0x400  }
0x320: {  	s6 =	simm.s32 $0x0;
	[sflag:s26] =	ssyncset.done $0x0  }
0x321: {  	s17 =	sand.u32 $0x3F0, s6;
	[sflag:s26] =	ssyncadd.s32 $0xFFFFFC00  }
0x322: {  	s10 =	simm.s32 $0x10;
	s6 =	simm.s32 $0x7000;
	v4 =	vld [tilespmem:s17+$0x7400]  }
.LBB2_60:
0x323: {  	p1 =	sne.s32 s10, $0x3F0;
	v5 =	vld [tilespmem:s6+$0x0];
	_ =	sdelay $0x2  }
.Ltmp30:
0x324: {  	(pc) =	sbr.rel @p1 .LBB2_60-.Ltmp30, $4  }
0x325: {  	_ = 	snop  }
0x326: {  	v4 =	vadd.s32 v5, v4  }
0x327: {  	s11 =	sand.u32 $0x3F0, s10;
	[tilespmem:s6+$0x0] =	vst v4  }
0x328: {  	s10 =	sadd.s32 $0x10, s10;
	s6 =	sadd.s32 $0x10, s6;
	v4 =	vld [tilespmem:s11+$0x7400]  }
0x329: {  	v5 =	vld [tilespmem:s6+$0x0];
	_ =	sdelay $0x4  }
0x32a: {  	v4 =	vadd.s32 v5, v4  }
0x32b: {  	[tilespmem:s6+$0x0] =	vst v4  }
0x32c: {  	[tilespmem:s28], [sflag:$0x3] =	stream.strided.gather [spmem:s29], $0x400, s25, s24, $0x38;
	[tilespmem:$0x1B500] =	vst v63  }
0x32d: {  	_ =	swait.ge [sflag:s26], $0x400  }
0x32e: {  	s17 =	simm.s32 $0x0;
	[sflag:s26] =	ssyncset.done $0x0  }
0x32f: {  	s10 =	sand.u32 $0x3F0, s17;
	[sflag:s26] =	ssyncadd.s32 $0xFFFFFC00  }
0x330: {  	s6 =	simm.s32 $0x7000;
	v4 =	vld [tilespmem:s10+$0x7400];
	s10 =	simm.s32 $0x10  }
.LBB2_62:
0x331: {  	p1 =	sne.s32 s10, $0x3F0;
	v5 =	vld [tilespmem:s6+$0x0];
	_ =	sdelay $0x2  }
.Ltmp31:
0x332: {  	(pc) =	sbr.rel @p1 .LBB2_62-.Ltmp31, $4  }
0x333: {  	_ = 	snop  }
0x334: {  	v4 =	vadd.s32 v5, v4  }
0x335: {  	s11 =	sand.u32 $0x3F0, s10;
	[tilespmem:s6+$0x0] =	vst v4  }
0x336: {  	s10 =	sadd.s32 $0x10, s10;
	s6 =	sadd.s32 $0x10, s6;
	v4 =	vld [tilespmem:s11+$0x7400]  }
0x337: {  	v5 =	vld [tilespmem:s6+$0x0];
	_ =	sdelay $0x4  }
0x338: {  	v4 =	vadd.s32 v5, v4  }
0x339: {  	[dreg:$0x12] =	wrdreg s0;
	[tilespmem:s6+$0x0] =	vst v4  }
0x33a: {  	[tilespmem:s28], [sflag:$0x3] =	stream.strided.gather [spmem:s30], $0x400, s25, s24, $0x38;
	[tilespmem:$0x1B500] =	vst v63  }
0x33b: {  	_ =	swait.ge [sflag:s26], $0x400  }
0x33c: {  	s17 =	simm.s32 $0x0;
	[sflag:s26] =	ssyncset.done $0x0  }
0x33d: {  	s10 =	sand.u32 $0x3F0, s17;
	[sflag:s26] =	ssyncadd.s32 $0xFFFFFC00  }
0x33e: {  	s6 =	simm.s32 $0x7000;
	v4 =	vld [tilespmem:s10+$0x7400];
	s10 =	simm.s32 $0x10  }
.LBB2_64:
0x33f: {  	p1 =	sne.s32 s10, $0x3F0;
	v5 =	vld [tilespmem:s6+$0x0];
	_ =	sdelay $0x2  }
.Ltmp32:
0x340: {  	(pc) =	sbr.rel @p1 .LBB2_64-.Ltmp32, $4  }
0x341: {  	_ = 	snop  }
0x342: {  	v4 =	vadd.s32 v5, v4  }
0x343: {  	s11 =	sand.u32 $0x3F0, s10;
	[tilespmem:s6+$0x0] =	vst v4  }
0x344: {  	s10 =	sadd.s32 $0x10, s10;
	s6 =	sadd.s32 $0x10, s6;
	v4 =	vld [tilespmem:s11+$0x7400]  }
0x345: {  	v5 =	vld [tilespmem:s6+$0x0];
	_ =	sdelay $0x4  }
0x346: {  	v4 =	vadd.s32 v5, v4  }
0x347: {  	s0 =	rddreg [dreg:$0x8];
	[tilespmem:s6+$0x0] =	vst v4  }
0x348: {  	[tilespmem:s28], [sflag:$0x3] =	stream.strided.gather [spmem:s0], $0x400, s25, s24, $0x38;
	[tilespmem:$0x1B500] =	vst v63  }
0x349: {  	_ =	swait.ge [sflag:s26], $0x400  }
0x34a: {  	s17 =	simm.s32 $0x0;
	[sflag:s26] =	ssyncset.done $0x0  }
0x34b: {  	s10 =	sand.u32 $0x3F0, s17;
	[sflag:s26] =	ssyncadd.s32 $0xFFFFFC00  }
0x34c: {  	s6 =	simm.s32 $0x7000;
	v4 =	vld [tilespmem:s10+$0x7400];
	s10 =	simm.s32 $0x10  }
.LBB2_66:
0x34d: {  	p1 =	sne.s32 s10, $0x3F0;
	v5 =	vld [tilespmem:s6+$0x0];
	_ =	sdelay $0x2  }
.Ltmp33:
0x34e: {  	(pc) =	sbr.rel @p1 .LBB2_66-.Ltmp33, $4  }
0x34f: {  	_ = 	snop  }
0x350: {  	v4 =	vadd.s32 v5, v4  }
0x351: {  	s11 =	sand.u32 $0x3F0, s10;
	[tilespmem:s6+$0x0] =	vst v4  }
0x352: {  	s10 =	sadd.s32 $0x10, s10;
	s6 =	sadd.s32 $0x10, s6;
	v4 =	vld [tilespmem:s11+$0x7400]  }
0x353: {  	v5 =	vld [tilespmem:s6+$0x0];
	_ =	sdelay $0x4  }
0x354: {  	v4 =	vadd.s32 v5, v4  }
0x355: {  	s0 =	rddreg [dreg:$0x9];
	[tilespmem:s6+$0x0] =	vst v4  }
0x356: {  	[tilespmem:s28], [sflag:$0x3] =	stream.strided.gather [spmem:s0], $0x400, s25, s24, $0x38;
	[tilespmem:$0x1B500] =	vst v63  }
0x357: {  	_ =	swait.ge [sflag:s26], $0x400  }
0x358: {  	s17 =	simm.s32 $0x0;
	[sflag:s26] =	ssyncset.done $0x0  }
0x359: {  	s10 =	sand.u32 $0x3F0, s17;
	[sflag:s26] =	ssyncadd.s32 $0xFFFFFC00  }
0x35a: {  	s6 =	simm.s32 $0x7000;
	v4 =	vld [tilespmem:s10+$0x7400];
	s10 =	simm.s32 $0x10  }
.LBB2_68:
0x35b: {  	p1 =	sne.s32 s10, $0x3F0;
	v5 =	vld [tilespmem:s6+$0x0];
	_ =	sdelay $0x2  }
.Ltmp34:
0x35c: {  	(pc) =	sbr.rel @p1 .LBB2_68-.Ltmp34, $4  }
0x35d: {  	_ = 	snop  }
0x35e: {  	v4 =	vadd.s32 v5, v4  }
0x35f: {  	s11 =	sand.u32 $0x3F0, s10;
	[tilespmem:s6+$0x0] =	vst v4  }
0x360: {  	s10 =	sadd.s32 $0x10, s10;
	s6 =	sadd.s32 $0x10, s6;
	v4 =	vld [tilespmem:s11+$0x7400]  }
0x361: {  	v5 =	vld [tilespmem:s6+$0x0];
	_ =	sdelay $0x4  }
0x362: {  	v4 =	vadd.s32 v5, v4  }
0x363: {  	s0 =	rddreg [dreg:$0xa];
	[tilespmem:s6+$0x0] =	vst v4  }
0x364: {  	[tilespmem:s28], [sflag:$0x3] =	stream.strided.gather [spmem:s0], $0x400, s25, s24, $0x38;
	[tilespmem:$0x1B500] =	vst v63  }
0x365: {  	_ =	swait.ge [sflag:s26], $0x400  }
0x366: {  	s17 =	simm.s32 $0x0;
	[sflag:s26] =	ssyncset.done $0x0  }
0x367: {  	s10 =	sand.u32 $0x3F0, s17;
	[sflag:s26] =	ssyncadd.s32 $0xFFFFFC00  }
0x368: {  	s6 =	simm.s32 $0x7000;
	v4 =	vld [tilespmem:s10+$0x7400];
	s10 =	simm.s32 $0x10  }
.LBB2_70:
0x369: {  	p1 =	sne.s32 s10, $0x3F0;
	v5 =	vld [tilespmem:s6+$0x0];
	_ =	sdelay $0x2  }
.Ltmp35:
0x36a: {  	(pc) =	sbr.rel @p1 .LBB2_70-.Ltmp35, $4  }
0x36b: {  	_ = 	snop  }
0x36c: {  	v4 =	vadd.s32 v5, v4  }
0x36d: {  	s11 =	sand.u32 $0x3F0, s10;
	[tilespmem:s6+$0x0] =	vst v4  }
0x36e: {  	s10 =	sadd.s32 $0x10, s10;
	s6 =	sadd.s32 $0x10, s6;
	v4 =	vld [tilespmem:s11+$0x7400]  }
0x36f: {  	v5 =	vld [tilespmem:s6+$0x0];
	_ =	sdelay $0x4  }
0x370: {  	v4 =	vadd.s32 v5, v4  }
0x371: {  	s0 =	rddreg [dreg:$0xb];
	[tilespmem:s6+$0x0] =	vst v4  }
0x372: {  	[tilespmem:s28], [sflag:$0x3] =	stream.strided.gather [spmem:s0], $0x400, s25, s24, $0x38;
	[tilespmem:$0x1B500] =	vst v63  }
0x373: {  	_ =	swait.ge [sflag:s26], $0x400  }
0x374: {  	s17 =	simm.s32 $0x0;
	[sflag:s26] =	ssyncset.done $0x0  }
0x375: {  	s10 =	sand.u32 $0x3F0, s17;
	[sflag:s26] =	ssyncadd.s32 $0xFFFFFC00  }
0x376: {  	s6 =	simm.s32 $0x7000;
	v4 =	vld [tilespmem:s10+$0x7400];
	s10 =	simm.s32 $0x10  }
.LBB2_72:
0x377: {  	p1 =	sne.s32 s10, $0x3F0;
	v5 =	vld [tilespmem:s6+$0x0];
	_ =	sdelay $0x2  }
.Ltmp36:
0x378: {  	(pc) =	sbr.rel @p1 .LBB2_72-.Ltmp36, $4  }
0x379: {  	_ = 	snop  }
0x37a: {  	v4 =	vadd.s32 v5, v4  }
0x37b: {  	s11 =	sand.u32 $0x3F0, s10;
	[tilespmem:s6+$0x0] =	vst v4  }
0x37c: {  	s10 =	sadd.s32 $0x10, s10;
	s6 =	sadd.s32 $0x10, s6;
	v4 =	vld [tilespmem:s11+$0x7400]  }
0x37d: {  	v5 =	vld [tilespmem:s6+$0x0];
	_ =	sdelay $0x4  }
0x37e: {  	v4 =	vadd.s32 v5, v4  }
0x37f: {  	s0 =	rddreg [dreg:$0xc];
	[tilespmem:s6+$0x0] =	vst v4  }
0x380: {  	[tilespmem:s28], [sflag:$0x3] =	stream.strided.gather [spmem:s0], $0x400, s25, s24, $0x38;
	[tilespmem:$0x1B500] =	vst v63  }
0x381: {  	_ =	swait.ge [sflag:s26], $0x400  }
0x382: {  	s28 =	simm.s32 $0x0;
	[sflag:s26] =	ssyncset.done $0x0  }
0x383: {  	s10 =	sand.u32 $0x3F0, s28;
	[sflag:s26] =	ssyncadd.s32 $0xFFFFFC00  }
0x384: {  	s6 =	simm.s32 $0x7000;
	v4 =	vld [tilespmem:s10+$0x7400];
	s10 =	simm.s32 $0x10  }
.LBB2_74:
0x385: {  	p1 =	sne.s32 s10, $0x3F0;
	v5 =	vld [tilespmem:s6+$0x0];
	_ =	sdelay $0x2  }
.Ltmp37:
0x386: {  	(pc) =	sbr.rel @p1 .LBB2_74-.Ltmp37, $4  }
0x387: {  	_ = 	snop  }
0x388: {  	v4 =	vadd.s32 v5, v4  }
0x389: {  	s11 =	sand.u32 $0x3F0, s10;
	[tilespmem:s6+$0x0] =	vst v4  }
0x38a: {  	s10 =	sadd.s32 $0x10, s10;
	s6 =	sadd.s32 $0x10, s6;
	v4 =	vld [tilespmem:s11+$0x7400]  }
0x38b: {  	v5 =	vld [tilespmem:s6+$0x0];
	_ =	sdelay $0x4  }
0x38c: {  	v4 =	vadd.s32 v5, v4  }
0x38d: {  	s0 =	rddreg [dreg:$0xe];
	s1 =	simm.s32 $0x100;
	s12 =	simm.s32 $0x7000;
	[tilespmem:s6+$0x0] =	vst v4  }
0x38e: {  	[spmem:s0] =	stream.strided.scatter [tilespmem:s12], [sflag:$0x3], $0x400, s1, s24, $0x38;
	[tilespmem:$0x1B500] =	vst v63  }
0x38f: {  	_ =	swait.ge [sflag:s26], $0x400  }
0x390: {  	[sflag:s26] =	ssyncset.done $0x0  }
0x391: {  	[sflag:s26] =	ssyncadd.s32 $0xFFFFFC00  }
0x392: {  	[bflag:$0x0] =	sbarrier.arrive $0xFFFF  }
0x393: {  	s14 =	simm.s32 $0x5000;
	s13 =	rddreg [dreg:$0xd]  }
0x394: {  	[tilespmem:s14], [sflag:$0x3] =	stream.strided.gather [spmem:s13], $0x2000, s1, s24, $0x38;
	[tilespmem:$0x1B500] =	vst v63  }
0x395: {  	_ =	swait.ge [sflag:s26], $0x2000  }
0x396: {  	[sflag:s26] =	ssyncset.done $0x0  }
0x397: {  	s15 =	simm.s32 $0x0;
	[sflag:s26] =	ssyncadd.s32 $0xFFFFE000  }
0x398: {  	v4 =	vld [tilespmem:s15+$0x5000];
	_ =	sdelay $0x4  }
0x399: {  	(xrf0) =	vadd.scan.msk.s32 $0xffff, v4;
	_ =	sdelay $0x5  }
0x39a: {  	s10 =	simm.s32 $0x0;
	v5, _, _ =	vpop (xrf0)  }
0x39b: {  	v4 =	vmov s9;
	v5 =	vadd.s32 s10, v5  }
0x39c: {  	vm1 =	vle.s32 v5, v4;
	v6 =	vxor.u32 $0x80000000, v5  }
0x39d: {  	(v2sf) =	vpush v5, $0xF;
	v5 =	vnsel vm1, $0x80000000, v6  }
0x39e: {  	(xrf0) =	vmax.scan.msk.u32 $0xffff, v5;
	_ =	sdelay $0x5  }
0x39f: {  	v6, _, _ =	vpop (xrf0)  }
0x3a0: {  	s16 =	simm.s32 $0x10;
	v5 =	vsel vm1, $0x1, v0;
	(v2sf) =	vpush v6, $0xF  }
0x3a1: {  	(xrf0) =	vadd.scan.msk.s32 $0xffff, v5;
	v5 =	vld [tilespmem:s16+$0x5000];
	_ =	sdelay $0x4  }
0x3a2: {  	(xrf0) =	vadd.scan.msk.s32 $0xffff, v5  }
0x3a3: {  	v5, _, _ =	vpop (xrf0)  }
0x3a4: {  	(v2sf) =	vpush v5, $0xF;
	_ =	sdelay $0x3  }
0x3a5: {  	v5, _, _ =	vpop (xrf0);
	s17 =	spop (v2sf)  }
0x3a6: {  	v5 =	vadd.s32 s17, v5  }
0x3a7: {  	vm1 =	vle.s32 v5, v4;
	v6 =	vxor.u32 $0x80000000, v5  }
0x3a8: {  	v6 =	vnsel vm1, $0x80000000, v6;
	s11 =	spop (v2sf);
	(v2sf) =	vpush v5, $0xF  }
0x3a9: {  	(xrf0) =	vmax.scan.msk.u32 $0xffff, v6;
	v6 =	vsel vm1, $0x1, v0  }
0x3aa: {  	s28 =	simm.s32 $0x20;
	(xrf0) =	vadd.scan.msk.s32 $0xffff, v6  }
0x3ab: {  	v6 =	vld [tilespmem:s28+$0x5000];
	_ =	sdelay $0x3  }
0x3ac: {  	s6 =	simm.s32 $0xC0;
	s12 =	simm.s32 $0x0;
	v7, _, _ =	vpop (xrf0);
	s13 =	sxor.u32 $0x80000000, s11  }
0x3ad: {  	[dreg:$0x15] =	wrdreg s9;
	(xrf0) =	vadd.scan.msk.s32 $0xffff, v6;
	s14 =	spop (v2sf);
	v5, _, _ =	vpop (xrf0);
	(v2sf) =	vpush v7, $0xF;
	p1 =	slt.s32 s13, $0x0  }
.LBB2_76:
0x3ae: {  	s11 =	smov.u32 s10;
	s12 =	sadd.s32 s12, s14;
	s10 =	smov.u32 s13  }
0x3af: {  	s15 =	sadd.s32 $0x40, s6;
	s10 =	smov.u32 @p1 s11;
	s11 =	smov.u32 s6  }
0x3b0: {  	p2 =	sne.s32 s6, $0x1FC0;
	(v2sf) =	vpush v5, $0xF;
	_ =	sdelay $0x3  }
0x3b1: {  	v5, _, _ =	vpop (xrf0);
	s6 =	spop (v2sf)  }
0x3b2: {  	v5 =	vadd.s32 s6, v5  }
0x3b3: {  	vm1 =	vle.s32 v5, v4;
	v6 =	vxor.u32 $0x80000000, v5;
	(v2sf) =	vpush v5, $0xF  }
0x3b4: {  	v5 =	vsel vm1, $0x1, v0;
	v6 =	vnsel vm1, $0x80000000, v6  }
0x3b5: {  	(xrf0) =	vmax.scan.msk.u32 $0xffff, v6  }
0x3b6: {  	s6 =	sshra.s32 s11, $0x2;
	(xrf0) =	vadd.scan.msk.s32 $0xffff, v5  }
0x3b7: {  	v5 =	vld [tilespmem:s6+$0x5000]  }
.Ltmp38:
0x3b8: {  	(pc) =	sbr.rel @p2 .LBB2_76-.Ltmp38, $4  }
0x3b9: {  	_ = 	snop  }
0x3ba: {  	s6 =	spop (v2sf)  }
0x3bb: {  	v6, _, _ =	vpop (xrf0);
	s13 =	sxor.u32 $0x80000000, s6  }
0x3bc: {  	s6 =	smov.u32 s15;
	(xrf0) =	vadd.scan.msk.s32 $0xffff, v5;
	v5, _, _ =	vpop (xrf0);
	(v2sf) =	vpush v6, $0xF;
	p1 =	sgt.s32 s10, s13;
	s14 =	spop (v2sf)  }
0x3bd: {  	_ =	sdelay $0x3  }
0x3be: {  	s11 =	simm.s32 $0x0  }
0x3bf: {  	s15 =	sand.u32 $0x7F0, s11;
	v6, _, _ =	vpop (xrf0);
	s6 =	spop (v2sf)  }
0x3c0: {  	v7 =	vld [tilespmem:s15+$0x5800];
	v6 =	vadd.s32 s6, v6  }
0x3c1: {  	vm1 =	vle.s32 v6, v4;
	v4 =	vxor.u32 $0x80000000, v6  }
0x3c2: {  	v4 =	vnsel vm1, $0x80000000, v4  }
0x3c3: {  	(xrf0) =	vmax.scan.msk.u32 $0xffff, v4;
	v4 =	vsel vm1, $0x1, v0  }
0x3c4: {  	(xrf0) =	vadd.scan.msk.s32 $0xffff, v4  }
0x3c5: {  	(xrf0) =	vadd.scan.msk.s32 $0xffff, v7;
	_ =	sdelay $0x3  }
0x3c6: {  	(v2sf) =	vpush v5, $0xF;
	v4, _, _ =	vpop (xrf0)  }
0x3c7: {  	(v2sf) =	vpush v6, $0xF;
	v5, _, _ =	vpop (xrf0)  }
0x3c8: {  	(v2sf) =	vpush v4, $0xF;
	v6, _, _ =	vpop (xrf0)  }
0x3c9: {  	v4 =	vmov s19;
	(v2sf) =	vpush v5, $0xF;
	v5 =	vadd.s32 s11, v6  }
0x3ca: {  	vm1 =	vle.s32 v5, v4;
	v6 =	vxor.u32 $0x80000000, v5;
	(v2sf) =	vpush v5, $0xF  }
0x3cb: {  	v5 =	vnsel vm1, $0x80000000, v6  }
0x3cc: {  	s1 =	simm.s32 $0x10;
	(xrf0) =	vmax.scan.msk.u32 $0xffff, v5  }
0x3cd: {  	s6 =	sand.u32 $0x7F0, s1;
	v5 =	vsel vm1, $0x1, v0  }
0x3ce: {  	(xrf0) =	vadd.scan.msk.s32 $0xffff, v5;
	v5 =	vld [tilespmem:s6+$0x5800];
	_ =	sdelay $0x3  }
0x3cf: {  	v6, _, _ =	vpop (xrf0)  }
0x3d0: {  	(xrf0) =	vadd.scan.msk.s32 $0xffff, v5;
	(v2sf) =	vpush v6, $0xF  }
0x3d1: {  	s15 =	spop (v2sf);
	v5, _, _ =	vpop (xrf0)  }
0x3d2: {  	s9 =	smov.u32 s29;
	s29 =	spop (v2sf);
	(v2sf) =	vpush v5, $0xF  }
0x3d3: {  	s16 =	spop (v2sf)  }
0x3d4: {  	s16 =	spop (v2sf)  }
0x3d5: {  	s17 =	spop (v2sf)  }
0x3d6: {  	v5, _, _ =	vpop (xrf0);
	s0 =	spop (v2sf)  }
0x3d7: {  	v5 =	vadd.s32 s0, v5  }
0x3d8: {  	vm1 =	vle.s32 v5, v4;
	v6 =	vxor.u32 $0x80000000, v5  }
0x3d9: {  	(v2sf) =	vpush v5, $0xF;
	v6 =	vnsel vm1, $0x80000000, v6  }
0x3da: {  	s28 =	smov.u32 s19;
	s1 =	simm.s32 $0x20;
	(xrf0) =	vmax.scan.msk.u32 $0xffff, v6;
	v6 =	vsel vm1, $0x1, v0  }
0x3db: {  	s13 =	smov.u32 @p1 s10;
	s19 =	sand.u32 $0x7F0, s1;
	s6 =	sxor.u32 $0x80000000, s15;
	(xrf0) =	vadd.scan.msk.s32 $0xffff, v6  }
0x3dc: {  	p1 =	sgt.s32 s13, s6;
	v6 =	vld [tilespmem:s19+$0x5800]  }
0x3dd: {  	s6 =	smov.u32 @p1 s13  }
0x3de: {  	s13 =	simm.s32 $0x0;
	s10 =	sxor.u32 $0x80000000, s16;
	s19 =	sadd.s32 s12, s14  }
0x3df: {  	p1 =	sgt.s32 s6, s10;
	s12 =	sadd.s32 s19, s29;
	s29 =	spop (v2sf)  }
0x3e0: {  	s10 =	smov.u32 @p1 s6;
	s6 =	simm.s32 $0x30;
	v7, _, _ =	vpop (xrf0);
	s15 =	sxor.u32 $0x80000000, s29  }
0x3e1: {  	s14 =	sadd.s32 s12, s17;
	(xrf0) =	vadd.scan.msk.s32 $0xffff, v6;
	s17 =	spop (v2sf);
	v5, _, _ =	vpop (xrf0);
	(v2sf) =	vpush v7, $0xF;
	p1 =	slt.s32 s15, $0x0  }
.LBB2_78:
0x3e2: {  	s12 =	smov.u32 s11;
	s13 =	sadd.s32 s13, s17;
	s11 =	smov.u32 s15  }
0x3e3: {  	s16 =	sadd.s32 $0x10, s6;
	s11 =	smov.u32 @p1 s12;
	s12 =	smov.u32 s6  }
0x3e4: {  	p2 =	sne.s32 s6, $0x7F0;
	(v2sf) =	vpush v5, $0xF;
	_ =	sdelay $0x3  }
0x3e5: {  	v5, _, _ =	vpop (xrf0);
	s6 =	spop (v2sf)  }
0x3e6: {  	v5 =	vadd.s32 s6, v5  }
0x3e7: {  	vm1 =	vle.s32 v5, v4;
	v6 =	vxor.u32 $0x80000000, v5;
	(v2sf) =	vpush v5, $0xF  }
0x3e8: {  	v5 =	vsel vm1, $0x1, v0;
	v6 =	vnsel vm1, $0x80000000, v6  }
0x3e9: {  	(xrf0) =	vmax.scan.msk.u32 $0xffff, v6  }
0x3ea: {  	s6 =	sand.u32 $0x7F0, s12;
	(xrf0) =	vadd.scan.msk.s32 $0xffff, v5  }
0x3eb: {  	v5 =	vld [tilespmem:s6+$0x5800]  }
.Ltmp39:
0x3ec: {  	(pc) =	sbr.rel @p2 .LBB2_78-.Ltmp39, $4  }
0x3ed: {  	_ = 	snop  }
0x3ee: {  	s6 =	spop (v2sf)  }
0x3ef: {  	v6, _, _ =	vpop (xrf0);
	s15 =	sxor.u32 $0x80000000, s6  }
0x3f0: {  	s6 =	smov.u32 s16;
	(xrf0) =	vadd.scan.msk.s32 $0xffff, v5;
	v5, _, _ =	vpop (xrf0);
	(v2sf) =	vpush v6, $0xF;
	p1 =	sgt.s32 s11, s15;
	s17 =	spop (v2sf)  }
0x3f1: {  	_ =	sdelay $0x3  }
0x3f2: {  	s12 =	simm.s32 $0x0  }
0x3f3: {  	s16 =	sand.u32 $0x7F0, s12;
	v6, _, _ =	vpop (xrf0);
	s6 =	spop (v2sf)  }
0x3f4: {  	v7 =	vld [tilespmem:s16+$0x6000];
	v6 =	vadd.s32 s6, v6  }
0x3f5: {  	vm1 =	vle.s32 v6, v4;
	v4 =	vxor.u32 $0x80000000, v6  }
0x3f6: {  	v4 =	vnsel vm1, $0x80000000, v4  }
0x3f7: {  	(xrf0) =	vmax.scan.msk.u32 $0xffff, v4;
	v4 =	vsel vm1, $0x1, v0  }
0x3f8: {  	(xrf0) =	vadd.scan.msk.s32 $0xffff, v4  }
0x3f9: {  	(xrf0) =	vadd.scan.msk.s32 $0xffff, v7;
	_ =	sdelay $0x3  }
0x3fa: {  	(v2sf) =	vpush v5, $0xF;
	v4, _, _ =	vpop (xrf0)  }
0x3fb: {  	(v2sf) =	vpush v6, $0xF;
	v5, _, _ =	vpop (xrf0)  }
0x3fc: {  	s1 =	rddreg [dreg:$0x14];
	(v2sf) =	vpush v4, $0xF;
	v6, _, _ =	vpop (xrf0)  }
0x3fd: {  	v4 =	vmov s1;
	(v2sf) =	vpush v5, $0xF;
	v5 =	vadd.s32 s12, v6  }
0x3fe: {  	vm1 =	vle.s32 v5, v4;
	v6 =	vxor.u32 $0x80000000, v5;
	(v2sf) =	vpush v5, $0xF  }
0x3ff: {  	v5 =	vnsel vm1, $0x80000000, v6  }
0x400: {  	s19 =	simm.s32 $0x10;
	(xrf0) =	vmax.scan.msk.u32 $0xffff, v5  }
0x401: {  	s6 =	sand.u32 $0x7F0, s19;
	v5 =	vsel vm1, $0x1, v0  }
0x402: {  	(xrf0) =	vadd.scan.msk.s32 $0xffff, v5;
	v5 =	vld [tilespmem:s6+$0x6000];
	_ =	sdelay $0x3  }
0x403: {  	v6, _, _ =	vpop (xrf0)  }
0x404: {  	(xrf0) =	vadd.scan.msk.s32 $0xffff, v5;
	(v2sf) =	vpush v6, $0xF  }
0x405: {  	s6 =	spop (v2sf);
	v5, _, _ =	vpop (xrf0)  }
0x406: {  	s16 =	spop (v2sf);
	(v2sf) =	vpush v5, $0xF  }
0x407: {  	s19 =	spop (v2sf)  }
0x408: {  	s19 =	spop (v2sf)  }
0x409: {  	s29 =	spop (v2sf)  }
0x40a: {  	s0 =	smov.u32 s30;
	v5, _, _ =	vpop (xrf0);
	s30 =	spop (v2sf)  }
0x40b: {  	v5 =	vadd.s32 s30, v5  }
0x40c: {  	vm1 =	vle.s32 v5, v4;
	v6 =	vxor.u32 $0x80000000, v5  }
0x40d: {  	(v2sf) =	vpush v5, $0xF;
	v6 =	vnsel vm1, $0x80000000, v6  }
0x40e: {  	s30 =	simm.s32 $0x20;
	(xrf0) =	vmax.scan.msk.u32 $0xffff, v6;
	v6 =	vsel vm1, $0x1, v0  }
0x40f: {  	s1 =	sand.u32 $0x7F0, s30;
	(xrf0) =	vadd.scan.msk.s32 $0xffff, v6  }
0x410: {  	s15 =	smov.u32 @p1 s11;
	v6 =	vld [tilespmem:s1+$0x6000]  }
0x411: {  	s17 =	sadd.s32 s13, s17;
	s13 =	simm.s32 $0x0;
	s1 =	sxor.u32 $0x80000000, s6  }
0x412: {  	s11 =	sxor.u32 $0x80000000, s19;
	s6 =	sadd.s32 s17, s16;
	p1 =	sgt.s32 s15, s1  }
0x413: {  	s1 =	smov.u32 @p1 s15;
	s15 =	sadd.s32 s6, s29;
	s30 =	spop (v2sf)  }
0x414: {  	s6 =	simm.s32 $0x30;
	p1 =	sgt.s32 s1, s11;
	v7, _, _ =	vpop (xrf0);
	s29 =	sxor.u32 $0x80000000, s30  }
0x415: {  	s11 =	smov.u32 @p1 s1;
	(xrf0) =	vadd.scan.msk.s32 $0xffff, v6;
	s16 =	spop (v2sf);
	v5, _, _ =	vpop (xrf0);
	(v2sf) =	vpush v7, $0xF;
	p1 =	slt.s32 s29, $0x0  }
.LBB2_80:
0x416: {  	s1 =	smov.u32 s12;
	s13 =	sadd.s32 s13, s16;
	s12 =	smov.u32 s29  }
0x417: {  	s17 =	sadd.s32 $0x10, s6;
	s12 =	smov.u32 @p1 s1;
	s1 =	smov.u32 s6  }
0x418: {  	p2 =	sne.s32 s6, $0x7F0;
	(v2sf) =	vpush v5, $0xF;
	_ =	sdelay $0x3  }
0x419: {  	v5, _, _ =	vpop (xrf0);
	s6 =	spop (v2sf)  }
0x41a: {  	v5 =	vadd.s32 s6, v5  }
0x41b: {  	vm1 =	vle.s32 v5, v4;
	v6 =	vxor.u32 $0x80000000, v5;
	(v2sf) =	vpush v5, $0xF  }
0x41c: {  	v5 =	vsel vm1, $0x1, v0;
	v6 =	vnsel vm1, $0x80000000, v6  }
0x41d: {  	(xrf0) =	vmax.scan.msk.u32 $0xffff, v6  }
0x41e: {  	s1 =	sand.u32 $0x7F0, s1;
	(xrf0) =	vadd.scan.msk.s32 $0xffff, v5  }
0x41f: {  	v5 =	vld [tilespmem:s1+$0x6000]  }
.Ltmp40:
0x420: {  	(pc) =	sbr.rel @p2 .LBB2_80-.Ltmp40, $4  }
0x421: {  	_ = 	snop  }
0x422: {  	s1 =	spop (v2sf)  }
0x423: {  	v6, _, _ =	vpop (xrf0);
	s29 =	sxor.u32 $0x80000000, s1  }
0x424: {  	s6 =	smov.u32 s17;
	(xrf0) =	vadd.scan.msk.s32 $0xffff, v5;
	v5, _, _ =	vpop (xrf0);
	(v2sf) =	vpush v6, $0xF;
	p1 =	sgt.s32 s12, s29;
	s16 =	spop (v2sf)  }
0x425: {  	_ =	sdelay $0x3  }
0x426: {  	s17 =	simm.s32 $0x0  }
0x427: {  	s6 =	sand.u32 $0x7F0, s17;
	v6, _, _ =	vpop (xrf0);
	s1 =	spop (v2sf)  }
0x428: {  	v7 =	vld [tilespmem:s6+$0x6800];
	v6 =	vadd.s32 s1, v6  }
0x429: {  	vm1 =	vle.s32 v6, v4;
	v4 =	vxor.u32 $0x80000000, v6  }
0x42a: {  	v4 =	vnsel vm1, $0x80000000, v4  }
0x42b: {  	(xrf0) =	vmax.scan.msk.u32 $0xffff, v4;
	v4 =	vsel vm1, $0x1, v0  }
0x42c: {  	(xrf0) =	vadd.scan.msk.s32 $0xffff, v4  }
0x42d: {  	(xrf0) =	vadd.scan.msk.s32 $0xffff, v7;
	_ =	sdelay $0x3  }
0x42e: {  	(v2sf) =	vpush v5, $0xF;
	v4, _, _ =	vpop (xrf0)  }
0x42f: {  	(v2sf) =	vpush v6, $0xF;
	v5, _, _ =	vpop (xrf0)  }
0x430: {  	(v2sf) =	vpush v4, $0xF;
	v6, _, _ =	vpop (xrf0)  }
0x431: {  	v4 =	vmov s8;
	(v2sf) =	vpush v5, $0xF;
	v5 =	vadd.s32 s17, v6  }
0x432: {  	vm1 =	vle.s32 v5, v4;
	v6 =	vxor.u32 $0x80000000, v5;
	(v2sf) =	vpush v5, $0xF  }
0x433: {  	v5 =	vnsel vm1, $0x80000000, v6  }
0x434: {  	[dreg:$0x13] =	wrdreg s8;
	s8 =	simm.s32 $0x10;
	(xrf0) =	vmax.scan.msk.u32 $0xffff, v5  }
0x435: {  	s1 =	sand.u32 $0x7F0, s8;
	v5 =	vsel vm1, $0x1, v0  }
0x436: {  	(xrf0) =	vadd.scan.msk.s32 $0xffff, v5;
	v5 =	vld [tilespmem:s1+$0x6800];
	_ =	sdelay $0x3  }
0x437: {  	v6, _, _ =	vpop (xrf0)  }
0x438: {  	(xrf0) =	vadd.scan.msk.s32 $0xffff, v5;
	(v2sf) =	vpush v6, $0xF  }
0x439: {  	s1 =	spop (v2sf);
	v5, _, _ =	vpop (xrf0)  }
0x43a: {  	s6 =	spop (v2sf);
	(v2sf) =	vpush v5, $0xF  }
0x43b: {  	s19 =	spop (v2sf)  }
0x43c: {  	s19 =	spop (v2sf)  }
0x43d: {  	s30 =	spop (v2sf)  }
0x43e: {  	v5, _, _ =	vpop (xrf0);
	s8 =	spop (v2sf)  }
0x43f: {  	v5 =	vadd.s32 s8, v5  }
0x440: {  	vm1 =	vle.s32 v5, v4;
	v6 =	vxor.u32 $0x80000000, v5  }
0x441: {  	(v2sf) =	vpush v5, $0xF;
	v6 =	vnsel vm1, $0x80000000, v6  }
0x442: {  	s8 =	simm.s32 $0x20;
	(xrf0) =	vmax.scan.msk.u32 $0xffff, v6;
	v6 =	vsel vm1, $0x1, v0  }
0x443: {  	s8 =	sand.u32 $0x7F0, s8;
	(xrf0) =	vadd.scan.msk.s32 $0xffff, v6  }
0x444: {  	s29 =	smov.u32 @p1 s12;
	s1 =	sxor.u32 $0x80000000, s1;
	v6 =	vld [tilespmem:s8+$0x6800]  }
0x445: {  	s16 =	sadd.s32 s13, s16;
	p1 =	sgt.s32 s29, s1  }
0x446: {  	s12 =	simm.s32 $0x0;
	s6 =	sadd.s32 s16, s6;
	s1 =	smov.u32 @p1 s29  }
0x447: {  	s13 =	sxor.u32 $0x80000000, s19;
	s29 =	sadd.s32 s6, s30;
	s30 =	spop (v2sf)  }
0x448: {  	s19 =	simm.s32 $0x30;
	p1 =	sgt.s32 s1, s13;
	v7, _, _ =	vpop (xrf0);
	s16 =	sxor.u32 $0x80000000, s30  }
0x449: {  	s13 =	smov.u32 @p1 s1;
	(xrf0) =	vadd.scan.msk.s32 $0xffff, v6;
	s6 =	spop (v2sf);
	v5, _, _ =	vpop (xrf0);
	(v2sf) =	vpush v7, $0xF;
	p2 =	slt.s32 s16, $0x0  }
.LBB2_82:
0x44a: {  	s1 =	smov.u32 s17;
	s12 =	sadd.s32 s12, s6;
	s17 =	smov.u32 s16  }
0x44b: {  	s8 =	sadd.s32 $0x10, s19;
	s17 =	smov.u32 @p2 s1;
	s1 =	smov.u32 s19  }
0x44c: {  	p1 =	sne.s32 s19, $0x7F0;
	(v2sf) =	vpush v5, $0xF;
	_ =	sdelay $0x3  }
0x44d: {  	v5, _, _ =	vpop (xrf0);
	s6 =	spop (v2sf)  }
0x44e: {  	v5 =	vadd.s32 s6, v5  }
0x44f: {  	vm1 =	vle.s32 v5, v4;
	v6 =	vxor.u32 $0x80000000, v5;
	(v2sf) =	vpush v5, $0xF  }
0x450: {  	v5 =	vsel vm1, $0x1, v0;
	v6 =	vnsel vm1, $0x80000000, v6  }
0x451: {  	(xrf0) =	vmax.scan.msk.u32 $0xffff, v6  }
0x452: {  	s1 =	sand.u32 $0x7F0, s1;
	(xrf0) =	vadd.scan.msk.s32 $0xffff, v5  }
0x453: {  	v5 =	vld [tilespmem:s1+$0x6800]  }
.Ltmp41:
0x454: {  	(pc) =	sbr.rel @p1 .LBB2_82-.Ltmp41, $4  }
0x455: {  	_ = 	snop  }
0x456: {  	s1 =	spop (v2sf)  }
0x457: {  	v6, _, _ =	vpop (xrf0);
	s16 =	sxor.u32 $0x80000000, s1  }
0x458: {  	s19 =	smov.u32 s8;
	(xrf0) =	vadd.scan.msk.s32 $0xffff, v5;
	v5, _, _ =	vpop (xrf0);
	(v2sf) =	vpush v6, $0xF;
	p2 =	sgt.s32 s17, s16;
	s6 =	spop (v2sf)  }
0x459: {  	_ =	sdelay $0x4  }
0x45a: {  	v6, _, _ =	vpop (xrf0);
	s1 =	spop (v2sf)  }
0x45b: {  	v6 =	vadd.s32 s1, v6  }
0x45c: {  	vm1 =	vle.s32 v6, v4;
	v4 =	vxor.u32 $0x80000000, v6  }
0x45d: {  	v4 =	vnsel vm1, $0x80000000, v4  }
0x45e: {  	(xrf0) =	vmax.scan.msk.u32 $0xffff, v4  }
0x45f: {  	v4 =	vsel vm1, $0x1, v0  }
0x460: {  	(xrf0) =	vadd.scan.msk.s32 $0xffff, v4;
	_ =	sdelay $0x2  }
0x461: {  	(v2sf) =	vpush v5, $0xF  }
0x462: {  	(v2sf) =	vpush v6, $0xF;
	v4, _, _ =	vpop (xrf0)  }
0x463: {  	(v2sf) =	vpush v4, $0xF  }
0x464: {  	v4, _, _ =	vpop (xrf0)  }
0x465: {  	(v2sf) =	vpush v4, $0xF;
	_ =	sdelay $0x9  }
0x466: {  	s19 =	spop (v2sf)  }
0x467: {  	s16 =	smov.u32 @p2 s17;
	s1 =	sxor.u32 $0x80000000, s19;
	s8 =	spop (v2sf)  }
0x468: {  	s6 =	sadd.s32 s12, s6;
	p1 =	sgt.s32 s16, s1;
	s19 =	spop (v2sf)  }
0x469: {  	s30 =	smov.u32 s0;
	s1 =	smov.u32 @p1 s16;
	s17 =	spop (v2sf)  }
0x46a: {  	s16 =	simm.s32 $0x0;
	s6 =	sadd.s32 s6, s8;
	s12 =	sxor.u32 $0x80000000, s17  }
0x46b: {  	s19 =	spop (v2sf);
	s17 =	simm.s32 $0x40;
	p1 =	sgt.s32 s1, s12  }
0x46c: {  	s6 =	sadd.s32 s6, s19;
	[bflag:$0x0] =	sbarrier.arrive $0xFFFF;
	s12 =	smov.u32 @p1 s1  }
.LBB2_84:
0x46d: {  	p1 =	sne.s32 s17, $0x7FC0;
	[tilespmem:s16+$0x3000] =	vst v0;
	s1 =	smov.u32 s17;
	s17 =	sadd.s32 $0x40, s17  }
.Ltmp42:
0x46e: {  	(pc) =	sbr.rel @p1 .LBB2_84-.Ltmp42, $2  }
0x46f: {  	_ =	sdelay $0x2  }
0x470: {  	s16 =	sshra.s32 s1, $0x2  }
0x471: {  	s0 =	rddreg [dreg:$0x12]  }
0x472: {  	s1 =	sshll.u32 s18, $0xB;
	s8 =	sshll.u32 s4, $0xB;
	s19 =	sshll.u32 s31, $0xB  }
0x473: {  	[tilespmem:s16+$0x3000] =	vst v0;
	s16 =	simm.s32 $0x10;
	s0 =	sshll.u32 s0, $0xB;
	s4 =	sor.u32 s1, s15  }
0x474: {  	s18 =	sor.u32 s8, s29;
	s31 =	sor.u32 s19, s6;
	s0 =	sor.u32 s0, s14;
	v5 =	vmov s4  }
0x475: {  	s15 =	simm.s32 $0x9090;
	s19 =	smov.u32 s28;
	v6 =	vmov s18;
	v7 =	vmov s31;
	s14 =	simm.s32 $0xFFFFFFFE;
	v4 =	vmov s0  }
.LBB2_86:
0x476: {  	v8 =	vld [tilespmem:s15+$0xFFFFFFF0];
	_ =	sdelay $0x3  }
0x477: {  	s1 =	sadd.s32 $0xFFFFFFF0, s16  }
0x478: {  	v9 =	vor.u32 s1, v2;
	v10 =	vshrl.u32 v8, $0xA  }
0x479: {  	vm1 =	vlt.s32 v9, v3;
	vm2 =	veq.s32 v10, v4  }
0x47a: {  	vm3 =	veq.s32 v10, v5;
	vm2 =	vmand vm1, vm2  }
0x47b: {  	v8 =	vand.u32 $0x3FF, v8;
	vm4 =	veq.s32 v10, v6;
	vm3 =	vmand vm1, vm3  }
0x47c: {  	v57 =	vor.u32 $0x400, v8;
	vm5 =	veq.s32 v10, v7;
	vm4 =	vmand vm1, vm4  }
0x47d: {  	v58 =	vor.u32 $0x800, v8;
	vm1 =	vmand vm1, vm5  }
0x47e: {  	v11 =	vor.u32 $0xC00, v8;
	_ =	sdelay $0x1  }
0x47f: {  	[tilespmem:v8+s22+$0x0] =	vst.idx.add.s32.msk vm2, v1  }
0x480: {  	[tilespmem:v57+s22+$0x0] =	vst.idx.add.s32.msk vm3, v1  }
0x481: {  	[tilespmem:v58+s22+$0x0] =	vst.idx.add.s32.msk vm4, v1  }
0x482: {  	[tilespmem:v11+s22+$0x0] =	vst.idx.add.s32.msk vm1, v1  }
0x483: {  	v8 =	vld [tilespmem:s15+$0x0];
	_ =	sdelay $0x4  }
0x484: {  	v59 =	vor.u32 s16, v2;
	v60 =	vshrl.u32 v8, $0xA  }
0x485: {  	vm1 =	vlt.s32 v59, v3;
	vm2 =	veq.s32 v60, v4  }
0x486: {  	vm3 =	veq.s32 v60, v5;
	vm2 =	vmand vm1, vm2  }
0x487: {  	v8 =	vand.u32 $0x3FF, v8;
	vm14 =	veq.s32 v60, v6;
	vm3 =	vmand vm1, vm3  }
0x488: {  	v61 =	vor.u32 $0x400, v8;
	vm15 =	veq.s32 v60, v7;
	vm4 =	vmand vm1, vm14  }
0x489: {  	s14 =	sadd.s32 $0x2, s14;
	v62 =	vor.u32 $0x800, v8;
	vm1 =	vmand vm1, vm15  }
0x48a: {  	p1 =	slt.u32 s14, $0xFFE;
	v63 =	vor.u32 $0xC00, v8  }
.Ltmp43:
0x48b: {  	_ = 	snop;
	(pc) =	sbr.rel @p1 .LBB2_86-.Ltmp43, $4  }
0x48c: {  	[tilespmem:v8+s22+$0x0] =	vst.idx.add.s32.msk vm2, v1  }
0x48d: {  	[tilespmem:v61+s22+$0x0] =	vst.idx.add.s32.msk vm3, v1  }
0x48e: {  	[tilespmem:v62+s22+$0x0] =	vst.idx.add.s32.msk vm4, v1  }
0x48f: {  	s16 =	sadd.s32 $0x20, s16;
	s15 =	sadd.s32 $0x20, s15;
	[tilespmem:v63+s22+$0x0] =	vst.idx.add.s32.msk vm1, v1  }
0x490: {  	s17 =	rddreg [dreg:$0x7]  }
0x491: {  	[spmem:s17] =	stream.strided.scatter [tilespmem:s22], [sflag:$0x3], $0x2000, s25, s24, $0x38;
	[tilespmem:$0x1B500] =	vst v63  }
0x492: {  	_ =	swait.ge [sflag:s26], $0x2000  }
0x493: {  	[sflag:s26] =	ssyncset.done $0x0  }
0x494: {  	s6 =	simm.s32 $0x40;
	s14 =	simm.s32 $0x0;
	[sflag:s26] =	ssyncadd.s32 $0xFFFFE000  }
0x495: {  	s29 =	smov.u32 s9;
	s28 =	simm.s32 $0x7400;
	[bflag:$0x0] =	sbarrier.arrive $0xFFFF  }
.LBB2_88:
0x496: {  	p1 =	sne.s32 s6, $0xFC0;
	[tilespmem:s14+$0x7000] =	vst v0;
	s1 =	smov.u32 s6;
	s6 =	sadd.s32 $0x40, s6  }
.Ltmp44:
0x497: {  	(pc) =	sbr.rel @p1 .LBB2_88-.Ltmp44, $2  }
0x498: {  	_ =	sdelay $0x2  }
0x499: {  	s14 =	sshra.s32 s1, $0x2  }
0x49a: {  	[tilespmem:s14+$0x7000] =	vst v0;
	s16 =	rddreg [dreg:$0x6]  }
0x49b: {  	[tilespmem:s28], [sflag:$0x3] =	stream.strided.gather [spmem:s16], $0x400, s25, s24, $0x38;
	[tilespmem:$0x1B500] =	vst v63  }
0x49c: {  	_ =	swait.ge [sflag:s26], $0x400  }
0x49d: {  	s1 =	simm.s32 $0x0;
	[sflag:s26] =	ssyncset.done $0x0  }
0x49e: {  	s1 =	sand.u32 $0x3F0, s1;
	[sflag:s26] =	ssyncadd.s32 $0xFFFFFC00  }
0x49f: {  	s6 =	simm.s32 $0x7000;
	s14 =	simm.s32 $0x10;
	s9 =	rddreg [dreg:$0x15];
	v3 =	vld [tilespmem:s1+$0x7400]  }
.LBB2_90:
0x4a0: {  	p1 =	sne.s32 s14, $0x3F0;
	v4 =	vld [tilespmem:s6+$0x0];
	_ =	sdelay $0x2  }
.Ltmp45:
0x4a1: {  	(pc) =	sbr.rel @p1 .LBB2_90-.Ltmp45, $4  }
0x4a2: {  	_ = 	snop  }
0x4a3: {  	v3 =	vadd.s32 v4, v3  }
0x4a4: {  	s1 =	sand.u32 $0x3F0, s14;
	[tilespmem:s6+$0x0] =	vst v3  }
0x4a5: {  	s14 =	sadd.s32 $0x10, s14;
	s6 =	sadd.s32 $0x10, s6;
	v3 =	vld [tilespmem:s1+$0x7400]  }
0x4a6: {  	v4 =	vld [tilespmem:s6+$0x0];
	_ =	sdelay $0x4  }
0x4a7: {  	v3 =	vadd.s32 v4, v3  }
0x4a8: {  	[tilespmem:s6+$0x0] =	vst v3  }
0x4a9: {  	[tilespmem:s28], [sflag:$0x3] =	stream.strided.gather [spmem:s29], $0x400, s25, s24, $0x38;
	[tilespmem:$0x1B500] =	vst v63  }
0x4aa: {  	_ =	swait.ge [sflag:s26], $0x400  }
0x4ab: {  	s1 =	simm.s32 $0x0;
	[sflag:s26] =	ssyncset.done $0x0  }
0x4ac: {  	s1 =	sand.u32 $0x3F0, s1;
	[sflag:s26] =	ssyncadd.s32 $0xFFFFFC00  }
0x4ad: {  	s14 =	simm.s32 $0x10;
	s6 =	simm.s32 $0x7000;
	v3 =	vld [tilespmem:s1+$0x7400]  }
.LBB2_92:
0x4ae: {  	p1 =	sne.s32 s14, $0x3F0;
	v4 =	vld [tilespmem:s6+$0x0];
	_ =	sdelay $0x2  }
.Ltmp46:
0x4af: {  	(pc) =	sbr.rel @p1 .LBB2_92-.Ltmp46, $4  }
0x4b0: {  	_ = 	snop  }
0x4b1: {  	v3 =	vadd.s32 v4, v3  }
0x4b2: {  	s1 =	sand.u32 $0x3F0, s14;
	[tilespmem:s6+$0x0] =	vst v3  }
0x4b3: {  	s14 =	sadd.s32 $0x10, s14;
	s6 =	sadd.s32 $0x10, s6;
	v3 =	vld [tilespmem:s1+$0x7400]  }
0x4b4: {  	v4 =	vld [tilespmem:s6+$0x0];
	_ =	sdelay $0x4  }
0x4b5: {  	v3 =	vadd.s32 v4, v3  }
0x4b6: {  	[tilespmem:s6+$0x0] =	vst v3  }
0x4b7: {  	[tilespmem:s28], [sflag:$0x3] =	stream.strided.gather [spmem:s30], $0x400, s25, s24, $0x38;
	[tilespmem:$0x1B500] =	vst v63  }
0x4b8: {  	_ =	swait.ge [sflag:s26], $0x400  }
0x4b9: {  	s1 =	simm.s32 $0x0;
	[sflag:s26] =	ssyncset.done $0x0  }
0x4ba: {  	s1 =	sand.u32 $0x3F0, s1;
	[sflag:s26] =	ssyncadd.s32 $0xFFFFFC00  }
0x4bb: {  	s14 =	simm.s32 $0x10;
	s6 =	simm.s32 $0x7000;
	v3 =	vld [tilespmem:s1+$0x7400]  }
.LBB2_94:
0x4bc: {  	p1 =	sne.s32 s14, $0x3F0;
	v4 =	vld [tilespmem:s6+$0x0];
	_ =	sdelay $0x2  }
.Ltmp47:
0x4bd: {  	(pc) =	sbr.rel @p1 .LBB2_94-.Ltmp47, $4  }
0x4be: {  	_ = 	snop  }
0x4bf: {  	v3 =	vadd.s32 v4, v3  }
0x4c0: {  	s1 =	sand.u32 $0x3F0, s14;
	[tilespmem:s6+$0x0] =	vst v3  }
0x4c1: {  	s14 =	sadd.s32 $0x10, s14;
	s6 =	sadd.s32 $0x10, s6;
	v3 =	vld [tilespmem:s1+$0x7400]  }
0x4c2: {  	v4 =	vld [tilespmem:s6+$0x0];
	_ =	sdelay $0x4  }
0x4c3: {  	v3 =	vadd.s32 v4, v3  }
0x4c4: {  	s1 =	rddreg [dreg:$0x8];
	[tilespmem:s6+$0x0] =	vst v3  }
0x4c5: {  	[tilespmem:s28], [sflag:$0x3] =	stream.strided.gather [spmem:s1], $0x400, s25, s24, $0x38;
	[tilespmem:$0x1B500] =	vst v63  }
0x4c6: {  	_ =	swait.ge [sflag:s26], $0x400  }
0x4c7: {  	s15 =	simm.s32 $0x0;
	[sflag:s26] =	ssyncset.done $0x0  }
0x4c8: {  	s1 =	sand.u32 $0x3F0, s15;
	[sflag:s26] =	ssyncadd.s32 $0xFFFFFC00  }
0x4c9: {  	s14 =	simm.s32 $0x10;
	s6 =	simm.s32 $0x7000;
	v3 =	vld [tilespmem:s1+$0x7400]  }
.LBB2_96:
0x4ca: {  	p1 =	sne.s32 s14, $0x3F0;
	v4 =	vld [tilespmem:s6+$0x0];
	_ =	sdelay $0x2  }
.Ltmp48:
0x4cb: {  	(pc) =	sbr.rel @p1 .LBB2_96-.Ltmp48, $4  }
0x4cc: {  	_ = 	snop  }
0x4cd: {  	v3 =	vadd.s32 v4, v3  }
0x4ce: {  	s1 =	sand.u32 $0x3F0, s14;
	[tilespmem:s6+$0x0] =	vst v3  }
0x4cf: {  	s14 =	sadd.s32 $0x10, s14;
	s6 =	sadd.s32 $0x10, s6;
	v3 =	vld [tilespmem:s1+$0x7400]  }
0x4d0: {  	v4 =	vld [tilespmem:s6+$0x0];
	_ =	sdelay $0x4  }
0x4d1: {  	v3 =	vadd.s32 v4, v3  }
0x4d2: {  	s1 =	rddreg [dreg:$0x9];
	[tilespmem:s6+$0x0] =	vst v3  }
0x4d3: {  	[tilespmem:s28], [sflag:$0x3] =	stream.strided.gather [spmem:s1], $0x400, s25, s24, $0x38;
	[tilespmem:$0x1B500] =	vst v63  }
0x4d4: {  	_ =	swait.ge [sflag:s26], $0x400  }
0x4d5: {  	s15 =	simm.s32 $0x0;
	[sflag:s26] =	ssyncset.done $0x0  }
0x4d6: {  	s1 =	sand.u32 $0x3F0, s15;
	[sflag:s26] =	ssyncadd.s32 $0xFFFFFC00  }
0x4d7: {  	s14 =	simm.s32 $0x10;
	s6 =	simm.s32 $0x7000;
	v3 =	vld [tilespmem:s1+$0x7400]  }
.LBB2_98:
0x4d8: {  	p1 =	sne.s32 s14, $0x3F0;
	v4 =	vld [tilespmem:s6+$0x0];
	_ =	sdelay $0x2  }
.Ltmp49:
0x4d9: {  	(pc) =	sbr.rel @p1 .LBB2_98-.Ltmp49, $4  }
0x4da: {  	_ = 	snop  }
0x4db: {  	v3 =	vadd.s32 v4, v3  }
0x4dc: {  	s1 =	sand.u32 $0x3F0, s14;
	[tilespmem:s6+$0x0] =	vst v3  }
0x4dd: {  	s14 =	sadd.s32 $0x10, s14;
	s6 =	sadd.s32 $0x10, s6;
	v3 =	vld [tilespmem:s1+$0x7400]  }
0x4de: {  	v4 =	vld [tilespmem:s6+$0x0];
	_ =	sdelay $0x4  }
0x4df: {  	v3 =	vadd.s32 v4, v3  }
0x4e0: {  	s1 =	rddreg [dreg:$0xa];
	[tilespmem:s6+$0x0] =	vst v3  }
0x4e1: {  	[tilespmem:s28], [sflag:$0x3] =	stream.strided.gather [spmem:s1], $0x400, s25, s24, $0x38;
	[tilespmem:$0x1B500] =	vst v63  }
0x4e2: {  	_ =	swait.ge [sflag:s26], $0x400  }
0x4e3: {  	s15 =	simm.s32 $0x0;
	[sflag:s26] =	ssyncset.done $0x0  }
0x4e4: {  	s1 =	sand.u32 $0x3F0, s15;
	[sflag:s26] =	ssyncadd.s32 $0xFFFFFC00  }
0x4e5: {  	s14 =	simm.s32 $0x10;
	s6 =	simm.s32 $0x7000;
	v3 =	vld [tilespmem:s1+$0x7400]  }
.LBB2_100:
0x4e6: {  	p1 =	sne.s32 s14, $0x3F0;
	v4 =	vld [tilespmem:s6+$0x0];
	_ =	sdelay $0x2  }
.Ltmp50:
0x4e7: {  	(pc) =	sbr.rel @p1 .LBB2_100-.Ltmp50, $4  }
0x4e8: {  	_ = 	snop  }
0x4e9: {  	v3 =	vadd.s32 v4, v3  }
0x4ea: {  	s1 =	sand.u32 $0x3F0, s14;
	[tilespmem:s6+$0x0] =	vst v3  }
0x4eb: {  	s14 =	sadd.s32 $0x10, s14;
	s6 =	sadd.s32 $0x10, s6;
	v3 =	vld [tilespmem:s1+$0x7400]  }
0x4ec: {  	v4 =	vld [tilespmem:s6+$0x0];
	_ =	sdelay $0x4  }
0x4ed: {  	v3 =	vadd.s32 v4, v3  }
0x4ee: {  	s1 =	rddreg [dreg:$0xb];
	[tilespmem:s6+$0x0] =	vst v3  }
0x4ef: {  	[tilespmem:s28], [sflag:$0x3] =	stream.strided.gather [spmem:s1], $0x400, s25, s24, $0x38;
	[tilespmem:$0x1B500] =	vst v63  }
0x4f0: {  	_ =	swait.ge [sflag:s26], $0x400  }
0x4f1: {  	s15 =	simm.s32 $0x0;
	[sflag:s26] =	ssyncset.done $0x0  }
0x4f2: {  	s1 =	sand.u32 $0x3F0, s15;
	[sflag:s26] =	ssyncadd.s32 $0xFFFFFC00  }
0x4f3: {  	s14 =	simm.s32 $0x10;
	s6 =	simm.s32 $0x7000;
	v3 =	vld [tilespmem:s1+$0x7400]  }
.LBB2_102:
0x4f4: {  	p1 =	sne.s32 s14, $0x3F0;
	v4 =	vld [tilespmem:s6+$0x0];
	_ =	sdelay $0x2  }
.Ltmp51:
0x4f5: {  	(pc) =	sbr.rel @p1 .LBB2_102-.Ltmp51, $4  }
0x4f6: {  	_ = 	snop  }
0x4f7: {  	v3 =	vadd.s32 v4, v3  }
0x4f8: {  	s1 =	sand.u32 $0x3F0, s14;
	[tilespmem:s6+$0x0] =	vst v3  }
0x4f9: {  	s14 =	sadd.s32 $0x10, s14;
	s6 =	sadd.s32 $0x10, s6;
	v3 =	vld [tilespmem:s1+$0x7400]  }
0x4fa: {  	v4 =	vld [tilespmem:s6+$0x0];
	_ =	sdelay $0x4  }
0x4fb: {  	v3 =	vadd.s32 v4, v3  }
0x4fc: {  	s1 =	rddreg [dreg:$0xc];
	[tilespmem:s6+$0x0] =	vst v3  }
0x4fd: {  	[tilespmem:s28], [sflag:$0x3] =	stream.strided.gather [spmem:s1], $0x400, s25, s24, $0x38;
	[tilespmem:$0x1B500] =	vst v63  }
0x4fe: {  	_ =	swait.ge [sflag:s26], $0x400  }
0x4ff: {  	s15 =	simm.s32 $0x0;
	[sflag:s26] =	ssyncset.done $0x0  }
0x500: {  	s1 =	sand.u32 $0x3F0, s15;
	[sflag:s26] =	ssyncadd.s32 $0xFFFFFC00  }
0x501: {  	s14 =	simm.s32 $0x10;
	s6 =	simm.s32 $0x7000;
	v3 =	vld [tilespmem:s1+$0x7400]  }
.LBB2_104:
0x502: {  	p1 =	sne.s32 s14, $0x3F0;
	v4 =	vld [tilespmem:s6+$0x0];
	_ =	sdelay $0x2  }
.Ltmp52:
0x503: {  	(pc) =	sbr.rel @p1 .LBB2_104-.Ltmp52, $4  }
0x504: {  	_ = 	snop  }
0x505: {  	v3 =	vadd.s32 v4, v3  }
0x506: {  	s1 =	sand.u32 $0x3F0, s14;
	[tilespmem:s6+$0x0] =	vst v3  }
0x507: {  	s14 =	sadd.s32 $0x10, s14;
	s6 =	sadd.s32 $0x10, s6;
	v3 =	vld [tilespmem:s1+$0x7400]  }
0x508: {  	v4 =	vld [tilespmem:s6+$0x0];
	_ =	sdelay $0x4  }
0x509: {  	v3 =	vadd.s32 v4, v3  }
0x50a: {  	s1 =	rddreg [dreg:$0xe];
	s8 =	simm.s32 $0x7000;
	[tilespmem:s6+$0x0] =	vst v3;
	s6 =	simm.s32 $0x100  }
0x50b: {  	[spmem:s1] =	stream.strided.scatter [tilespmem:s8], [sflag:$0x3], $0x400, s6, s24, $0x38;
	[tilespmem:$0x1B500] =	vst v63  }
0x50c: {  	_ =	swait.ge [sflag:s26], $0x400  }
0x50d: {  	[sflag:s26] =	ssyncset.done $0x0  }
0x50e: {  	[sflag:s26] =	ssyncadd.s32 $0xFFFFFC00  }
0x50f: {  	[bflag:$0x0] =	sbarrier.arrive $0xFFFF  }
0x510: {  	s15 =	simm.s32 $0x5000;
	s14 =	rddreg [dreg:$0xd]  }
0x511: {  	[tilespmem:s15], [sflag:$0x3] =	stream.strided.gather [spmem:s14], $0x2000, s6, s24, $0x38;
	[tilespmem:$0x1B500] =	vst v63  }
0x512: {  	_ =	swait.ge [sflag:s26], $0x2000  }
0x513: {  	[sflag:s26] =	ssyncset.done $0x0  }
0x514: {  	s8 =	simm.s32 $0x0;
	[sflag:s26] =	ssyncadd.s32 $0xFFFFE000  }
0x515: {  	v3 =	vld [tilespmem:s8+$0x5000];
	_ =	sdelay $0x4  }
0x516: {  	(xrf0) =	vadd.scan.msk.s32 $0xffff, v3;
	_ =	sdelay $0x5  }
0x517: {  	s14 =	ssub.s32 s9, s10;
	s10 =	simm.s32 $0x0;
	v4, _, _ =	vpop (xrf0)  }
0x518: {  	v3 =	vmov s14;
	v4 =	vadd.s32 s10, v4  }
0x519: {  	vm1 =	vle.s32 v4, v3;
	(v2sf) =	vpush v4, $0xF  }
0x51a: {  	v5 =	vsel vm1, $0x1, v0  }
0x51b: {  	(xrf0) =	vadd.scan.msk.s32 $0xffff, v5  }
0x51c: {  	s15 =	simm.s32 $0x10  }
0x51d: {  	v5 =	vld [tilespmem:s15+$0x5000];
	_ =	sdelay $0x3  }
0x51e: {  	v4, _, _ =	vpop (xrf0)  }
0x51f: {  	(xrf0) =	vadd.scan.msk.s32 $0xffff, v5;
	(v2sf) =	vpush v4, $0xF;
	_ =	sdelay $0x2  }
0x520: {  	s9 =	simm.s32 $0xC0;
	s14 =	simm.s32 $0x80;
	s15 =	simm.s32 $0x100  }
.LBB2_106:
0x521: {  	p1 =	sne.s32 s15, $0xFC0;
	_ =	sdelay $0x1  }
0x522: {  	v4, _, _ =	vpop (xrf0);
	s1 =	spop (v2sf)  }
0x523: {  	v4 =	vadd.s32 s1, v4  }
0x524: {  	vm1 =	vle.s32 v4, v3;
	(v2sf) =	vpush v4, $0xF  }
0x525: {  	v4 =	vsel vm1, $0x1, v0  }
0x526: {  	(xrf0) =	vadd.scan.msk.s32 $0xffff, v4  }
0x527: {  	s1 =	sshra.s32 s14, $0x2;
	s14 =	smov.u32 s9;
	s9 =	smov.u32 s15  }
0x528: {  	v4 =	vld [tilespmem:s1+$0x5000];
	_ =	sdelay $0x2  }
0x529: {  	s1 =	spop (v2sf)  }
.Ltmp53:
0x52a: {  	v5, _, _ =	vpop (xrf0);
	s10 =	sadd.s32 s10, s1;
	(pc) =	sbr.rel @p1 .LBB2_106-.Ltmp53, $2  }
0x52b: {  	(xrf0) =	vadd.scan.msk.s32 $0xffff, v4;
	(v2sf) =	vpush v5, $0xF;
	_ =	sdelay $0x2  }
0x52c: {  	s15 =	sadd.s32 $0x40, s15  }
0x52d: {  	_ =	sdelay $0x1  }
0x52e: {  	v4, _, _ =	vpop (xrf0);
	s1 =	spop (v2sf)  }
0x52f: {  	v4 =	vadd.s32 s1, v4  }
0x530: {  	(v2sf) =	vpush v4, $0xF;
	_ =	sdelay $0x2  }
0x531: {  	s8 =	sshra.s32 s14, $0x2  }
0x532: {  	v5 =	vld [tilespmem:s8+$0x5000];
	_ =	sdelay $0x1  }
0x533: {  	vm1 =	vle.s32 v4, v3  }
0x534: {  	v4 =	vsel vm1, $0x1, v0  }
0x535: {  	(xrf0) =	vadd.scan.msk.s32 $0xffff, v4  }
0x536: {  	(xrf0) =	vadd.scan.msk.s32 $0xffff, v5;
	_ =	sdelay $0x4  }
0x537: {  	s1 =	spop (v2sf);
	v4, _, _ =	vpop (xrf0)  }
0x538: {  	v5, _, _ =	vpop (xrf0);
	s6 =	spop (v2sf)  }
0x539: {  	(v2sf) =	vpush v4, $0xF;
	v4 =	vadd.s32 s6, v5  }
0x53a: {  	(v2sf) =	vpush v4, $0xF;
	_ =	sdelay $0x2  }
0x53b: {  	s14 =	sshra.s32 s9, $0x2  }
0x53c: {  	v5 =	vld [tilespmem:s14+$0x5000];
	_ =	sdelay $0x1  }
0x53d: {  	vm1 =	vle.s32 v4, v3  }
0x53e: {  	v4 =	vsel vm1, $0x1, v0  }
0x53f: {  	(xrf0) =	vadd.scan.msk.s32 $0xffff, v4  }
0x540: {  	(xrf0) =	vadd.scan.msk.s32 $0xffff, v5;
	_ =	sdelay $0x4  }
0x541: {  	s6 =	spop (v2sf);
	v4, _, _ =	vpop (xrf0)  }
0x542: {  	v5, _, _ =	vpop (xrf0);
	s8 =	spop (v2sf)  }
0x543: {  	v5 =	vadd.s32 s8, v5  }
0x544: {  	(v2sf) =	vpush v4, $0xF;
	vm1 =	vle.s32 v5, v3  }
0x545: {  	s9 =	simm.s32 $0x0;
	(v2sf) =	vpush v5, $0xF;
	v3 =	vsel vm1, $0x1, v0  }
0x546: {  	s15 =	sand.u32 $0x3F0, s9;
	(xrf0) =	vadd.scan.msk.s32 $0xffff, v3  }
0x547: {  	v3 =	vld [tilespmem:s15+$0x5400];
	_ =	sdelay $0x4  }
0x548: {  	v4, _, _ =	vpop (xrf0);
	(xrf0) =	vadd.scan.msk.s32 $0xffff, v3;
	_ =	sdelay $0x3  }
0x549: {  	(v2sf) =	vpush v4, $0xF;
	_ =	sdelay $0x1  }
0x54a: {  	s11 =	ssub.s32 s19, s11;
	v4, _, _ =	vpop (xrf0)  }
0x54b: {  	s15 =	spop (v2sf);
	v3 =	vmov s11;
	v4 =	vadd.s32 s9, v4  }
0x54c: {  	s19 =	spop (v2sf);
	vm1 =	vle.s32 v4, v3;
	(v2sf) =	vpush v4, $0xF  }
0x54d: {  	v5 =	vsel vm1, $0x1, v0  }
0x54e: {  	s14 =	simm.s32 $0x10;
	(xrf0) =	vadd.scan.msk.s32 $0xffff, v5  }
0x54f: {  	s8 =	sand.u32 $0x3F0, s14  }
0x550: {  	v5 =	vld [tilespmem:s8+$0x5400];
	_ =	sdelay $0x3  }
0x551: {  	v4, _, _ =	vpop (xrf0)  }
0x552: {  	s1 =	sadd.s32 s10, s1;
	(xrf0) =	vadd.scan.msk.s32 $0xffff, v5;
	(v2sf) =	vpush v4, $0xF  }
0x553: {  	s1 =	sadd.s32 s1, s6  }
0x554: {  	s10 =	simm.s32 $0x30;
	s1 =	sadd.s32 s1, s15;
	s6 =	spop (v2sf)  }
0x555: {  	s14 =	simm.s32 $0x40;
	s11 =	simm.s32 $0x20;
	s8 =	sadd.s32 s1, s6  }
.LBB2_108:
0x556: {  	p1 =	sne.s32 s14, $0x3F0;
	_ =	sdelay $0x1  }
0x557: {  	v4, _, _ =	vpop (xrf0);
	s1 =	spop (v2sf)  }
0x558: {  	v4 =	vadd.s32 s1, v4  }
0x559: {  	vm1 =	vle.s32 v4, v3;
	(v2sf) =	vpush v4, $0xF  }
0x55a: {  	v4 =	vsel vm1, $0x1, v0  }
0x55b: {  	(xrf0) =	vadd.scan.msk.s32 $0xffff, v4  }
0x55c: {  	s1 =	sand.u32 $0x3F0, s11;
	s11 =	smov.u32 s10;
	s10 =	smov.u32 s14  }
0x55d: {  	v4 =	vld [tilespmem:s1+$0x5400];
	_ =	sdelay $0x2  }
0x55e: {  	s1 =	spop (v2sf)  }
.Ltmp54:
0x55f: {  	v5, _, _ =	vpop (xrf0);
	s9 =	sadd.s32 s9, s1;
	(pc) =	sbr.rel @p1 .LBB2_108-.Ltmp54, $2  }
0x560: {  	(xrf0) =	vadd.scan.msk.s32 $0xffff, v4;
	(v2sf) =	vpush v5, $0xF;
	_ =	sdelay $0x2  }
0x561: {  	s14 =	sadd.s32 $0x10, s14  }
0x562: {  	_ =	sdelay $0x1  }
0x563: {  	v4, _, _ =	vpop (xrf0);
	s1 =	spop (v2sf)  }
0x564: {  	v4 =	vadd.s32 s1, v4  }
0x565: {  	(v2sf) =	vpush v4, $0xF;
	_ =	sdelay $0x2  }
0x566: {  	s6 =	sand.u32 $0x3F0, s11  }
0x567: {  	v5 =	vld [tilespmem:s6+$0x5400];
	_ =	sdelay $0x1  }
0x568: {  	vm1 =	vle.s32 v4, v3  }
0x569: {  	v4 =	vsel vm1, $0x1, v0  }
0x56a: {  	(xrf0) =	vadd.scan.msk.s32 $0xffff, v4  }
0x56b: {  	(xrf0) =	vadd.scan.msk.s32 $0xffff, v5;
	_ =	sdelay $0x4  }
0x56c: {  	s1 =	spop (v2sf);
	v4, _, _ =	vpop (xrf0)  }
0x56d: {  	v5, _, _ =	vpop (xrf0);
	s6 =	spop (v2sf)  }
0x56e: {  	(v2sf) =	vpush v4, $0xF;
	v4 =	vadd.s32 s6, v5  }
0x56f: {  	(v2sf) =	vpush v4, $0xF;
	_ =	sdelay $0x2  }
0x570: {  	s11 =	sand.u32 $0x3F0, s10  }
0x571: {  	v5 =	vld [tilespmem:s11+$0x5400];
	_ =	sdelay $0x1  }
0x572: {  	vm1 =	vle.s32 v4, v3  }
0x573: {  	v4 =	vsel vm1, $0x1, v0  }
0x574: {  	(xrf0) =	vadd.scan.msk.s32 $0xffff, v4  }
0x575: {  	(xrf0) =	vadd.scan.msk.s32 $0xffff, v5;
	_ =	sdelay $0x4  }
0x576: {  	s6 =	spop (v2sf);
	v4, _, _ =	vpop (xrf0)  }
0x577: {  	v5, _, _ =	vpop (xrf0);
	s14 =	spop (v2sf)  }
0x578: {  	v5 =	vadd.s32 s14, v5  }
0x579: {  	(v2sf) =	vpush v4, $0xF;
	vm1 =	vle.s32 v5, v3  }
0x57a: {  	s10 =	simm.s32 $0x0;
	(v2sf) =	vpush v5, $0xF;
	v3 =	vsel vm1, $0x1, v0  }
0x57b: {  	s15 =	sand.u32 $0x3F0, s10;
	(xrf0) =	vadd.scan.msk.s32 $0xffff, v3  }
0x57c: {  	v3 =	vld [tilespmem:s15+$0x5800];
	_ =	sdelay $0x4  }
0x57d: {  	v4, _, _ =	vpop (xrf0);
	(xrf0) =	vadd.scan.msk.s32 $0xffff, v3;
	_ =	sdelay $0x3  }
0x57e: {  	(v2sf) =	vpush v4, $0xF  }
0x57f: {  	s19 =	rddreg [dreg:$0x14]  }
0x580: {  	s11 =	ssub.s32 s19, s13;
	v4, _, _ =	vpop (xrf0)  }
0x581: {  	s15 =	spop (v2sf);
	v3 =	vmov s11;
	v4 =	vadd.s32 s10, v4  }
0x582: {  	s19 =	spop (v2sf);
	vm1 =	vle.s32 v4, v3;
	(v2sf) =	vpush v4, $0xF  }
0x583: {  	v5 =	vsel vm1, $0x1, v0  }
0x584: {  	s14 =	simm.s32 $0x10;
	(xrf0) =	vadd.scan.msk.s32 $0xffff, v5  }
0x585: {  	s11 =	sand.u32 $0x3F0, s14  }
0x586: {  	v5 =	vld [tilespmem:s11+$0x5800];
	_ =	sdelay $0x3  }
0x587: {  	v4, _, _ =	vpop (xrf0)  }
0x588: {  	s1 =	sadd.s32 s9, s1;
	(xrf0) =	vadd.scan.msk.s32 $0xffff, v5;
	(v2sf) =	vpush v4, $0xF  }
0x589: {  	s1 =	sadd.s32 s1, s6  }
0x58a: {  	s13 =	simm.s32 $0x20;
	s1 =	sadd.s32 s1, s15;
	s6 =	spop (v2sf)  }
0x58b: {  	s14 =	simm.s32 $0x40;
	s11 =	simm.s32 $0x30;
	s9 =	sadd.s32 s1, s6  }
.LBB2_110:
0x58c: {  	p1 =	sne.s32 s14, $0x3F0;
	_ =	sdelay $0x1  }
0x58d: {  	v4, _, _ =	vpop (xrf0);
	s1 =	spop (v2sf)  }
0x58e: {  	v4 =	vadd.s32 s1, v4  }
0x58f: {  	vm1 =	vle.s32 v4, v3;
	(v2sf) =	vpush v4, $0xF  }
0x590: {  	v4 =	vsel vm1, $0x1, v0  }
0x591: {  	(xrf0) =	vadd.scan.msk.s32 $0xffff, v4  }
0x592: {  	s1 =	sand.u32 $0x3F0, s13;
	s13 =	smov.u32 s11;
	s11 =	smov.u32 s14  }
0x593: {  	v4 =	vld [tilespmem:s1+$0x5800];
	_ =	sdelay $0x2  }
0x594: {  	s1 =	spop (v2sf)  }
.Ltmp55:
0x595: {  	v5, _, _ =	vpop (xrf0);
	s10 =	sadd.s32 s10, s1;
	(pc) =	sbr.rel @p1 .LBB2_110-.Ltmp55, $2  }
0x596: {  	(xrf0) =	vadd.scan.msk.s32 $0xffff, v4;
	(v2sf) =	vpush v5, $0xF;
	_ =	sdelay $0x2  }
0x597: {  	s14 =	sadd.s32 $0x10, s14  }
0x598: {  	_ =	sdelay $0x1  }
0x599: {  	v4, _, _ =	vpop (xrf0);
	s1 =	spop (v2sf)  }
0x59a: {  	v4 =	vadd.s32 s1, v4  }
0x59b: {  	(v2sf) =	vpush v4, $0xF;
	_ =	sdelay $0x2  }
0x59c: {  	s6 =	sand.u32 $0x3F0, s13  }
0x59d: {  	v5 =	vld [tilespmem:s6+$0x5800];
	_ =	sdelay $0x1  }
0x59e: {  	vm1 =	vle.s32 v4, v3  }
0x59f: {  	v4 =	vsel vm1, $0x1, v0  }
0x5a0: {  	(xrf0) =	vadd.scan.msk.s32 $0xffff, v4  }
0x5a1: {  	(xrf0) =	vadd.scan.msk.s32 $0xffff, v5;
	_ =	sdelay $0x4  }
0x5a2: {  	s1 =	spop (v2sf);
	v4, _, _ =	vpop (xrf0)  }
0x5a3: {  	v5, _, _ =	vpop (xrf0);
	s6 =	spop (v2sf)  }
0x5a4: {  	(v2sf) =	vpush v4, $0xF;
	v4 =	vadd.s32 s6, v5  }
0x5a5: {  	(v2sf) =	vpush v4, $0xF;
	_ =	sdelay $0x2  }
0x5a6: {  	s13 =	sand.u32 $0x3F0, s11  }
0x5a7: {  	v5 =	vld [tilespmem:s13+$0x5800];
	_ =	sdelay $0x1  }
0x5a8: {  	vm1 =	vle.s32 v4, v3  }
0x5a9: {  	v4 =	vsel vm1, $0x1, v0  }
0x5aa: {  	(xrf0) =	vadd.scan.msk.s32 $0xffff, v4  }
0x5ab: {  	(xrf0) =	vadd.scan.msk.s32 $0xffff, v5;
	_ =	sdelay $0x4  }
0x5ac: {  	s6 =	spop (v2sf);
	v4, _, _ =	vpop (xrf0)  }
0x5ad: {  	v5, _, _ =	vpop (xrf0);
	s14 =	spop (v2sf)  }
0x5ae: {  	v5 =	vadd.s32 s14, v5  }
0x5af: {  	(v2sf) =	vpush v4, $0xF;
	vm1 =	vle.s32 v5, v3  }
0x5b0: {  	s11 =	simm.s32 $0x0;
	(v2sf) =	vpush v5, $0xF;
	v3 =	vsel vm1, $0x1, v0  }
0x5b1: {  	s15 =	sand.u32 $0x3F0, s11;
	(xrf0) =	vadd.scan.msk.s32 $0xffff, v3  }
0x5b2: {  	v3 =	vld [tilespmem:s15+$0x5C00];
	_ =	sdelay $0x4  }
0x5b3: {  	v4, _, _ =	vpop (xrf0);
	(xrf0) =	vadd.scan.msk.s32 $0xffff, v3;
	_ =	sdelay $0x3  }
0x5b4: {  	(v2sf) =	vpush v4, $0xF  }
0x5b5: {  	s19 =	rddreg [dreg:$0x13]  }
0x5b6: {  	s12 =	ssub.s32 s19, s12;
	v4, _, _ =	vpop (xrf0)  }
0x5b7: {  	s15 =	spop (v2sf);
	v3 =	vmov s12;
	v4 =	vadd.s32 s11, v4  }
0x5b8: {  	s19 =	spop (v2sf);
	vm1 =	vle.s32 v4, v3;
	(v2sf) =	vpush v4, $0xF  }
0x5b9: {  	v5 =	vsel vm1, $0x1, v0  }
0x5ba: {  	s14 =	simm.s32 $0x10;
	(xrf0) =	vadd.scan.msk.s32 $0xffff, v5  }
0x5bb: {  	s12 =	sand.u32 $0x3F0, s14  }
0x5bc: {  	v5 =	vld [tilespmem:s12+$0x5C00];
	_ =	sdelay $0x3  }
0x5bd: {  	v4, _, _ =	vpop (xrf0)  }
0x5be: {  	s1 =	sadd.s32 s10, s1;
	(xrf0) =	vadd.scan.msk.s32 $0xffff, v5;
	(v2sf) =	vpush v4, $0xF  }
0x5bf: {  	s1 =	sadd.s32 s1, s6  }
0x5c0: {  	s13 =	simm.s32 $0x20;
	s1 =	sadd.s32 s1, s15;
	s6 =	spop (v2sf)  }
0x5c1: {  	s14 =	simm.s32 $0x40;
	s12 =	simm.s32 $0x30;
	s10 =	sadd.s32 s1, s6  }
.LBB2_112:
0x5c2: {  	p1 =	sne.s32 s14, $0x3F0;
	_ =	sdelay $0x1  }
0x5c3: {  	v4, _, _ =	vpop (xrf0);
	s1 =	spop (v2sf)  }
0x5c4: {  	v4 =	vadd.s32 s1, v4  }
0x5c5: {  	vm1 =	vle.s32 v4, v3;
	(v2sf) =	vpush v4, $0xF  }
0x5c6: {  	v4 =	vsel vm1, $0x1, v0  }
0x5c7: {  	(xrf0) =	vadd.scan.msk.s32 $0xffff, v4  }
0x5c8: {  	s1 =	sand.u32 $0x3F0, s13;
	s13 =	smov.u32 s12;
	s12 =	smov.u32 s14  }
0x5c9: {  	v4 =	vld [tilespmem:s1+$0x5C00];
	_ =	sdelay $0x2  }
0x5ca: {  	s1 =	spop (v2sf)  }
.Ltmp56:
0x5cb: {  	v5, _, _ =	vpop (xrf0);
	s11 =	sadd.s32 s11, s1;
	(pc) =	sbr.rel @p1 .LBB2_112-.Ltmp56, $2  }
0x5cc: {  	(xrf0) =	vadd.scan.msk.s32 $0xffff, v4;
	(v2sf) =	vpush v5, $0xF;
	_ =	sdelay $0x2  }
0x5cd: {  	s14 =	sadd.s32 $0x10, s14  }
0x5ce: {  	_ =	sdelay $0x1  }
0x5cf: {  	v4, _, _ =	vpop (xrf0);
	s1 =	spop (v2sf)  }
0x5d0: {  	v4 =	vadd.s32 s1, v4  }
0x5d1: {  	(v2sf) =	vpush v4, $0xF;
	_ =	sdelay $0x2  }
0x5d2: {  	s6 =	sand.u32 $0x3F0, s13  }
0x5d3: {  	v5 =	vld [tilespmem:s6+$0x5C00];
	_ =	sdelay $0x1  }
0x5d4: {  	vm1 =	vle.s32 v4, v3  }
0x5d5: {  	v4 =	vsel vm1, $0x1, v0  }
0x5d6: {  	(xrf0) =	vadd.scan.msk.s32 $0xffff, v4  }
0x5d7: {  	(xrf0) =	vadd.scan.msk.s32 $0xffff, v5;
	_ =	sdelay $0x4  }
0x5d8: {  	s1 =	spop (v2sf);
	v4, _, _ =	vpop (xrf0)  }
0x5d9: {  	v5, _, _ =	vpop (xrf0);
	s6 =	spop (v2sf)  }
0x5da: {  	(v2sf) =	vpush v4, $0xF;
	v61 =	vadd.s32 s6, v5  }
0x5db: {  	(v2sf) =	vpush v61, $0xF;
	_ =	sdelay $0x2  }
0x5dc: {  	s13 =	sand.u32 $0x3F0, s12  }
0x5dd: {  	v62 =	vld [tilespmem:s13+$0x5C00];
	_ =	sdelay $0x1  }
0x5de: {  	vm1 =	vle.s32 v61, v3  }
0x5df: {  	v4 =	vsel vm1, $0x1, v0  }
0x5e0: {  	(xrf0) =	vadd.scan.msk.s32 $0xffff, v4  }
0x5e1: {  	(xrf0) =	vadd.scan.msk.s32 $0xffff, v62;
	_ =	sdelay $0x4  }
0x5e2: {  	s14 =	spop (v2sf);
	v4, _, _ =	vpop (xrf0)  }
0x5e3: {  	v5, _, _ =	vpop (xrf0);
	s15 =	spop (v2sf)  }
0x5e4: {  	v5 =	vadd.s32 s15, v5  }
0x5e5: {  	vm1 =	vle.s32 v5, v3  }
0x5e6: {  	v3 =	vsel vm1, $0x1, v0  }
0x5e7: {  	(xrf0) =	vadd.scan.msk.s32 $0xffff, v3;
	_ =	sdelay $0x4  }
0x5e8: {  	(v2sf) =	vpush v4, $0xF  }
0x5e9: {  	(v2sf) =	vpush v5, $0xF;
	v3, _, _ =	vpop (xrf0)  }
0x5ea: {  	(v2sf) =	vpush v3, $0xF;
	_ =	sdelay $0xb  }
0x5eb: {  	s12 =	sshll.u32 s18, $0xA;
	s4 =	sshll.u32 s4, $0xA  }
0x5ec: {  	s0 =	sshll.u32 s0, $0xA;
	s1 =	sadd.s32 s11, s1;
	s19 =	spop (v2sf)  }
0x5ed: {  	s1 =	sadd.s32 s1, s14;
	s14 =	sld [smem:$0x7FB];
	s11 =	spop (v2sf)  }
0x5ee: {  	s15 =	sld [smem:$0x7FC];
	s1 =	sadd.s32 s1, s19;
	s6 =	spop (v2sf)  }
0x5ef: {  	s18 =	sld [smem:$0x7FD];
	s13 =	sshll.u32 s31, $0xA;
	s1 =	sadd.s32 s1, s6  }
0x5f0: {  	p1 =	seq.s32 s14, $0x1;
	s6 =	sor.u32 s12, s10;
	s1 =	sor.u32 s13, s1  }
0x5f1: {  	s4 =	sor.u32 s4, s9;
	s1 =	smov.u32 @p1 s6;
	p1 =	seq.s32 s15, $0x1  }
0x5f2: {  	s0 =	sor.u32 s0, s8;
	s1 =	smov.u32 @p1 s4;
	p1 =	seq.s32 s18, $0x1  }
0x5f3: {  	s1 =	smov.u32 @p1 s0  }
0x5f4: {  	v3 =	vmov s1  }
0x5f5: {  	vm1 =	vlt.s32 v3, $0x0;
	v63 =	vand.u32 $0x7FFFFFFF, v3;
	v3 =	vxor.u32 $0xFFFFFFFF, v3  }
0x5f6: {  	[bflag:$0x0] =	sbarrier.arrive $0xFFFF;
	v3 =	vsel vm1, v63, v3  }
0x5f7: {  	s4 =	rddreg [dreg:$0xf];
	s0 =	simm.s32 @!p0 $0x0;
	s1 =	simm.s32 @!p0 $0x9000;
	[tilespmem:$0x9000] =	vst v3  }
0x5f8: {  	[hbm4b:s4+s0] =	stream.linear.scatter @!p0 [tilespmem:s1], [sflag:$0x3], $0x80, $0x38;
	[tilespmem:$0x1B500] =	vst v63  }
0x5f9: {  	s0 =	simm.s32 @!p0 $0x3  }
0x5fa: {  	_ =	swait.ge @!p0 [sflag:s0], $0x80  }
0x5fb: {  	s31 =	rddreg [dreg:$0x11]  }
0x5fc: {  	s19 =	rddreg [dreg:$0x10];
	s31 =	sadd.s32 $0x1, s31  }
0x5fd: {  	p1 =	sne.s32 s31, s19  }
.Ltmp57:
0x5fe: {  	_ = 	snop;
	(pc) =	sbr.rel @p1 .LBB2_1-.Ltmp57, $4  }
.Ltmp58:
0x5ff: {  	_ = 	snop;
	(pc) =	sbr.rel @!p1 .LBB2_114-.Ltmp58, $4  }
0x600: {  	_ = 	snop  }
0x601: {  	[sflag:s0] =	ssyncset.done @!p0 $0x0  }
0x602: {  	[sflag:s0] =	ssyncadd.s32 @!p0 $0xFFFFFF80  }
0x603: {  	_ = 	snop  }
.LBB2_32:
.Ltmp59:
0x604: {  	(pc) =	sbr.rel .LBB2_38-.Ltmp59, $2  }
0x605: {  	_ =	sdelay $0x2  }
0x606: {  	s4 =	simm.s32 $0x0;
	s11 =	simm.s32 $0x0;
	p1 =	por $0x0, $0x0  }
.LBB2_39:
.Ltmp60:
0x607: {  	(pc) =	sbr.rel .LBB2_45-.Ltmp60, $2  }
0x608: {  	_ =	sdelay $0x2  }
0x609: {  	s11 =	simm.s32 $0x0;
	s12 =	simm.s32 $0x0;
	p5 =	por $0x0, $0x0  }
.LBB2_34:
.Ltmp61:
0x60a: {  	(pc) =	sbr.rel .LBB2_38-.Ltmp61, $2  }
0x60b: {  	_ =	sdelay $0x2  }
0x60c: {  	s4 =	simm.s32 $0x0;
	s11 =	simm.s32 $0x0;
	p1 =	por $0x0, $0x0  }
.LBB2_41:
.Ltmp62:
0x60d: {  	(pc) =	sbr.rel .LBB2_45-.Ltmp62, $2  }
0x60e: {  	_ =	sdelay $0x2  }
0x60f: {  	s11 =	simm.s32 $0x0;
	s12 =	simm.s32 $0x0  }
.LBB2_36:
.Ltmp63:
0x610: {  	(pc) =	sbr.rel .LBB2_38-.Ltmp63, $2  }
0x611: {  	_ =	sdelay $0x2  }
0x612: {  	s4 =	simm.s32 $0x0;
	s11 =	simm.s32 $0x0  }
.LBB2_43:
.Ltmp64:
0x613: {  	(pc) =	sbr.rel .LBB2_45-.Ltmp64, $2  }
0x614: {  	_ =	sdelay $0x2  }
0x615: {  	s11 =	simm.s32 $0x0;
	s12 =	simm.s32 $0x0  }
.LBB2_114:
0x616: {  	_ =	sfence.sel $0x180000  }
0x617: {  	[bflag:$0x0] =	sbarrier.arrive $0xFFFF  }
0x618: {  	_ =	strace $0x90000047  }
0x619: {  	s0 =	stileid.u32;
	[bflag:$0x2] =	sbarrier.arrive $0xFFFF  }
0x61a: {  	p0 =	sne.s32 s0, $0x0;
	s0 =	rddreg [dreg:$0x4]  }
0x61b: {  	s0 =	sadd.s32 @!p0 $0x100000, s0  }
0x61c: {  	[sflag:s0] =	ssyncadd.tile.s32 @!p0 $0x1;
	_ =	shalt  }
.Lfunc_end2:
_tile_overlayer_lowered:
.L_overlay_start_2:
0x61d: {  	(tag) =	ssettag $0x2  }
0x61e: {  	s0 =	rddreg [dreg:$0x0];
	s2 =	stileid.u32  }
0x61f: {  	s1 =	rddreg [dreg:$0x1];
	p0 =	sne.s32 s2, $0x0  }
0x620: {  	s3 =	rddreg [dreg:$0x2];
	[bflag:$0x3] =	sbarrier.arrive $0xFFFF;
	s2 =	simm.s32 @!p0 $0x1C03  }
0x621: {  	[timem:s3], [sflag:s2] =	dma.local @!p0 [hbm:s0], s1  }
0x622: {  	s0 =	simm.s32 @!p0 $0x3  }
0x623: {  	_ =	swait.ge @!p0 [sflag:s0], s1  }
0x624: {  	s1 =	ssub.s32 @!p0 $0x0, s1;
	[sflag:s0] =	ssyncset.done @!p0 $0x0  }
0x625: {  	[sflag:s0] =	ssyncadd.s32 @!p0 s1  }
0x626: {  	[bflag:$0x3] =	sbarrier.arrive $0xFFFF  }
0x627: {  	_ =	shalt  }

</sc_bundles>
